<compile_context>
chip_gen: v7x
topology: tpu7x:2x2x1
jax: 0.10.2.dev20260603
libtpu: 0.0.44.dev20260713+nightly
codegen_flags: <defaults>
</compile_context>

<pallas_src>
import dataclasses
import functools

import jax
import jax.numpy as jnp
from jax import lax
from jax.experimental import pallas as pl
from jax.experimental.pallas import tpu as pltpu
from jax.experimental.pallas import tpu_sc as plsc

N = 10000
E = 320000
D = 128

NC = 2
NS = 16
NW = NC * NS
NP = 10112
EPT = E // NW
CH = 125
NCHUNK = EPT // CH
IB = 8
NBLK = NCHUNK // IB
GP = EPT // 16

_mesh = plsc.VectorSubcoreMesh(core_axis_name="c", subcore_axis_name="s")

_cp_nolayout = pltpu.CompilerParams()
if "needs_layout_passes" in pltpu.CompilerParams.__dataclass_fields__:
    _cp_nolayout = dataclasses.replace(_cp_nolayout, needs_layout_passes=False)


@functools.partial(
    pl.kernel,
    compiler_params=_cp_nolayout,
    out_type=(
        jax.ShapeDtypeStruct((NW, N), jnp.float32),
        jax.ShapeDtypeStruct((NW, N), jnp.float32),
    ),
    mesh=_mesh,
    scratch_types=[
        pltpu.VMEM((N,), jnp.float32),
        pltpu.VMEM((N,), jnp.float32),
        pltpu.VMEM((EPT,), jnp.int32),
        pltpu.VMEM((EPT,), jnp.int32),
    ],
)
def _sc_degrees(edges_hbm, zeros_hbm, do_hbm, di_hbm,
                hso, hsi, src_v, dst_v):
    cid = lax.axis_index("c")
    sid = lax.axis_index("s")
    wid = sid * NC + cid

    pltpu.sync_copy(zeros_hbm, hso)
    pltpu.sync_copy(zeros_hbm, hsi)
    pltpu.sync_copy(edges_hbm.at[pl.ds(wid * EPT, EPT)], src_v)
    pltpu.sync_copy(edges_hbm.at[pl.ds(E + wid * EPT, EPT)], dst_v)

    ones = jnp.full((16,), 1.0, dtype=jnp.float32)

    @pl.loop(0, GP)
    def _(k):
        iv = src_v[pl.ds(k * 16, 16)]
        plsc.addupdate_scatter(hso, [iv], ones)
        jv = dst_v[pl.ds(k * 16, 16)]
        plsc.addupdate_scatter(hsi, [jv], ones)

    pltpu.sync_copy(hso, do_hbm.at[wid])
    pltpu.sync_copy(hsi, di_hbm.at[wid])


@functools.partial(
    pl.kernel,
    out_type=jax.ShapeDtypeStruct((NC, NP, D), jnp.float32),
    mesh=_mesh,
    scratch_types=[
        pltpu.VMEM_SHARED((NP, D), jnp.float32),
        pltpu.VMEM((IB, 1, CH), jnp.int32),
        pltpu.VMEM((IB, 1, CH), jnp.int32),
        pltpu.VMEM((IB, 1, CH), jnp.int32),
        pltpu.VMEM((IB, 1, CH), jnp.int32),
        pltpu.VMEM((CH, D), jnp.float32),
        pltpu.VMEM((CH, D), jnp.float32),
        pltpu.SemaphoreType.DMA,
        pltpu.SemaphoreType.DMA,
        pltpu.SemaphoreType.DMA,
        pltpu.SemaphoreType.DMA,
    ],
)
def _sc_edge_agg(h_hbm, src_hbm, dst_hbm, zeros_hbm, out_hbm,
                 sagg, srcA, dstA, srcB, dstB, rows0, rows1,
                 semg0, semg1, semiA, semiB):
    cid = lax.axis_index("c")
    sid = lax.axis_index("s")
    wid = sid * NC + cid
    rows = NP // NS

    pltpu.sync_copy(zeros_hbm, rows0)
    base = sid * rows
    for off, ln in ((0, 120), (120, 120), (240, 120), (360, 120),
                    (480, 120), (600, 32)):
        pltpu.sync_copy(rows0.at[pl.ds(0, ln)],
                        sagg.at[pl.ds(base + off, ln)])
    plsc.subcore_barrier()

    rowb = (rows0, rows1)
    semb = (semg0, semg1)

    def idx_fetch(blk, sbuf, dbuf, sem):
        pltpu.async_copy(src_hbm.at[wid].at[blk], sbuf, sem)
        pltpu.async_copy(dst_hbm.at[wid].at[blk], dbuf, sem)

    def idx_wait(blk, sbuf, dbuf, sem):
        pltpu.make_async_copy(src_hbm.at[wid].at[blk], sbuf, sem).wait()
        pltpu.make_async_copy(dst_hbm.at[wid].at[blk], dbuf, sem).wait()

    def gather(sbuf, j, b):
        return pltpu.async_copy(h_hbm.at[sbuf.at[j].at[0]], rowb[b], semb[b])

    def scatter(dbuf, j, b):
        pltpu.sync_copy(rowb[b], sagg.at[dbuf.at[j].at[0]], add=True)

    def run_block(blk, sbuf, dbuf, sem):
        idx_wait(blk, sbuf, dbuf, sem)
        cp = gather(sbuf, 0, 0)
        for j in range(IB):
            cp.wait()
            if j + 1 < IB:
                cp = gather(sbuf, j + 1, (j + 1) % 2)
            scatter(dbuf, j, j % 2)

    idx_fetch(0, srcA, dstA, semiA)
    idx_fetch(1, srcB, dstB, semiB)

    @pl.loop(0, NBLK, step=2)
    def _(t):
        run_block(t, srcA, dstA, semiA)

        @pl.when(t + 2 < NBLK)
        def _():
            idx_fetch(t + 2, srcA, dstA, semiA)

        run_block(t + 1, srcB, dstB, semiB)

        @pl.when(t + 3 < NBLK)
        def _():
            idx_fetch(t + 3, srcB, dstB, semiB)

    plsc.subcore_barrier()
    pltpu.sync_copy(sagg.at[pl.ds(sid * rows, rows)],
                    out_hbm.at[cid].at[pl.ds(sid * rows, rows)])


BN = 1264
NBLK_TC = NP // BN


def _norm_from_dp(dp_blk):
    d = jnp.sum(dp_blk, axis=1, keepdims=True)
    return jnp.where(d > 0.0, lax.rsqrt(jnp.where(d > 0.0, d, 1.0)), 1.0)


def _dp_spec():
    return pl.BlockSpec((BN, NW), lambda i: (i, 0))


def _scale_mm_body(x_ref, do_ref, w_ref, o_ref):
    xs = x_ref[...] * _norm_from_dp(do_ref[...])
    o_ref[...] = jnp.dot(xs, w_ref[...])


def _tc_scale_mm(x, do_p, W):
    return pl.pallas_call(
        _scale_mm_body,
        grid=(NBLK_TC,),
        in_specs=[pl.BlockSpec((BN, D), lambda i: (i, 0)),
                  _dp_spec(),
                  pl.BlockSpec((D, D), lambda i: (0, 0))],
        out_specs=pl.BlockSpec((BN, D), lambda i: (i, 0)),
        out_shape=jax.ShapeDtypeStruct((NP, D), jnp.float32),
    )(x, do_p, W)


def _layer_body(agg_a, agg_b, do_ref, di_ref, b_ref, w_ref, o_ref):
    agg = agg_a[0] + agg_b[0]
    h = jnp.maximum(agg * _norm_from_dp(di_ref[...]) + b_ref[...], 0.0)
    hs = h * _norm_from_dp(do_ref[...])
    o_ref[...] = jnp.dot(hs, w_ref[...])


def _tc_layer_mid(agg_p, do_p, di_p, b1, W2):
    agg_spec_a = pl.BlockSpec((1, BN, D), lambda i: (0, i, 0))
    agg_spec_b = pl.BlockSpec((1, BN, D), lambda i: (1, i, 0))
    return pl.pallas_call(
        _layer_body,
        grid=(NBLK_TC,),
        in_specs=[agg_spec_a, agg_spec_b, _dp_spec(), _dp_spec(),
                  pl.BlockSpec((1, D), lambda i: (0, 0)),
                  pl.BlockSpec((D, D), lambda i: (0, 0))],
        out_specs=pl.BlockSpec((BN, D), lambda i: (i, 0)),
        out_shape=jax.ShapeDtypeStruct((NP, D), jnp.float32),
    )(agg_p, agg_p, do_p, di_p, b1.reshape(1, D), W2)


def _head_body(agg_a, agg_b, di_ref, b2_ref, w3_ref, b3_ref,
               w4_ref, b4_ref, w5_ref, b5_ref, o_ref, acc):
    i = pl.program_id(0)
    agg = agg_a[0] + agg_b[0]
    h2 = jnp.maximum(agg * _norm_from_dp(di_ref[...]) + b2_ref[...], 0.0)
    row = i * BN + lax.broadcasted_iota(jnp.int32, (BN, 1), 0)
    h2 = jnp.where(row < N, h2, 0.0)
    part = jnp.sum(h2, axis=0, keepdims=True)

    @pl.when(i == 0)
    def _():
        acc[0:1, :] = part

    @pl.when(i > 0)
    def _():
        acc[0:1, :] = acc[0:1, :] + part

    @pl.when(i == NBLK_TC - 1)
    def _():
        hg = acc[0:1, :] * (1.0 / N)
        hg = jnp.maximum(jnp.dot(hg, w3_ref[...]) + b3_ref[...], 0.0)
        hg = jnp.maximum(jnp.dot(hg, w4_ref[...]) + b4_ref[...], 0.0)
        o_ref[...] = jnp.dot(hg, w5_ref[...]) + b5_ref[...]


def _tc_head(agg_p, di_p, b2, W3, b3, W4, b4, W5, b5):
    agg_spec_a = pl.BlockSpec((1, BN, D), lambda i: (0, i, 0))
    agg_spec_b = pl.BlockSpec((1, BN, D), lambda i: (1, i, 0))
    full = lambda s: pl.BlockSpec(s, lambda i: tuple(0 for _ in s))
    return pl.pallas_call(
        _head_body,
        grid=(NBLK_TC,),
        in_specs=[agg_spec_a, agg_spec_b, _dp_spec(),
                  full((1, D)), full((D, 2 * D)), full((1, 2 * D)),
                  full((2 * D, D)), full((1, D)), full((D, 1)),
                  full((1, 1))],
        out_specs=pl.BlockSpec((1, 1), lambda i: (0, 0)),
        out_shape=jax.ShapeDtypeStruct((1, 1), jnp.float32),
        scratch_shapes=[pltpu.VMEM((8, D), jnp.float32)],
    )(agg_p, agg_p, di_p, b2.reshape(1, D), W3, b3.reshape(1, -1),
      W4, b4.reshape(1, -1), W5, b5.reshape(1, 1))


@jax.jit
def _run(x, edge_index, W1, b1, W2, b2, W3, b3, W4, b4, W5, b5):
    ei = edge_index.astype(jnp.int32)
    edges_flat = ei.reshape(2 * E)
    src5 = ei[0].reshape(NW, NBLK, IB, 1, CH)
    dst5 = ei[1].reshape(NW, NBLK, IB, 1, CH)
    zeros_ch = jnp.zeros((CH, D), jnp.float32)
    zerosN = jnp.zeros((N,), jnp.float32)

    do_p, di_p = _sc_degrees(edges_flat, zerosN)
    do_t = do_p.T
    di_t = di_p.T
    h1p = _tc_scale_mm(x, do_t, W1)
    agg1 = _sc_edge_agg(h1p, src5, dst5, zeros_ch)
    h2p = _tc_layer_mid(agg1, do_t, di_t, b1, W2)
    agg2 = _sc_edge_agg(h2p, src5, dst5, zeros_ch)
    return _tc_head(agg2, di_t, b2, W3, b3, W4, b4, W5, b5)


def kernel(x, edge_index, W1, b1, W2, b2, W3, b3, W4, b4, W5, b5):
    return _run(x, edge_index, W1, b1, W2, b2, W3, b3, W4, b4, W5, b5)

# --- scband reference (transcript-rebuilt; emitter-appended) ---
"""Pipeline reference for scband-gcn-model-25417616458305 (READ-ONLY COPY).

The authoritative reference and input builder live on the scoring server;
editing this copy changes nothing except your own understanding.
"""

import jax, jax.numpy as jnp
import numpy as np

N = 10000
E = 320000
D_IN = 128
H1 = 128
H2 = 128
H3 = 256
H4 = 128


def setup_inputs(seed: int = 0) -> dict:
    key = jax.random.key(seed)
    ks = jax.random.split(key, 12)
    x = jax.random.normal(ks[0], (N, D_IN), dtype=jnp.float32)
    edge_index = jax.random.randint(ks[1], (2, E), 0, N, dtype=jnp.int64)
    W1 = jax.random.normal(ks[2], (D_IN, H1), dtype=jnp.float32) * (1.0 / np.sqrt(D_IN))
    b1 = jnp.zeros((H1,), dtype=jnp.float32)
    W2 = jax.random.normal(ks[3], (H1, H2), dtype=jnp.float32) * (1.0 / np.sqrt(H1))
    b2 = jnp.zeros((H2,), dtype=jnp.float32)
    W3 = jax.random.normal(ks[4], (H2, H3), dtype=jnp.float32) * (1.0 / np.sqrt(H2))
    b3 = jnp.zeros((H3,), dtype=jnp.float32)
    W4 = jax.random.normal(ks[5], (H3, H4), dtype=jnp.float32) * (1.0 / np.sqrt(H3))
    b4 = jnp.zeros((H4,), dtype=jnp.float32)
    W5 = jax.random.normal(ks[6], (H4, 1), dtype=jnp.float32) * (1.0 / np.sqrt(H4))
    b5 = jnp.zeros((1,), dtype=jnp.float32)
    return {"x": x, "edge_index": edge_index, "W1": W1, "b1": b1, "W2": W2, "b2": b2,
            "W3": W3, "b3": b3, "W4": W4, "b4": b4, "W5": W5, "b5": b5}


def reference(x, edge_index, W1, b1, W2, b2, W3, b3, W4, b4, W5, b5):
    n = x.shape[0]
    src = edge_index[0]
    dst = edge_index[1]
    ones = jnp.ones((edge_index.shape[1],), dtype=jnp.float32)
    deg_out = jax.ops.segment_sum(ones, src, num_segments=n)
    deg_in = jax.ops.segment_sum(ones, dst, num_segments=n)
    norm_src = jnp.where(deg_out > 0, deg_out, 1.0) ** -0.5
    norm_dst = jnp.where(deg_in > 0, deg_in, 1.0) ** -0.5

    def gconv(h, W, b):
        # DGL GraphConv, norm='both': D_out^{-1/2} on src side, D_in^{-1/2} on dst side
        h = h * norm_src[:, None]
        h = h @ W
        m = h[src]
        agg = jax.ops.segment_sum(m, dst, num_segments=n)
        agg = agg * norm_dst[:, None]
        return jax.nn.relu(agg + b)

    h1 = gconv(x, W1, b1)
    h2 = gconv(h1, W2, b2)
    # dgl.mean_nodes over a single graph -> [1, H2]
    hg = jnp.mean(h2, axis=0, keepdims=True)
    hg2 = jax.nn.relu(hg @ W3 + b3)
    hg2 = jax.nn.relu(hg2 @ W4 + b4)
    out = hg2 @ W5 + b5
    return out

if __name__ == "__main__":
    import jax
    _d = setup_inputs()
    print(jax.jit(kernel)(*tuple(_d.values())))

</pallas_src>

<mosaic_0001>
#map = affine_map<(d0, d1) -> (0)>
#map1 = affine_map<(d0, d1) -> (0, 0)>
module attributes {stable_mosaic.version = 14 : i64} {
  func.func @_sc_degrees(%arg0: i32, %arg1: i32, %arg2: memref<640000xi32, #tpu.memory_space<hbm>>, %arg3: memref<10000xf32, #tpu.memory_space<hbm>>, %arg4: memref<32x10000xf32, #tpu.memory_space<hbm>>, %arg5: memref<32x10000xf32, #tpu.memory_space<hbm>>, %arg6: memref<10000xf32, #tpu.memory_space<vmem>>, %arg7: memref<10000xf32, #tpu.memory_space<vmem>>, %arg8: memref<10000xi32, #tpu.memory_space<vmem>>, %arg9: memref<10000xi32, #tpu.memory_space<vmem>>) attributes {dimension_semantics = [#tpu.dimension_semantics<core_parallel>, #tpu.dimension_semantics<subcore_parallel>], iteration_bounds = array<i64: 2, 16>, scalar_prefetch = 0 : i64, scratch_operands = 4 : i64, tpu.core_type = #tpu.core_type<sc_vector_subcore>, window_params = [{transform_indices = #map}, {transform_indices = #map}, {transform_indices = #map1}, {transform_indices = #map1}]} {
    %mul3A = arith.constant 2 : i32
    %mul3A_0 = arith.muli %arg1, %mul3A : i32
    %add3A = arith.addi %mul3A_0, %arg0 : i32
    "tpu.region"() ({
      %run_scoped3A = tpu.sem_alloc : memref<!tpu.dma_semaphore, #tpu.memory_space<semaphore_mem>>
      tpu.enqueue_dma source(%arg3 : memref<10000xf32, #tpu.memory_space<hbm>>) target(%arg6 : memref<10000xf32, #tpu.memory_space<vmem>>) target_semaphore(%run_scoped3A : memref<!tpu.dma_semaphore, #tpu.memory_space<semaphore_mem>>)
      tpu.wait_dma2 semaphore(%run_scoped3A : memref<!tpu.dma_semaphore, #tpu.memory_space<semaphore_mem>>) src(%arg3 : memref<10000xf32, #tpu.memory_space<hbm>>) dst(%arg6 : memref<10000xf32, #tpu.memory_space<vmem>>)
      tpu.yield
    }) : () -> ()
    "tpu.region"() ({
      %run_scoped3A = tpu.sem_alloc : memref<!tpu.dma_semaphore, #tpu.memory_space<semaphore_mem>>
      tpu.enqueue_dma source(%arg3 : memref<10000xf32, #tpu.memory_space<hbm>>) target(%arg7 : memref<10000xf32, #tpu.memory_space<vmem>>) target_semaphore(%run_scoped3A : memref<!tpu.dma_semaphore, #tpu.memory_space<semaphore_mem>>)
      tpu.wait_dma2 semaphore(%run_scoped3A : memref<!tpu.dma_semaphore, #tpu.memory_space<semaphore_mem>>) src(%arg3 : memref<10000xf32, #tpu.memory_space<hbm>>) dst(%arg7 : memref<10000xf32, #tpu.memory_space<vmem>>)
      tpu.yield
    }) : () -> ()
    %mul3A_1 = arith.constant 10000 : i32
    %mul3A_2 = arith.muli %add3A, %mul3A_1 : i32
    "tpu.region"() ({
      %run_scoped3A = tpu.sem_alloc : memref<!tpu.dma_semaphore, #tpu.memory_space<semaphore_mem>>
      %dma_start3A = tpu.memref_slice %arg2[%mul3A_2] : memref<640000xi32, #tpu.memory_space<hbm>> -> memref<10000xi32, #tpu.memory_space<hbm>>
      %dma_start3A_12 = tpu.memref_slice %arg2[%mul3A_2] : memref<640000xi32, #tpu.memory_space<hbm>> -> memref<10000xi32, #tpu.memory_space<hbm>>
      tpu.enqueue_dma source(%dma_start3A_12 : memref<10000xi32, #tpu.memory_space<hbm>>) target(%arg8 : memref<10000xi32, #tpu.memory_space<vmem>>) target_semaphore(%run_scoped3A : memref<!tpu.dma_semaphore, #tpu.memory_space<semaphore_mem>>)
      %dma_wait3A = tpu.memref_slice %arg2[%mul3A_2] : memref<640000xi32, #tpu.memory_space<hbm>> -> memref<10000xi32, #tpu.memory_space<hbm>>
      %dma_wait3A_13 = tpu.memref_slice %arg2[%mul3A_2] : memref<640000xi32, #tpu.memory_space<hbm>> -> memref<10000xi32, #tpu.memory_space<hbm>>
      tpu.wait_dma2 semaphore(%run_scoped3A : memref<!tpu.dma_semaphore, #tpu.memory_space<semaphore_mem>>) src(%dma_wait3A_13 : memref<10000xi32, #tpu.memory_space<hbm>>) dst(%arg8 : memref<10000xi32, #tpu.memory_space<vmem>>)
      tpu.yield
    }) : () -> ()
    %mul3A_3 = arith.constant 10000 : i32
    %mul3A_4 = arith.muli %add3A, %mul3A_3 : i32
    %add3A_5 = arith.constant 320000 : i32
    %add3A_6 = arith.addi %add3A_5, %mul3A_4 : i32
    "tpu.region"() ({
      %run_scoped3A = tpu.sem_alloc : memref<!tpu.dma_semaphore, #tpu.memory_space<semaphore_mem>>
      %dma_start3A = tpu.memref_slice %arg2[%add3A_6] : memref<640000xi32, #tpu.memory_space<hbm>> -> memref<10000xi32, #tpu.memory_space<hbm>>
      %dma_start3A_12 = tpu.memref_slice %arg2[%add3A_6] : memref<640000xi32, #tpu.memory_space<hbm>> -> memref<10000xi32, #tpu.memory_space<hbm>>
      tpu.enqueue_dma source(%dma_start3A_12 : memref<10000xi32, #tpu.memory_space<hbm>>) target(%arg9 : memref<10000xi32, #tpu.memory_space<vmem>>) target_semaphore(%run_scoped3A : memref<!tpu.dma_semaphore, #tpu.memory_space<semaphore_mem>>)
      %dma_wait3A = tpu.memref_slice %arg2[%add3A_6] : memref<640000xi32, #tpu.memory_space<hbm>> -> memref<10000xi32, #tpu.memory_space<hbm>>
      %dma_wait3A_13 = tpu.memref_slice %arg2[%add3A_6] : memref<640000xi32, #tpu.memory_space<hbm>> -> memref<10000xi32, #tpu.memory_space<hbm>>
      tpu.wait_dma2 semaphore(%run_scoped3A : memref<!tpu.dma_semaphore, #tpu.memory_space<semaphore_mem>>) src(%dma_wait3A_13 : memref<10000xi32, #tpu.memory_space<hbm>>) dst(%arg9 : memref<10000xi32, #tpu.memory_space<vmem>>)
      tpu.yield
    }) : () -> ()
    %broadcast_in_dim3A = arith.constant 1.000000e+00 : f32
    %broadcast_in_dim3A_7 = vector.broadcast %broadcast_in_dim3A : f32 to vector<16xf32>
    %scan3A = arith.constant 0 : i32
    %scan3A_8 = arith.constant 625 : i32
    %scan3A_9 = arith.addi %scan3A, %scan3A_8 : i32
    %scan3A_10 = arith.constant 1 : i32
    scf.for %scan3A_12 = %scan3A to %scan3A_9 step %scan3A_10  : i32 {
      %mul3A_13 = arith.constant 1 : i32
      %mul3A_14 = arith.muli %scan3A_12, %mul3A_13 : i32
      %add3A_15 = arith.constant 0 : i32
      %add3A_16 = arith.addi %add3A_15, %mul3A_14 : i32
      %mul3A_17 = arith.constant 16 : i32
      %mul3A_18 = arith.muli %add3A_16, %mul3A_17 : i32
      %get3A = arith.index_cast %mul3A_18 : i32 to index
      %get3A_19 = tpu.vector_load %arg8[%get3A] {strides = array<i32>} : memref<10000xi32, #tpu.memory_space<vmem>>, vector<16xi32>,
      tpu.vector_store_idx %arg6[%get3A_19], %broadcast_in_dim3A_7 {add = true} : memref<10000xf32, #tpu.memory_space<vmem>>[vector<16xi32>], vector<16xf32>,
      %mul3A_20 = arith.constant 16 : i32
      %mul3A_21 = arith.muli %add3A_16, %mul3A_20 : i32
      %get3A_22 = arith.index_cast %mul3A_21 : i32 to index
      %get3A_23 = tpu.vector_load %arg9[%get3A_22] {strides = array<i32>} : memref<10000xi32, #tpu.memory_space<vmem>>, vector<16xi32>,
      tpu.vector_store_idx %arg7[%get3A_23], %broadcast_in_dim3A_7 {add = true} : memref<10000xf32, #tpu.memory_space<vmem>>[vector<16xi32>], vector<16xf32>,
    }
    %scan3A_11 = arith.constant 625 : i32
    "tpu.region"() ({
      %run_scoped3A = tpu.sem_alloc : memref<!tpu.dma_semaphore, #tpu.memory_space<semaphore_mem>>
      %dma_start3A = arith.constant 0 : i32
      %dma_start3A_12 = tpu.memref_slice %arg4[%add3A, %dma_start3A] : memref<32x10000xf32, #tpu.memory_space<hbm>> -> memref<1x10000xf32, #tpu.memory_space<hbm>>
      %dma_start3A_13 = tpu.memref_squeeze %dma_start3A_12 : memref<1x10000xf32, #tpu.memory_space<hbm>> -> memref<10000xf32, #tpu.memory_space<hbm>>
      %dma_start3A_14 = arith.constant 0 : i32
      %dma_start3A_15 = tpu.memref_slice %arg4[%add3A, %dma_start3A_14] : memref<32x10000xf32, #tpu.memory_space<hbm>> -> memref<1x10000xf32, #tpu.memory_space<hbm>>
      %dma_start3A_16 = tpu.memref_squeeze %dma_start3A_15 : memref<1x10000xf32, #tpu.memory_space<hbm>> -> memref<10000xf32, #tpu.memory_space<hbm>>
      tpu.enqueue_dma source(%arg6 : memref<10000xf32, #tpu.memory_space<vmem>>) target(%dma_start3A_16 : memref<10000xf32, #tpu.memory_space<hbm>>) target_semaphore(%run_scoped3A : memref<!tpu.dma_semaphore, #tpu.memory_space<semaphore_mem>>)
      %dma_wait3A = arith.constant 0 : i32
      %dma_wait3A_17 = tpu.memref_slice %arg4[%add3A, %dma_wait3A] : memref<32x10000xf32, #tpu.memory_space<hbm>> -> memref<1x10000xf32, #tpu.memory_space<hbm>>
      %dma_wait3A_18 = tpu.memref_squeeze %dma_wait3A_17 : memref<1x10000xf32, #tpu.memory_space<hbm>> -> memref<10000xf32, #tpu.memory_space<hbm>>
      %dma_wait3A_19 = arith.constant 0 : i32
      %dma_wait3A_20 = tpu.memref_slice %arg4[%add3A, %dma_wait3A_19] : memref<32x10000xf32, #tpu.memory_space<hbm>> -> memref<1x10000xf32, #tpu.memory_space<hbm>>
      %dma_wait3A_21 = tpu.memref_squeeze %dma_wait3A_20 : memref<1x10000xf32, #tpu.memory_space<hbm>> -> memref<10000xf32, #tpu.memory_space<hbm>>
      tpu.wait_dma2 semaphore(%run_scoped3A : memref<!tpu.dma_semaphore, #tpu.memory_space<semaphore_mem>>) src(%arg6 : memref<10000xf32, #tpu.memory_space<vmem>>) dst(%dma_wait3A_21 : memref<10000xf32, #tpu.memory_space<hbm>>)
      tpu.yield
    }) : () -> ()
    "tpu.region"() ({
      %run_scoped3A = tpu.sem_alloc : memref<!tpu.dma_semaphore, #tpu.memory_space<semaphore_mem>>
      %dma_start3A = arith.constant 0 : i32
      %dma_start3A_12 = tpu.memref_slice %arg5[%add3A, %dma_start3A] : memref<32x10000xf32, #tpu.memory_space<hbm>> -> memref<1x10000xf32, #tpu.memory_space<hbm>>
      %dma_start3A_13 = tpu.memref_squeeze %dma_start3A_12 : memref<1x10000xf32, #tpu.memory_space<hbm>> -> memref<10000xf32, #tpu.memory_space<hbm>>
      %dma_start3A_14 = arith.constant 0 : i32
      %dma_start3A_15 = tpu.memref_slice %arg5[%add3A, %dma_start3A_14] : memref<32x10000xf32, #tpu.memory_space<hbm>> -> memref<1x10000xf32, #tpu.memory_space<hbm>>
      %dma_start3A_16 = tpu.memref_squeeze %dma_start3A_15 : memref<1x10000xf32, #tpu.memory_space<hbm>> -> memref<10000xf32, #tpu.memory_space<hbm>>
      tpu.enqueue_dma source(%arg7 : memref<10000xf32, #tpu.memory_space<vmem>>) target(%dma_start3A_16 : memref<10000xf32, #tpu.memory_space<hbm>>) target_semaphore(%run_scoped3A : memref<!tpu.dma_semaphore, #tpu.memory_space<semaphore_mem>>)
      %dma_wait3A = arith.constant 0 : i32
      %dma_wait3A_17 = tpu.memref_slice %arg5[%add3A, %dma_wait3A] : memref<32x10000xf32, #tpu.memory_space<hbm>> -> memref<1x10000xf32, #tpu.memory_space<hbm>>
      %dma_wait3A_18 = tpu.memref_squeeze %dma_wait3A_17 : memref<1x10000xf32, #tpu.memory_space<hbm>> -> memref<10000xf32, #tpu.memory_space<hbm>>
      %dma_wait3A_19 = arith.constant 0 : i32
      %dma_wait3A_20 = tpu.memref_slice %arg5[%add3A, %dma_wait3A_19] : memref<32x10000xf32, #tpu.memory_space<hbm>> -> memref<1x10000xf32, #tpu.memory_space<hbm>>
      %dma_wait3A_21 = tpu.memref_squeeze %dma_wait3A_20 : memref<1x10000xf32, #tpu.memory_space<hbm>> -> memref<10000xf32, #tpu.memory_space<hbm>>
      tpu.wait_dma2 semaphore(%run_scoped3A : memref<!tpu.dma_semaphore, #tpu.memory_space<semaphore_mem>>) src(%arg7 : memref<10000xf32, #tpu.memory_space<vmem>>) dst(%dma_wait3A_21 : memref<10000xf32, #tpu.memory_space<hbm>>)
      tpu.yield
    }) : () -> ()
    return
  }
}

#map = affine_map<(d0, d1) -> (0, 0)>
#map1 = affine_map<(d0, d1) -> (0, 0, 0, 0, 0)>
#map2 = affine_map<(d0, d1) -> (0, 0, 0)>
module attributes {stable_mosaic.version = 14 : i64} {
  func.func @_sc_edge_agg(%arg0: i32, %arg1: i32, %arg2: memref<10112x128xf32, #tpu.memory_space<hbm>>, %arg3: memref<32x10x8x1x125xi32, #tpu.memory_space<hbm>>, %arg4: memref<32x10x8x1x125xi32, #tpu.memory_space<hbm>>, %arg5: memref<125x128xf32, #tpu.memory_space<hbm>>, %arg6: memref<2x10112x128xf32, #tpu.memory_space<hbm>>, %arg7: memref<10112x128xf32, #tpu.memory_space<vmem_shared>>, %arg8: memref<8x1x125xi32, #tpu.memory_space<vmem>>, %arg9: memref<8x1x125xi32, #tpu.memory_space<vmem>>, %arg10: memref<8x1x125xi32, #tpu.memory_space<vmem>>, %arg11: memref<8x1x125xi32, #tpu.memory_space<vmem>>, %arg12: memref<125x128xf32, #tpu.memory_space<vmem>>, %arg13: memref<125x128xf32, #tpu.memory_space<vmem>>, %arg14: memref<!tpu.dma_semaphore, #tpu.memory_space<semaphore_mem>>, %arg15: memref<!tpu.dma_semaphore, #tpu.memory_space<semaphore_mem>>, %arg16: memref<!tpu.dma_semaphore, #tpu.memory_space<semaphore_mem>>, %arg17: memref<!tpu.dma_semaphore, #tpu.memory_space<semaphore_mem>>) attributes {dimension_semantics = [#tpu.dimension_semantics<core_parallel>, #tpu.dimension_semantics<subcore_parallel>], iteration_bounds = array<i64: 2, 16>, scalar_prefetch = 0 : i64, scratch_operands = 11 : i64, tpu.core_type = #tpu.core_type<sc_vector_subcore>, window_params = [{transform_indices = #map}, {transform_indices = #map1}, {transform_indices = #map1}, {transform_indices = #map}, {transform_indices = #map2}]} {
    %mul3A = arith.constant 2 : i32
    %mul3A_0 = arith.muli %arg1, %mul3A : i32
    %add3A = arith.addi %mul3A_0, %arg0 : i32
    "tpu.region"() ({
      %run_scoped3A = tpu.sem_alloc : memref<!tpu.dma_semaphore, #tpu.memory_space<semaphore_mem>>
      tpu.enqueue_dma source(%arg5 : memref<125x128xf32, #tpu.memory_space<hbm>>) target(%arg12 : memref<125x128xf32, #tpu.memory_space<vmem>>) target_semaphore(%run_scoped3A : memref<!tpu.dma_semaphore, #tpu.memory_space<semaphore_mem>>)
      tpu.wait_dma2 semaphore(%run_scoped3A : memref<!tpu.dma_semaphore, #tpu.memory_space<semaphore_mem>>) src(%arg5 : memref<125x128xf32, #tpu.memory_space<hbm>>) dst(%arg12 : memref<125x128xf32, #tpu.memory_space<vmem>>)
      tpu.yield
    }) : () -> ()
    %mul3A_1 = arith.constant 632 : i32
    %mul3A_2 = arith.muli %arg1, %mul3A_1 : i32
    %add3A_3 = arith.constant 0 : i32
    %add3A_4 = arith.addi %mul3A_2, %add3A_3 : i32
    "tpu.region"() ({
      %run_scoped3A = tpu.sem_alloc : memref<!tpu.dma_semaphore, #tpu.memory_space<semaphore_mem>>
      %dma_start3A_115 = arith.constant 0 : i32
      %dma_start3A_116 = arith.constant 0 : i32
      %dma_start3A_117 = tpu.memref_slice %arg12[%dma_start3A_115, %dma_start3A_116] : memref<125x128xf32, #tpu.memory_space<vmem>> -> memref<120x128xf32, #tpu.memory_space<vmem>>
      %dma_start3A_118 = arith.constant 0 : i32
      %dma_start3A_119 = tpu.memref_slice %arg7[%add3A_4, %dma_start3A_118] : memref<10112x128xf32, #tpu.memory_space<vmem_shared>> -> memref<120x128xf32, #tpu.memory_space<vmem_shared>>
      %dma_start3A_120 = arith.constant 0 : i32
      %dma_start3A_121 = tpu.memref_slice %arg7[%add3A_4, %dma_start3A_120] : memref<10112x128xf32, #tpu.memory_space<vmem_shared>> -> memref<120x128xf32, #tpu.memory_space<vmem_shared>>
      %dma_start3A_122 = arith.constant 0 : i32
      %dma_start3A_123 = arith.constant 0 : i32
      %dma_start3A_124 = tpu.memref_slice %arg12[%dma_start3A_122, %dma_start3A_123] : memref<125x128xf32, #tpu.memory_space<vmem>> -> memref<120x128xf32, #tpu.memory_space<vmem>>
      tpu.enqueue_dma source(%dma_start3A_124 : memref<120x128xf32, #tpu.memory_space<vmem>>) target(%dma_start3A_121 : memref<120x128xf32, #tpu.memory_space<vmem_shared>>) target_semaphore(%run_scoped3A : memref<!tpu.dma_semaphore, #tpu.memory_space<semaphore_mem>>)
      %dma_wait3A = arith.constant 0 : i32
      %dma_wait3A_125 = arith.constant 0 : i32
      %dma_wait3A_126 = tpu.memref_slice %arg12[%dma_wait3A, %dma_wait3A_125] : memref<125x128xf32, #tpu.memory_space<vmem>> -> memref<120x128xf32, #tpu.memory_space<vmem>>
      %dma_wait3A_127 = arith.constant 0 : i32
      %dma_wait3A_128 = tpu.memref_slice %arg7[%add3A_4, %dma_wait3A_127] : memref<10112x128xf32, #tpu.memory_space<vmem_shared>> -> memref<120x128xf32, #tpu.memory_space<vmem_shared>>
      %dma_wait3A_129 = arith.constant 0 : i32
      %dma_wait3A_130 = tpu.memref_slice %arg7[%add3A_4, %dma_wait3A_129] : memref<10112x128xf32, #tpu.memory_space<vmem_shared>> -> memref<120x128xf32, #tpu.memory_space<vmem_shared>>
      %dma_wait3A_131 = arith.constant 0 : i32
      %dma_wait3A_132 = arith.constant 0 : i32
      %dma_wait3A_133 = tpu.memref_slice %arg12[%dma_wait3A_131, %dma_wait3A_132] : memref<125x128xf32, #tpu.memory_space<vmem>> -> memref<120x128xf32, #tpu.memory_space<vmem>>
      tpu.wait_dma2 semaphore(%run_scoped3A : memref<!tpu.dma_semaphore, #tpu.memory_space<semaphore_mem>>) src(%dma_wait3A_133 : memref<120x128xf32, #tpu.memory_space<vmem>>) dst(%dma_wait3A_130 : memref<120x128xf32, #tpu.memory_space<vmem_shared>>)
      tpu.yield
    }) : () -> ()
    %add3A_5 = arith.constant 120 : i32
    %add3A_6 = arith.addi %mul3A_2, %add3A_5 : i32
    "tpu.region"() ({
      %run_scoped3A = tpu.sem_alloc : memref<!tpu.dma_semaphore, #tpu.memory_space<semaphore_mem>>
      %dma_start3A_115 = arith.constant 0 : i32
      %dma_start3A_116 = arith.constant 0 : i32
      %dma_start3A_117 = tpu.memref_slice %arg12[%dma_start3A_115, %dma_start3A_116] : memref<125x128xf32, #tpu.memory_space<vmem>> -> memref<120x128xf32, #tpu.memory_space<vmem>>
      %dma_start3A_118 = arith.constant 0 : i32
      %dma_start3A_119 = tpu.memref_slice %arg7[%add3A_6, %dma_start3A_118] : memref<10112x128xf32, #tpu.memory_space<vmem_shared>> -> memref<120x128xf32, #tpu.memory_space<vmem_shared>>
      %dma_start3A_120 = arith.constant 0 : i32
      %dma_start3A_121 = tpu.memref_slice %arg7[%add3A_6, %dma_start3A_120] : memref<10112x128xf32, #tpu.memory_space<vmem_shared>> -> memref<120x128xf32, #tpu.memory_space<vmem_shared>>
      %dma_start3A_122 = arith.constant 0 : i32
      %dma_start3A_123 = arith.constant 0 : i32
      %dma_start3A_124 = tpu.memref_slice %arg12[%dma_start3A_122, %dma_start3A_123] : memref<125x128xf32, #tpu.memory_space<vmem>> -> memref<120x128xf32, #tpu.memory_space<vmem>>
      tpu.enqueue_dma source(%dma_start3A_124 : memref<120x128xf32, #tpu.memory_space<vmem>>) target(%dma_start3A_121 : memref<120x128xf32, #tpu.memory_space<vmem_shared>>) target_semaphore(%run_scoped3A : memref<!tpu.dma_semaphore, #tpu.memory_space<semaphore_mem>>)
      %dma_wait3A = arith.constant 0 : i32
      %dma_wait3A_125 = arith.constant 0 : i32
      %dma_wait3A_126 = tpu.memref_slice %arg12[%dma_wait3A, %dma_wait3A_125] : memref<125x128xf32, #tpu.memory_space<vmem>> -> memref<120x128xf32, #tpu.memory_space<vmem>>
      %dma_wait3A_127 = arith.constant 0 : i32
      %dma_wait3A_128 = tpu.memref_slice %arg7[%add3A_6, %dma_wait3A_127] : memref<10112x128xf32, #tpu.memory_space<vmem_shared>> -> memref<120x128xf32, #tpu.memory_space<vmem_shared>>
      %dma_wait3A_129 = arith.constant 0 : i32
      %dma_wait3A_130 = tpu.memref_slice %arg7[%add3A_6, %dma_wait3A_129] : memref<10112x128xf32, #tpu.memory_space<vmem_shared>> -> memref<120x128xf32, #tpu.memory_space<vmem_shared>>
      %dma_wait3A_131 = arith.constant 0 : i32
      %dma_wait3A_132 = arith.constant 0 : i32
      %dma_wait3A_133 = tpu.memref_slice %arg12[%dma_wait3A_131, %dma_wait3A_132] : memref<125x128xf32, #tpu.memory_space<vmem>> -> memref<120x128xf32, #tpu.memory_space<vmem>>
      tpu.wait_dma2 semaphore(%run_scoped3A : memref<!tpu.dma_semaphore, #tpu.memory_space<semaphore_mem>>) src(%dma_wait3A_133 : memref<120x128xf32, #tpu.memory_space<vmem>>) dst(%dma_wait3A_130 : memref<120x128xf32, #tpu.memory_space<vmem_shared>>)
      tpu.yield
    }) : () -> ()
    %add3A_7 = arith.constant 240 : i32
    %add3A_8 = arith.addi %mul3A_2, %add3A_7 : i32
    "tpu.region"() ({
      %run_scoped3A = tpu.sem_alloc : memref<!tpu.dma_semaphore, #tpu.memory_space<semaphore_mem>>
      %dma_start3A_115 = arith.constant 0 : i32
      %dma_start3A_116 = arith.constant 0 : i32
      %dma_start3A_117 = tpu.memref_slice %arg12[%dma_start3A_115, %dma_start3A_116] : memref<125x128xf32, #tpu.memory_space<vmem>> -> memref<120x128xf32, #tpu.memory_space<vmem>>
      %dma_start3A_118 = arith.constant 0 : i32
      %dma_start3A_119 = tpu.memref_slice %arg7[%add3A_8, %dma_start3A_118] : memref<10112x128xf32, #tpu.memory_space<vmem_shared>> -> memref<120x128xf32, #tpu.memory_space<vmem_shared>>
      %dma_start3A_120 = arith.constant 0 : i32
      %dma_start3A_121 = tpu.memref_slice %arg7[%add3A_8, %dma_start3A_120] : memref<10112x128xf32, #tpu.memory_space<vmem_shared>> -> memref<120x128xf32, #tpu.memory_space<vmem_shared>>
      %dma_start3A_122 = arith.constant 0 : i32
      %dma_start3A_123 = arith.constant 0 : i32
      %dma_start3A_124 = tpu.memref_slice %arg12[%dma_start3A_122, %dma_start3A_123] : memref<125x128xf32, #tpu.memory_space<vmem>> -> memref<120x128xf32, #tpu.memory_space<vmem>>
      tpu.enqueue_dma source(%dma_start3A_124 : memref<120x128xf32, #tpu.memory_space<vmem>>) target(%dma_start3A_121 : memref<120x128xf32, #tpu.memory_space<vmem_shared>>) target_semaphore(%run_scoped3A : memref<!tpu.dma_semaphore, #tpu.memory_space<semaphore_mem>>)
      %dma_wait3A = arith.constant 0 : i32
      %dma_wait3A_125 = arith.constant 0 : i32
      %dma_wait3A_126 = tpu.memref_slice %arg12[%dma_wait3A, %dma_wait3A_125] : memref<125x128xf32, #tpu.memory_space<vmem>> -> memref<120x128xf32, #tpu.memory_space<vmem>>
      %dma_wait3A_127 = arith.constant 0 : i32
      %dma_wait3A_128 = tpu.memref_slice %arg7[%add3A_8, %dma_wait3A_127] : memref<10112x128xf32, #tpu.memory_space<vmem_shared>> -> memref<120x128xf32, #tpu.memory_space<vmem_shared>>
      %dma_wait3A_129 = arith.constant 0 : i32
      %dma_wait3A_130 = tpu.memref_slice %arg7[%add3A_8, %dma_wait3A_129] : memref<10112x128xf32, #tpu.memory_space<vmem_shared>> -> memref<120x128xf32, #tpu.memory_space<vmem_shared>>
      %dma_wait3A_131 = arith.constant 0 : i32
      %dma_wait3A_132 = arith.constant 0 : i32
      %dma_wait3A_133 = tpu.memref_slice %arg12[%dma_wait3A_131, %dma_wait3A_132] : memref<125x128xf32, #tpu.memory_space<vmem>> -> memref<120x128xf32, #tpu.memory_space<vmem>>
      tpu.wait_dma2 semaphore(%run_scoped3A : memref<!tpu.dma_semaphore, #tpu.memory_space<semaphore_mem>>) src(%dma_wait3A_133 : memref<120x128xf32, #tpu.memory_space<vmem>>) dst(%dma_wait3A_130 : memref<120x128xf32, #tpu.memory_space<vmem_shared>>)
      tpu.yield
    }) : () -> ()
    %add3A_9 = arith.constant 360 : i32
    %add3A_10 = arith.addi %mul3A_2, %add3A_9 : i32
    "tpu.region"() ({
      %run_scoped3A = tpu.sem_alloc : memref<!tpu.dma_semaphore, #tpu.memory_space<semaphore_mem>>
      %dma_start3A_115 = arith.constant 0 : i32
      %dma_start3A_116 = arith.constant 0 : i32
      %dma_start3A_117 = tpu.memref_slice %arg12[%dma_start3A_115, %dma_start3A_116] : memref<125x128xf32, #tpu.memory_space<vmem>> -> memref<120x128xf32, #tpu.memory_space<vmem>>
      %dma_start3A_118 = arith.constant 0 : i32
      %dma_start3A_119 = tpu.memref_slice %arg7[%add3A_10, %dma_start3A_118] : memref<10112x128xf32, #tpu.memory_space<vmem_shared>> -> memref<120x128xf32, #tpu.memory_space<vmem_shared>>
      %dma_start3A_120 = arith.constant 0 : i32
      %dma_start3A_121 = tpu.memref_slice %arg7[%add3A_10, %dma_start3A_120] : memref<10112x128xf32, #tpu.memory_space<vmem_shared>> -> memref<120x128xf32, #tpu.memory_space<vmem_shared>>
      %dma_start3A_122 = arith.constant 0 : i32
      %dma_start3A_123 = arith.constant 0 : i32
      %dma_start3A_124 = tpu.memref_slice %arg12[%dma_start3A_122, %dma_start3A_123] : memref<125x128xf32, #tpu.memory_space<vmem>> -> memref<120x128xf32, #tpu.memory_space<vmem>>
      tpu.enqueue_dma source(%dma_start3A_124 : memref<120x128xf32, #tpu.memory_space<vmem>>) target(%dma_start3A_121 : memref<120x128xf32, #tpu.memory_space<vmem_shared>>) target_semaphore(%run_scoped3A : memref<!tpu.dma_semaphore, #tpu.memory_space<semaphore_mem>>)
      %dma_wait3A = arith.constant 0 : i32
      %dma_wait3A_125 = arith.constant 0 : i32
      %dma_wait3A_126 = tpu.memref_slice %arg12[%dma_wait3A, %dma_wait3A_125] : memref<125x128xf32, #tpu.memory_space<vmem>> -> memref<120x128xf32, #tpu.memory_space<vmem>>
      %dma_wait3A_127 = arith.constant 0 : i32
      %dma_wait3A_128 = tpu.memref_slice %arg7[%add3A_10, %dma_wait3A_127] : memref<10112x128xf32, #tpu.memory_space<vmem_shared>> -> memref<120x128xf32, #tpu.memory_space<vmem_shared>>
      %dma_wait3A_129 = arith.constant 0 : i32
      %dma_wait3A_130 = tpu.memref_slice %arg7[%add3A_10, %dma_wait3A_129] : memref<10112x128xf32, #tpu.memory_space<vmem_shared>> -> memref<120x128xf32, #tpu.memory_space<vmem_shared>>
      %dma_wait3A_131 = arith.constant 0 : i32
      %dma_wait3A_132 = arith.constant 0 : i32
      %dma_wait3A_133 = tpu.memref_slice %arg12[%dma_wait3A_131, %dma_wait3A_132] : memref<125x128xf32, #tpu.memory_space<vmem>> -> memref<120x128xf32, #tpu.memory_space<vmem>>
      tpu.wait_dma2 semaphore(%run_scoped3A : memref<!tpu.dma_semaphore, #tpu.memory_space<semaphore_mem>>) src(%dma_wait3A_133 : memref<120x128xf32, #tpu.memory_space<vmem>>) dst(%dma_wait3A_130 : memref<120x128xf32, #tpu.memory_space<vmem_shared>>)
      tpu.yield
    }) : () -> ()
    %add3A_11 = arith.constant 480 : i32
    %add3A_12 = arith.addi %mul3A_2, %add3A_11 : i32
    "tpu.region"() ({
      %run_scoped3A = tpu.sem_alloc : memref<!tpu.dma_semaphore, #tpu.memory_space<semaphore_mem>>
      %dma_start3A_115 = arith.constant 0 : i32
      %dma_start3A_116 = arith.constant 0 : i32
      %dma_start3A_117 = tpu.memref_slice %arg12[%dma_start3A_115, %dma_start3A_116] : memref<125x128xf32, #tpu.memory_space<vmem>> -> memref<120x128xf32, #tpu.memory_space<vmem>>
      %dma_start3A_118 = arith.constant 0 : i32
      %dma_start3A_119 = tpu.memref_slice %arg7[%add3A_12, %dma_start3A_118] : memref<10112x128xf32, #tpu.memory_space<vmem_shared>> -> memref<120x128xf32, #tpu.memory_space<vmem_shared>>
      %dma_start3A_120 = arith.constant 0 : i32
      %dma_start3A_121 = tpu.memref_slice %arg7[%add3A_12, %dma_start3A_120] : memref<10112x128xf32, #tpu.memory_space<vmem_shared>> -> memref<120x128xf32, #tpu.memory_space<vmem_shared>>
      %dma_start3A_122 = arith.constant 0 : i32
      %dma_start3A_123 = arith.constant 0 : i32
      %dma_start3A_124 = tpu.memref_slice %arg12[%dma_start3A_122, %dma_start3A_123] : memref<125x128xf32, #tpu.memory_space<vmem>> -> memref<120x128xf32, #tpu.memory_space<vmem>>
      tpu.enqueue_dma source(%dma_start3A_124 : memref<120x128xf32, #tpu.memory_space<vmem>>) target(%dma_start3A_121 : memref<120x128xf32, #tpu.memory_space<vmem_shared>>) target_semaphore(%run_scoped3A : memref<!tpu.dma_semaphore, #tpu.memory_space<semaphore_mem>>)
      %dma_wait3A = arith.constant 0 : i32
      %dma_wait3A_125 = arith.constant 0 : i32
      %dma_wait3A_126 = tpu.memref_slice %arg12[%dma_wait3A, %dma_wait3A_125] : memref<125x128xf32, #tpu.memory_space<vmem>> -> memref<120x128xf32, #tpu.memory_space<vmem>>
      %dma_wait3A_127 = arith.constant 0 : i32
      %dma_wait3A_128 = tpu.memref_slice %arg7[%add3A_12, %dma_wait3A_127] : memref<10112x128xf32, #tpu.memory_space<vmem_shared>> -> memref<120x128xf32, #tpu.memory_space<vmem_shared>>
      %dma_wait3A_129 = arith.constant 0 : i32
      %dma_wait3A_130 = tpu.memref_slice %arg7[%add3A_12, %dma_wait3A_129] : memref<10112x128xf32, #tpu.memory_space<vmem_shared>> -> memref<120x128xf32, #tpu.memory_space<vmem_shared>>
      %dma_wait3A_131 = arith.constant 0 : i32
      %dma_wait3A_132 = arith.constant 0 : i32
      %dma_wait3A_133 = tpu.memref_slice %arg12[%dma_wait3A_131, %dma_wait3A_132] : memref<125x128xf32, #tpu.memory_space<vmem>> -> memref<120x128xf32, #tpu.memory_space<vmem>>
      tpu.wait_dma2 semaphore(%run_scoped3A : memref<!tpu.dma_semaphore, #tpu.memory_space<semaphore_mem>>) src(%dma_wait3A_133 : memref<120x128xf32, #tpu.memory_space<vmem>>) dst(%dma_wait3A_130 : memref<120x128xf32, #tpu.memory_space<vmem_shared>>)
      tpu.yield
    }) : () -> ()
    %add3A_13 = arith.constant 600 : i32
    %add3A_14 = arith.addi %mul3A_2, %add3A_13 : i32
    "tpu.region"() ({
      %run_scoped3A = tpu.sem_alloc : memref<!tpu.dma_semaphore, #tpu.memory_space<semaphore_mem>>
      %dma_start3A_115 = arith.constant 0 : i32
      %dma_start3A_116 = arith.constant 0 : i32
      %dma_start3A_117 = tpu.memref_slice %arg12[%dma_start3A_115, %dma_start3A_116] : memref<125x128xf32, #tpu.memory_space<vmem>> -> memref<32x128xf32, #tpu.memory_space<vmem>>
      %dma_start3A_118 = arith.constant 0 : i32
      %dma_start3A_119 = tpu.memref_slice %arg7[%add3A_14, %dma_start3A_118] : memref<10112x128xf32, #tpu.memory_space<vmem_shared>> -> memref<32x128xf32, #tpu.memory_space<vmem_shared>>
      %dma_start3A_120 = arith.constant 0 : i32
      %dma_start3A_121 = tpu.memref_slice %arg7[%add3A_14, %dma_start3A_120] : memref<10112x128xf32, #tpu.memory_space<vmem_shared>> -> memref<32x128xf32, #tpu.memory_space<vmem_shared>>
      %dma_start3A_122 = arith.constant 0 : i32
      %dma_start3A_123 = arith.constant 0 : i32
      %dma_start3A_124 = tpu.memref_slice %arg12[%dma_start3A_122, %dma_start3A_123] : memref<125x128xf32, #tpu.memory_space<vmem>> -> memref<32x128xf32, #tpu.memory_space<vmem>>
      tpu.enqueue_dma source(%dma_start3A_124 : memref<32x128xf32, #tpu.memory_space<vmem>>) target(%dma_start3A_121 : memref<32x128xf32, #tpu.memory_space<vmem_shared>>) target_semaphore(%run_scoped3A : memref<!tpu.dma_semaphore, #tpu.memory_space<semaphore_mem>>)
      %dma_wait3A = arith.constant 0 : i32
      %dma_wait3A_125 = arith.constant 0 : i32
      %dma_wait3A_126 = tpu.memref_slice %arg12[%dma_wait3A, %dma_wait3A_125] : memref<125x128xf32, #tpu.memory_space<vmem>> -> memref<32x128xf32, #tpu.memory_space<vmem>>
      %dma_wait3A_127 = arith.constant 0 : i32
      %dma_wait3A_128 = tpu.memref_slice %arg7[%add3A_14, %dma_wait3A_127] : memref<10112x128xf32, #tpu.memory_space<vmem_shared>> -> memref<32x128xf32, #tpu.memory_space<vmem_shared>>
      %dma_wait3A_129 = arith.constant 0 : i32
      %dma_wait3A_130 = tpu.memref_slice %arg7[%add3A_14, %dma_wait3A_129] : memref<10112x128xf32, #tpu.memory_space<vmem_shared>> -> memref<32x128xf32, #tpu.memory_space<vmem_shared>>
      %dma_wait3A_131 = arith.constant 0 : i32
      %dma_wait3A_132 = arith.constant 0 : i32
      %dma_wait3A_133 = tpu.memref_slice %arg12[%dma_wait3A_131, %dma_wait3A_132] : memref<125x128xf32, #tpu.memory_space<vmem>> -> memref<32x128xf32, #tpu.memory_space<vmem>>
      tpu.wait_dma2 semaphore(%run_scoped3A : memref<!tpu.dma_semaphore, #tpu.memory_space<semaphore_mem>>) src(%dma_wait3A_133 : memref<32x128xf32, #tpu.memory_space<vmem>>) dst(%dma_wait3A_130 : memref<32x128xf32, #tpu.memory_space<vmem_shared>>)
      tpu.yield
    }) : () -> ()
    %barrier3A = arith.constant 0 : index
    tpu.barrier barrier_id(%barrier3A)
    %dma_start3A = arith.constant 0 : i32
    %dma_start3A_15 = arith.constant 0 : i32
    %dma_start3A_16 = arith.constant 0 : i32
    %dma_start3A_17 = arith.constant 0 : i32
    %dma_start3A_18 = arith.constant 0 : i32
    %dma_start3A_19 = tpu.memref_slice %arg3[%add3A, %dma_start3A_15, %dma_start3A_16, %dma_start3A_17, %dma_start3A_18] : memref<32x10x8x1x125xi32, #tpu.memory_space<hbm>> -> memref<1x10x8x1x125xi32, #tpu.memory_space<hbm>>
    %dma_start3A_20 = tpu.memref_squeeze %dma_start3A_19 : memref<1x10x8x1x125xi32, #tpu.memory_space<hbm>> -> memref<10x8x1x125xi32, #tpu.memory_space<hbm>>
    %dma_start3A_21 = arith.constant 0 : i32
    %dma_start3A_22 = arith.constant 0 : i32
    %dma_start3A_23 = arith.constant 0 : i32
    %dma_start3A_24 = tpu.memref_slice %dma_start3A_20[%dma_start3A, %dma_start3A_21, %dma_start3A_22, %dma_start3A_23] : memref<10x8x1x125xi32, #tpu.memory_space<hbm>> -> memref<1x8x1x125xi32, #tpu.memory_space<hbm>>
    %dma_start3A_25 = tpu.memref_squeeze %dma_start3A_24 : memref<1x8x1x125xi32, #tpu.memory_space<hbm>> -> memref<8x1x125xi32, #tpu.memory_space<hbm>>
    %dma_start3A_26 = arith.constant 0 : i32
    %dma_start3A_27 = arith.constant 0 : i32
    %dma_start3A_28 = arith.constant 0 : i32
    %dma_start3A_29 = arith.constant 0 : i32
    %dma_start3A_30 = tpu.memref_slice %arg3[%add3A, %dma_start3A_26, %dma_start3A_27, %dma_start3A_28, %dma_start3A_29] : memref<32x10x8x1x125xi32, #tpu.memory_space<hbm>> -> memref<1x10x8x1x125xi32, #tpu.memory_space<hbm>>
    %dma_start3A_31 = tpu.memref_squeeze %dma_start3A_30 : memref<1x10x8x1x125xi32, #tpu.memory_space<hbm>> -> memref<10x8x1x125xi32, #tpu.memory_space<hbm>>
    %dma_start3A_32 = arith.constant 0 : i32
    %dma_start3A_33 = arith.constant 0 : i32
    %dma_start3A_34 = arith.constant 0 : i32
    %dma_start3A_35 = tpu.memref_slice %dma_start3A_31[%dma_start3A, %dma_start3A_32, %dma_start3A_33, %dma_start3A_34] : memref<10x8x1x125xi32, #tpu.memory_space<hbm>> -> memref<1x8x1x125xi32, #tpu.memory_space<hbm>>
    %dma_start3A_36 = tpu.memref_squeeze %dma_start3A_35 : memref<1x8x1x125xi32, #tpu.memory_space<hbm>> -> memref<8x1x125xi32, #tpu.memory_space<hbm>>
    tpu.enqueue_dma source(%dma_start3A_36 : memref<8x1x125xi32, #tpu.memory_space<hbm>>) target(%arg8 : memref<8x1x125xi32, #tpu.memory_space<vmem>>) target_semaphore(%arg16 : memref<!tpu.dma_semaphore, #tpu.memory_space<semaphore_mem>>)
    %dma_start3A_37 = arith.constant 0 : i32
    %dma_start3A_38 = arith.constant 0 : i32
    %dma_start3A_39 = arith.constant 0 : i32
    %dma_start3A_40 = arith.constant 0 : i32
    %dma_start3A_41 = arith.constant 0 : i32
    %dma_start3A_42 = tpu.memref_slice %arg4[%add3A, %dma_start3A_38, %dma_start3A_39, %dma_start3A_40, %dma_start3A_41] : memref<32x10x8x1x125xi32, #tpu.memory_space<hbm>> -> memref<1x10x8x1x125xi32, #tpu.memory_space<hbm>>
    %dma_start3A_43 = tpu.memref_squeeze %dma_start3A_42 : memref<1x10x8x1x125xi32, #tpu.memory_space<hbm>> -> memref<10x8x1x125xi32, #tpu.memory_space<hbm>>
    %dma_start3A_44 = arith.constant 0 : i32
    %dma_start3A_45 = arith.constant 0 : i32
    %dma_start3A_46 = arith.constant 0 : i32
    %dma_start3A_47 = tpu.memref_slice %dma_start3A_43[%dma_start3A_37, %dma_start3A_44, %dma_start3A_45, %dma_start3A_46] : memref<10x8x1x125xi32, #tpu.memory_space<hbm>> -> memref<1x8x1x125xi32, #tpu.memory_space<hbm>>
    %dma_start3A_48 = tpu.memref_squeeze %dma_start3A_47 : memref<1x8x1x125xi32, #tpu.memory_space<hbm>> -> memref<8x1x125xi32, #tpu.memory_space<hbm>>
    %dma_start3A_49 = arith.constant 0 : i32
    %dma_start3A_50 = arith.constant 0 : i32
    %dma_start3A_51 = arith.constant 0 : i32
    %dma_start3A_52 = arith.constant 0 : i32
    %dma_start3A_53 = tpu.memref_slice %arg4[%add3A, %dma_start3A_49, %dma_start3A_50, %dma_start3A_51, %dma_start3A_52] : memref<32x10x8x1x125xi32, #tpu.memory_space<hbm>> -> memref<1x10x8x1x125xi32, #tpu.memory_space<hbm>>
    %dma_start3A_54 = tpu.memref_squeeze %dma_start3A_53 : memref<1x10x8x1x125xi32, #tpu.memory_space<hbm>> -> memref<10x8x1x125xi32, #tpu.memory_space<hbm>>
    %dma_start3A_55 = arith.constant 0 : i32
    %dma_start3A_56 = arith.constant 0 : i32
    %dma_start3A_57 = arith.constant 0 : i32
    %dma_start3A_58 = tpu.memref_slice %dma_start3A_54[%dma_start3A_37, %dma_start3A_55, %dma_start3A_56, %dma_start3A_57] : memref<10x8x1x125xi32, #tpu.memory_space<hbm>> -> memref<1x8x1x125xi32, #tpu.memory_space<hbm>>
    %dma_start3A_59 = tpu.memref_squeeze %dma_start3A_58 : memref<1x8x1x125xi32, #tpu.memory_space<hbm>> -> memref<8x1x125xi32, #tpu.memory_space<hbm>>
    tpu.enqueue_dma source(%dma_start3A_59 : memref<8x1x125xi32, #tpu.memory_space<hbm>>) target(%arg9 : memref<8x1x125xi32, #tpu.memory_space<vmem>>) target_semaphore(%arg16 : memref<!tpu.dma_semaphore, #tpu.memory_space<semaphore_mem>>)
    %dma_start3A_60 = arith.constant 1 : i32
    %dma_start3A_61 = arith.constant 0 : i32
    %dma_start3A_62 = arith.constant 0 : i32
    %dma_start3A_63 = arith.constant 0 : i32
    %dma_start3A_64 = arith.constant 0 : i32
    %dma_start3A_65 = tpu.memref_slice %arg3[%add3A, %dma_start3A_61, %dma_start3A_62, %dma_start3A_63, %dma_start3A_64] : memref<32x10x8x1x125xi32, #tpu.memory_space<hbm>> -> memref<1x10x8x1x125xi32, #tpu.memory_space<hbm>>
    %dma_start3A_66 = tpu.memref_squeeze %dma_start3A_65 : memref<1x10x8x1x125xi32, #tpu.memory_space<hbm>> -> memref<10x8x1x125xi32, #tpu.memory_space<hbm>>
    %dma_start3A_67 = arith.constant 0 : i32
    %dma_start3A_68 = arith.constant 0 : i32
    %dma_start3A_69 = arith.constant 0 : i32
    %dma_start3A_70 = tpu.memref_slice %dma_start3A_66[%dma_start3A_60, %dma_start3A_67, %dma_start3A_68, %dma_start3A_69] : memref<10x8x1x125xi32, #tpu.memory_space<hbm>> -> memref<1x8x1x125xi32, #tpu.memory_space<hbm>>
    %dma_start3A_71 = tpu.memref_squeeze %dma_start3A_70 : memref<1x8x1x125xi32, #tpu.memory_space<hbm>> -> memref<8x1x125xi32, #tpu.memory_space<hbm>>
    %dma_start3A_72 = arith.constant 0 : i32
    %dma_start3A_73 = arith.constant 0 : i32
    %dma_start3A_74 = arith.constant 0 : i32
    %dma_start3A_75 = arith.constant 0 : i32
    %dma_start3A_76 = tpu.memref_slice %arg3[%add3A, %dma_start3A_72, %dma_start3A_73, %dma_start3A_74, %dma_start3A_75] : memref<32x10x8x1x125xi32, #tpu.memory_space<hbm>> -> memref<1x10x8x1x125xi32, #tpu.memory_space<hbm>>
    %dma_start3A_77 = tpu.memref_squeeze %dma_start3A_76 : memref<1x10x8x1x125xi32, #tpu.memory_space<hbm>> -> memref<10x8x1x125xi32, #tpu.memory_space<hbm>>
    %dma_start3A_78 = arith.constant 0 : i32
    %dma_start3A_79 = arith.constant 0 : i32
    %dma_start3A_80 = arith.constant 0 : i32
    %dma_start3A_81 = tpu.memref_slice %dma_start3A_77[%dma_start3A_60, %dma_start3A_78, %dma_start3A_79, %dma_start3A_80] : memref<10x8x1x125xi32, #tpu.memory_space<hbm>> -> memref<1x8x1x125xi32, #tpu.memory_space<hbm>>
    %dma_start3A_82 = tpu.memref_squeeze %dma_start3A_81 : memref<1x8x1x125xi32, #tpu.memory_space<hbm>> -> memref<8x1x125xi32, #tpu.memory_space<hbm>>
    tpu.enqueue_dma source(%dma_start3A_82 : memref<8x1x125xi32, #tpu.memory_space<hbm>>) target(%arg10 : memref<8x1x125xi32, #tpu.memory_space<vmem>>) target_semaphore(%arg17 : memref<!tpu.dma_semaphore, #tpu.memory_space<semaphore_mem>>)
    %dma_start3A_83 = arith.constant 1 : i32
    %dma_start3A_84 = arith.constant 0 : i32
    %dma_start3A_85 = arith.constant 0 : i32
    %dma_start3A_86 = arith.constant 0 : i32
    %dma_start3A_87 = arith.constant 0 : i32
    %dma_start3A_88 = tpu.memref_slice %arg4[%add3A, %dma_start3A_84, %dma_start3A_85, %dma_start3A_86, %dma_start3A_87] : memref<32x10x8x1x125xi32, #tpu.memory_space<hbm>> -> memref<1x10x8x1x125xi32, #tpu.memory_space<hbm>>
    %dma_start3A_89 = tpu.memref_squeeze %dma_start3A_88 : memref<1x10x8x1x125xi32, #tpu.memory_space<hbm>> -> memref<10x8x1x125xi32, #tpu.memory_space<hbm>>
    %dma_start3A_90 = arith.constant 0 : i32
    %dma_start3A_91 = arith.constant 0 : i32
    %dma_start3A_92 = arith.constant 0 : i32
    %dma_start3A_93 = tpu.memref_slice %dma_start3A_89[%dma_start3A_83, %dma_start3A_90, %dma_start3A_91, %dma_start3A_92] : memref<10x8x1x125xi32, #tpu.memory_space<hbm>> -> memref<1x8x1x125xi32, #tpu.memory_space<hbm>>
    %dma_start3A_94 = tpu.memref_squeeze %dma_start3A_93 : memref<1x8x1x125xi32, #tpu.memory_space<hbm>> -> memref<8x1x125xi32, #tpu.memory_space<hbm>>
    %dma_start3A_95 = arith.constant 0 : i32
    %dma_start3A_96 = arith.constant 0 : i32
    %dma_start3A_97 = arith.constant 0 : i32
    %dma_start3A_98 = arith.constant 0 : i32
    %dma_start3A_99 = tpu.memref_slice %arg4[%add3A, %dma_start3A_95, %dma_start3A_96, %dma_start3A_97, %dma_start3A_98] : memref<32x10x8x1x125xi32, #tpu.memory_space<hbm>> -> memref<1x10x8x1x125xi32, #tpu.memory_space<hbm>>
    %dma_start3A_100 = tpu.memref_squeeze %dma_start3A_99 : memref<1x10x8x1x125xi32, #tpu.memory_space<hbm>> -> memref<10x8x1x125xi32, #tpu.memory_space<hbm>>
    %dma_start3A_101 = arith.constant 0 : i32
    %dma_start3A_102 = arith.constant 0 : i32
    %dma_start3A_103 = arith.constant 0 : i32
    %dma_start3A_104 = tpu.memref_slice %dma_start3A_100[%dma_start3A_83, %dma_start3A_101, %dma_start3A_102, %dma_start3A_103] : memref<10x8x1x125xi32, #tpu.memory_space<hbm>> -> memref<1x8x1x125xi32, #tpu.memory_space<hbm>>
    %dma_start3A_105 = tpu.memref_squeeze %dma_start3A_104 : memref<1x8x1x125xi32, #tpu.memory_space<hbm>> -> memref<8x1x125xi32, #tpu.memory_space<hbm>>
    tpu.enqueue_dma source(%dma_start3A_105 : memref<8x1x125xi32, #tpu.memory_space<hbm>>) target(%arg11 : memref<8x1x125xi32, #tpu.memory_space<vmem>>) target_semaphore(%arg17 : memref<!tpu.dma_semaphore, #tpu.memory_space<semaphore_mem>>)
    %scan3A = arith.constant 0 : i32
    %scan3A_106 = arith.constant 5 : i32
    %scan3A_107 = arith.addi %scan3A, %scan3A_106 : i32
    %scan3A_108 = arith.constant 1 : i32
    scf.for %scan3A_115 = %scan3A to %scan3A_107 step %scan3A_108  : i32 {
      %mul3A_116 = arith.constant 2 : i32
      %mul3A_117 = arith.muli %scan3A_115, %mul3A_116 : i32
      %add3A_118 = arith.constant 0 : i32
      %add3A_119 = arith.addi %add3A_118, %mul3A_117 : i32
      %dma_wait3A = arith.constant 0 : i32
      %dma_wait3A_120 = arith.constant 0 : i32
      %dma_wait3A_121 = arith.constant 0 : i32
      %dma_wait3A_122 = arith.constant 0 : i32
      %dma_wait3A_123 = tpu.memref_slice %arg3[%add3A, %dma_wait3A, %dma_wait3A_120, %dma_wait3A_121, %dma_wait3A_122] : memref<32x10x8x1x125xi32, #tpu.memory_space<hbm>> -> memref<1x10x8x1x125xi32, #tpu.memory_space<hbm>>
      %dma_wait3A_124 = tpu.memref_squeeze %dma_wait3A_123 : memref<1x10x8x1x125xi32, #tpu.memory_space<hbm>> -> memref<10x8x1x125xi32, #tpu.memory_space<hbm>>
      %dma_wait3A_125 = arith.constant 0 : i32
      %dma_wait3A_126 = arith.constant 0 : i32
      %dma_wait3A_127 = arith.constant 0 : i32
      %dma_wait3A_128 = tpu.memref_slice %dma_wait3A_124[%add3A_119, %dma_wait3A_125, %dma_wait3A_126, %dma_wait3A_127] : memref<10x8x1x125xi32, #tpu.memory_space<hbm>> -> memref<1x8x1x125xi32, #tpu.memory_space<hbm>>
      %dma_wait3A_129 = tpu.memref_squeeze %dma_wait3A_128 : memref<1x8x1x125xi32, #tpu.memory_space<hbm>> -> memref<8x1x125xi32, #tpu.memory_space<hbm>>
      %dma_wait3A_130 = arith.constant 0 : i32
      %dma_wait3A_131 = arith.constant 0 : i32
      %dma_wait3A_132 = arith.constant 0 : i32
      %dma_wait3A_133 = arith.constant 0 : i32
      %dma_wait3A_134 = tpu.memref_slice %arg3[%add3A, %dma_wait3A_130, %dma_wait3A_131, %dma_wait3A_132, %dma_wait3A_133] : memref<32x10x8x1x125xi32, #tpu.memory_space<hbm>> -> memref<1x10x8x1x125xi32, #tpu.memory_space<hbm>>
      %dma_wait3A_135 = tpu.memref_squeeze %dma_wait3A_134 : memref<1x10x8x1x125xi32, #tpu.memory_space<hbm>> -> memref<10x8x1x125xi32, #tpu.memory_space<hbm>>
      %dma_wait3A_136 = arith.constant 0 : i32
      %dma_wait3A_137 = arith.constant 0 : i32
      %dma_wait3A_138 = arith.constant 0 : i32
      %dma_wait3A_139 = tpu.memref_slice %dma_wait3A_135[%add3A_119, %dma_wait3A_136, %dma_wait3A_137, %dma_wait3A_138] : memref<10x8x1x125xi32, #tpu.memory_space<hbm>> -> memref<1x8x1x125xi32, #tpu.memory_space<hbm>>
      %dma_wait3A_140 = tpu.memref_squeeze %dma_wait3A_139 : memref<1x8x1x125xi32, #tpu.memory_space<hbm>> -> memref<8x1x125xi32, #tpu.memory_space<hbm>>
      tpu.wait_dma2 semaphore(%arg16 : memref<!tpu.dma_semaphore, #tpu.memory_space<semaphore_mem>>) src(%dma_wait3A_140 : memref<8x1x125xi32, #tpu.memory_space<hbm>>) dst(%arg8 : memref<8x1x125xi32, #tpu.memory_space<vmem>>)
      %dma_wait3A_141 = arith.constant 0 : i32
      %dma_wait3A_142 = arith.constant 0 : i32
      %dma_wait3A_143 = arith.constant 0 : i32
      %dma_wait3A_144 = arith.constant 0 : i32
      %dma_wait3A_145 = tpu.memref_slice %arg4[%add3A, %dma_wait3A_141, %dma_wait3A_142, %dma_wait3A_143, %dma_wait3A_144] : memref<32x10x8x1x125xi32, #tpu.memory_space<hbm>> -> memref<1x10x8x1x125xi32, #tpu.memory_space<hbm>>
      %dma_wait3A_146 = tpu.memref_squeeze %dma_wait3A_145 : memref<1x10x8x1x125xi32, #tpu.memory_space<hbm>> -> memref<10x8x1x125xi32, #tpu.memory_space<hbm>>
      %dma_wait3A_147 = arith.constant 0 : i32
      %dma_wait3A_148 = arith.constant 0 : i32
      %dma_wait3A_149 = arith.constant 0 : i32
      %dma_wait3A_150 = tpu.memref_slice %dma_wait3A_146[%add3A_119, %dma_wait3A_147, %dma_wait3A_148, %dma_wait3A_149] : memref<10x8x1x125xi32, #tpu.memory_space<hbm>> -> memref<1x8x1x125xi32, #tpu.memory_space<hbm>>
      %dma_wait3A_151 = tpu.memref_squeeze %dma_wait3A_150 : memref<1x8x1x125xi32, #tpu.memory_space<hbm>> -> memref<8x1x125xi32, #tpu.memory_space<hbm>>
      %dma_wait3A_152 = arith.constant 0 : i32
      %dma_wait3A_153 = arith.constant 0 : i32
      %dma_wait3A_154 = arith.constant 0 : i32
      %dma_wait3A_155 = arith.constant 0 : i32
      %dma_wait3A_156 = tpu.memref_slice %arg4[%add3A, %dma_wait3A_152, %dma_wait3A_153, %dma_wait3A_154, %dma_wait3A_155] : memref<32x10x8x1x125xi32, #tpu.memory_space<hbm>> -> memref<1x10x8x1x125xi32, #tpu.memory_space<hbm>>
      %dma_wait3A_157 = tpu.memref_squeeze %dma_wait3A_156 : memref<1x10x8x1x125xi32, #tpu.memory_space<hbm>> -> memref<10x8x1x125xi32, #tpu.memory_space<hbm>>
      %dma_wait3A_158 = arith.constant 0 : i32
      %dma_wait3A_159 = arith.constant 0 : i32
      %dma_wait3A_160 = arith.constant 0 : i32
      %dma_wait3A_161 = tpu.memref_slice %dma_wait3A_157[%add3A_119, %dma_wait3A_158, %dma_wait3A_159, %dma_wait3A_160] : memref<10x8x1x125xi32, #tpu.memory_space<hbm>> -> memref<1x8x1x125xi32, #tpu.memory_space<hbm>>
      %dma_wait3A_162 = tpu.memref_squeeze %dma_wait3A_161 : memref<1x8x1x125xi32, #tpu.memory_space<hbm>> -> memref<8x1x125xi32, #tpu.memory_space<hbm>>
      tpu.wait_dma2 semaphore(%arg16 : memref<!tpu.dma_semaphore, #tpu.memory_space<semaphore_mem>>) src(%dma_wait3A_162 : memref<8x1x125xi32, #tpu.memory_space<hbm>>) dst(%arg9 : memref<8x1x125xi32, #tpu.memory_space<vmem>>)
      %dma_start3A_163 = arith.constant 0 : i32
      %dma_start3A_164 = arith.constant 0 : i32
      %dma_start3A_165 = arith.constant 0 : i32
      %dma_start3A_166 = arith.constant 0 : i32
      %dma_start3A_167 = tpu.memref_slice %arg8[%dma_start3A_163, %dma_start3A_165, %dma_start3A_166] : memref<8x1x125xi32, #tpu.memory_space<vmem>> -> memref<1x1x125xi32, #tpu.memory_space<vmem>>
      %dma_start3A_168 = tpu.memref_squeeze %dma_start3A_167 : memref<1x1x125xi32, #tpu.memory_space<vmem>> -> memref<1x125xi32, #tpu.memory_space<vmem>>
      %dma_start3A_169 = arith.constant 0 : i32
      %dma_start3A_170 = tpu.memref_slice %dma_start3A_168[%dma_start3A_164, %dma_start3A_169] : memref<1x125xi32, #tpu.memory_space<vmem>> -> memref<1x125xi32, #tpu.memory_space<vmem>>
      %dma_start3A_171 = tpu.memref_squeeze %dma_start3A_170 : memref<1x125xi32, #tpu.memory_space<vmem>> -> memref<125xi32, #tpu.memory_space<vmem>>
      %dma_start3A_172 = arith.constant 0 : i32
      %dma_start3A_173 = arith.constant 0 : i32
      %dma_start3A_174 = tpu.memref_slice %arg2[%dma_start3A_172, %dma_start3A_173] : memref<10112x128xf32, #tpu.memory_space<hbm>> -> memref<10112x128xf32, #tpu.memory_space<hbm>>
      tpu.enqueue_indirect_dma source(%dma_start3A_174 : memref<10112x128xf32, #tpu.memory_space<hbm>>) target(%arg12 : memref<125x128xf32, #tpu.memory_space<vmem>>) offsets(%dma_start3A_171 : memref<125xi32, #tpu.memory_space<vmem>>) semaphore(%arg14 : memref<!tpu.dma_semaphore, #tpu.memory_space<semaphore_mem>>)
      %dma_wait3A_175 = arith.constant 0 : i32
      %dma_wait3A_176 = arith.constant 0 : i32
      %dma_wait3A_177 = arith.constant 0 : i32
      %dma_wait3A_178 = arith.constant 0 : i32
      %dma_wait3A_179 = tpu.memref_slice %arg8[%dma_wait3A_175, %dma_wait3A_177, %dma_wait3A_178] : memref<8x1x125xi32, #tpu.memory_space<vmem>> -> memref<1x1x125xi32, #tpu.memory_space<vmem>>
      %dma_wait3A_180 = tpu.memref_squeeze %dma_wait3A_179 : memref<1x1x125xi32, #tpu.memory_space<vmem>> -> memref<1x125xi32, #tpu.memory_space<vmem>>
      %dma_wait3A_181 = arith.constant 0 : i32
      %dma_wait3A_182 = tpu.memref_slice %dma_wait3A_180[%dma_wait3A_176, %dma_wait3A_181] : memref<1x125xi32, #tpu.memory_space<vmem>> -> memref<1x125xi32, #tpu.memory_space<vmem>>
      %dma_wait3A_183 = tpu.memref_squeeze %dma_wait3A_182 : memref<1x125xi32, #tpu.memory_space<vmem>> -> memref<125xi32, #tpu.memory_space<vmem>>
      %dma_wait3A_184 = arith.constant 0 : i32
      %dma_wait3A_185 = arith.constant 0 : i32
      %dma_wait3A_186 = tpu.memref_slice %arg2[%dma_wait3A_184, %dma_wait3A_185] : memref<10112x128xf32, #tpu.memory_space<hbm>> -> memref<10112x128xf32, #tpu.memory_space<hbm>>
      tpu.wait_indirect_dma semaphore(%arg14 : memref<!tpu.dma_semaphore, #tpu.memory_space<semaphore_mem>>) src(%dma_wait3A_186 : memref<10112x128xf32, #tpu.memory_space<hbm>>) dst(%arg12 : memref<125x128xf32, #tpu.memory_space<vmem>>)
      %dma_start3A_187 = arith.constant 1 : i32
      %dma_start3A_188 = arith.constant 0 : i32
      %dma_start3A_189 = arith.constant 0 : i32
      %dma_start3A_190 = arith.constant 0 : i32
      %dma_start3A_191 = tpu.memref_slice %arg8[%dma_start3A_187, %dma_start3A_189, %dma_start3A_190] : memref<8x1x125xi32, #tpu.memory_space<vmem>> -> memref<1x1x125xi32, #tpu.memory_space<vmem>>
      %dma_start3A_192 = tpu.memref_squeeze %dma_start3A_191 : memref<1x1x125xi32, #tpu.memory_space<vmem>> -> memref<1x125xi32, #tpu.memory_space<vmem>>
      %dma_start3A_193 = arith.constant 0 : i32
      %dma_start3A_194 = tpu.memref_slice %dma_start3A_192[%dma_start3A_188, %dma_start3A_193] : memref<1x125xi32, #tpu.memory_space<vmem>> -> memref<1x125xi32, #tpu.memory_space<vmem>>
      %dma_start3A_195 = tpu.memref_squeeze %dma_start3A_194 : memref<1x125xi32, #tpu.memory_space<vmem>> -> memref<125xi32, #tpu.memory_space<vmem>>
      %dma_start3A_196 = arith.constant 0 : i32
      %dma_start3A_197 = arith.constant 0 : i32
      %dma_start3A_198 = tpu.memref_slice %arg2[%dma_start3A_196, %dma_start3A_197] : memref<10112x128xf32, #tpu.memory_space<hbm>> -> memref<10112x128xf32, #tpu.memory_space<hbm>>
      tpu.enqueue_indirect_dma source(%dma_start3A_198 : memref<10112x128xf32, #tpu.memory_space<hbm>>) target(%arg13 : memref<125x128xf32, #tpu.memory_space<vmem>>) offsets(%dma_start3A_195 : memref<125xi32, #tpu.memory_space<vmem>>) semaphore(%arg15 : memref<!tpu.dma_semaphore, #tpu.memory_space<semaphore_mem>>)
      %run_scoped3A = arith.constant 0 : i32
      %run_scoped3A_199 = arith.constant 0 : i32
      "tpu.region"() ({
        %run_scoped3A_635 = tpu.sem_alloc : memref<!tpu.dma_semaphore, #tpu.memory_space<semaphore_mem>>
        %dma_start3A_636 = arith.constant 0 : i32
        %dma_start3A_637 = arith.constant 0 : i32
        %dma_start3A_638 = tpu.memref_slice %arg9[%run_scoped3A, %dma_start3A_636, %dma_start3A_637] : memref<8x1x125xi32, #tpu.memory_space<vmem>> -> memref<1x1x125xi32, #tpu.memory_space<vmem>>
        %dma_start3A_639 = tpu.memref_squeeze %dma_start3A_638 : memref<1x1x125xi32, #tpu.memory_space<vmem>> -> memref<1x125xi32, #tpu.memory_space<vmem>>
        %dma_start3A_640 = arith.constant 0 : i32
        %dma_start3A_641 = tpu.memref_slice %dma_start3A_639[%run_scoped3A_199, %dma_start3A_640] : memref<1x125xi32, #tpu.memory_space<vmem>> -> memref<1x125xi32, #tpu.memory_space<vmem>>
        %dma_start3A_642 = tpu.memref_squeeze %dma_start3A_641 : memref<1x125xi32, #tpu.memory_space<vmem>> -> memref<125xi32, #tpu.memory_space<vmem>>
        %dma_start3A_643 = arith.constant 0 : i32
        %dma_start3A_644 = arith.constant 0 : i32
        %dma_start3A_645 = tpu.memref_slice %arg7[%dma_start3A_643, %dma_start3A_644] : memref<10112x128xf32, #tpu.memory_space<vmem_shared>> -> memref<10112x128xf32, #tpu.memory_space<vmem_shared>>
        tpu.enqueue_indirect_dma source(%arg12 : memref<125x128xf32, #tpu.memory_space<vmem>>) target(%dma_start3A_645 : memref<10112x128xf32, #tpu.memory_space<vmem_shared>>) offsets(%dma_start3A_642 : memref<125xi32, #tpu.memory_space<vmem>>) semaphore(%run_scoped3A_635 : memref<!tpu.dma_semaphore, #tpu.memory_space<semaphore_mem>>) {add = true}
        %dma_wait3A_646 = arith.constant 0 : i32
        %dma_wait3A_647 = arith.constant 0 : i32
        %dma_wait3A_648 = tpu.memref_slice %arg9[%run_scoped3A, %dma_wait3A_646, %dma_wait3A_647] : memref<8x1x125xi32, #tpu.memory_space<vmem>> -> memref<1x1x125xi32, #tpu.memory_space<vmem>>
        %dma_wait3A_649 = tpu.memref_squeeze %dma_wait3A_648 : memref<1x1x125xi32, #tpu.memory_space<vmem>> -> memref<1x125xi32, #tpu.memory_space<vmem>>
        %dma_wait3A_650 = arith.constant 0 : i32
        %dma_wait3A_651 = tpu.memref_slice %dma_wait3A_649[%run_scoped3A_199, %dma_wait3A_650] : memref<1x125xi32, #tpu.memory_space<vmem>> -> memref<1x125xi32, #tpu.memory_space<vmem>>
        %dma_wait3A_652 = tpu.memref_squeeze %dma_wait3A_651 : memref<1x125xi32, #tpu.memory_space<vmem>> -> memref<125xi32, #tpu.memory_space<vmem>>
        %dma_wait3A_653 = arith.constant 0 : i32
        %dma_wait3A_654 = arith.constant 0 : i32
        %dma_wait3A_655 = tpu.memref_slice %arg7[%dma_wait3A_653, %dma_wait3A_654] : memref<10112x128xf32, #tpu.memory_space<vmem_shared>> -> memref<10112x128xf32, #tpu.memory_space<vmem_shared>>
        tpu.wait_indirect_dma semaphore(%run_scoped3A_635 : memref<!tpu.dma_semaphore, #tpu.memory_space<semaphore_mem>>) src(%arg12 : memref<125x128xf32, #tpu.memory_space<vmem>>) dst(%dma_wait3A_655 : memref<10112x128xf32, #tpu.memory_space<vmem_shared>>)
        tpu.yield
      }) : () -> ()
      %dma_wait3A_200 = arith.constant 1 : i32
      %dma_wait3A_201 = arith.constant 0 : i32
      %dma_wait3A_202 = arith.constant 0 : i32
      %dma_wait3A_203 = arith.constant 0 : i32
      %dma_wait3A_204 = tpu.memref_slice %arg8[%dma_wait3A_200, %dma_wait3A_202, %dma_wait3A_203] : memref<8x1x125xi32, #tpu.memory_space<vmem>> -> memref<1x1x125xi32, #tpu.memory_space<vmem>>
      %dma_wait3A_205 = tpu.memref_squeeze %dma_wait3A_204 : memref<1x1x125xi32, #tpu.memory_space<vmem>> -> memref<1x125xi32, #tpu.memory_space<vmem>>
      %dma_wait3A_206 = arith.constant 0 : i32
      %dma_wait3A_207 = tpu.memref_slice %dma_wait3A_205[%dma_wait3A_201, %dma_wait3A_206] : memref<1x125xi32, #tpu.memory_space<vmem>> -> memref<1x125xi32, #tpu.memory_space<vmem>>
      %dma_wait3A_208 = tpu.memref_squeeze %dma_wait3A_207 : memref<1x125xi32, #tpu.memory_space<vmem>> -> memref<125xi32, #tpu.memory_space<vmem>>
      %dma_wait3A_209 = arith.constant 0 : i32
      %dma_wait3A_210 = arith.constant 0 : i32
      %dma_wait3A_211 = tpu.memref_slice %arg2[%dma_wait3A_209, %dma_wait3A_210] : memref<10112x128xf32, #tpu.memory_space<hbm>> -> memref<10112x128xf32, #tpu.memory_space<hbm>>
      tpu.wait_indirect_dma semaphore(%arg15 : memref<!tpu.dma_semaphore, #tpu.memory_space<semaphore_mem>>) src(%dma_wait3A_211 : memref<10112x128xf32, #tpu.memory_space<hbm>>) dst(%arg13 : memref<125x128xf32, #tpu.memory_space<vmem>>)
      %dma_start3A_212 = arith.constant 2 : i32
      %dma_start3A_213 = arith.constant 0 : i32
      %dma_start3A_214 = arith.constant 0 : i32
      %dma_start3A_215 = arith.constant 0 : i32
      %dma_start3A_216 = tpu.memref_slice %arg8[%dma_start3A_212, %dma_start3A_214, %dma_start3A_215] : memref<8x1x125xi32, #tpu.memory_space<vmem>> -> memref<1x1x125xi32, #tpu.memory_space<vmem>>
      %dma_start3A_217 = tpu.memref_squeeze %dma_start3A_216 : memref<1x1x125xi32, #tpu.memory_space<vmem>> -> memref<1x125xi32, #tpu.memory_space<vmem>>
      %dma_start3A_218 = arith.constant 0 : i32
      %dma_start3A_219 = tpu.memref_slice %dma_start3A_217[%dma_start3A_213, %dma_start3A_218] : memref<1x125xi32, #tpu.memory_space<vmem>> -> memref<1x125xi32, #tpu.memory_space<vmem>>
      %dma_start3A_220 = tpu.memref_squeeze %dma_start3A_219 : memref<1x125xi32, #tpu.memory_space<vmem>> -> memref<125xi32, #tpu.memory_space<vmem>>
      %dma_start3A_221 = arith.constant 0 : i32
      %dma_start3A_222 = arith.constant 0 : i32
      %dma_start3A_223 = tpu.memref_slice %arg2[%dma_start3A_221, %dma_start3A_222] : memref<10112x128xf32, #tpu.memory_space<hbm>> -> memref<10112x128xf32, #tpu.memory_space<hbm>>
      tpu.enqueue_indirect_dma source(%dma_start3A_223 : memref<10112x128xf32, #tpu.memory_space<hbm>>) target(%arg12 : memref<125x128xf32, #tpu.memory_space<vmem>>) offsets(%dma_start3A_220 : memref<125xi32, #tpu.memory_space<vmem>>) semaphore(%arg14 : memref<!tpu.dma_semaphore, #tpu.memory_space<semaphore_mem>>)
      %run_scoped3A_224 = arith.constant 1 : i32
      %run_scoped3A_225 = arith.constant 0 : i32
      "tpu.region"() ({
        %run_scoped3A_635 = tpu.sem_alloc : memref<!tpu.dma_semaphore, #tpu.memory_space<semaphore_mem>>
        %dma_start3A_636 = arith.constant 0 : i32
        %dma_start3A_637 = arith.constant 0 : i32
        %dma_start3A_638 = tpu.memref_slice %arg9[%run_scoped3A_224, %dma_start3A_636, %dma_start3A_637] : memref<8x1x125xi32, #tpu.memory_space<vmem>> -> memref<1x1x125xi32, #tpu.memory_space<vmem>>
        %dma_start3A_639 = tpu.memref_squeeze %dma_start3A_638 : memref<1x1x125xi32, #tpu.memory_space<vmem>> -> memref<1x125xi32, #tpu.memory_space<vmem>>
        %dma_start3A_640 = arith.constant 0 : i32
        %dma_start3A_641 = tpu.memref_slice %dma_start3A_639[%run_scoped3A_225, %dma_start3A_640] : memref<1x125xi32, #tpu.memory_space<vmem>> -> memref<1x125xi32, #tpu.memory_space<vmem>>
        %dma_start3A_642 = tpu.memref_squeeze %dma_start3A_641 : memref<1x125xi32, #tpu.memory_space<vmem>> -> memref<125xi32, #tpu.memory_space<vmem>>
        %dma_start3A_643 = arith.constant 0 : i32
        %dma_start3A_644 = arith.constant 0 : i32
        %dma_start3A_645 = tpu.memref_slice %arg7[%dma_start3A_643, %dma_start3A_644] : memref<10112x128xf32, #tpu.memory_space<vmem_shared>> -> memref<10112x128xf32, #tpu.memory_space<vmem_shared>>
        tpu.enqueue_indirect_dma source(%arg13 : memref<125x128xf32, #tpu.memory_space<vmem>>) target(%dma_start3A_645 : memref<10112x128xf32, #tpu.memory_space<vmem_shared>>) offsets(%dma_start3A_642 : memref<125xi32, #tpu.memory_space<vmem>>) semaphore(%run_scoped3A_635 : memref<!tpu.dma_semaphore, #tpu.memory_space<semaphore_mem>>) {add = true}
        %dma_wait3A_646 = arith.constant 0 : i32
        %dma_wait3A_647 = arith.constant 0 : i32
        %dma_wait3A_648 = tpu.memref_slice %arg9[%run_scoped3A_224, %dma_wait3A_646, %dma_wait3A_647] : memref<8x1x125xi32, #tpu.memory_space<vmem>> -> memref<1x1x125xi32, #tpu.memory_space<vmem>>
        %dma_wait3A_649 = tpu.memref_squeeze %dma_wait3A_648 : memref<1x1x125xi32, #tpu.memory_space<vmem>> -> memref<1x125xi32, #tpu.memory_space<vmem>>
        %dma_wait3A_650 = arith.constant 0 : i32
        %dma_wait3A_651 = tpu.memref_slice %dma_wait3A_649[%run_scoped3A_225, %dma_wait3A_650] : memref<1x125xi32, #tpu.memory_space<vmem>> -> memref<1x125xi32, #tpu.memory_space<vmem>>
        %dma_wait3A_652 = tpu.memref_squeeze %dma_wait3A_651 : memref<1x125xi32, #tpu.memory_space<vmem>> -> memref<125xi32, #tpu.memory_space<vmem>>
        %dma_wait3A_653 = arith.constant 0 : i32
        %dma_wait3A_654 = arith.constant 0 : i32
        %dma_wait3A_655 = tpu.memref_slice %arg7[%dma_wait3A_653, %dma_wait3A_654] : memref<10112x128xf32, #tpu.memory_space<vmem_shared>> -> memref<10112x128xf32, #tpu.memory_space<vmem_shared>>
        tpu.wait_indirect_dma semaphore(%run_scoped3A_635 : memref<!tpu.dma_semaphore, #tpu.memory_space<semaphore_mem>>) src(%arg13 : memref<125x128xf32, #tpu.memory_space<vmem>>) dst(%dma_wait3A_655 : memref<10112x128xf32, #tpu.memory_space<vmem_shared>>)
        tpu.yield
      }) : () -> ()
      %dma_wait3A_226 = arith.constant 2 : i32
      %dma_wait3A_227 = arith.constant 0 : i32
      %dma_wait3A_228 = arith.constant 0 : i32
      %dma_wait3A_229 = arith.constant 0 : i32
      %dma_wait3A_230 = tpu.memref_slice %arg8[%dma_wait3A_226, %dma_wait3A_228, %dma_wait3A_229] : memref<8x1x125xi32, #tpu.memory_space<vmem>> -> memref<1x1x125xi32, #tpu.memory_space<vmem>>
      %dma_wait3A_231 = tpu.memref_squeeze %dma_wait3A_230 : memref<1x1x125xi32, #tpu.memory_space<vmem>> -> memref<1x125xi32, #tpu.memory_space<vmem>>
      %dma_wait3A_232 = arith.constant 0 : i32
      %dma_wait3A_233 = tpu.memref_slice %dma_wait3A_231[%dma_wait3A_227, %dma_wait3A_232] : memref<1x125xi32, #tpu.memory_space<vmem>> -> memref<1x125xi32, #tpu.memory_space<vmem>>
      %dma_wait3A_234 = tpu.memref_squeeze %dma_wait3A_233 : memref<1x125xi32, #tpu.memory_space<vmem>> -> memref<125xi32, #tpu.memory_space<vmem>>
      %dma_wait3A_235 = arith.constant 0 : i32
      %dma_wait3A_236 = arith.constant 0 : i32
      %dma_wait3A_237 = tpu.memref_slice %arg2[%dma_wait3A_235, %dma_wait3A_236] : memref<10112x128xf32, #tpu.memory_space<hbm>> -> memref<10112x128xf32, #tpu.memory_space<hbm>>
      tpu.wait_indirect_dma semaphore(%arg14 : memref<!tpu.dma_semaphore, #tpu.memory_space<semaphore_mem>>) src(%dma_wait3A_237 : memref<10112x128xf32, #tpu.memory_space<hbm>>) dst(%arg12 : memref<125x128xf32, #tpu.memory_space<vmem>>)
      %dma_start3A_238 = arith.constant 3 : i32
      %dma_start3A_239 = arith.constant 0 : i32
      %dma_start3A_240 = arith.constant 0 : i32
      %dma_start3A_241 = arith.constant 0 : i32
      %dma_start3A_242 = tpu.memref_slice %arg8[%dma_start3A_238, %dma_start3A_240, %dma_start3A_241] : memref<8x1x125xi32, #tpu.memory_space<vmem>> -> memref<1x1x125xi32, #tpu.memory_space<vmem>>
      %dma_start3A_243 = tpu.memref_squeeze %dma_start3A_242 : memref<1x1x125xi32, #tpu.memory_space<vmem>> -> memref<1x125xi32, #tpu.memory_space<vmem>>
      %dma_start3A_244 = arith.constant 0 : i32
      %dma_start3A_245 = tpu.memref_slice %dma_start3A_243[%dma_start3A_239, %dma_start3A_244] : memref<1x125xi32, #tpu.memory_space<vmem>> -> memref<1x125xi32, #tpu.memory_space<vmem>>
      %dma_start3A_246 = tpu.memref_squeeze %dma_start3A_245 : memref<1x125xi32, #tpu.memory_space<vmem>> -> memref<125xi32, #tpu.memory_space<vmem>>
      %dma_start3A_247 = arith.constant 0 : i32
      %dma_start3A_248 = arith.constant 0 : i32
      %dma_start3A_249 = tpu.memref_slice %arg2[%dma_start3A_247, %dma_start3A_248] : memref<10112x128xf32, #tpu.memory_space<hbm>> -> memref<10112x128xf32, #tpu.memory_space<hbm>>
      tpu.enqueue_indirect_dma source(%dma_start3A_249 : memref<10112x128xf32, #tpu.memory_space<hbm>>) target(%arg13 : memref<125x128xf32, #tpu.memory_space<vmem>>) offsets(%dma_start3A_246 : memref<125xi32, #tpu.memory_space<vmem>>) semaphore(%arg15 : memref<!tpu.dma_semaphore, #tpu.memory_space<semaphore_mem>>)
      %run_scoped3A_250 = arith.constant 2 : i32
      %run_scoped3A_251 = arith.constant 0 : i32
      "tpu.region"() ({
        %run_scoped3A_635 = tpu.sem_alloc : memref<!tpu.dma_semaphore, #tpu.memory_space<semaphore_mem>>
        %dma_start3A_636 = arith.constant 0 : i32
        %dma_start3A_637 = arith.constant 0 : i32
        %dma_start3A_638 = tpu.memref_slice %arg9[%run_scoped3A_250, %dma_start3A_636, %dma_start3A_637] : memref<8x1x125xi32, #tpu.memory_space<vmem>> -> memref<1x1x125xi32, #tpu.memory_space<vmem>>
        %dma_start3A_639 = tpu.memref_squeeze %dma_start3A_638 : memref<1x1x125xi32, #tpu.memory_space<vmem>> -> memref<1x125xi32, #tpu.memory_space<vmem>>
        %dma_start3A_640 = arith.constant 0 : i32
        %dma_start3A_641 = tpu.memref_slice %dma_start3A_639[%run_scoped3A_251, %dma_start3A_640] : memref<1x125xi32, #tpu.memory_space<vmem>> -> memref<1x125xi32, #tpu.memory_space<vmem>>
        %dma_start3A_642 = tpu.memref_squeeze %dma_start3A_641 : memref<1x125xi32, #tpu.memory_space<vmem>> -> memref<125xi32, #tpu.memory_space<vmem>>
        %dma_start3A_643 = arith.constant 0 : i32
        %dma_start3A_644 = arith.constant 0 : i32
        %dma_start3A_645 = tpu.memref_slice %arg7[%dma_start3A_643, %dma_start3A_644] : memref<10112x128xf32, #tpu.memory_space<vmem_shared>> -> memref<10112x128xf32, #tpu.memory_space<vmem_shared>>
        tpu.enqueue_indirect_dma source(%arg12 : memref<125x128xf32, #tpu.memory_space<vmem>>) target(%dma_start3A_645 : memref<10112x128xf32, #tpu.memory_space<vmem_shared>>) offsets(%dma_start3A_642 : memref<125xi32, #tpu.memory_space<vmem>>) semaphore(%run_scoped3A_635 : memref<!tpu.dma_semaphore, #tpu.memory_space<semaphore_mem>>) {add = true}
        %dma_wait3A_646 = arith.constant 0 : i32
        %dma_wait3A_647 = arith.constant 0 : i32
        %dma_wait3A_648 = tpu.memref_slice %arg9[%run_scoped3A_250, %dma_wait3A_646, %dma_wait3A_647] : memref<8x1x125xi32, #tpu.memory_space<vmem>> -> memref<1x1x125xi32, #tpu.memory_space<vmem>>
        %dma_wait3A_649 = tpu.memref_squeeze %dma_wait3A_648 : memref<1x1x125xi32, #tpu.memory_space<vmem>> -> memref<1x125xi32, #tpu.memory_space<vmem>>
        %dma_wait3A_650 = arith.constant 0 : i32
        %dma_wait3A_651 = tpu.memref_slice %dma_wait3A_649[%run_scoped3A_251, %dma_wait3A_650] : memref<1x125xi32, #tpu.memory_space<vmem>> -> memref<1x125xi32, #tpu.memory_space<vmem>>
        %dma_wait3A_652 = tpu.memref_squeeze %dma_wait3A_651 : memref<1x125xi32, #tpu.memory_space<vmem>> -> memref<125xi32, #tpu.memory_space<vmem>>
        %dma_wait3A_653 = arith.constant 0 : i32
        %dma_wait3A_654 = arith.constant 0 : i32
        %dma_wait3A_655 = tpu.memref_slice %arg7[%dma_wait3A_653, %dma_wait3A_654] : memref<10112x128xf32, #tpu.memory_space<vmem_shared>> -> memref<10112x128xf32, #tpu.memory_space<vmem_shared>>
        tpu.wait_indirect_dma semaphore(%run_scoped3A_635 : memref<!tpu.dma_semaphore, #tpu.memory_space<semaphore_mem>>) src(%arg12 : memref<125x128xf32, #tpu.memory_space<vmem>>) dst(%dma_wait3A_655 : memref<10112x128xf32, #tpu.memory_space<vmem_shared>>)
        tpu.yield
      }) : () -> ()
      %dma_wait3A_252 = arith.constant 3 : i32
      %dma_wait3A_253 = arith.constant 0 : i32
      %dma_wait3A_254 = arith.constant 0 : i32
      %dma_wait3A_255 = arith.constant 0 : i32
      %dma_wait3A_256 = tpu.memref_slice %arg8[%dma_wait3A_252, %dma_wait3A_254, %dma_wait3A_255] : memref<8x1x125xi32, #tpu.memory_space<vmem>> -> memref<1x1x125xi32, #tpu.memory_space<vmem>>
      %dma_wait3A_257 = tpu.memref_squeeze %dma_wait3A_256 : memref<1x1x125xi32, #tpu.memory_space<vmem>> -> memref<1x125xi32, #tpu.memory_space<vmem>>
      %dma_wait3A_258 = arith.constant 0 : i32
      %dma_wait3A_259 = tpu.memref_slice %dma_wait3A_257[%dma_wait3A_253, %dma_wait3A_258] : memref<1x125xi32, #tpu.memory_space<vmem>> -> memref<1x125xi32, #tpu.memory_space<vmem>>
      %dma_wait3A_260 = tpu.memref_squeeze %dma_wait3A_259 : memref<1x125xi32, #tpu.memory_space<vmem>> -> memref<125xi32, #tpu.memory_space<vmem>>
      %dma_wait3A_261 = arith.constant 0 : i32
      %dma_wait3A_262 = arith.constant 0 : i32
      %dma_wait3A_263 = tpu.memref_slice %arg2[%dma_wait3A_261, %dma_wait3A_262] : memref<10112x128xf32, #tpu.memory_space<hbm>> -> memref<10112x128xf32, #tpu.memory_space<hbm>>
      tpu.wait_indirect_dma semaphore(%arg15 : memref<!tpu.dma_semaphore, #tpu.memory_space<semaphore_mem>>) src(%dma_wait3A_263 : memref<10112x128xf32, #tpu.memory_space<hbm>>) dst(%arg13 : memref<125x128xf32, #tpu.memory_space<vmem>>)
      %dma_start3A_264 = arith.constant 4 : i32
      %dma_start3A_265 = arith.constant 0 : i32
      %dma_start3A_266 = arith.constant 0 : i32
      %dma_start3A_267 = arith.constant 0 : i32
      %dma_start3A_268 = tpu.memref_slice %arg8[%dma_start3A_264, %dma_start3A_266, %dma_start3A_267] : memref<8x1x125xi32, #tpu.memory_space<vmem>> -> memref<1x1x125xi32, #tpu.memory_space<vmem>>
      %dma_start3A_269 = tpu.memref_squeeze %dma_start3A_268 : memref<1x1x125xi32, #tpu.memory_space<vmem>> -> memref<1x125xi32, #tpu.memory_space<vmem>>
      %dma_start3A_270 = arith.constant 0 : i32
      %dma_start3A_271 = tpu.memref_slice %dma_start3A_269[%dma_start3A_265, %dma_start3A_270] : memref<1x125xi32, #tpu.memory_space<vmem>> -> memref<1x125xi32, #tpu.memory_space<vmem>>
      %dma_start3A_272 = tpu.memref_squeeze %dma_start3A_271 : memref<1x125xi32, #tpu.memory_space<vmem>> -> memref<125xi32, #tpu.memory_space<vmem>>
      %dma_start3A_273 = arith.constant 0 : i32
      %dma_start3A_274 = arith.constant 0 : i32
      %dma_start3A_275 = tpu.memref_slice %arg2[%dma_start3A_273, %dma_start3A_274] : memref<10112x128xf32, #tpu.memory_space<hbm>> -> memref<10112x128xf32, #tpu.memory_space<hbm>>
      tpu.enqueue_indirect_dma source(%dma_start3A_275 : memref<10112x128xf32, #tpu.memory_space<hbm>>) target(%arg12 : memref<125x128xf32, #tpu.memory_space<vmem>>) offsets(%dma_start3A_272 : memref<125xi32, #tpu.memory_space<vmem>>) semaphore(%arg14 : memref<!tpu.dma_semaphore, #tpu.memory_space<semaphore_mem>>)
      %run_scoped3A_276 = arith.constant 3 : i32
      %run_scoped3A_277 = arith.constant 0 : i32
      "tpu.region"() ({
        %run_scoped3A_635 = tpu.sem_alloc : memref<!tpu.dma_semaphore, #tpu.memory_space<semaphore_mem>>
        %dma_start3A_636 = arith.constant 0 : i32
        %dma_start3A_637 = arith.constant 0 : i32
        %dma_start3A_638 = tpu.memref_slice %arg9[%run_scoped3A_276, %dma_start3A_636, %dma_start3A_637] : memref<8x1x125xi32, #tpu.memory_space<vmem>> -> memref<1x1x125xi32, #tpu.memory_space<vmem>>
        %dma_start3A_639 = tpu.memref_squeeze %dma_start3A_638 : memref<1x1x125xi32, #tpu.memory_space<vmem>> -> memref<1x125xi32, #tpu.memory_space<vmem>>
        %dma_start3A_640 = arith.constant 0 : i32
        %dma_start3A_641 = tpu.memref_slice %dma_start3A_639[%run_scoped3A_277, %dma_start3A_640] : memref<1x125xi32, #tpu.memory_space<vmem>> -> memref<1x125xi32, #tpu.memory_space<vmem>>
        %dma_start3A_642 = tpu.memref_squeeze %dma_start3A_641 : memref<1x125xi32, #tpu.memory_space<vmem>> -> memref<125xi32, #tpu.memory_space<vmem>>
        %dma_start3A_643 = arith.constant 0 : i32
        %dma_start3A_644 = arith.constant 0 : i32
        %dma_start3A_645 = tpu.memref_slice %arg7[%dma_start3A_643, %dma_start3A_644] : memref<10112x128xf32, #tpu.memory_space<vmem_shared>> -> memref<10112x128xf32, #tpu.memory_space<vmem_shared>>
        tpu.enqueue_indirect_dma source(%arg13 : memref<125x128xf32, #tpu.memory_space<vmem>>) target(%dma_start3A_645 : memref<10112x128xf32, #tpu.memory_space<vmem_shared>>) offsets(%dma_start3A_642 : memref<125xi32, #tpu.memory_space<vmem>>) semaphore(%run_scoped3A_635 : memref<!tpu.dma_semaphore, #tpu.memory_space<semaphore_mem>>) {add = true}
        %dma_wait3A_646 = arith.constant 0 : i32
        %dma_wait3A_647 = arith.constant 0 : i32
        %dma_wait3A_648 = tpu.memref_slice %arg9[%run_scoped3A_276, %dma_wait3A_646, %dma_wait3A_647] : memref<8x1x125xi32, #tpu.memory_space<vmem>> -> memref<1x1x125xi32, #tpu.memory_space<vmem>>
        %dma_wait3A_649 = tpu.memref_squeeze %dma_wait3A_648 : memref<1x1x125xi32, #tpu.memory_space<vmem>> -> memref<1x125xi32, #tpu.memory_space<vmem>>
        %dma_wait3A_650 = arith.constant 0 : i32
        %dma_wait3A_651 = tpu.memref_slice %dma_wait3A_649[%run_scoped3A_277, %dma_wait3A_650] : memref<1x125xi32, #tpu.memory_space<vmem>> -> memref<1x125xi32, #tpu.memory_space<vmem>>
        %dma_wait3A_652 = tpu.memref_squeeze %dma_wait3A_651 : memref<1x125xi32, #tpu.memory_space<vmem>> -> memref<125xi32, #tpu.memory_space<vmem>>
        %dma_wait3A_653 = arith.constant 0 : i32
        %dma_wait3A_654 = arith.constant 0 : i32
        %dma_wait3A_655 = tpu.memref_slice %arg7[%dma_wait3A_653, %dma_wait3A_654] : memref<10112x128xf32, #tpu.memory_space<vmem_shared>> -> memref<10112x128xf32, #tpu.memory_space<vmem_shared>>
        tpu.wait_indirect_dma semaphore(%run_scoped3A_635 : memref<!tpu.dma_semaphore, #tpu.memory_space<semaphore_mem>>) src(%arg13 : memref<125x128xf32, #tpu.memory_space<vmem>>) dst(%dma_wait3A_655 : memref<10112x128xf32, #tpu.memory_space<vmem_shared>>)
        tpu.yield
      }) : () -> ()
      %dma_wait3A_278 = arith.constant 4 : i32
      %dma_wait3A_279 = arith.constant 0 : i32
      %dma_wait3A_280 = arith.constant 0 : i32
      %dma_wait3A_281 = arith.constant 0 : i32
      %dma_wait3A_282 = tpu.memref_slice %arg8[%dma_wait3A_278, %dma_wait3A_280, %dma_wait3A_281] : memref<8x1x125xi32, #tpu.memory_space<vmem>> -> memref<1x1x125xi32, #tpu.memory_space<vmem>>
      %dma_wait3A_283 = tpu.memref_squeeze %dma_wait3A_282 : memref<1x1x125xi32, #tpu.memory_space<vmem>> -> memref<1x125xi32, #tpu.memory_space<vmem>>
      %dma_wait3A_284 = arith.constant 0 : i32
      %dma_wait3A_285 = tpu.memref_slice %dma_wait3A_283[%dma_wait3A_279, %dma_wait3A_284] : memref<1x125xi32, #tpu.memory_space<vmem>> -> memref<1x125xi32, #tpu.memory_space<vmem>>
      %dma_wait3A_286 = tpu.memref_squeeze %dma_wait3A_285 : memref<1x125xi32, #tpu.memory_space<vmem>> -> memref<125xi32, #tpu.memory_space<vmem>>
      %dma_wait3A_287 = arith.constant 0 : i32
      %dma_wait3A_288 = arith.constant 0 : i32
      %dma_wait3A_289 = tpu.memref_slice %arg2[%dma_wait3A_287, %dma_wait3A_288] : memref<10112x128xf32, #tpu.memory_space<hbm>> -> memref<10112x128xf32, #tpu.memory_space<hbm>>
      tpu.wait_indirect_dma semaphore(%arg14 : memref<!tpu.dma_semaphore, #tpu.memory_space<semaphore_mem>>) src(%dma_wait3A_289 : memref<10112x128xf32, #tpu.memory_space<hbm>>) dst(%arg12 : memref<125x128xf32, #tpu.memory_space<vmem>>)
      %dma_start3A_290 = arith.constant 5 : i32
      %dma_start3A_291 = arith.constant 0 : i32
      %dma_start3A_292 = arith.constant 0 : i32
      %dma_start3A_293 = arith.constant 0 : i32
      %dma_start3A_294 = tpu.memref_slice %arg8[%dma_start3A_290, %dma_start3A_292, %dma_start3A_293] : memref<8x1x125xi32, #tpu.memory_space<vmem>> -> memref<1x1x125xi32, #tpu.memory_space<vmem>>
      %dma_start3A_295 = tpu.memref_squeeze %dma_start3A_294 : memref<1x1x125xi32, #tpu.memory_space<vmem>> -> memref<1x125xi32, #tpu.memory_space<vmem>>
      %dma_start3A_296 = arith.constant 0 : i32
      %dma_start3A_297 = tpu.memref_slice %dma_start3A_295[%dma_start3A_291, %dma_start3A_296] : memref<1x125xi32, #tpu.memory_space<vmem>> -> memref<1x125xi32, #tpu.memory_space<vmem>>
      %dma_start3A_298 = tpu.memref_squeeze %dma_start3A_297 : memref<1x125xi32, #tpu.memory_space<vmem>> -> memref<125xi32, #tpu.memory_space<vmem>>
      %dma_start3A_299 = arith.constant 0 : i32
      %dma_start3A_300 = arith.constant 0 : i32
      %dma_start3A_301 = tpu.memref_slice %arg2[%dma_start3A_299, %dma_start3A_300] : memref<10112x128xf32, #tpu.memory_space<hbm>> -> memref<10112x128xf32, #tpu.memory_space<hbm>>
      tpu.enqueue_indirect_dma source(%dma_start3A_301 : memref<10112x128xf32, #tpu.memory_space<hbm>>) target(%arg13 : memref<125x128xf32, #tpu.memory_space<vmem>>) offsets(%dma_start3A_298 : memref<125xi32, #tpu.memory_space<vmem>>) semaphore(%arg15 : memref<!tpu.dma_semaphore, #tpu.memory_space<semaphore_mem>>)
      %run_scoped3A_302 = arith.constant 4 : i32
      %run_scoped3A_303 = arith.constant 0 : i32
      "tpu.region"() ({
        %run_scoped3A_635 = tpu.sem_alloc : memref<!tpu.dma_semaphore, #tpu.memory_space<semaphore_mem>>
        %dma_start3A_636 = arith.constant 0 : i32
        %dma_start3A_637 = arith.constant 0 : i32
        %dma_start3A_638 = tpu.memref_slice %arg9[%run_scoped3A_302, %dma_start3A_636, %dma_start3A_637] : memref<8x1x125xi32, #tpu.memory_space<vmem>> -> memref<1x1x125xi32, #tpu.memory_space<vmem>>
        %dma_start3A_639 = tpu.memref_squeeze %dma_start3A_638 : memref<1x1x125xi32, #tpu.memory_space<vmem>> -> memref<1x125xi32, #tpu.memory_space<vmem>>
        %dma_start3A_640 = arith.constant 0 : i32
        %dma_start3A_641 = tpu.memref_slice %dma_start3A_639[%run_scoped3A_303, %dma_start3A_640] : memref<1x125xi32, #tpu.memory_space<vmem>> -> memref<1x125xi32, #tpu.memory_space<vmem>>
        %dma_start3A_642 = tpu.memref_squeeze %dma_start3A_641 : memref<1x125xi32, #tpu.memory_space<vmem>> -> memref<125xi32, #tpu.memory_space<vmem>>
        %dma_start3A_643 = arith.constant 0 : i32
        %dma_start3A_644 = arith.constant 0 : i32
        %dma_start3A_645 = tpu.memref_slice %arg7[%dma_start3A_643, %dma_start3A_644] : memref<10112x128xf32, #tpu.memory_space<vmem_shared>> -> memref<10112x128xf32, #tpu.memory_space<vmem_shared>>
        tpu.enqueue_indirect_dma source(%arg12 : memref<125x128xf32, #tpu.memory_space<vmem>>) target(%dma_start3A_645 : memref<10112x128xf32, #tpu.memory_space<vmem_shared>>) offsets(%dma_start3A_642 : memref<125xi32, #tpu.memory_space<vmem>>) semaphore(%run_scoped3A_635 : memref<!tpu.dma_semaphore, #tpu.memory_space<semaphore_mem>>) {add = true}
        %dma_wait3A_646 = arith.constant 0 : i32
        %dma_wait3A_647 = arith.constant 0 : i32
        %dma_wait3A_648 = tpu.memref_slice %arg9[%run_scoped3A_302, %dma_wait3A_646, %dma_wait3A_647] : memref<8x1x125xi32, #tpu.memory_space<vmem>> -> memref<1x1x125xi32, #tpu.memory_space<vmem>>
        %dma_wait3A_649 = tpu.memref_squeeze %dma_wait3A_648 : memref<1x1x125xi32, #tpu.memory_space<vmem>> -> memref<1x125xi32, #tpu.memory_space<vmem>>
        %dma_wait3A_650 = arith.constant 0 : i32
        %dma_wait3A_651 = tpu.memref_slice %dma_wait3A_649[%run_scoped3A_303, %dma_wait3A_650] : memref<1x125xi32, #tpu.memory_space<vmem>> -> memref<1x125xi32, #tpu.memory_space<vmem>>
        %dma_wait3A_652 = tpu.memref_squeeze %dma_wait3A_651 : memref<1x125xi32, #tpu.memory_space<vmem>> -> memref<125xi32, #tpu.memory_space<vmem>>
        %dma_wait3A_653 = arith.constant 0 : i32
        %dma_wait3A_654 = arith.constant 0 : i32
        %dma_wait3A_655 = tpu.memref_slice %arg7[%dma_wait3A_653, %dma_wait3A_654] : memref<10112x128xf32, #tpu.memory_space<vmem_shared>> -> memref<10112x128xf32, #tpu.memory_space<vmem_shared>>
        tpu.wait_indirect_dma semaphore(%run_scoped3A_635 : memref<!tpu.dma_semaphore, #tpu.memory_space<semaphore_mem>>) src(%arg12 : memref<125x128xf32, #tpu.memory_space<vmem>>) dst(%dma_wait3A_655 : memref<10112x128xf32, #tpu.memory_space<vmem_shared>>)
        tpu.yield
      }) : () -> ()
      %dma_wait3A_304 = arith.constant 5 : i32
      %dma_wait3A_305 = arith.constant 0 : i32
      %dma_wait3A_306 = arith.constant 0 : i32
      %dma_wait3A_307 = arith.constant 0 : i32
      %dma_wait3A_308 = tpu.memref_slice %arg8[%dma_wait3A_304, %dma_wait3A_306, %dma_wait3A_307] : memref<8x1x125xi32, #tpu.memory_space<vmem>> -> memref<1x1x125xi32, #tpu.memory_space<vmem>>
      %dma_wait3A_309 = tpu.memref_squeeze %dma_wait3A_308 : memref<1x1x125xi32, #tpu.memory_space<vmem>> -> memref<1x125xi32, #tpu.memory_space<vmem>>
      %dma_wait3A_310 = arith.constant 0 : i32
      %dma_wait3A_311 = tpu.memref_slice %dma_wait3A_309[%dma_wait3A_305, %dma_wait3A_310] : memref<1x125xi32, #tpu.memory_space<vmem>> -> memref<1x125xi32, #tpu.memory_space<vmem>>
      %dma_wait3A_312 = tpu.memref_squeeze %dma_wait3A_311 : memref<1x125xi32, #tpu.memory_space<vmem>> -> memref<125xi32, #tpu.memory_space<vmem>>
      %dma_wait3A_313 = arith.constant 0 : i32
      %dma_wait3A_314 = arith.constant 0 : i32
      %dma_wait3A_315 = tpu.memref_slice %arg2[%dma_wait3A_313, %dma_wait3A_314] : memref<10112x128xf32, #tpu.memory_space<hbm>> -> memref<10112x128xf32, #tpu.memory_space<hbm>>
      tpu.wait_indirect_dma semaphore(%arg15 : memref<!tpu.dma_semaphore, #tpu.memory_space<semaphore_mem>>) src(%dma_wait3A_315 : memref<10112x128xf32, #tpu.memory_space<hbm>>) dst(%arg13 : memref<125x128xf32, #tpu.memory_space<vmem>>)
      %dma_start3A_316 = arith.constant 6 : i32
      %dma_start3A_317 = arith.constant 0 : i32
      %dma_start3A_318 = arith.constant 0 : i32
      %dma_start3A_319 = arith.constant 0 : i32
      %dma_start3A_320 = tpu.memref_slice %arg8[%dma_start3A_316, %dma_start3A_318, %dma_start3A_319] : memref<8x1x125xi32, #tpu.memory_space<vmem>> -> memref<1x1x125xi32, #tpu.memory_space<vmem>>
      %dma_start3A_321 = tpu.memref_squeeze %dma_start3A_320 : memref<1x1x125xi32, #tpu.memory_space<vmem>> -> memref<1x125xi32, #tpu.memory_space<vmem>>
      %dma_start3A_322 = arith.constant 0 : i32
      %dma_start3A_323 = tpu.memref_slice %dma_start3A_321[%dma_start3A_317, %dma_start3A_322] : memref<1x125xi32, #tpu.memory_space<vmem>> -> memref<1x125xi32, #tpu.memory_space<vmem>>
      %dma_start3A_324 = tpu.memref_squeeze %dma_start3A_323 : memref<1x125xi32, #tpu.memory_space<vmem>> -> memref<125xi32, #tpu.memory_space<vmem>>
      %dma_start3A_325 = arith.constant 0 : i32
      %dma_start3A_326 = arith.constant 0 : i32
      %dma_start3A_327 = tpu.memref_slice %arg2[%dma_start3A_325, %dma_start3A_326] : memref<10112x128xf32, #tpu.memory_space<hbm>> -> memref<10112x128xf32, #tpu.memory_space<hbm>>
      tpu.enqueue_indirect_dma source(%dma_start3A_327 : memref<10112x128xf32, #tpu.memory_space<hbm>>) target(%arg12 : memref<125x128xf32, #tpu.memory_space<vmem>>) offsets(%dma_start3A_324 : memref<125xi32, #tpu.memory_space<vmem>>) semaphore(%arg14 : memref<!tpu.dma_semaphore, #tpu.memory_space<semaphore_mem>>)
      %run_scoped3A_328 = arith.constant 5 : i32
      %run_scoped3A_329 = arith.constant 0 : i32
      "tpu.region"() ({
        %run_scoped3A_635 = tpu.sem_alloc : memref<!tpu.dma_semaphore, #tpu.memory_space<semaphore_mem>>
        %dma_start3A_636 = arith.constant 0 : i32
        %dma_start3A_637 = arith.constant 0 : i32
        %dma_start3A_638 = tpu.memref_slice %arg9[%run_scoped3A_328, %dma_start3A_636, %dma_start3A_637] : memref<8x1x125xi32, #tpu.memory_space<vmem>> -> memref<1x1x125xi32, #tpu.memory_space<vmem>>
        %dma_start3A_639 = tpu.memref_squeeze %dma_start3A_638 : memref<1x1x125xi32, #tpu.memory_space<vmem>> -> memref<1x125xi32, #tpu.memory_space<vmem>>
        %dma_start3A_640 = arith.constant 0 : i32
        %dma_start3A_641 = tpu.memref_slice %dma_start3A_639[%run_scoped3A_329, %dma_start3A_640] : memref<1x125xi32, #tpu.memory_space<vmem>> -> memref<1x125xi32, #tpu.memory_space<vmem>>
        %dma_start3A_642 = tpu.memref_squeeze %dma_start3A_641 : memref<1x125xi32, #tpu.memory_space<vmem>> -> memref<125xi32, #tpu.memory_space<vmem>>
        %dma_start3A_643 = arith.constant 0 : i32
        %dma_start3A_644 = arith.constant 0 : i32
        %dma_start3A_645 = tpu.memref_slice %arg7[%dma_start3A_643, %dma_start3A_644] : memref<10112x128xf32, #tpu.memory_space<vmem_shared>> -> memref<10112x128xf32, #tpu.memory_space<vmem_shared>>
        tpu.enqueue_indirect_dma source(%arg13 : memref<125x128xf32, #tpu.memory_space<vmem>>) target(%dma_start3A_645 : memref<10112x128xf32, #tpu.memory_space<vmem_shared>>) offsets(%dma_start3A_642 : memref<125xi32, #tpu.memory_space<vmem>>) semaphore(%run_scoped3A_635 : memref<!tpu.dma_semaphore, #tpu.memory_space<semaphore_mem>>) {add = true}
        %dma_wait3A_646 = arith.constant 0 : i32
        %dma_wait3A_647 = arith.constant 0 : i32
        %dma_wait3A_648 = tpu.memref_slice %arg9[%run_scoped3A_328, %dma_wait3A_646, %dma_wait3A_647] : memref<8x1x125xi32, #tpu.memory_space<vmem>> -> memref<1x1x125xi32, #tpu.memory_space<vmem>>
        %dma_wait3A_649 = tpu.memref_squeeze %dma_wait3A_648 : memref<1x1x125xi32, #tpu.memory_space<vmem>> -> memref<1x125xi32, #tpu.memory_space<vmem>>
        %dma_wait3A_650 = arith.constant 0 : i32
        %dma_wait3A_651 = tpu.memref_slice %dma_wait3A_649[%run_scoped3A_329, %dma_wait3A_650] : memref<1x125xi32, #tpu.memory_space<vmem>> -> memref<1x125xi32, #tpu.memory_space<vmem>>
        %dma_wait3A_652 = tpu.memref_squeeze %dma_wait3A_651 : memref<1x125xi32, #tpu.memory_space<vmem>> -> memref<125xi32, #tpu.memory_space<vmem>>
        %dma_wait3A_653 = arith.constant 0 : i32
        %dma_wait3A_654 = arith.constant 0 : i32
        %dma_wait3A_655 = tpu.memref_slice %arg7[%dma_wait3A_653, %dma_wait3A_654] : memref<10112x128xf32, #tpu.memory_space<vmem_shared>> -> memref<10112x128xf32, #tpu.memory_space<vmem_shared>>
        tpu.wait_indirect_dma semaphore(%run_scoped3A_635 : memref<!tpu.dma_semaphore, #tpu.memory_space<semaphore_mem>>) src(%arg13 : memref<125x128xf32, #tpu.memory_space<vmem>>) dst(%dma_wait3A_655 : memref<10112x128xf32, #tpu.memory_space<vmem_shared>>)
        tpu.yield
      }) : () -> ()
      %dma_wait3A_330 = arith.constant 6 : i32
      %dma_wait3A_331 = arith.constant 0 : i32
      %dma_wait3A_332 = arith.constant 0 : i32
      %dma_wait3A_333 = arith.constant 0 : i32
      %dma_wait3A_334 = tpu.memref_slice %arg8[%dma_wait3A_330, %dma_wait3A_332, %dma_wait3A_333] : memref<8x1x125xi32, #tpu.memory_space<vmem>> -> memref<1x1x125xi32, #tpu.memory_space<vmem>>
      %dma_wait3A_335 = tpu.memref_squeeze %dma_wait3A_334 : memref<1x1x125xi32, #tpu.memory_space<vmem>> -> memref<1x125xi32, #tpu.memory_space<vmem>>
      %dma_wait3A_336 = arith.constant 0 : i32
      %dma_wait3A_337 = tpu.memref_slice %dma_wait3A_335[%dma_wait3A_331, %dma_wait3A_336] : memref<1x125xi32, #tpu.memory_space<vmem>> -> memref<1x125xi32, #tpu.memory_space<vmem>>
      %dma_wait3A_338 = tpu.memref_squeeze %dma_wait3A_337 : memref<1x125xi32, #tpu.memory_space<vmem>> -> memref<125xi32, #tpu.memory_space<vmem>>
      %dma_wait3A_339 = arith.constant 0 : i32
      %dma_wait3A_340 = arith.constant 0 : i32
      %dma_wait3A_341 = tpu.memref_slice %arg2[%dma_wait3A_339, %dma_wait3A_340] : memref<10112x128xf32, #tpu.memory_space<hbm>> -> memref<10112x128xf32, #tpu.memory_space<hbm>>
      tpu.wait_indirect_dma semaphore(%arg14 : memref<!tpu.dma_semaphore, #tpu.memory_space<semaphore_mem>>) src(%dma_wait3A_341 : memref<10112x128xf32, #tpu.memory_space<hbm>>) dst(%arg12 : memref<125x128xf32, #tpu.memory_space<vmem>>)
      %dma_start3A_342 = arith.constant 7 : i32
      %dma_start3A_343 = arith.constant 0 : i32
      %dma_start3A_344 = arith.constant 0 : i32
      %dma_start3A_345 = arith.constant 0 : i32
      %dma_start3A_346 = tpu.memref_slice %arg8[%dma_start3A_342, %dma_start3A_344, %dma_start3A_345] : memref<8x1x125xi32, #tpu.memory_space<vmem>> -> memref<1x1x125xi32, #tpu.memory_space<vmem>>
      %dma_start3A_347 = tpu.memref_squeeze %dma_start3A_346 : memref<1x1x125xi32, #tpu.memory_space<vmem>> -> memref<1x125xi32, #tpu.memory_space<vmem>>
      %dma_start3A_348 = arith.constant 0 : i32
      %dma_start3A_349 = tpu.memref_slice %dma_start3A_347[%dma_start3A_343, %dma_start3A_348] : memref<1x125xi32, #tpu.memory_space<vmem>> -> memref<1x125xi32, #tpu.memory_space<vmem>>
      %dma_start3A_350 = tpu.memref_squeeze %dma_start3A_349 : memref<1x125xi32, #tpu.memory_space<vmem>> -> memref<125xi32, #tpu.memory_space<vmem>>
      %dma_start3A_351 = arith.constant 0 : i32
      %dma_start3A_352 = arith.constant 0 : i32
      %dma_start3A_353 = tpu.memref_slice %arg2[%dma_start3A_351, %dma_start3A_352] : memref<10112x128xf32, #tpu.memory_space<hbm>> -> memref<10112x128xf32, #tpu.memory_space<hbm>>
      tpu.enqueue_indirect_dma source(%dma_start3A_353 : memref<10112x128xf32, #tpu.memory_space<hbm>>) target(%arg13 : memref<125x128xf32, #tpu.memory_space<vmem>>) offsets(%dma_start3A_350 : memref<125xi32, #tpu.memory_space<vmem>>) semaphore(%arg15 : memref<!tpu.dma_semaphore, #tpu.memory_space<semaphore_mem>>)
      %run_scoped3A_354 = arith.constant 6 : i32
      %run_scoped3A_355 = arith.constant 0 : i32
      "tpu.region"() ({
        %run_scoped3A_635 = tpu.sem_alloc : memref<!tpu.dma_semaphore, #tpu.memory_space<semaphore_mem>>
        %dma_start3A_636 = arith.constant 0 : i32
        %dma_start3A_637 = arith.constant 0 : i32
        %dma_start3A_638 = tpu.memref_slice %arg9[%run_scoped3A_354, %dma_start3A_636, %dma_start3A_637] : memref<8x1x125xi32, #tpu.memory_space<vmem>> -> memref<1x1x125xi32, #tpu.memory_space<vmem>>
        %dma_start3A_639 = tpu.memref_squeeze %dma_start3A_638 : memref<1x1x125xi32, #tpu.memory_space<vmem>> -> memref<1x125xi32, #tpu.memory_space<vmem>>
        %dma_start3A_640 = arith.constant 0 : i32
        %dma_start3A_641 = tpu.memref_slice %dma_start3A_639[%run_scoped3A_355, %dma_start3A_640] : memref<1x125xi32, #tpu.memory_space<vmem>> -> memref<1x125xi32, #tpu.memory_space<vmem>>
        %dma_start3A_642 = tpu.memref_squeeze %dma_start3A_641 : memref<1x125xi32, #tpu.memory_space<vmem>> -> memref<125xi32, #tpu.memory_space<vmem>>
        %dma_start3A_643 = arith.constant 0 : i32
        %dma_start3A_644 = arith.constant 0 : i32
        %dma_start3A_645 = tpu.memref_slice %arg7[%dma_start3A_643, %dma_start3A_644] : memref<10112x128xf32, #tpu.memory_space<vmem_shared>> -> memref<10112x128xf32, #tpu.memory_space<vmem_shared>>
        tpu.enqueue_indirect_dma source(%arg12 : memref<125x128xf32, #tpu.memory_space<vmem>>) target(%dma_start3A_645 : memref<10112x128xf32, #tpu.memory_space<vmem_shared>>) offsets(%dma_start3A_642 : memref<125xi32, #tpu.memory_space<vmem>>) semaphore(%run_scoped3A_635 : memref<!tpu.dma_semaphore, #tpu.memory_space<semaphore_mem>>) {add = true}
        %dma_wait3A_646 = arith.constant 0 : i32
        %dma_wait3A_647 = arith.constant 0 : i32
        %dma_wait3A_648 = tpu.memref_slice %arg9[%run_scoped3A_354, %dma_wait3A_646, %dma_wait3A_647] : memref<8x1x125xi32, #tpu.memory_space<vmem>> -> memref<1x1x125xi32, #tpu.memory_space<vmem>>
        %dma_wait3A_649 = tpu.memref_squeeze %dma_wait3A_648 : memref<1x1x125xi32, #tpu.memory_space<vmem>> -> memref<1x125xi32, #tpu.memory_space<vmem>>
        %dma_wait3A_650 = arith.constant 0 : i32
        %dma_wait3A_651 = tpu.memref_slice %dma_wait3A_649[%run_scoped3A_355, %dma_wait3A_650] : memref<1x125xi32, #tpu.memory_space<vmem>> -> memref<1x125xi32, #tpu.memory_space<vmem>>
        %dma_wait3A_652 = tpu.memref_squeeze %dma_wait3A_651 : memref<1x125xi32, #tpu.memory_space<vmem>> -> memref<125xi32, #tpu.memory_space<vmem>>
        %dma_wait3A_653 = arith.constant 0 : i32
        %dma_wait3A_654 = arith.constant 0 : i32
        %dma_wait3A_655 = tpu.memref_slice %arg7[%dma_wait3A_653, %dma_wait3A_654] : memref<10112x128xf32, #tpu.memory_space<vmem_shared>> -> memref<10112x128xf32, #tpu.memory_space<vmem_shared>>
        tpu.wait_indirect_dma semaphore(%run_scoped3A_635 : memref<!tpu.dma_semaphore, #tpu.memory_space<semaphore_mem>>) src(%arg12 : memref<125x128xf32, #tpu.memory_space<vmem>>) dst(%dma_wait3A_655 : memref<10112x128xf32, #tpu.memory_space<vmem_shared>>)
        tpu.yield
      }) : () -> ()
      %dma_wait3A_356 = arith.constant 7 : i32
      %dma_wait3A_357 = arith.constant 0 : i32
      %dma_wait3A_358 = arith.constant 0 : i32
      %dma_wait3A_359 = arith.constant 0 : i32
      %dma_wait3A_360 = tpu.memref_slice %arg8[%dma_wait3A_356, %dma_wait3A_358, %dma_wait3A_359] : memref<8x1x125xi32, #tpu.memory_space<vmem>> -> memref<1x1x125xi32, #tpu.memory_space<vmem>>
      %dma_wait3A_361 = tpu.memref_squeeze %dma_wait3A_360 : memref<1x1x125xi32, #tpu.memory_space<vmem>> -> memref<1x125xi32, #tpu.memory_space<vmem>>
      %dma_wait3A_362 = arith.constant 0 : i32
      %dma_wait3A_363 = tpu.memref_slice %dma_wait3A_361[%dma_wait3A_357, %dma_wait3A_362] : memref<1x125xi32, #tpu.memory_space<vmem>> -> memref<1x125xi32, #tpu.memory_space<vmem>>
      %dma_wait3A_364 = tpu.memref_squeeze %dma_wait3A_363 : memref<1x125xi32, #tpu.memory_space<vmem>> -> memref<125xi32, #tpu.memory_space<vmem>>
      %dma_wait3A_365 = arith.constant 0 : i32
      %dma_wait3A_366 = arith.constant 0 : i32
      %dma_wait3A_367 = tpu.memref_slice %arg2[%dma_wait3A_365, %dma_wait3A_366] : memref<10112x128xf32, #tpu.memory_space<hbm>> -> memref<10112x128xf32, #tpu.memory_space<hbm>>
      tpu.wait_indirect_dma semaphore(%arg15 : memref<!tpu.dma_semaphore, #tpu.memory_space<semaphore_mem>>) src(%dma_wait3A_367 : memref<10112x128xf32, #tpu.memory_space<hbm>>) dst(%arg13 : memref<125x128xf32, #tpu.memory_space<vmem>>)
      %run_scoped3A_368 = arith.constant 7 : i32
      %run_scoped3A_369 = arith.constant 0 : i32
      "tpu.region"() ({
        %run_scoped3A_635 = tpu.sem_alloc : memref<!tpu.dma_semaphore, #tpu.memory_space<semaphore_mem>>
        %dma_start3A_636 = arith.constant 0 : i32
        %dma_start3A_637 = arith.constant 0 : i32
        %dma_start3A_638 = tpu.memref_slice %arg9[%run_scoped3A_368, %dma_start3A_636, %dma_start3A_637] : memref<8x1x125xi32, #tpu.memory_space<vmem>> -> memref<1x1x125xi32, #tpu.memory_space<vmem>>
        %dma_start3A_639 = tpu.memref_squeeze %dma_start3A_638 : memref<1x1x125xi32, #tpu.memory_space<vmem>> -> memref<1x125xi32, #tpu.memory_space<vmem>>
        %dma_start3A_640 = arith.constant 0 : i32
        %dma_start3A_641 = tpu.memref_slice %dma_start3A_639[%run_scoped3A_369, %dma_start3A_640] : memref<1x125xi32, #tpu.memory_space<vmem>> -> memref<1x125xi32, #tpu.memory_space<vmem>>
        %dma_start3A_642 = tpu.memref_squeeze %dma_start3A_641 : memref<1x125xi32, #tpu.memory_space<vmem>> -> memref<125xi32, #tpu.memory_space<vmem>>
        %dma_start3A_643 = arith.constant 0 : i32
        %dma_start3A_644 = arith.constant 0 : i32
        %dma_start3A_645 = tpu.memref_slice %arg7[%dma_start3A_643, %dma_start3A_644] : memref<10112x128xf32, #tpu.memory_space<vmem_shared>> -> memref<10112x128xf32, #tpu.memory_space<vmem_shared>>
        tpu.enqueue_indirect_dma source(%arg13 : memref<125x128xf32, #tpu.memory_space<vmem>>) target(%dma_start3A_645 : memref<10112x128xf32, #tpu.memory_space<vmem_shared>>) offsets(%dma_start3A_642 : memref<125xi32, #tpu.memory_space<vmem>>) semaphore(%run_scoped3A_635 : memref<!tpu.dma_semaphore, #tpu.memory_space<semaphore_mem>>) {add = true}
        %dma_wait3A_646 = arith.constant 0 : i32
        %dma_wait3A_647 = arith.constant 0 : i32
        %dma_wait3A_648 = tpu.memref_slice %arg9[%run_scoped3A_368, %dma_wait3A_646, %dma_wait3A_647] : memref<8x1x125xi32, #tpu.memory_space<vmem>> -> memref<1x1x125xi32, #tpu.memory_space<vmem>>
        %dma_wait3A_649 = tpu.memref_squeeze %dma_wait3A_648 : memref<1x1x125xi32, #tpu.memory_space<vmem>> -> memref<1x125xi32, #tpu.memory_space<vmem>>
        %dma_wait3A_650 = arith.constant 0 : i32
        %dma_wait3A_651 = tpu.memref_slice %dma_wait3A_649[%run_scoped3A_369, %dma_wait3A_650] : memref<1x125xi32, #tpu.memory_space<vmem>> -> memref<1x125xi32, #tpu.memory_space<vmem>>
        %dma_wait3A_652 = tpu.memref_squeeze %dma_wait3A_651 : memref<1x125xi32, #tpu.memory_space<vmem>> -> memref<125xi32, #tpu.memory_space<vmem>>
        %dma_wait3A_653 = arith.constant 0 : i32
        %dma_wait3A_654 = arith.constant 0 : i32
        %dma_wait3A_655 = tpu.memref_slice %arg7[%dma_wait3A_653, %dma_wait3A_654] : memref<10112x128xf32, #tpu.memory_space<vmem_shared>> -> memref<10112x128xf32, #tpu.memory_space<vmem_shared>>
        tpu.wait_indirect_dma semaphore(%run_scoped3A_635 : memref<!tpu.dma_semaphore, #tpu.memory_space<semaphore_mem>>) src(%arg13 : memref<125x128xf32, #tpu.memory_space<vmem>>) dst(%dma_wait3A_655 : memref<10112x128xf32, #tpu.memory_space<vmem_shared>>)
        tpu.yield
      }) : () -> ()
      %add3A_370 = arith.constant 2 : i32
      %add3A_371 = arith.addi %add3A_119, %add3A_370 : i32
      %lt3A = arith.constant 10 : i32
      %lt3A_372 = arith.cmpi slt, %add3A_371, %lt3A : i32
      %convert_element_type3A = arith.extui %lt3A_372 : i1 to i32
      %cond3A = arith.constant 0 : i32
      %cond3A_373 = arith.cmpi ne, %convert_element_type3A, %cond3A : i32
      scf.if %cond3A_373 {
        %add3A_635 = arith.constant 2 : i32
        %add3A_636 = arith.addi %add3A_119, %add3A_635 : i32
        %dma_start3A_637 = arith.constant 0 : i32
        %dma_start3A_638 = arith.constant 0 : i32
        %dma_start3A_639 = arith.constant 0 : i32
        %dma_start3A_640 = arith.constant 0 : i32
        %dma_start3A_641 = tpu.memref_slice %arg3[%add3A, %dma_start3A_637, %dma_start3A_638, %dma_start3A_639, %dma_start3A_640] : memref<32x10x8x1x125xi32, #tpu.memory_space<hbm>> -> memref<1x10x8x1x125xi32, #tpu.memory_space<hbm>>
        %dma_start3A_642 = tpu.memref_squeeze %dma_start3A_641 : memref<1x10x8x1x125xi32, #tpu.memory_space<hbm>> -> memref<10x8x1x125xi32, #tpu.memory_space<hbm>>
        %dma_start3A_643 = arith.constant 0 : i32
        %dma_start3A_644 = arith.constant 0 : i32
        %dma_start3A_645 = arith.constant 0 : i32
        %dma_start3A_646 = tpu.memref_slice %dma_start3A_642[%add3A_636, %dma_start3A_643, %dma_start3A_644, %dma_start3A_645] : memref<10x8x1x125xi32, #tpu.memory_space<hbm>> -> memref<1x8x1x125xi32, #tpu.memory_space<hbm>>
        %dma_start3A_647 = tpu.memref_squeeze %dma_start3A_646 : memref<1x8x1x125xi32, #tpu.memory_space<hbm>> -> memref<8x1x125xi32, #tpu.memory_space<hbm>>
        %dma_start3A_648 = arith.constant 0 : i32
        %dma_start3A_649 = arith.constant 0 : i32
        %dma_start3A_650 = arith.constant 0 : i32
        %dma_start3A_651 = arith.constant 0 : i32
        %dma_start3A_652 = tpu.memref_slice %arg3[%add3A, %dma_start3A_648, %dma_start3A_649, %dma_start3A_650, %dma_start3A_651] : memref<32x10x8x1x125xi32, #tpu.memory_space<hbm>> -> memref<1x10x8x1x125xi32, #tpu.memory_space<hbm>>
        %dma_start3A_653 = tpu.memref_squeeze %dma_start3A_652 : memref<1x10x8x1x125xi32, #tpu.memory_space<hbm>> -> memref<10x8x1x125xi32, #tpu.memory_space<hbm>>
        %dma_start3A_654 = arith.constant 0 : i32
        %dma_start3A_655 = arith.constant 0 : i32
        %dma_start3A_656 = arith.constant 0 : i32
        %dma_start3A_657 = tpu.memref_slice %dma_start3A_653[%add3A_636, %dma_start3A_654, %dma_start3A_655, %dma_start3A_656] : memref<10x8x1x125xi32, #tpu.memory_space<hbm>> -> memref<1x8x1x125xi32, #tpu.memory_space<hbm>>
        %dma_start3A_658 = tpu.memref_squeeze %dma_start3A_657 : memref<1x8x1x125xi32, #tpu.memory_space<hbm>> -> memref<8x1x125xi32, #tpu.memory_space<hbm>>
        tpu.enqueue_dma source(%dma_start3A_658 : memref<8x1x125xi32, #tpu.memory_space<hbm>>) target(%arg8 : memref<8x1x125xi32, #tpu.memory_space<vmem>>) target_semaphore(%arg16 : memref<!tpu.dma_semaphore, #tpu.memory_space<semaphore_mem>>)
        %dma_start3A_659 = arith.constant 0 : i32
        %dma_start3A_660 = arith.constant 0 : i32
        %dma_start3A_661 = arith.constant 0 : i32
        %dma_start3A_662 = arith.constant 0 : i32
        %dma_start3A_663 = tpu.memref_slice %arg4[%add3A, %dma_start3A_659, %dma_start3A_660, %dma_start3A_661, %dma_start3A_662] : memref<32x10x8x1x125xi32, #tpu.memory_space<hbm>> -> memref<1x10x8x1x125xi32, #tpu.memory_space<hbm>>
        %dma_start3A_664 = tpu.memref_squeeze %dma_start3A_663 : memref<1x10x8x1x125xi32, #tpu.memory_space<hbm>> -> memref<10x8x1x125xi32, #tpu.memory_space<hbm>>
        %dma_start3A_665 = arith.constant 0 : i32
        %dma_start3A_666 = arith.constant 0 : i32
        %dma_start3A_667 = arith.constant 0 : i32
        %dma_start3A_668 = tpu.memref_slice %dma_start3A_664[%add3A_636, %dma_start3A_665, %dma_start3A_666, %dma_start3A_667] : memref<10x8x1x125xi32, #tpu.memory_space<hbm>> -> memref<1x8x1x125xi32, #tpu.memory_space<hbm>>
        %dma_start3A_669 = tpu.memref_squeeze %dma_start3A_668 : memref<1x8x1x125xi32, #tpu.memory_space<hbm>> -> memref<8x1x125xi32, #tpu.memory_space<hbm>>
        %dma_start3A_670 = arith.constant 0 : i32
        %dma_start3A_671 = arith.constant 0 : i32
        %dma_start3A_672 = arith.constant 0 : i32
        %dma_start3A_673 = arith.constant 0 : i32
        %dma_start3A_674 = tpu.memref_slice %arg4[%add3A, %dma_start3A_670, %dma_start3A_671, %dma_start3A_672, %dma_start3A_673] : memref<32x10x8x1x125xi32, #tpu.memory_space<hbm>> -> memref<1x10x8x1x125xi32, #tpu.memory_space<hbm>>
        %dma_start3A_675 = tpu.memref_squeeze %dma_start3A_674 : memref<1x10x8x1x125xi32, #tpu.memory_space<hbm>> -> memref<10x8x1x125xi32, #tpu.memory_space<hbm>>
        %dma_start3A_676 = arith.constant 0 : i32
        %dma_start3A_677 = arith.constant 0 : i32
        %dma_start3A_678 = arith.constant 0 : i32
        %dma_start3A_679 = tpu.memref_slice %dma_start3A_675[%add3A_636, %dma_start3A_676, %dma_start3A_677, %dma_start3A_678] : memref<10x8x1x125xi32, #tpu.memory_space<hbm>> -> memref<1x8x1x125xi32, #tpu.memory_space<hbm>>
        %dma_start3A_680 = tpu.memref_squeeze %dma_start3A_679 : memref<1x8x1x125xi32, #tpu.memory_space<hbm>> -> memref<8x1x125xi32, #tpu.memory_space<hbm>>
        tpu.enqueue_dma source(%dma_start3A_680 : memref<8x1x125xi32, #tpu.memory_space<hbm>>) target(%arg9 : memref<8x1x125xi32, #tpu.memory_space<vmem>>) target_semaphore(%arg16 : memref<!tpu.dma_semaphore, #tpu.memory_space<semaphore_mem>>)
      } else {
      }
      %add3A_374 = arith.constant 1 : i32
      %add3A_375 = arith.addi %add3A_119, %add3A_374 : i32
      %dma_wait3A_376 = arith.constant 0 : i32
      %dma_wait3A_377 = arith.constant 0 : i32
      %dma_wait3A_378 = arith.constant 0 : i32
      %dma_wait3A_379 = arith.constant 0 : i32
      %dma_wait3A_380 = tpu.memref_slice %arg3[%add3A, %dma_wait3A_376, %dma_wait3A_377, %dma_wait3A_378, %dma_wait3A_379] : memref<32x10x8x1x125xi32, #tpu.memory_space<hbm>> -> memref<1x10x8x1x125xi32, #tpu.memory_space<hbm>>
      %dma_wait3A_381 = tpu.memref_squeeze %dma_wait3A_380 : memref<1x10x8x1x125xi32, #tpu.memory_space<hbm>> -> memref<10x8x1x125xi32, #tpu.memory_space<hbm>>
      %dma_wait3A_382 = arith.constant 0 : i32
      %dma_wait3A_383 = arith.constant 0 : i32
      %dma_wait3A_384 = arith.constant 0 : i32
      %dma_wait3A_385 = tpu.memref_slice %dma_wait3A_381[%add3A_375, %dma_wait3A_382, %dma_wait3A_383, %dma_wait3A_384] : memref<10x8x1x125xi32, #tpu.memory_space<hbm>> -> memref<1x8x1x125xi32, #tpu.memory_space<hbm>>
      %dma_wait3A_386 = tpu.memref_squeeze %dma_wait3A_385 : memref<1x8x1x125xi32, #tpu.memory_space<hbm>> -> memref<8x1x125xi32, #tpu.memory_space<hbm>>
      %dma_wait3A_387 = arith.constant 0 : i32
      %dma_wait3A_388 = arith.constant 0 : i32
      %dma_wait3A_389 = arith.constant 0 : i32
      %dma_wait3A_390 = arith.constant 0 : i32
      %dma_wait3A_391 = tpu.memref_slice %arg3[%add3A, %dma_wait3A_387, %dma_wait3A_388, %dma_wait3A_389, %dma_wait3A_390] : memref<32x10x8x1x125xi32, #tpu.memory_space<hbm>> -> memref<1x10x8x1x125xi32, #tpu.memory_space<hbm>>
      %dma_wait3A_392 = tpu.memref_squeeze %dma_wait3A_391 : memref<1x10x8x1x125xi32, #tpu.memory_space<hbm>> -> memref<10x8x1x125xi32, #tpu.memory_space<hbm>>
      %dma_wait3A_393 = arith.constant 0 : i32
      %dma_wait3A_394 = arith.constant 0 : i32
      %dma_wait3A_395 = arith.constant 0 : i32
      %dma_wait3A_396 = tpu.memref_slice %dma_wait3A_392[%add3A_375, %dma_wait3A_393, %dma_wait3A_394, %dma_wait3A_395] : memref<10x8x1x125xi32, #tpu.memory_space<hbm>> -> memref<1x8x1x125xi32, #tpu.memory_space<hbm>>
      %dma_wait3A_397 = tpu.memref_squeeze %dma_wait3A_396 : memref<1x8x1x125xi32, #tpu.memory_space<hbm>> -> memref<8x1x125xi32, #tpu.memory_space<hbm>>
      tpu.wait_dma2 semaphore(%arg17 : memref<!tpu.dma_semaphore, #tpu.memory_space<semaphore_mem>>) src(%dma_wait3A_397 : memref<8x1x125xi32, #tpu.memory_space<hbm>>) dst(%arg10 : memref<8x1x125xi32, #tpu.memory_space<vmem>>)
      %dma_wait3A_398 = arith.constant 0 : i32
      %dma_wait3A_399 = arith.constant 0 : i32
      %dma_wait3A_400 = arith.constant 0 : i32
      %dma_wait3A_401 = arith.constant 0 : i32
      %dma_wait3A_402 = tpu.memref_slice %arg4[%add3A, %dma_wait3A_398, %dma_wait3A_399, %dma_wait3A_400, %dma_wait3A_401] : memref<32x10x8x1x125xi32, #tpu.memory_space<hbm>> -> memref<1x10x8x1x125xi32, #tpu.memory_space<hbm>>
      %dma_wait3A_403 = tpu.memref_squeeze %dma_wait3A_402 : memref<1x10x8x1x125xi32, #tpu.memory_space<hbm>> -> memref<10x8x1x125xi32, #tpu.memory_space<hbm>>
      %dma_wait3A_404 = arith.constant 0 : i32
      %dma_wait3A_405 = arith.constant 0 : i32
      %dma_wait3A_406 = arith.constant 0 : i32
      %dma_wait3A_407 = tpu.memref_slice %dma_wait3A_403[%add3A_375, %dma_wait3A_404, %dma_wait3A_405, %dma_wait3A_406] : memref<10x8x1x125xi32, #tpu.memory_space<hbm>> -> memref<1x8x1x125xi32, #tpu.memory_space<hbm>>
      %dma_wait3A_408 = tpu.memref_squeeze %dma_wait3A_407 : memref<1x8x1x125xi32, #tpu.memory_space<hbm>> -> memref<8x1x125xi32, #tpu.memory_space<hbm>>
      %dma_wait3A_409 = arith.constant 0 : i32
      %dma_wait3A_410 = arith.constant 0 : i32
      %dma_wait3A_411 = arith.constant 0 : i32
      %dma_wait3A_412 = arith.constant 0 : i32
      %dma_wait3A_413 = tpu.memref_slice %arg4[%add3A, %dma_wait3A_409, %dma_wait3A_410, %dma_wait3A_411, %dma_wait3A_412] : memref<32x10x8x1x125xi32, #tpu.memory_space<hbm>> -> memref<1x10x8x1x125xi32, #tpu.memory_space<hbm>>
      %dma_wait3A_414 = tpu.memref_squeeze %dma_wait3A_413 : memref<1x10x8x1x125xi32, #tpu.memory_space<hbm>> -> memref<10x8x1x125xi32, #tpu.memory_space<hbm>>
      %dma_wait3A_415 = arith.constant 0 : i32
      %dma_wait3A_416 = arith.constant 0 : i32
      %dma_wait3A_417 = arith.constant 0 : i32
      %dma_wait3A_418 = tpu.memref_slice %dma_wait3A_414[%add3A_375, %dma_wait3A_415, %dma_wait3A_416, %dma_wait3A_417] : memref<10x8x1x125xi32, #tpu.memory_space<hbm>> -> memref<1x8x1x125xi32, #tpu.memory_space<hbm>>
      %dma_wait3A_419 = tpu.memref_squeeze %dma_wait3A_418 : memref<1x8x1x125xi32, #tpu.memory_space<hbm>> -> memref<8x1x125xi32, #tpu.memory_space<hbm>>
      tpu.wait_dma2 semaphore(%arg17 : memref<!tpu.dma_semaphore, #tpu.memory_space<semaphore_mem>>) src(%dma_wait3A_419 : memref<8x1x125xi32, #tpu.memory_space<hbm>>) dst(%arg11 : memref<8x1x125xi32, #tpu.memory_space<vmem>>)
      %dma_start3A_420 = arith.constant 0 : i32
      %dma_start3A_421 = arith.constant 0 : i32
      %dma_start3A_422 = arith.constant 0 : i32
      %dma_start3A_423 = arith.constant 0 : i32
      %dma_start3A_424 = tpu.memref_slice %arg10[%dma_start3A_420, %dma_start3A_422, %dma_start3A_423] : memref<8x1x125xi32, #tpu.memory_space<vmem>> -> memref<1x1x125xi32, #tpu.memory_space<vmem>>
      %dma_start3A_425 = tpu.memref_squeeze %dma_start3A_424 : memref<1x1x125xi32, #tpu.memory_space<vmem>> -> memref<1x125xi32, #tpu.memory_space<vmem>>
      %dma_start3A_426 = arith.constant 0 : i32
      %dma_start3A_427 = tpu.memref_slice %dma_start3A_425[%dma_start3A_421, %dma_start3A_426] : memref<1x125xi32, #tpu.memory_space<vmem>> -> memref<1x125xi32, #tpu.memory_space<vmem>>
      %dma_start3A_428 = tpu.memref_squeeze %dma_start3A_427 : memref<1x125xi32, #tpu.memory_space<vmem>> -> memref<125xi32, #tpu.memory_space<vmem>>
      %dma_start3A_429 = arith.constant 0 : i32
      %dma_start3A_430 = arith.constant 0 : i32
      %dma_start3A_431 = tpu.memref_slice %arg2[%dma_start3A_429, %dma_start3A_430] : memref<10112x128xf32, #tpu.memory_space<hbm>> -> memref<10112x128xf32, #tpu.memory_space<hbm>>
      tpu.enqueue_indirect_dma source(%dma_start3A_431 : memref<10112x128xf32, #tpu.memory_space<hbm>>) target(%arg12 : memref<125x128xf32, #tpu.memory_space<vmem>>) offsets(%dma_start3A_428 : memref<125xi32, #tpu.memory_space<vmem>>) semaphore(%arg14 : memref<!tpu.dma_semaphore, #tpu.memory_space<semaphore_mem>>)
      %dma_wait3A_432 = arith.constant 0 : i32
      %dma_wait3A_433 = arith.constant 0 : i32
      %dma_wait3A_434 = arith.constant 0 : i32
      %dma_wait3A_435 = arith.constant 0 : i32
      %dma_wait3A_436 = tpu.memref_slice %arg10[%dma_wait3A_432, %dma_wait3A_434, %dma_wait3A_435] : memref<8x1x125xi32, #tpu.memory_space<vmem>> -> memref<1x1x125xi32, #tpu.memory_space<vmem>>
      %dma_wait3A_437 = tpu.memref_squeeze %dma_wait3A_436 : memref<1x1x125xi32, #tpu.memory_space<vmem>> -> memref<1x125xi32, #tpu.memory_space<vmem>>
      %dma_wait3A_438 = arith.constant 0 : i32
      %dma_wait3A_439 = tpu.memref_slice %dma_wait3A_437[%dma_wait3A_433, %dma_wait3A_438] : memref<1x125xi32, #tpu.memory_space<vmem>> -> memref<1x125xi32, #tpu.memory_space<vmem>>
      %dma_wait3A_440 = tpu.memref_squeeze %dma_wait3A_439 : memref<1x125xi32, #tpu.memory_space<vmem>> -> memref<125xi32, #tpu.memory_space<vmem>>
      %dma_wait3A_441 = arith.constant 0 : i32
      %dma_wait3A_442 = arith.constant 0 : i32
      %dma_wait3A_443 = tpu.memref_slice %arg2[%dma_wait3A_441, %dma_wait3A_442] : memref<10112x128xf32, #tpu.memory_space<hbm>> -> memref<10112x128xf32, #tpu.memory_space<hbm>>
      tpu.wait_indirect_dma semaphore(%arg14 : memref<!tpu.dma_semaphore, #tpu.memory_space<semaphore_mem>>) src(%dma_wait3A_443 : memref<10112x128xf32, #tpu.memory_space<hbm>>) dst(%arg12 : memref<125x128xf32, #tpu.memory_space<vmem>>)
      %dma_start3A_444 = arith.constant 1 : i32
      %dma_start3A_445 = arith.constant 0 : i32
      %dma_start3A_446 = arith.constant 0 : i32
      %dma_start3A_447 = arith.constant 0 : i32
      %dma_start3A_448 = tpu.memref_slice %arg10[%dma_start3A_444, %dma_start3A_446, %dma_start3A_447] : memref<8x1x125xi32, #tpu.memory_space<vmem>> -> memref<1x1x125xi32, #tpu.memory_space<vmem>>
      %dma_start3A_449 = tpu.memref_squeeze %dma_start3A_448 : memref<1x1x125xi32, #tpu.memory_space<vmem>> -> memref<1x125xi32, #tpu.memory_space<vmem>>
      %dma_start3A_450 = arith.constant 0 : i32
      %dma_start3A_451 = tpu.memref_slice %dma_start3A_449[%dma_start3A_445, %dma_start3A_450] : memref<1x125xi32, #tpu.memory_space<vmem>> -> memref<1x125xi32, #tpu.memory_space<vmem>>
      %dma_start3A_452 = tpu.memref_squeeze %dma_start3A_451 : memref<1x125xi32, #tpu.memory_space<vmem>> -> memref<125xi32, #tpu.memory_space<vmem>>
      %dma_start3A_453 = arith.constant 0 : i32
      %dma_start3A_454 = arith.constant 0 : i32
      %dma_start3A_455 = tpu.memref_slice %arg2[%dma_start3A_453, %dma_start3A_454] : memref<10112x128xf32, #tpu.memory_space<hbm>> -> memref<10112x128xf32, #tpu.memory_space<hbm>>
      tpu.enqueue_indirect_dma source(%dma_start3A_455 : memref<10112x128xf32, #tpu.memory_space<hbm>>) target(%arg13 : memref<125x128xf32, #tpu.memory_space<vmem>>) offsets(%dma_start3A_452 : memref<125xi32, #tpu.memory_space<vmem>>) semaphore(%arg15 : memref<!tpu.dma_semaphore, #tpu.memory_space<semaphore_mem>>)
      %run_scoped3A_456 = arith.constant 0 : i32
      %run_scoped3A_457 = arith.constant 0 : i32
      "tpu.region"() ({
        %run_scoped3A_635 = tpu.sem_alloc : memref<!tpu.dma_semaphore, #tpu.memory_space<semaphore_mem>>
        %dma_start3A_636 = arith.constant 0 : i32
        %dma_start3A_637 = arith.constant 0 : i32
        %dma_start3A_638 = tpu.memref_slice %arg11[%run_scoped3A_456, %dma_start3A_636, %dma_start3A_637] : memref<8x1x125xi32, #tpu.memory_space<vmem>> -> memref<1x1x125xi32, #tpu.memory_space<vmem>>
        %dma_start3A_639 = tpu.memref_squeeze %dma_start3A_638 : memref<1x1x125xi32, #tpu.memory_space<vmem>> -> memref<1x125xi32, #tpu.memory_space<vmem>>
        %dma_start3A_640 = arith.constant 0 : i32
        %dma_start3A_641 = tpu.memref_slice %dma_start3A_639[%run_scoped3A_457, %dma_start3A_640] : memref<1x125xi32, #tpu.memory_space<vmem>> -> memref<1x125xi32, #tpu.memory_space<vmem>>
        %dma_start3A_642 = tpu.memref_squeeze %dma_start3A_641 : memref<1x125xi32, #tpu.memory_space<vmem>> -> memref<125xi32, #tpu.memory_space<vmem>>
        %dma_start3A_643 = arith.constant 0 : i32
        %dma_start3A_644 = arith.constant 0 : i32
        %dma_start3A_645 = tpu.memref_slice %arg7[%dma_start3A_643, %dma_start3A_644] : memref<10112x128xf32, #tpu.memory_space<vmem_shared>> -> memref<10112x128xf32, #tpu.memory_space<vmem_shared>>
        tpu.enqueue_indirect_dma source(%arg12 : memref<125x128xf32, #tpu.memory_space<vmem>>) target(%dma_start3A_645 : memref<10112x128xf32, #tpu.memory_space<vmem_shared>>) offsets(%dma_start3A_642 : memref<125xi32, #tpu.memory_space<vmem>>) semaphore(%run_scoped3A_635 : memref<!tpu.dma_semaphore, #tpu.memory_space<semaphore_mem>>) {add = true}
        %dma_wait3A_646 = arith.constant 0 : i32
        %dma_wait3A_647 = arith.constant 0 : i32
        %dma_wait3A_648 = tpu.memref_slice %arg11[%run_scoped3A_456, %dma_wait3A_646, %dma_wait3A_647] : memref<8x1x125xi32, #tpu.memory_space<vmem>> -> memref<1x1x125xi32, #tpu.memory_space<vmem>>
        %dma_wait3A_649 = tpu.memref_squeeze %dma_wait3A_648 : memref<1x1x125xi32, #tpu.memory_space<vmem>> -> memref<1x125xi32, #tpu.memory_space<vmem>>
        %dma_wait3A_650 = arith.constant 0 : i32
        %dma_wait3A_651 = tpu.memref_slice %dma_wait3A_649[%run_scoped3A_457, %dma_wait3A_650] : memref<1x125xi32, #tpu.memory_space<vmem>> -> memref<1x125xi32, #tpu.memory_space<vmem>>
        %dma_wait3A_652 = tpu.memref_squeeze %dma_wait3A_651 : memref<1x125xi32, #tpu.memory_space<vmem>> -> memref<125xi32, #tpu.memory_space<vmem>>
        %dma_wait3A_653 = arith.constant 0 : i32
        %dma_wait3A_654 = arith.constant 0 : i32
        %dma_wait3A_655 = tpu.memref_slice %arg7[%dma_wait3A_653, %dma_wait3A_654] : memref<10112x128xf32, #tpu.memory_space<vmem_shared>> -> memref<10112x128xf32, #tpu.memory_space<vmem_shared>>
        tpu.wait_indirect_dma semaphore(%run_scoped3A_635 : memref<!tpu.dma_semaphore, #tpu.memory_space<semaphore_mem>>) src(%arg12 : memref<125x128xf32, #tpu.memory_space<vmem>>) dst(%dma_wait3A_655 : memref<10112x128xf32, #tpu.memory_space<vmem_shared>>)
        tpu.yield
      }) : () -> ()
      %dma_wait3A_458 = arith.constant 1 : i32
      %dma_wait3A_459 = arith.constant 0 : i32
      %dma_wait3A_460 = arith.constant 0 : i32
      %dma_wait3A_461 = arith.constant 0 : i32
      %dma_wait3A_462 = tpu.memref_slice %arg10[%dma_wait3A_458, %dma_wait3A_460, %dma_wait3A_461] : memref<8x1x125xi32, #tpu.memory_space<vmem>> -> memref<1x1x125xi32, #tpu.memory_space<vmem>>
      %dma_wait3A_463 = tpu.memref_squeeze %dma_wait3A_462 : memref<1x1x125xi32, #tpu.memory_space<vmem>> -> memref<1x125xi32, #tpu.memory_space<vmem>>
      %dma_wait3A_464 = arith.constant 0 : i32
      %dma_wait3A_465 = tpu.memref_slice %dma_wait3A_463[%dma_wait3A_459, %dma_wait3A_464] : memref<1x125xi32, #tpu.memory_space<vmem>> -> memref<1x125xi32, #tpu.memory_space<vmem>>
      %dma_wait3A_466 = tpu.memref_squeeze %dma_wait3A_465 : memref<1x125xi32, #tpu.memory_space<vmem>> -> memref<125xi32, #tpu.memory_space<vmem>>
      %dma_wait3A_467 = arith.constant 0 : i32
      %dma_wait3A_468 = arith.constant 0 : i32
      %dma_wait3A_469 = tpu.memref_slice %arg2[%dma_wait3A_467, %dma_wait3A_468] : memref<10112x128xf32, #tpu.memory_space<hbm>> -> memref<10112x128xf32, #tpu.memory_space<hbm>>
      tpu.wait_indirect_dma semaphore(%arg15 : memref<!tpu.dma_semaphore, #tpu.memory_space<semaphore_mem>>) src(%dma_wait3A_469 : memref<10112x128xf32, #tpu.memory_space<hbm>>) dst(%arg13 : memref<125x128xf32, #tpu.memory_space<vmem>>)
      %dma_start3A_470 = arith.constant 2 : i32
      %dma_start3A_471 = arith.constant 0 : i32
      %dma_start3A_472 = arith.constant 0 : i32
      %dma_start3A_473 = arith.constant 0 : i32
      %dma_start3A_474 = tpu.memref_slice %arg10[%dma_start3A_470, %dma_start3A_472, %dma_start3A_473] : memref<8x1x125xi32, #tpu.memory_space<vmem>> -> memref<1x1x125xi32, #tpu.memory_space<vmem>>
      %dma_start3A_475 = tpu.memref_squeeze %dma_start3A_474 : memref<1x1x125xi32, #tpu.memory_space<vmem>> -> memref<1x125xi32, #tpu.memory_space<vmem>>
      %dma_start3A_476 = arith.constant 0 : i32
      %dma_start3A_477 = tpu.memref_slice %dma_start3A_475[%dma_start3A_471, %dma_start3A_476] : memref<1x125xi32, #tpu.memory_space<vmem>> -> memref<1x125xi32, #tpu.memory_space<vmem>>
      %dma_start3A_478 = tpu.memref_squeeze %dma_start3A_477 : memref<1x125xi32, #tpu.memory_space<vmem>> -> memref<125xi32, #tpu.memory_space<vmem>>
      %dma_start3A_479 = arith.constant 0 : i32
      %dma_start3A_480 = arith.constant 0 : i32
      %dma_start3A_481 = tpu.memref_slice %arg2[%dma_start3A_479, %dma_start3A_480] : memref<10112x128xf32, #tpu.memory_space<hbm>> -> memref<10112x128xf32, #tpu.memory_space<hbm>>
      tpu.enqueue_indirect_dma source(%dma_start3A_481 : memref<10112x128xf32, #tpu.memory_space<hbm>>) target(%arg12 : memref<125x128xf32, #tpu.memory_space<vmem>>) offsets(%dma_start3A_478 : memref<125xi32, #tpu.memory_space<vmem>>) semaphore(%arg14 : memref<!tpu.dma_semaphore, #tpu.memory_space<semaphore_mem>>)
      %run_scoped3A_482 = arith.constant 1 : i32
      %run_scoped3A_483 = arith.constant 0 : i32
      "tpu.region"() ({
        %run_scoped3A_635 = tpu.sem_alloc : memref<!tpu.dma_semaphore, #tpu.memory_space<semaphore_mem>>
        %dma_start3A_636 = arith.constant 0 : i32
        %dma_start3A_637 = arith.constant 0 : i32
        %dma_start3A_638 = tpu.memref_slice %arg11[%run_scoped3A_482, %dma_start3A_636, %dma_start3A_637] : memref<8x1x125xi32, #tpu.memory_space<vmem>> -> memref<1x1x125xi32, #tpu.memory_space<vmem>>
        %dma_start3A_639 = tpu.memref_squeeze %dma_start3A_638 : memref<1x1x125xi32, #tpu.memory_space<vmem>> -> memref<1x125xi32, #tpu.memory_space<vmem>>
        %dma_start3A_640 = arith.constant 0 : i32
        %dma_start3A_641 = tpu.memref_slice %dma_start3A_639[%run_scoped3A_483, %dma_start3A_640] : memref<1x125xi32, #tpu.memory_space<vmem>> -> memref<1x125xi32, #tpu.memory_space<vmem>>
        %dma_start3A_642 = tpu.memref_squeeze %dma_start3A_641 : memref<1x125xi32, #tpu.memory_space<vmem>> -> memref<125xi32, #tpu.memory_space<vmem>>
        %dma_start3A_643 = arith.constant 0 : i32
        %dma_start3A_644 = arith.constant 0 : i32
        %dma_start3A_645 = tpu.memref_slice %arg7[%dma_start3A_643, %dma_start3A_644] : memref<10112x128xf32, #tpu.memory_space<vmem_shared>> -> memref<10112x128xf32, #tpu.memory_space<vmem_shared>>
        tpu.enqueue_indirect_dma source(%arg13 : memref<125x128xf32, #tpu.memory_space<vmem>>) target(%dma_start3A_645 : memref<10112x128xf32, #tpu.memory_space<vmem_shared>>) offsets(%dma_start3A_642 : memref<125xi32, #tpu.memory_space<vmem>>) semaphore(%run_scoped3A_635 : memref<!tpu.dma_semaphore, #tpu.memory_space<semaphore_mem>>) {add = true}
        %dma_wait3A_646 = arith.constant 0 : i32
        %dma_wait3A_647 = arith.constant 0 : i32
        %dma_wait3A_648 = tpu.memref_slice %arg11[%run_scoped3A_482, %dma_wait3A_646, %dma_wait3A_647] : memref<8x1x125xi32, #tpu.memory_space<vmem>> -> memref<1x1x125xi32, #tpu.memory_space<vmem>>
        %dma_wait3A_649 = tpu.memref_squeeze %dma_wait3A_648 : memref<1x1x125xi32, #tpu.memory_space<vmem>> -> memref<1x125xi32, #tpu.memory_space<vmem>>
        %dma_wait3A_650 = arith.constant 0 : i32
        %dma_wait3A_651 = tpu.memref_slice %dma_wait3A_649[%run_scoped3A_483, %dma_wait3A_650] : memref<1x125xi32, #tpu.memory_space<vmem>> -> memref<1x125xi32, #tpu.memory_space<vmem>>
        %dma_wait3A_652 = tpu.memref_squeeze %dma_wait3A_651 : memref<1x125xi32, #tpu.memory_space<vmem>> -> memref<125xi32, #tpu.memory_space<vmem>>
        %dma_wait3A_653 = arith.constant 0 : i32
        %dma_wait3A_654 = arith.constant 0 : i32
        %dma_wait3A_655 = tpu.memref_slice %arg7[%dma_wait3A_653, %dma_wait3A_654] : memref<10112x128xf32, #tpu.memory_space<vmem_shared>> -> memref<10112x128xf32, #tpu.memory_space<vmem_shared>>
        tpu.wait_indirect_dma semaphore(%run_scoped3A_635 : memref<!tpu.dma_semaphore, #tpu.memory_space<semaphore_mem>>) src(%arg13 : memref<125x128xf32, #tpu.memory_space<vmem>>) dst(%dma_wait3A_655 : memref<10112x128xf32, #tpu.memory_space<vmem_shared>>)
        tpu.yield
      }) : () -> ()
      %dma_wait3A_484 = arith.constant 2 : i32
      %dma_wait3A_485 = arith.constant 0 : i32
      %dma_wait3A_486 = arith.constant 0 : i32
      %dma_wait3A_487 = arith.constant 0 : i32
      %dma_wait3A_488 = tpu.memref_slice %arg10[%dma_wait3A_484, %dma_wait3A_486, %dma_wait3A_487] : memref<8x1x125xi32, #tpu.memory_space<vmem>> -> memref<1x1x125xi32, #tpu.memory_space<vmem>>
      %dma_wait3A_489 = tpu.memref_squeeze %dma_wait3A_488 : memref<1x1x125xi32, #tpu.memory_space<vmem>> -> memref<1x125xi32, #tpu.memory_space<vmem>>
      %dma_wait3A_490 = arith.constant 0 : i32
      %dma_wait3A_491 = tpu.memref_slice %dma_wait3A_489[%dma_wait3A_485, %dma_wait3A_490] : memref<1x125xi32, #tpu.memory_space<vmem>> -> memref<1x125xi32, #tpu.memory_space<vmem>>
      %dma_wait3A_492 = tpu.memref_squeeze %dma_wait3A_491 : memref<1x125xi32, #tpu.memory_space<vmem>> -> memref<125xi32, #tpu.memory_space<vmem>>
      %dma_wait3A_493 = arith.constant 0 : i32
      %dma_wait3A_494 = arith.constant 0 : i32
      %dma_wait3A_495 = tpu.memref_slice %arg2[%dma_wait3A_493, %dma_wait3A_494] : memref<10112x128xf32, #tpu.memory_space<hbm>> -> memref<10112x128xf32, #tpu.memory_space<hbm>>
      tpu.wait_indirect_dma semaphore(%arg14 : memref<!tpu.dma_semaphore, #tpu.memory_space<semaphore_mem>>) src(%dma_wait3A_495 : memref<10112x128xf32, #tpu.memory_space<hbm>>) dst(%arg12 : memref<125x128xf32, #tpu.memory_space<vmem>>)
      %dma_start3A_496 = arith.constant 3 : i32
      %dma_start3A_497 = arith.constant 0 : i32
      %dma_start3A_498 = arith.constant 0 : i32
      %dma_start3A_499 = arith.constant 0 : i32
      %dma_start3A_500 = tpu.memref_slice %arg10[%dma_start3A_496, %dma_start3A_498, %dma_start3A_499] : memref<8x1x125xi32, #tpu.memory_space<vmem>> -> memref<1x1x125xi32, #tpu.memory_space<vmem>>
      %dma_start3A_501 = tpu.memref_squeeze %dma_start3A_500 : memref<1x1x125xi32, #tpu.memory_space<vmem>> -> memref<1x125xi32, #tpu.memory_space<vmem>>
      %dma_start3A_502 = arith.constant 0 : i32
      %dma_start3A_503 = tpu.memref_slice %dma_start3A_501[%dma_start3A_497, %dma_start3A_502] : memref<1x125xi32, #tpu.memory_space<vmem>> -> memref<1x125xi32, #tpu.memory_space<vmem>>
      %dma_start3A_504 = tpu.memref_squeeze %dma_start3A_503 : memref<1x125xi32, #tpu.memory_space<vmem>> -> memref<125xi32, #tpu.memory_space<vmem>>
      %dma_start3A_505 = arith.constant 0 : i32
      %dma_start3A_506 = arith.constant 0 : i32
      %dma_start3A_507 = tpu.memref_slice %arg2[%dma_start3A_505, %dma_start3A_506] : memref<10112x128xf32, #tpu.memory_space<hbm>> -> memref<10112x128xf32, #tpu.memory_space<hbm>>
      tpu.enqueue_indirect_dma source(%dma_start3A_507 : memref<10112x128xf32, #tpu.memory_space<hbm>>) target(%arg13 : memref<125x128xf32, #tpu.memory_space<vmem>>) offsets(%dma_start3A_504 : memref<125xi32, #tpu.memory_space<vmem>>) semaphore(%arg15 : memref<!tpu.dma_semaphore, #tpu.memory_space<semaphore_mem>>)
      %run_scoped3A_508 = arith.constant 2 : i32
      %run_scoped3A_509 = arith.constant 0 : i32
      "tpu.region"() ({
        %run_scoped3A_635 = tpu.sem_alloc : memref<!tpu.dma_semaphore, #tpu.memory_space<semaphore_mem>>
        %dma_start3A_636 = arith.constant 0 : i32
        %dma_start3A_637 = arith.constant 0 : i32
        %dma_start3A_638 = tpu.memref_slice %arg11[%run_scoped3A_508, %dma_start3A_636, %dma_start3A_637] : memref<8x1x125xi32, #tpu.memory_space<vmem>> -> memref<1x1x125xi32, #tpu.memory_space<vmem>>
        %dma_start3A_639 = tpu.memref_squeeze %dma_start3A_638 : memref<1x1x125xi32, #tpu.memory_space<vmem>> -> memref<1x125xi32, #tpu.memory_space<vmem>>
        %dma_start3A_640 = arith.constant 0 : i32
        %dma_start3A_641 = tpu.memref_slice %dma_start3A_639[%run_scoped3A_509, %dma_start3A_640] : memref<1x125xi32, #tpu.memory_space<vmem>> -> memref<1x125xi32, #tpu.memory_space<vmem>>
        %dma_start3A_642 = tpu.memref_squeeze %dma_start3A_641 : memref<1x125xi32, #tpu.memory_space<vmem>> -> memref<125xi32, #tpu.memory_space<vmem>>
        %dma_start3A_643 = arith.constant 0 : i32
        %dma_start3A_644 = arith.constant 0 : i32
        %dma_start3A_645 = tpu.memref_slice %arg7[%dma_start3A_643, %dma_start3A_644] : memref<10112x128xf32, #tpu.memory_space<vmem_shared>> -> memref<10112x128xf32, #tpu.memory_space<vmem_shared>>
        tpu.enqueue_indirect_dma source(%arg12 : memref<125x128xf32, #tpu.memory_space<vmem>>) target(%dma_start3A_645 : memref<10112x128xf32, #tpu.memory_space<vmem_shared>>) offsets(%dma_start3A_642 : memref<125xi32, #tpu.memory_space<vmem>>) semaphore(%run_scoped3A_635 : memref<!tpu.dma_semaphore, #tpu.memory_space<semaphore_mem>>) {add = true}
        %dma_wait3A_646 = arith.constant 0 : i32
        %dma_wait3A_647 = arith.constant 0 : i32
        %dma_wait3A_648 = tpu.memref_slice %arg11[%run_scoped3A_508, %dma_wait3A_646, %dma_wait3A_647] : memref<8x1x125xi32, #tpu.memory_space<vmem>> -> memref<1x1x125xi32, #tpu.memory_space<vmem>>
        %dma_wait3A_649 = tpu.memref_squeeze %dma_wait3A_648 : memref<1x1x125xi32, #tpu.memory_space<vmem>> -> memref<1x125xi32, #tpu.memory_space<vmem>>
        %dma_wait3A_650 = arith.constant 0 : i32
        %dma_wait3A_651 = tpu.memref_slice %dma_wait3A_649[%run_scoped3A_509, %dma_wait3A_650] : memref<1x125xi32, #tpu.memory_space<vmem>> -> memref<1x125xi32, #tpu.memory_space<vmem>>
        %dma_wait3A_652 = tpu.memref_squeeze %dma_wait3A_651 : memref<1x125xi32, #tpu.memory_space<vmem>> -> memref<125xi32, #tpu.memory_space<vmem>>
        %dma_wait3A_653 = arith.constant 0 : i32
        %dma_wait3A_654 = arith.constant 0 : i32
        %dma_wait3A_655 = tpu.memref_slice %arg7[%dma_wait3A_653, %dma_wait3A_654] : memref<10112x128xf32, #tpu.memory_space<vmem_shared>> -> memref<10112x128xf32, #tpu.memory_space<vmem_shared>>
        tpu.wait_indirect_dma semaphore(%run_scoped3A_635 : memref<!tpu.dma_semaphore, #tpu.memory_space<semaphore_mem>>) src(%arg12 : memref<125x128xf32, #tpu.memory_space<vmem>>) dst(%dma_wait3A_655 : memref<10112x128xf32, #tpu.memory_space<vmem_shared>>)
        tpu.yield
      }) : () -> ()
      %dma_wait3A_510 = arith.constant 3 : i32
      %dma_wait3A_511 = arith.constant 0 : i32
      %dma_wait3A_512 = arith.constant 0 : i32
      %dma_wait3A_513 = arith.constant 0 : i32
      %dma_wait3A_514 = tpu.memref_slice %arg10[%dma_wait3A_510, %dma_wait3A_512, %dma_wait3A_513] : memref<8x1x125xi32, #tpu.memory_space<vmem>> -> memref<1x1x125xi32, #tpu.memory_space<vmem>>
      %dma_wait3A_515 = tpu.memref_squeeze %dma_wait3A_514 : memref<1x1x125xi32, #tpu.memory_space<vmem>> -> memref<1x125xi32, #tpu.memory_space<vmem>>
      %dma_wait3A_516 = arith.constant 0 : i32
      %dma_wait3A_517 = tpu.memref_slice %dma_wait3A_515[%dma_wait3A_511, %dma_wait3A_516] : memref<1x125xi32, #tpu.memory_space<vmem>> -> memref<1x125xi32, #tpu.memory_space<vmem>>
      %dma_wait3A_518 = tpu.memref_squeeze %dma_wait3A_517 : memref<1x125xi32, #tpu.memory_space<vmem>> -> memref<125xi32, #tpu.memory_space<vmem>>
      %dma_wait3A_519 = arith.constant 0 : i32
      %dma_wait3A_520 = arith.constant 0 : i32
      %dma_wait3A_521 = tpu.memref_slice %arg2[%dma_wait3A_519, %dma_wait3A_520] : memref<10112x128xf32, #tpu.memory_space<hbm>> -> memref<10112x128xf32, #tpu.memory_space<hbm>>
      tpu.wait_indirect_dma semaphore(%arg15 : memref<!tpu.dma_semaphore, #tpu.memory_space<semaphore_mem>>) src(%dma_wait3A_521 : memref<10112x128xf32, #tpu.memory_space<hbm>>) dst(%arg13 : memref<125x128xf32, #tpu.memory_space<vmem>>)
      %dma_start3A_522 = arith.constant 4 : i32
      %dma_start3A_523 = arith.constant 0 : i32
      %dma_start3A_524 = arith.constant 0 : i32
      %dma_start3A_525 = arith.constant 0 : i32
      %dma_start3A_526 = tpu.memref_slice %arg10[%dma_start3A_522, %dma_start3A_524, %dma_start3A_525] : memref<8x1x125xi32, #tpu.memory_space<vmem>> -> memref<1x1x125xi32, #tpu.memory_space<vmem>>
      %dma_start3A_527 = tpu.memref_squeeze %dma_start3A_526 : memref<1x1x125xi32, #tpu.memory_space<vmem>> -> memref<1x125xi32, #tpu.memory_space<vmem>>
      %dma_start3A_528 = arith.constant 0 : i32
      %dma_start3A_529 = tpu.memref_slice %dma_start3A_527[%dma_start3A_523, %dma_start3A_528] : memref<1x125xi32, #tpu.memory_space<vmem>> -> memref<1x125xi32, #tpu.memory_space<vmem>>
      %dma_start3A_530 = tpu.memref_squeeze %dma_start3A_529 : memref<1x125xi32, #tpu.memory_space<vmem>> -> memref<125xi32, #tpu.memory_space<vmem>>
      %dma_start3A_531 = arith.constant 0 : i32
      %dma_start3A_532 = arith.constant 0 : i32
      %dma_start3A_533 = tpu.memref_slice %arg2[%dma_start3A_531, %dma_start3A_532] : memref<10112x128xf32, #tpu.memory_space<hbm>> -> memref<10112x128xf32, #tpu.memory_space<hbm>>
      tpu.enqueue_indirect_dma source(%dma_start3A_533 : memref<10112x128xf32, #tpu.memory_space<hbm>>) target(%arg12 : memref<125x128xf32, #tpu.memory_space<vmem>>) offsets(%dma_start3A_530 : memref<125xi32, #tpu.memory_space<vmem>>) semaphore(%arg14 : memref<!tpu.dma_semaphore, #tpu.memory_space<semaphore_mem>>)
      %run_scoped3A_534 = arith.constant 3 : i32
      %run_scoped3A_535 = arith.constant 0 : i32
      "tpu.region"() ({
        %run_scoped3A_635 = tpu.sem_alloc : memref<!tpu.dma_semaphore, #tpu.memory_space<semaphore_mem>>
        %dma_start3A_636 = arith.constant 0 : i32
        %dma_start3A_637 = arith.constant 0 : i32
        %dma_start3A_638 = tpu.memref_slice %arg11[%run_scoped3A_534, %dma_start3A_636, %dma_start3A_637] : memref<8x1x125xi32, #tpu.memory_space<vmem>> -> memref<1x1x125xi32, #tpu.memory_space<vmem>>
        %dma_start3A_639 = tpu.memref_squeeze %dma_start3A_638 : memref<1x1x125xi32, #tpu.memory_space<vmem>> -> memref<1x125xi32, #tpu.memory_space<vmem>>
        %dma_start3A_640 = arith.constant 0 : i32
        %dma_start3A_641 = tpu.memref_slice %dma_start3A_639[%run_scoped3A_535, %dma_start3A_640] : memref<1x125xi32, #tpu.memory_space<vmem>> -> memref<1x125xi32, #tpu.memory_space<vmem>>
        %dma_start3A_642 = tpu.memref_squeeze %dma_start3A_641 : memref<1x125xi32, #tpu.memory_space<vmem>> -> memref<125xi32, #tpu.memory_space<vmem>>
        %dma_start3A_643 = arith.constant 0 : i32
        %dma_start3A_644 = arith.constant 0 : i32
        %dma_start3A_645 = tpu.memref_slice %arg7[%dma_start3A_643, %dma_start3A_644] : memref<10112x128xf32, #tpu.memory_space<vmem_shared>> -> memref<10112x128xf32, #tpu.memory_space<vmem_shared>>
        tpu.enqueue_indirect_dma source(%arg13 : memref<125x128xf32, #tpu.memory_space<vmem>>) target(%dma_start3A_645 : memref<10112x128xf32, #tpu.memory_space<vmem_shared>>) offsets(%dma_start3A_642 : memref<125xi32, #tpu.memory_space<vmem>>) semaphore(%run_scoped3A_635 : memref<!tpu.dma_semaphore, #tpu.memory_space<semaphore_mem>>) {add = true}
        %dma_wait3A_646 = arith.constant 0 : i32
        %dma_wait3A_647 = arith.constant 0 : i32
        %dma_wait3A_648 = tpu.memref_slice %arg11[%run_scoped3A_534, %dma_wait3A_646, %dma_wait3A_647] : memref<8x1x125xi32, #tpu.memory_space<vmem>> -> memref<1x1x125xi32, #tpu.memory_space<vmem>>
        %dma_wait3A_649 = tpu.memref_squeeze %dma_wait3A_648 : memref<1x1x125xi32, #tpu.memory_space<vmem>> -> memref<1x125xi32, #tpu.memory_space<vmem>>
        %dma_wait3A_650 = arith.constant 0 : i32
        %dma_wait3A_651 = tpu.memref_slice %dma_wait3A_649[%run_scoped3A_535, %dma_wait3A_650] : memref<1x125xi32, #tpu.memory_space<vmem>> -> memref<1x125xi32, #tpu.memory_space<vmem>>
        %dma_wait3A_652 = tpu.memref_squeeze %dma_wait3A_651 : memref<1x125xi32, #tpu.memory_space<vmem>> -> memref<125xi32, #tpu.memory_space<vmem>>
        %dma_wait3A_653 = arith.constant 0 : i32
        %dma_wait3A_654 = arith.constant 0 : i32
        %dma_wait3A_655 = tpu.memref_slice %arg7[%dma_wait3A_653, %dma_wait3A_654] : memref<10112x128xf32, #tpu.memory_space<vmem_shared>> -> memref<10112x128xf32, #tpu.memory_space<vmem_shared>>
        tpu.wait_indirect_dma semaphore(%run_scoped3A_635 : memref<!tpu.dma_semaphore, #tpu.memory_space<semaphore_mem>>) src(%arg13 : memref<125x128xf32, #tpu.memory_space<vmem>>) dst(%dma_wait3A_655 : memref<10112x128xf32, #tpu.memory_space<vmem_shared>>)
        tpu.yield
      }) : () -> ()
      %dma_wait3A_536 = arith.constant 4 : i32
      %dma_wait3A_537 = arith.constant 0 : i32
      %dma_wait3A_538 = arith.constant 0 : i32
      %dma_wait3A_539 = arith.constant 0 : i32
      %dma_wait3A_540 = tpu.memref_slice %arg10[%dma_wait3A_536, %dma_wait3A_538, %dma_wait3A_539] : memref<8x1x125xi32, #tpu.memory_space<vmem>> -> memref<1x1x125xi32, #tpu.memory_space<vmem>>
      %dma_wait3A_541 = tpu.memref_squeeze %dma_wait3A_540 : memref<1x1x125xi32, #tpu.memory_space<vmem>> -> memref<1x125xi32, #tpu.memory_space<vmem>>
      %dma_wait3A_542 = arith.constant 0 : i32
      %dma_wait3A_543 = tpu.memref_slice %dma_wait3A_541[%dma_wait3A_537, %dma_wait3A_542] : memref<1x125xi32, #tpu.memory_space<vmem>> -> memref<1x125xi32, #tpu.memory_space<vmem>>
      %dma_wait3A_544 = tpu.memref_squeeze %dma_wait3A_543 : memref<1x125xi32, #tpu.memory_space<vmem>> -> memref<125xi32, #tpu.memory_space<vmem>>
      %dma_wait3A_545 = arith.constant 0 : i32
      %dma_wait3A_546 = arith.constant 0 : i32
      %dma_wait3A_547 = tpu.memref_slice %arg2[%dma_wait3A_545, %dma_wait3A_546] : memref<10112x128xf32, #tpu.memory_space<hbm>> -> memref<10112x128xf32, #tpu.memory_space<hbm>>
      tpu.wait_indirect_dma semaphore(%arg14 : memref<!tpu.dma_semaphore, #tpu.memory_space<semaphore_mem>>) src(%dma_wait3A_547 : memref<10112x128xf32, #tpu.memory_space<hbm>>) dst(%arg12 : memref<125x128xf32, #tpu.memory_space<vmem>>)
      %dma_start3A_548 = arith.constant 5 : i32
      %dma_start3A_549 = arith.constant 0 : i32
      %dma_start3A_550 = arith.constant 0 : i32
      %dma_start3A_551 = arith.constant 0 : i32
      %dma_start3A_552 = tpu.memref_slice %arg10[%dma_start3A_548, %dma_start3A_550, %dma_start3A_551] : memref<8x1x125xi32, #tpu.memory_space<vmem>> -> memref<1x1x125xi32, #tpu.memory_space<vmem>>
      %dma_start3A_553 = tpu.memref_squeeze %dma_start3A_552 : memref<1x1x125xi32, #tpu.memory_space<vmem>> -> memref<1x125xi32, #tpu.memory_space<vmem>>
      %dma_start3A_554 = arith.constant 0 : i32
      %dma_start3A_555 = tpu.memref_slice %dma_start3A_553[%dma_start3A_549, %dma_start3A_554] : memref<1x125xi32, #tpu.memory_space<vmem>> -> memref<1x125xi32, #tpu.memory_space<vmem>>
      %dma_start3A_556 = tpu.memref_squeeze %dma_start3A_555 : memref<1x125xi32, #tpu.memory_space<vmem>> -> memref<125xi32, #tpu.memory_space<vmem>>
      %dma_start3A_557 = arith.constant 0 : i32
      %dma_start3A_558 = arith.constant 0 : i32
      %dma_start3A_559 = tpu.memref_slice %arg2[%dma_start3A_557, %dma_start3A_558] : memref<10112x128xf32, #tpu.memory_space<hbm>> -> memref<10112x128xf32, #tpu.memory_space<hbm>>
      tpu.enqueue_indirect_dma source(%dma_start3A_559 : memref<10112x128xf32, #tpu.memory_space<hbm>>) target(%arg13 : memref<125x128xf32, #tpu.memory_space<vmem>>) offsets(%dma_start3A_556 : memref<125xi32, #tpu.memory_space<vmem>>) semaphore(%arg15 : memref<!tpu.dma_semaphore, #tpu.memory_space<semaphore_mem>>)
      %run_scoped3A_560 = arith.constant 4 : i32
      %run_scoped3A_561 = arith.constant 0 : i32
      "tpu.region"() ({
        %run_scoped3A_635 = tpu.sem_alloc : memref<!tpu.dma_semaphore, #tpu.memory_space<semaphore_mem>>
        %dma_start3A_636 = arith.constant 0 : i32
        %dma_start3A_637 = arith.constant 0 : i32
        %dma_start3A_638 = tpu.memref_slice %arg11[%run_scoped3A_560, %dma_start3A_636, %dma_start3A_637] : memref<8x1x125xi32, #tpu.memory_space<vmem>> -> memref<1x1x125xi32, #tpu.memory_space<vmem>>
        %dma_start3A_639 = tpu.memref_squeeze %dma_start3A_638 : memref<1x1x125xi32, #tpu.memory_space<vmem>> -> memref<1x125xi32, #tpu.memory_space<vmem>>
        %dma_start3A_640 = arith.constant 0 : i32
        %dma_start3A_641 = tpu.memref_slice %dma_start3A_639[%run_scoped3A_561, %dma_start3A_640] : memref<1x125xi32, #tpu.memory_space<vmem>> -> memref<1x125xi32, #tpu.memory_space<vmem>>
        %dma_start3A_642 = tpu.memref_squeeze %dma_start3A_641 : memref<1x125xi32, #tpu.memory_space<vmem>> -> memref<125xi32, #tpu.memory_space<vmem>>
        %dma_start3A_643 = arith.constant 0 : i32
        %dma_start3A_644 = arith.constant 0 : i32
        %dma_start3A_645 = tpu.memref_slice %arg7[%dma_start3A_643, %dma_start3A_644] : memref<10112x128xf32, #tpu.memory_space<vmem_shared>> -> memref<10112x128xf32, #tpu.memory_space<vmem_shared>>
        tpu.enqueue_indirect_dma source(%arg12 : memref<125x128xf32, #tpu.memory_space<vmem>>) target(%dma_start3A_645 : memref<10112x128xf32, #tpu.memory_space<vmem_shared>>) offsets(%dma_start3A_642 : memref<125xi32, #tpu.memory_space<vmem>>) semaphore(%run_scoped3A_635 : memref<!tpu.dma_semaphore, #tpu.memory_space<semaphore_mem>>) {add = true}
        %dma_wait3A_646 = arith.constant 0 : i32
        %dma_wait3A_647 = arith.constant 0 : i32
        %dma_wait3A_648 = tpu.memref_slice %arg11[%run_scoped3A_560, %dma_wait3A_646, %dma_wait3A_647] : memref<8x1x125xi32, #tpu.memory_space<vmem>> -> memref<1x1x125xi32, #tpu.memory_space<vmem>>
        %dma_wait3A_649 = tpu.memref_squeeze %dma_wait3A_648 : memref<1x1x125xi32, #tpu.memory_space<vmem>> -> memref<1x125xi32, #tpu.memory_space<vmem>>
        %dma_wait3A_650 = arith.constant 0 : i32
        %dma_wait3A_651 = tpu.memref_slice %dma_wait3A_649[%run_scoped3A_561, %dma_wait3A_650] : memref<1x125xi32, #tpu.memory_space<vmem>> -> memref<1x125xi32, #tpu.memory_space<vmem>>
        %dma_wait3A_652 = tpu.memref_squeeze %dma_wait3A_651 : memref<1x125xi32, #tpu.memory_space<vmem>> -> memref<125xi32, #tpu.memory_space<vmem>>
        %dma_wait3A_653 = arith.constant 0 : i32
        %dma_wait3A_654 = arith.constant 0 : i32
        %dma_wait3A_655 = tpu.memref_slice %arg7[%dma_wait3A_653, %dma_wait3A_654] : memref<10112x128xf32, #tpu.memory_space<vmem_shared>> -> memref<10112x128xf32, #tpu.memory_space<vmem_shared>>
        tpu.wait_indirect_dma semaphore(%run_scoped3A_635 : memref<!tpu.dma_semaphore, #tpu.memory_space<semaphore_mem>>) src(%arg12 : memref<125x128xf32, #tpu.memory_space<vmem>>) dst(%dma_wait3A_655 : memref<10112x128xf32, #tpu.memory_space<vmem_shared>>)
        tpu.yield
      }) : () -> ()
      %dma_wait3A_562 = arith.constant 5 : i32
      %dma_wait3A_563 = arith.constant 0 : i32
      %dma_wait3A_564 = arith.constant 0 : i32
      %dma_wait3A_565 = arith.constant 0 : i32
      %dma_wait3A_566 = tpu.memref_slice %arg10[%dma_wait3A_562, %dma_wait3A_564, %dma_wait3A_565] : memref<8x1x125xi32, #tpu.memory_space<vmem>> -> memref<1x1x125xi32, #tpu.memory_space<vmem>>
      %dma_wait3A_567 = tpu.memref_squeeze %dma_wait3A_566 : memref<1x1x125xi32, #tpu.memory_space<vmem>> -> memref<1x125xi32, #tpu.memory_space<vmem>>
      %dma_wait3A_568 = arith.constant 0 : i32
      %dma_wait3A_569 = tpu.memref_slice %dma_wait3A_567[%dma_wait3A_563, %dma_wait3A_568] : memref<1x125xi32, #tpu.memory_space<vmem>> -> memref<1x125xi32, #tpu.memory_space<vmem>>
      %dma_wait3A_570 = tpu.memref_squeeze %dma_wait3A_569 : memref<1x125xi32, #tpu.memory_space<vmem>> -> memref<125xi32, #tpu.memory_space<vmem>>
      %dma_wait3A_571 = arith.constant 0 : i32
      %dma_wait3A_572 = arith.constant 0 : i32
      %dma_wait3A_573 = tpu.memref_slice %arg2[%dma_wait3A_571, %dma_wait3A_572] : memref<10112x128xf32, #tpu.memory_space<hbm>> -> memref<10112x128xf32, #tpu.memory_space<hbm>>
      tpu.wait_indirect_dma semaphore(%arg15 : memref<!tpu.dma_semaphore, #tpu.memory_space<semaphore_mem>>) src(%dma_wait3A_573 : memref<10112x128xf32, #tpu.memory_space<hbm>>) dst(%arg13 : memref<125x128xf32, #tpu.memory_space<vmem>>)
      %dma_start3A_574 = arith.constant 6 : i32
      %dma_start3A_575 = arith.constant 0 : i32
      %dma_start3A_576 = arith.constant 0 : i32
      %dma_start3A_577 = arith.constant 0 : i32
      %dma_start3A_578 = tpu.memref_slice %arg10[%dma_start3A_574, %dma_start3A_576, %dma_start3A_577] : memref<8x1x125xi32, #tpu.memory_space<vmem>> -> memref<1x1x125xi32, #tpu.memory_space<vmem>>
      %dma_start3A_579 = tpu.memref_squeeze %dma_start3A_578 : memref<1x1x125xi32, #tpu.memory_space<vmem>> -> memref<1x125xi32, #tpu.memory_space<vmem>>
      %dma_start3A_580 = arith.constant 0 : i32
      %dma_start3A_581 = tpu.memref_slice %dma_start3A_579[%dma_start3A_575, %dma_start3A_580] : memref<1x125xi32, #tpu.memory_space<vmem>> -> memref<1x125xi32, #tpu.memory_space<vmem>>
      %dma_start3A_582 = tpu.memref_squeeze %dma_start3A_581 : memref<1x125xi32, #tpu.memory_space<vmem>> -> memref<125xi32, #tpu.memory_space<vmem>>
      %dma_start3A_583 = arith.constant 0 : i32
      %dma_start3A_584 = arith.constant 0 : i32
      %dma_start3A_585 = tpu.memref_slice %arg2[%dma_start3A_583, %dma_start3A_584] : memref<10112x128xf32, #tpu.memory_space<hbm>> -> memref<10112x128xf32, #tpu.memory_space<hbm>>
      tpu.enqueue_indirect_dma source(%dma_start3A_585 : memref<10112x128xf32, #tpu.memory_space<hbm>>) target(%arg12 : memref<125x128xf32, #tpu.memory_space<vmem>>) offsets(%dma_start3A_582 : memref<125xi32, #tpu.memory_space<vmem>>) semaphore(%arg14 : memref<!tpu.dma_semaphore, #tpu.memory_space<semaphore_mem>>)
      %run_scoped3A_586 = arith.constant 5 : i32
      %run_scoped3A_587 = arith.constant 0 : i32
      "tpu.region"() ({
        %run_scoped3A_635 = tpu.sem_alloc : memref<!tpu.dma_semaphore, #tpu.memory_space<semaphore_mem>>
        %dma_start3A_636 = arith.constant 0 : i32
        %dma_start3A_637 = arith.constant 0 : i32
        %dma_start3A_638 = tpu.memref_slice %arg11[%run_scoped3A_586, %dma_start3A_636, %dma_start3A_637] : memref<8x1x125xi32, #tpu.memory_space<vmem>> -> memref<1x1x125xi32, #tpu.memory_space<vmem>>
        %dma_start3A_639 = tpu.memref_squeeze %dma_start3A_638 : memref<1x1x125xi32, #tpu.memory_space<vmem>> -> memref<1x125xi32, #tpu.memory_space<vmem>>
        %dma_start3A_640 = arith.constant 0 : i32
        %dma_start3A_641 = tpu.memref_slice %dma_start3A_639[%run_scoped3A_587, %dma_start3A_640] : memref<1x125xi32, #tpu.memory_space<vmem>> -> memref<1x125xi32, #tpu.memory_space<vmem>>
        %dma_start3A_642 = tpu.memref_squeeze %dma_start3A_641 : memref<1x125xi32, #tpu.memory_space<vmem>> -> memref<125xi32, #tpu.memory_space<vmem>>
        %dma_start3A_643 = arith.constant 0 : i32
        %dma_start3A_644 = arith.constant 0 : i32
        %dma_start3A_645 = tpu.memref_slice %arg7[%dma_start3A_643, %dma_start3A_644] : memref<10112x128xf32, #tpu.memory_space<vmem_shared>> -> memref<10112x128xf32, #tpu.memory_space<vmem_shared>>
        tpu.enqueue_indirect_dma source(%arg13 : memref<125x128xf32, #tpu.memory_space<vmem>>) target(%dma_start3A_645 : memref<10112x128xf32, #tpu.memory_space<vmem_shared>>) offsets(%dma_start3A_642 : memref<125xi32, #tpu.memory_space<vmem>>) semaphore(%run_scoped3A_635 : memref<!tpu.dma_semaphore, #tpu.memory_space<semaphore_mem>>) {add = true}
        %dma_wait3A_646 = arith.constant 0 : i32
        %dma_wait3A_647 = arith.constant 0 : i32
        %dma_wait3A_648 = tpu.memref_slice %arg11[%run_scoped3A_586, %dma_wait3A_646, %dma_wait3A_647] : memref<8x1x125xi32, #tpu.memory_space<vmem>> -> memref<1x1x125xi32, #tpu.memory_space<vmem>>
        %dma_wait3A_649 = tpu.memref_squeeze %dma_wait3A_648 : memref<1x1x125xi32, #tpu.memory_space<vmem>> -> memref<1x125xi32, #tpu.memory_space<vmem>>
        %dma_wait3A_650 = arith.constant 0 : i32
        %dma_wait3A_651 = tpu.memref_slice %dma_wait3A_649[%run_scoped3A_587, %dma_wait3A_650] : memref<1x125xi32, #tpu.memory_space<vmem>> -> memref<1x125xi32, #tpu.memory_space<vmem>>
        %dma_wait3A_652 = tpu.memref_squeeze %dma_wait3A_651 : memref<1x125xi32, #tpu.memory_space<vmem>> -> memref<125xi32, #tpu.memory_space<vmem>>
        %dma_wait3A_653 = arith.constant 0 : i32
        %dma_wait3A_654 = arith.constant 0 : i32
        %dma_wait3A_655 = tpu.memref_slice %arg7[%dma_wait3A_653, %dma_wait3A_654] : memref<10112x128xf32, #tpu.memory_space<vmem_shared>> -> memref<10112x128xf32, #tpu.memory_space<vmem_shared>>
        tpu.wait_indirect_dma semaphore(%run_scoped3A_635 : memref<!tpu.dma_semaphore, #tpu.memory_space<semaphore_mem>>) src(%arg13 : memref<125x128xf32, #tpu.memory_space<vmem>>) dst(%dma_wait3A_655 : memref<10112x128xf32, #tpu.memory_space<vmem_shared>>)
        tpu.yield
      }) : () -> ()
      %dma_wait3A_588 = arith.constant 6 : i32
      %dma_wait3A_589 = arith.constant 0 : i32
      %dma_wait3A_590 = arith.constant 0 : i32
      %dma_wait3A_591 = arith.constant 0 : i32
      %dma_wait3A_592 = tpu.memref_slice %arg10[%dma_wait3A_588, %dma_wait3A_590, %dma_wait3A_591] : memref<8x1x125xi32, #tpu.memory_space<vmem>> -> memref<1x1x125xi32, #tpu.memory_space<vmem>>
      %dma_wait3A_593 = tpu.memref_squeeze %dma_wait3A_592 : memref<1x1x125xi32, #tpu.memory_space<vmem>> -> memref<1x125xi32, #tpu.memory_space<vmem>>
      %dma_wait3A_594 = arith.constant 0 : i32
      %dma_wait3A_595 = tpu.memref_slice %dma_wait3A_593[%dma_wait3A_589, %dma_wait3A_594] : memref<1x125xi32, #tpu.memory_space<vmem>> -> memref<1x125xi32, #tpu.memory_space<vmem>>
      %dma_wait3A_596 = tpu.memref_squeeze %dma_wait3A_595 : memref<1x125xi32, #tpu.memory_space<vmem>> -> memref<125xi32, #tpu.memory_space<vmem>>
      %dma_wait3A_597 = arith.constant 0 : i32
      %dma_wait3A_598 = arith.constant 0 : i32
      %dma_wait3A_599 = tpu.memref_slice %arg2[%dma_wait3A_597, %dma_wait3A_598] : memref<10112x128xf32, #tpu.memory_space<hbm>> -> memref<10112x128xf32, #tpu.memory_space<hbm>>
      tpu.wait_indirect_dma semaphore(%arg14 : memref<!tpu.dma_semaphore, #tpu.memory_space<semaphore_mem>>) src(%dma_wait3A_599 : memref<10112x128xf32, #tpu.memory_space<hbm>>) dst(%arg12 : memref<125x128xf32, #tpu.memory_space<vmem>>)
      %dma_start3A_600 = arith.constant 7 : i32
      %dma_start3A_601 = arith.constant 0 : i32
      %dma_start3A_602 = arith.constant 0 : i32
      %dma_start3A_603 = arith.constant 0 : i32
      %dma_start3A_604 = tpu.memref_slice %arg10[%dma_start3A_600, %dma_start3A_602, %dma_start3A_603] : memref<8x1x125xi32, #tpu.memory_space<vmem>> -> memref<1x1x125xi32, #tpu.memory_space<vmem>>
      %dma_start3A_605 = tpu.memref_squeeze %dma_start3A_604 : memref<1x1x125xi32, #tpu.memory_space<vmem>> -> memref<1x125xi32, #tpu.memory_space<vmem>>
      %dma_start3A_606 = arith.constant 0 : i32
      %dma_start3A_607 = tpu.memref_slice %dma_start3A_605[%dma_start3A_601, %dma_start3A_606] : memref<1x125xi32, #tpu.memory_space<vmem>> -> memref<1x125xi32, #tpu.memory_space<vmem>>
      %dma_start3A_608 = tpu.memref_squeeze %dma_start3A_607 : memref<1x125xi32, #tpu.memory_space<vmem>> -> memref<125xi32, #tpu.memory_space<vmem>>
      %dma_start3A_609 = arith.constant 0 : i32
      %dma_start3A_610 = arith.constant 0 : i32
      %dma_start3A_611 = tpu.memref_slice %arg2[%dma_start3A_609, %dma_start3A_610] : memref<10112x128xf32, #tpu.memory_space<hbm>> -> memref<10112x128xf32, #tpu.memory_space<hbm>>
      tpu.enqueue_indirect_dma source(%dma_start3A_611 : memref<10112x128xf32, #tpu.memory_space<hbm>>) target(%arg13 : memref<125x128xf32, #tpu.memory_space<vmem>>) offsets(%dma_start3A_608 : memref<125xi32, #tpu.memory_space<vmem>>) semaphore(%arg15 : memref<!tpu.dma_semaphore, #tpu.memory_space<semaphore_mem>>)
      %run_scoped3A_612 = arith.constant 6 : i32
      %run_scoped3A_613 = arith.constant 0 : i32
      "tpu.region"() ({
        %run_scoped3A_635 = tpu.sem_alloc : memref<!tpu.dma_semaphore, #tpu.memory_space<semaphore_mem>>
        %dma_start3A_636 = arith.constant 0 : i32
        %dma_start3A_637 = arith.constant 0 : i32
        %dma_start3A_638 = tpu.memref_slice %arg11[%run_scoped3A_612, %dma_start3A_636, %dma_start3A_637] : memref<8x1x125xi32, #tpu.memory_space<vmem>> -> memref<1x1x125xi32, #tpu.memory_space<vmem>>
        %dma_start3A_639 = tpu.memref_squeeze %dma_start3A_638 : memref<1x1x125xi32, #tpu.memory_space<vmem>> -> memref<1x125xi32, #tpu.memory_space<vmem>>
        %dma_start3A_640 = arith.constant 0 : i32
        %dma_start3A_641 = tpu.memref_slice %dma_start3A_639[%run_scoped3A_613, %dma_start3A_640] : memref<1x125xi32, #tpu.memory_space<vmem>> -> memref<1x125xi32, #tpu.memory_space<vmem>>
        %dma_start3A_642 = tpu.memref_squeeze %dma_start3A_641 : memref<1x125xi32, #tpu.memory_space<vmem>> -> memref<125xi32, #tpu.memory_space<vmem>>
        %dma_start3A_643 = arith.constant 0 : i32
        %dma_start3A_644 = arith.constant 0 : i32
        %dma_start3A_645 = tpu.memref_slice %arg7[%dma_start3A_643, %dma_start3A_644] : memref<10112x128xf32, #tpu.memory_space<vmem_shared>> -> memref<10112x128xf32, #tpu.memory_space<vmem_shared>>
        tpu.enqueue_indirect_dma source(%arg12 : memref<125x128xf32, #tpu.memory_space<vmem>>) target(%dma_start3A_645 : memref<10112x128xf32, #tpu.memory_space<vmem_shared>>) offsets(%dma_start3A_642 : memref<125xi32, #tpu.memory_space<vmem>>) semaphore(%run_scoped3A_635 : memref<!tpu.dma_semaphore, #tpu.memory_space<semaphore_mem>>) {add = true}
        %dma_wait3A_646 = arith.constant 0 : i32
        %dma_wait3A_647 = arith.constant 0 : i32
        %dma_wait3A_648 = tpu.memref_slice %arg11[%run_scoped3A_612, %dma_wait3A_646, %dma_wait3A_647] : memref<8x1x125xi32, #tpu.memory_space<vmem>> -> memref<1x1x125xi32, #tpu.memory_space<vmem>>
        %dma_wait3A_649 = tpu.memref_squeeze %dma_wait3A_648 : memref<1x1x125xi32, #tpu.memory_space<vmem>> -> memref<1x125xi32, #tpu.memory_space<vmem>>
        %dma_wait3A_650 = arith.constant 0 : i32
        %dma_wait3A_651 = tpu.memref_slice %dma_wait3A_649[%run_scoped3A_613, %dma_wait3A_650] : memref<1x125xi32, #tpu.memory_space<vmem>> -> memref<1x125xi32, #tpu.memory_space<vmem>>
        %dma_wait3A_652 = tpu.memref_squeeze %dma_wait3A_651 : memref<1x125xi32, #tpu.memory_space<vmem>> -> memref<125xi32, #tpu.memory_space<vmem>>
        %dma_wait3A_653 = arith.constant 0 : i32
        %dma_wait3A_654 = arith.constant 0 : i32
        %dma_wait3A_655 = tpu.memref_slice %arg7[%dma_wait3A_653, %dma_wait3A_654] : memref<10112x128xf32, #tpu.memory_space<vmem_shared>> -> memref<10112x128xf32, #tpu.memory_space<vmem_shared>>
        tpu.wait_indirect_dma semaphore(%run_scoped3A_635 : memref<!tpu.dma_semaphore, #tpu.memory_space<semaphore_mem>>) src(%arg12 : memref<125x128xf32, #tpu.memory_space<vmem>>) dst(%dma_wait3A_655 : memref<10112x128xf32, #tpu.memory_space<vmem_shared>>)
        tpu.yield
      }) : () -> ()
      %dma_wait3A_614 = arith.constant 7 : i32
      %dma_wait3A_615 = arith.constant 0 : i32
      %dma_wait3A_616 = arith.constant 0 : i32
      %dma_wait3A_617 = arith.constant 0 : i32
      %dma_wait3A_618 = tpu.memref_slice %arg10[%dma_wait3A_614, %dma_wait3A_616, %dma_wait3A_617] : memref<8x1x125xi32, #tpu.memory_space<vmem>> -> memref<1x1x125xi32, #tpu.memory_space<vmem>>
      %dma_wait3A_619 = tpu.memref_squeeze %dma_wait3A_618 : memref<1x1x125xi32, #tpu.memory_space<vmem>> -> memref<1x125xi32, #tpu.memory_space<vmem>>
      %dma_wait3A_620 = arith.constant 0 : i32
      %dma_wait3A_621 = tpu.memref_slice %dma_wait3A_619[%dma_wait3A_615, %dma_wait3A_620] : memref<1x125xi32, #tpu.memory_space<vmem>> -> memref<1x125xi32, #tpu.memory_space<vmem>>
      %dma_wait3A_622 = tpu.memref_squeeze %dma_wait3A_621 : memref<1x125xi32, #tpu.memory_space<vmem>> -> memref<125xi32, #tpu.memory_space<vmem>>
      %dma_wait3A_623 = arith.constant 0 : i32
      %dma_wait3A_624 = arith.constant 0 : i32
      %dma_wait3A_625 = tpu.memref_slice %arg2[%dma_wait3A_623, %dma_wait3A_624] : memref<10112x128xf32, #tpu.memory_space<hbm>> -> memref<10112x128xf32, #tpu.memory_space<hbm>>
      tpu.wait_indirect_dma semaphore(%arg15 : memref<!tpu.dma_semaphore, #tpu.memory_space<semaphore_mem>>) src(%dma_wait3A_625 : memref<10112x128xf32, #tpu.memory_space<hbm>>) dst(%arg13 : memref<125x128xf32, #tpu.memory_space<vmem>>)
      %run_scoped3A_626 = arith.constant 7 : i32
      %run_scoped3A_627 = arith.constant 0 : i32
      "tpu.region"() ({
        %run_scoped3A_635 = tpu.sem_alloc : memref<!tpu.dma_semaphore, #tpu.memory_space<semaphore_mem>>
        %dma_start3A_636 = arith.constant 0 : i32
        %dma_start3A_637 = arith.constant 0 : i32
        %dma_start3A_638 = tpu.memref_slice %arg11[%run_scoped3A_626, %dma_start3A_636, %dma_start3A_637] : memref<8x1x125xi32, #tpu.memory_space<vmem>> -> memref<1x1x125xi32, #tpu.memory_space<vmem>>
        %dma_start3A_639 = tpu.memref_squeeze %dma_start3A_638 : memref<1x1x125xi32, #tpu.memory_space<vmem>> -> memref<1x125xi32, #tpu.memory_space<vmem>>
        %dma_start3A_640 = arith.constant 0 : i32
        %dma_start3A_641 = tpu.memref_slice %dma_start3A_639[%run_scoped3A_627, %dma_start3A_640] : memref<1x125xi32, #tpu.memory_space<vmem>> -> memref<1x125xi32, #tpu.memory_space<vmem>>
        %dma_start3A_642 = tpu.memref_squeeze %dma_start3A_641 : memref<1x125xi32, #tpu.memory_space<vmem>> -> memref<125xi32, #tpu.memory_space<vmem>>
        %dma_start3A_643 = arith.constant 0 : i32
        %dma_start3A_644 = arith.constant 0 : i32
        %dma_start3A_645 = tpu.memref_slice %arg7[%dma_start3A_643, %dma_start3A_644] : memref<10112x128xf32, #tpu.memory_space<vmem_shared>> -> memref<10112x128xf32, #tpu.memory_space<vmem_shared>>
        tpu.enqueue_indirect_dma source(%arg13 : memref<125x128xf32, #tpu.memory_space<vmem>>) target(%dma_start3A_645 : memref<10112x128xf32, #tpu.memory_space<vmem_shared>>) offsets(%dma_start3A_642 : memref<125xi32, #tpu.memory_space<vmem>>) semaphore(%run_scoped3A_635 : memref<!tpu.dma_semaphore, #tpu.memory_space<semaphore_mem>>) {add = true}
        %dma_wait3A_646 = arith.constant 0 : i32
        %dma_wait3A_647 = arith.constant 0 : i32
        %dma_wait3A_648 = tpu.memref_slice %arg11[%run_scoped3A_626, %dma_wait3A_646, %dma_wait3A_647] : memref<8x1x125xi32, #tpu.memory_space<vmem>> -> memref<1x1x125xi32, #tpu.memory_space<vmem>>
        %dma_wait3A_649 = tpu.memref_squeeze %dma_wait3A_648 : memref<1x1x125xi32, #tpu.memory_space<vmem>> -> memref<1x125xi32, #tpu.memory_space<vmem>>
        %dma_wait3A_650 = arith.constant 0 : i32
        %dma_wait3A_651 = tpu.memref_slice %dma_wait3A_649[%run_scoped3A_627, %dma_wait3A_650] : memref<1x125xi32, #tpu.memory_space<vmem>> -> memref<1x125xi32, #tpu.memory_space<vmem>>
        %dma_wait3A_652 = tpu.memref_squeeze %dma_wait3A_651 : memref<1x125xi32, #tpu.memory_space<vmem>> -> memref<125xi32, #tpu.memory_space<vmem>>
        %dma_wait3A_653 = arith.constant 0 : i32
        %dma_wait3A_654 = arith.constant 0 : i32
        %dma_wait3A_655 = tpu.memref_slice %arg7[%dma_wait3A_653, %dma_wait3A_654] : memref<10112x128xf32, #tpu.memory_space<vmem_shared>> -> memref<10112x128xf32, #tpu.memory_space<vmem_shared>>
        tpu.wait_indirect_dma semaphore(%run_scoped3A_635 : memref<!tpu.dma_semaphore, #tpu.memory_space<semaphore_mem>>) src(%arg13 : memref<125x128xf32, #tpu.memory_space<vmem>>) dst(%dma_wait3A_655 : memref<10112x128xf32, #tpu.memory_space<vmem_shared>>)
        tpu.yield
      }) : () -> ()
      %add3A_628 = arith.constant 3 : i32
      %add3A_629 = arith.addi %add3A_119, %add3A_628 : i32
      %lt3A_630 = arith.constant 10 : i32
      %lt3A_631 = arith.cmpi slt, %add3A_629, %lt3A_630 : i32
      %convert_element_type3A_632 = arith.extui %lt3A_631 : i1 to i32
      %cond3A_633 = arith.constant 0 : i32
      %cond3A_634 = arith.cmpi ne, %convert_element_type3A_632, %cond3A_633 : i32
      scf.if %cond3A_634 {
        %add3A_635 = arith.constant 3 : i32
        %add3A_636 = arith.addi %add3A_119, %add3A_635 : i32
        %dma_start3A_637 = arith.constant 0 : i32
        %dma_start3A_638 = arith.constant 0 : i32
        %dma_start3A_639 = arith.constant 0 : i32
        %dma_start3A_640 = arith.constant 0 : i32
        %dma_start3A_641 = tpu.memref_slice %arg3[%add3A, %dma_start3A_637, %dma_start3A_638, %dma_start3A_639, %dma_start3A_640] : memref<32x10x8x1x125xi32, #tpu.memory_space<hbm>> -> memref<1x10x8x1x125xi32, #tpu.memory_space<hbm>>
        %dma_start3A_642 = tpu.memref_squeeze %dma_start3A_641 : memref<1x10x8x1x125xi32, #tpu.memory_space<hbm>> -> memref<10x8x1x125xi32, #tpu.memory_space<hbm>>
        %dma_start3A_643 = arith.constant 0 : i32
        %dma_start3A_644 = arith.constant 0 : i32
        %dma_start3A_645 = arith.constant 0 : i32
        %dma_start3A_646 = tpu.memref_slice %dma_start3A_642[%add3A_636, %dma_start3A_643, %dma_start3A_644, %dma_start3A_645] : memref<10x8x1x125xi32, #tpu.memory_space<hbm>> -> memref<1x8x1x125xi32, #tpu.memory_space<hbm>>
        %dma_start3A_647 = tpu.memref_squeeze %dma_start3A_646 : memref<1x8x1x125xi32, #tpu.memory_space<hbm>> -> memref<8x1x125xi32, #tpu.memory_space<hbm>>
        %dma_start3A_648 = arith.constant 0 : i32
        %dma_start3A_649 = arith.constant 0 : i32
        %dma_start3A_650 = arith.constant 0 : i32
        %dma_start3A_651 = arith.constant 0 : i32
        %dma_start3A_652 = tpu.memref_slice %arg3[%add3A, %dma_start3A_648, %dma_start3A_649, %dma_start3A_650, %dma_start3A_651] : memref<32x10x8x1x125xi32, #tpu.memory_space<hbm>> -> memref<1x10x8x1x125xi32, #tpu.memory_space<hbm>>
        %dma_start3A_653 = tpu.memref_squeeze %dma_start3A_652 : memref<1x10x8x1x125xi32, #tpu.memory_space<hbm>> -> memref<10x8x1x125xi32, #tpu.memory_space<hbm>>
        %dma_start3A_654 = arith.constant 0 : i32
        %dma_start3A_655 = arith.constant 0 : i32
        %dma_start3A_656 = arith.constant 0 : i32
        %dma_start3A_657 = tpu.memref_slice %dma_start3A_653[%add3A_636, %dma_start3A_654, %dma_start3A_655, %dma_start3A_656] : memref<10x8x1x125xi32, #tpu.memory_space<hbm>> -> memref<1x8x1x125xi32, #tpu.memory_space<hbm>>
        %dma_start3A_658 = tpu.memref_squeeze %dma_start3A_657 : memref<1x8x1x125xi32, #tpu.memory_space<hbm>> -> memref<8x1x125xi32, #tpu.memory_space<hbm>>
        tpu.enqueue_dma source(%dma_start3A_658 : memref<8x1x125xi32, #tpu.memory_space<hbm>>) target(%arg10 : memref<8x1x125xi32, #tpu.memory_space<vmem>>) target_semaphore(%arg17 : memref<!tpu.dma_semaphore, #tpu.memory_space<semaphore_mem>>)
        %dma_start3A_659 = arith.constant 0 : i32
        %dma_start3A_660 = arith.constant 0 : i32
        %dma_start3A_661 = arith.constant 0 : i32
        %dma_start3A_662 = arith.constant 0 : i32
        %dma_start3A_663 = tpu.memref_slice %arg4[%add3A, %dma_start3A_659, %dma_start3A_660, %dma_start3A_661, %dma_start3A_662] : memref<32x10x8x1x125xi32, #tpu.memory_space<hbm>> -> memref<1x10x8x1x125xi32, #tpu.memory_space<hbm>>
        %dma_start3A_664 = tpu.memref_squeeze %dma_start3A_663 : memref<1x10x8x1x125xi32, #tpu.memory_space<hbm>> -> memref<10x8x1x125xi32, #tpu.memory_space<hbm>>
        %dma_start3A_665 = arith.constant 0 : i32
        %dma_start3A_666 = arith.constant 0 : i32
        %dma_start3A_667 = arith.constant 0 : i32
        %dma_start3A_668 = tpu.memref_slice %dma_start3A_664[%add3A_636, %dma_start3A_665, %dma_start3A_666, %dma_start3A_667] : memref<10x8x1x125xi32, #tpu.memory_space<hbm>> -> memref<1x8x1x125xi32, #tpu.memory_space<hbm>>
        %dma_start3A_669 = tpu.memref_squeeze %dma_start3A_668 : memref<1x8x1x125xi32, #tpu.memory_space<hbm>> -> memref<8x1x125xi32, #tpu.memory_space<hbm>>
        %dma_start3A_670 = arith.constant 0 : i32
        %dma_start3A_671 = arith.constant 0 : i32
        %dma_start3A_672 = arith.constant 0 : i32
        %dma_start3A_673 = arith.constant 0 : i32
        %dma_start3A_674 = tpu.memref_slice %arg4[%add3A, %dma_start3A_670, %dma_start3A_671, %dma_start3A_672, %dma_start3A_673] : memref<32x10x8x1x125xi32, #tpu.memory_space<hbm>> -> memref<1x10x8x1x125xi32, #tpu.memory_space<hbm>>
        %dma_start3A_675 = tpu.memref_squeeze %dma_start3A_674 : memref<1x10x8x1x125xi32, #tpu.memory_space<hbm>> -> memref<10x8x1x125xi32, #tpu.memory_space<hbm>>
        %dma_start3A_676 = arith.constant 0 : i32
        %dma_start3A_677 = arith.constant 0 : i32
        %dma_start3A_678 = arith.constant 0 : i32
        %dma_start3A_679 = tpu.memref_slice %dma_start3A_675[%add3A_636, %dma_start3A_676, %dma_start3A_677, %dma_start3A_678] : memref<10x8x1x125xi32, #tpu.memory_space<hbm>> -> memref<1x8x1x125xi32, #tpu.memory_space<hbm>>
        %dma_start3A_680 = tpu.memref_squeeze %dma_start3A_679 : memref<1x8x1x125xi32, #tpu.memory_space<hbm>> -> memref<8x1x125xi32, #tpu.memory_space<hbm>>
        tpu.enqueue_dma source(%dma_start3A_680 : memref<8x1x125xi32, #tpu.memory_space<hbm>>) target(%arg11 : memref<8x1x125xi32, #tpu.memory_space<vmem>>) target_semaphore(%arg17 : memref<!tpu.dma_semaphore, #tpu.memory_space<semaphore_mem>>)
      } else {
      }
    }
    %scan3A_109 = arith.constant 5 : i32
    %barrier3A_110 = arith.constant 0 : index
    tpu.barrier barrier_id(%barrier3A_110)
    %mul3A_111 = arith.constant 632 : i32
    %mul3A_112 = arith.muli %arg1, %mul3A_111 : i32
    %mul3A_113 = arith.constant 632 : i32
    %mul3A_114 = arith.muli %arg1, %mul3A_113 : i32
    "tpu.region"() ({
      %run_scoped3A = tpu.sem_alloc : memref<!tpu.dma_semaphore, #tpu.memory_space<semaphore_mem>>
      %dma_start3A_115 = arith.constant 0 : i32
      %dma_start3A_116 = arith.constant 0 : i32
      %dma_start3A_117 = tpu.memref_slice %arg6[%arg0, %dma_start3A_115, %dma_start3A_116] : memref<2x10112x128xf32, #tpu.memory_space<hbm>> -> memref<1x10112x128xf32, #tpu.memory_space<hbm>>
      %dma_start3A_118 = tpu.memref_squeeze %dma_start3A_117 : memref<1x10112x128xf32, #tpu.memory_space<hbm>> -> memref<10112x128xf32, #tpu.memory_space<hbm>>
      %dma_start3A_119 = arith.constant 0 : i32
      %dma_start3A_120 = tpu.memref_slice %dma_start3A_118[%mul3A_114, %dma_start3A_119] : memref<10112x128xf32, #tpu.memory_space<hbm>> -> memref<632x128xf32, #tpu.memory_space<hbm>>
      %dma_start3A_121 = arith.constant 0 : i32
      %dma_start3A_122 = tpu.memref_slice %arg7[%mul3A_112, %dma_start3A_121] : memref<10112x128xf32, #tpu.memory_space<vmem_shared>> -> memref<632x128xf32, #tpu.memory_space<vmem_shared>>
      tpu.enqueue_dma source(%dma_start3A_122 : memref<632x128xf32, #tpu.memory_space<vmem_shared>>) target(%dma_start3A_120 : memref<632x128xf32, #tpu.memory_space<hbm>>) target_semaphore(%run_scoped3A : memref<!tpu.dma_semaphore, #tpu.memory_space<semaphore_mem>>)
      %dma_wait3A = arith.constant 0 : i32
      %dma_wait3A_123 = arith.constant 0 : i32
      %dma_wait3A_124 = tpu.memref_slice %arg6[%arg0, %dma_wait3A, %dma_wait3A_123] : memref<2x10112x128xf32, #tpu.memory_space<hbm>> -> memref<1x10112x128xf32, #tpu.memory_space<hbm>>
      %dma_wait3A_125 = tpu.memref_squeeze %dma_wait3A_124 : memref<1x10112x128xf32, #tpu.memory_space<hbm>> -> memref<10112x128xf32, #tpu.memory_space<hbm>>
      %dma_wait3A_126 = arith.constant 0 : i32
      %dma_wait3A_127 = tpu.memref_slice %dma_wait3A_125[%mul3A_114, %dma_wait3A_126] : memref<10112x128xf32, #tpu.memory_space<hbm>> -> memref<632x128xf32, #tpu.memory_space<hbm>>
      %dma_wait3A_128 = arith.constant 0 : i32
      %dma_wait3A_129 = tpu.memref_slice %arg7[%mul3A_112, %dma_wait3A_128] : memref<10112x128xf32, #tpu.memory_space<vmem_shared>> -> memref<632x128xf32, #tpu.memory_space<vmem_shared>>
      tpu.wait_dma2 semaphore(%run_scoped3A : memref<!tpu.dma_semaphore, #tpu.memory_space<semaphore_mem>>) src(%dma_wait3A_129 : memref<632x128xf32, #tpu.memory_space<vmem_shared>>) dst(%dma_wait3A_127 : memref<632x128xf32, #tpu.memory_space<hbm>>)
      tpu.yield
    }) : () -> ()
    return
  }
}

#map = affine_map<(d0, d1) -> (0, 0)>
#map1 = affine_map<(d0, d1) -> (0, 0, 0, 0, 0)>
#map2 = affine_map<(d0, d1) -> (0, 0, 0)>
module attributes {stable_mosaic.version = 14 : i64} {
  func.func @_sc_edge_agg(%arg0: i32, %arg1: i32, %arg2: memref<10112x128xf32, #tpu.memory_space<hbm>>, %arg3: memref<32x10x8x1x125xi32, #tpu.memory_space<hbm>>, %arg4: memref<32x10x8x1x125xi32, #tpu.memory_space<hbm>>, %arg5: memref<125x128xf32, #tpu.memory_space<hbm>>, %arg6: memref<2x10112x128xf32, #tpu.memory_space<hbm>>, %arg7: memref<10112x128xf32, #tpu.memory_space<vmem_shared>>, %arg8: memref<8x1x125xi32, #tpu.memory_space<vmem>>, %arg9: memref<8x1x125xi32, #tpu.memory_space<vmem>>, %arg10: memref<8x1x125xi32, #tpu.memory_space<vmem>>, %arg11: memref<8x1x125xi32, #tpu.memory_space<vmem>>, %arg12: memref<125x128xf32, #tpu.memory_space<vmem>>, %arg13: memref<125x128xf32, #tpu.memory_space<vmem>>, %arg14: memref<!tpu.dma_semaphore, #tpu.memory_space<semaphore_mem>>, %arg15: memref<!tpu.dma_semaphore, #tpu.memory_space<semaphore_mem>>, %arg16: memref<!tpu.dma_semaphore, #tpu.memory_space<semaphore_mem>>, %arg17: memref<!tpu.dma_semaphore, #tpu.memory_space<semaphore_mem>>) attributes {dimension_semantics = [#tpu.dimension_semantics<core_parallel>, #tpu.dimension_semantics<subcore_parallel>], iteration_bounds = array<i64: 2, 16>, scalar_prefetch = 0 : i64, scratch_operands = 11 : i64, tpu.core_type = #tpu.core_type<sc_vector_subcore>, window_params = [{transform_indices = #map}, {transform_indices = #map1}, {transform_indices = #map1}, {transform_indices = #map}, {transform_indices = #map2}]} {
    %mul3A = arith.constant 2 : i32
    %mul3A_0 = arith.muli %arg1, %mul3A : i32
    %add3A = arith.addi %mul3A_0, %arg0 : i32
    "tpu.region"() ({
      %run_scoped3A = tpu.sem_alloc : memref<!tpu.dma_semaphore, #tpu.memory_space<semaphore_mem>>
      tpu.enqueue_dma source(%arg5 : memref<125x128xf32, #tpu.memory_space<hbm>>) target(%arg12 : memref<125x128xf32, #tpu.memory_space<vmem>>) target_semaphore(%run_scoped3A : memref<!tpu.dma_semaphore, #tpu.memory_space<semaphore_mem>>)
      tpu.wait_dma2 semaphore(%run_scoped3A : memref<!tpu.dma_semaphore, #tpu.memory_space<semaphore_mem>>) src(%arg5 : memref<125x128xf32, #tpu.memory_space<hbm>>) dst(%arg12 : memref<125x128xf32, #tpu.memory_space<vmem>>)
      tpu.yield
    }) : () -> ()
    %mul3A_1 = arith.constant 632 : i32
    %mul3A_2 = arith.muli %arg1, %mul3A_1 : i32
    %add3A_3 = arith.constant 0 : i32
    %add3A_4 = arith.addi %mul3A_2, %add3A_3 : i32
    "tpu.region"() ({
      %run_scoped3A = tpu.sem_alloc : memref<!tpu.dma_semaphore, #tpu.memory_space<semaphore_mem>>
      %dma_start3A_115 = arith.constant 0 : i32
      %dma_start3A_116 = arith.constant 0 : i32
      %dma_start3A_117 = tpu.memref_slice %arg12[%dma_start3A_115, %dma_start3A_116] : memref<125x128xf32, #tpu.memory_space<vmem>> -> memref<120x128xf32, #tpu.memory_space<vmem>>
      %dma_start3A_118 = arith.constant 0 : i32
      %dma_start3A_119 = tpu.memref_slice %arg7[%add3A_4, %dma_start3A_118] : memref<10112x128xf32, #tpu.memory_space<vmem_shared>> -> memref<120x128xf32, #tpu.memory_space<vmem_shared>>
      %dma_start3A_120 = arith.constant 0 : i32
      %dma_start3A_121 = tpu.memref_slice %arg7[%add3A_4, %dma_start3A_120] : memref<10112x128xf32, #tpu.memory_space<vmem_shared>> -> memref<120x128xf32, #tpu.memory_space<vmem_shared>>
      %dma_start3A_122 = arith.constant 0 : i32
      %dma_start3A_123 = arith.constant 0 : i32
      %dma_start3A_124 = tpu.memref_slice %arg12[%dma_start3A_122, %dma_start3A_123] : memref<125x128xf32, #tpu.memory_space<vmem>> -> memref<120x128xf32, #tpu.memory_space<vmem>>
      tpu.enqueue_dma source(%dma_start3A_124 : memref<120x128xf32, #tpu.memory_space<vmem>>) target(%dma_start3A_121 : memref<120x128xf32, #tpu.memory_space<vmem_shared>>) target_semaphore(%run_scoped3A : memref<!tpu.dma_semaphore, #tpu.memory_space<semaphore_mem>>)
      %dma_wait3A = arith.constant 0 : i32
      %dma_wait3A_125 = arith.constant 0 : i32
      %dma_wait3A_126 = tpu.memref_slice %arg12[%dma_wait3A, %dma_wait3A_125] : memref<125x128xf32, #tpu.memory_space<vmem>> -> memref<120x128xf32, #tpu.memory_space<vmem>>
      %dma_wait3A_127 = arith.constant 0 : i32
      %dma_wait3A_128 = tpu.memref_slice %arg7[%add3A_4, %dma_wait3A_127] : memref<10112x128xf32, #tpu.memory_space<vmem_shared>> -> memref<120x128xf32, #tpu.memory_space<vmem_shared>>
      %dma_wait3A_129 = arith.constant 0 : i32
      %dma_wait3A_130 = tpu.memref_slice %arg7[%add3A_4, %dma_wait3A_129] : memref<10112x128xf32, #tpu.memory_space<vmem_shared>> -> memref<120x128xf32, #tpu.memory_space<vmem_shared>>
      %dma_wait3A_131 = arith.constant 0 : i32
      %dma_wait3A_132 = arith.constant 0 : i32
      %dma_wait3A_133 = tpu.memref_slice %arg12[%dma_wait3A_131, %dma_wait3A_132] : memref<125x128xf32, #tpu.memory_space<vmem>> -> memref<120x128xf32, #tpu.memory_space<vmem>>
      tpu.wait_dma2 semaphore(%run_scoped3A : memref<!tpu.dma_semaphore, #tpu.memory_space<semaphore_mem>>) src(%dma_wait3A_133 : memref<120x128xf32, #tpu.memory_space<vmem>>) dst(%dma_wait3A_130 : memref<120x128xf32, #tpu.memory_space<vmem_shared>>)
      tpu.yield
    }) : () -> ()
    %add3A_5 = arith.constant 120 : i32
    %add3A_6 = arith.addi %mul3A_2, %add3A_5 : i32
    "tpu.region"() ({
      %run_scoped3A = tpu.sem_alloc : memref<!tpu.dma_semaphore, #tpu.memory_space<semaphore_mem>>
      %dma_start3A_115 = arith.constant 0 : i32
      %dma_start3A_116 = arith.constant 0 : i32
      %dma_start3A_117 = tpu.memref_slice %arg12[%dma_start3A_115, %dma_start3A_116] : memref<125x128xf32, #tpu.memory_space<vmem>> -> memref<120x128xf32, #tpu.memory_space<vmem>>
      %dma_start3A_118 = arith.constant 0 : i32
      %dma_start3A_119 = tpu.memref_slice %arg7[%add3A_6, %dma_start3A_118] : memref<10112x128xf32, #tpu.memory_space<vmem_shared>> -> memref<120x128xf32, #tpu.memory_space<vmem_shared>>
      %dma_start3A_120 = arith.constant 0 : i32
      %dma_start3A_121 = tpu.memref_slice %arg7[%add3A_6, %dma_start3A_120] : memref<10112x128xf32, #tpu.memory_space<vmem_shared>> -> memref<120x128xf32, #tpu.memory_space<vmem_shared>>
      %dma_start3A_122 = arith.constant 0 : i32
      %dma_start3A_123 = arith.constant 0 : i32
      %dma_start3A_124 = tpu.memref_slice %arg12[%dma_start3A_122, %dma_start3A_123] : memref<125x128xf32, #tpu.memory_space<vmem>> -> memref<120x128xf32, #tpu.memory_space<vmem>>
      tpu.enqueue_dma source(%dma_start3A_124 : memref<120x128xf32, #tpu.memory_space<vmem>>) target(%dma_start3A_121 : memref<120x128xf32, #tpu.memory_space<vmem_shared>>) target_semaphore(%run_scoped3A : memref<!tpu.dma_semaphore, #tpu.memory_space<semaphore_mem>>)
      %dma_wait3A = arith.constant 0 : i32
      %dma_wait3A_125 = arith.constant 0 : i32
      %dma_wait3A_126 = tpu.memref_slice %arg12[%dma_wait3A, %dma_wait3A_125] : memref<125x128xf32, #tpu.memory_space<vmem>> -> memref<120x128xf32, #tpu.memory_space<vmem>>
      %dma_wait3A_127 = arith.constant 0 : i32
      %dma_wait3A_128 = tpu.memref_slice %arg7[%add3A_6, %dma_wait3A_127] : memref<10112x128xf32, #tpu.memory_space<vmem_shared>> -> memref<120x128xf32, #tpu.memory_space<vmem_shared>>
      %dma_wait3A_129 = arith.constant 0 : i32
      %dma_wait3A_130 = tpu.memref_slice %arg7[%add3A_6, %dma_wait3A_129] : memref<10112x128xf32, #tpu.memory_space<vmem_shared>> -> memref<120x128xf32, #tpu.memory_space<vmem_shared>>
      %dma_wait3A_131 = arith.constant 0 : i32
      %dma_wait3A_132 = arith.constant 0 : i32
      %dma_wait3A_133 = tpu.memref_slice %arg12[%dma_wait3A_131, %dma_wait3A_132] : memref<125x128xf32, #tpu.memory_space<vmem>> -> memref<120x128xf32, #tpu.memory_space<vmem>>
      tpu.wait_dma2 semaphore(%run_scoped3A : memref<!tpu.dma_semaphore, #tpu.memory_space<semaphore_mem>>) src(%dma_wait3A_133 : memref<120x128xf32, #tpu.memory_space<vmem>>) dst(%dma_wait3A_130 : memref<120x128xf32, #tpu.memory_space<vmem_shared>>)
      tpu.yield
    }) : () -> ()
    %add3A_7 = arith.constant 240 : i32
    %add3A_8 = arith.addi %mul3A_2, %add3A_7 : i32
    "tpu.region"() ({
      %run_scoped3A = tpu.sem_alloc : memref<!tpu.dma_semaphore, #tpu.memory_space<semaphore_mem>>
      %dma_start3A_115 = arith.constant 0 : i32
      %dma_start3A_116 = arith.constant 0 : i32
      %dma_start3A_117 = tpu.memref_slice %arg12[%dma_start3A_115, %dma_start3A_116] : memref<125x128xf32, #tpu.memory_space<vmem>> -> memref<120x128xf32, #tpu.memory_space<vmem>>
      %dma_start3A_118 = arith.constant 0 : i32
      %dma_start3A_119 = tpu.memref_slice %arg7[%add3A_8, %dma_start3A_118] : memref<10112x128xf32, #tpu.memory_space<vmem_shared>> -> memref<120x128xf32, #tpu.memory_space<vmem_shared>>
      %dma_start3A_120 = arith.constant 0 : i32
      %dma_start3A_121 = tpu.memref_slice %arg7[%add3A_8, %dma_start3A_120] : memref<10112x128xf32, #tpu.memory_space<vmem_shared>> -> memref<120x128xf32, #tpu.memory_space<vmem_shared>>
      %dma_start3A_122 = arith.constant 0 : i32
      %dma_start3A_123 = arith.constant 0 : i32
      %dma_start3A_124 = tpu.memref_slice %arg12[%dma_start3A_122, %dma_start3A_123] : memref<125x128xf32, #tpu.memory_space<vmem>> -> memref<120x128xf32, #tpu.memory_space<vmem>>
      tpu.enqueue_dma source(%dma_start3A_124 : memref<120x128xf32, #tpu.memory_space<vmem>>) target(%dma_start3A_121 : memref<120x128xf32, #tpu.memory_space<vmem_shared>>) target_semaphore(%run_scoped3A : memref<!tpu.dma_semaphore, #tpu.memory_space<semaphore_mem>>)
      %dma_wait3A = arith.constant 0 : i32
      %dma_wait3A_125 = arith.constant 0 : i32
      %dma_wait3A_126 = tpu.memref_slice %arg12[%dma_wait3A, %dma_wait3A_125] : memref<125x128xf32, #tpu.memory_space<vmem>> -> memref<120x128xf32, #tpu.memory_space<vmem>>
      %dma_wait3A_127 = arith.constant 0 : i32
      %dma_wait3A_128 = tpu.memref_slice %arg7[%add3A_8, %dma_wait3A_127] : memref<10112x128xf32, #tpu.memory_space<vmem_shared>> -> memref<120x128xf32, #tpu.memory_space<vmem_shared>>
      %dma_wait3A_129 = arith.constant 0 : i32
      %dma_wait3A_130 = tpu.memref_slice %arg7[%add3A_8, %dma_wait3A_129] : memref<10112x128xf32, #tpu.memory_space<vmem_shared>> -> memref<120x128xf32, #tpu.memory_space<vmem_shared>>
      %dma_wait3A_131 = arith.constant 0 : i32
      %dma_wait3A_132 = arith.constant 0 : i32
      %dma_wait3A_133 = tpu.memref_slice %arg12[%dma_wait3A_131, %dma_wait3A_132] : memref<125x128xf32, #tpu.memory_space<vmem>> -> memref<120x128xf32, #tpu.memory_space<vmem>>
      tpu.wait_dma2 semaphore(%run_scoped3A : memref<!tpu.dma_semaphore, #tpu.memory_space<semaphore_mem>>) src(%dma_wait3A_133 : memref<120x128xf32, #tpu.memory_space<vmem>>) dst(%dma_wait3A_130 : memref<120x128xf32, #tpu.memory_space<vmem_shared>>)
      tpu.yield
    }) : () -> ()
    %add3A_9 = arith.constant 360 : i32
    %add3A_10 = arith.addi %mul3A_2, %add3A_9 : i32
    "tpu.region"() ({
      %run_scoped3A = tpu.sem_alloc : memref<!tpu.dma_semaphore, #tpu.memory_space<semaphore_mem>>
      %dma_start3A_115 = arith.constant 0 : i32
      %dma_start3A_116 = arith.constant 0 : i32
      %dma_start3A_117 = tpu.memref_slice %arg12[%dma_start3A_115, %dma_start3A_116] : memref<125x128xf32, #tpu.memory_space<vmem>> -> memref<120x128xf32, #tpu.memory_space<vmem>>
      %dma_start3A_118 = arith.constant 0 : i32
      %dma_start3A_119 = tpu.memref_slice %arg7[%add3A_10, %dma_start3A_118] : memref<10112x128xf32, #tpu.memory_space<vmem_shared>> -> memref<120x128xf32, #tpu.memory_space<vmem_shared>>
      %dma_start3A_120 = arith.constant 0 : i32
      %dma_start3A_121 = tpu.memref_slice %arg7[%add3A_10, %dma_start3A_120] : memref<10112x128xf32, #tpu.memory_space<vmem_shared>> -> memref<120x128xf32, #tpu.memory_space<vmem_shared>>
      %dma_start3A_122 = arith.constant 0 : i32
      %dma_start3A_123 = arith.constant 0 : i32
      %dma_start3A_124 = tpu.memref_slice %arg12[%dma_start3A_122, %dma_start3A_123] : memref<125x128xf32, #tpu.memory_space<vmem>> -> memref<120x128xf32, #tpu.memory_space<vmem>>
      tpu.enqueue_dma source(%dma_start3A_124 : memref<120x128xf32, #tpu.memory_space<vmem>>) target(%dma_start3A_121 : memref<120x128xf32, #tpu.memory_space<vmem_shared>>) target_semaphore(%run_scoped3A : memref<!tpu.dma_semaphore, #tpu.memory_space<semaphore_mem>>)
      %dma_wait3A = arith.constant 0 : i32
      %dma_wait3A_125 = arith.constant 0 : i32
      %dma_wait3A_126 = tpu.memref_slice %arg12[%dma_wait3A, %dma_wait3A_125] : memref<125x128xf32, #tpu.memory_space<vmem>> -> memref<120x128xf32, #tpu.memory_space<vmem>>
      %dma_wait3A_127 = arith.constant 0 : i32
      %dma_wait3A_128 = tpu.memref_slice %arg7[%add3A_10, %dma_wait3A_127] : memref<10112x128xf32, #tpu.memory_space<vmem_shared>> -> memref<120x128xf32, #tpu.memory_space<vmem_shared>>
      %dma_wait3A_129 = arith.constant 0 : i32
      %dma_wait3A_130 = tpu.memref_slice %arg7[%add3A_10, %dma_wait3A_129] : memref<10112x128xf32, #tpu.memory_space<vmem_shared>> -> memref<120x128xf32, #tpu.memory_space<vmem_shared>>
      %dma_wait3A_131 = arith.constant 0 : i32
      %dma_wait3A_132 = arith.constant 0 : i32
      %dma_wait3A_133 = tpu.memref_slice %arg12[%dma_wait3A_131, %dma_wait3A_132] : memref<125x128xf32, #tpu.memory_space<vmem>> -> memref<120x128xf32, #tpu.memory_space<vmem>>
      tpu.wait_dma2 semaphore(%run_scoped3A : memref<!tpu.dma_semaphore, #tpu.memory_space<semaphore_mem>>) src(%dma_wait3A_133 : memref<120x128xf32, #tpu.memory_space<vmem>>) dst(%dma_wait3A_130 : memref<120x128xf32, #tpu.memory_space<vmem_shared>>)
      tpu.yield
    }) : () -> ()
    %add3A_11 = arith.constant 480 : i32
    %add3A_12 = arith.addi %mul3A_2, %add3A_11 : i32
    "tpu.region"() ({
      %run_scoped3A = tpu.sem_alloc : memref<!tpu.dma_semaphore, #tpu.memory_space<semaphore_mem>>
      %dma_start3A_115 = arith.constant 0 : i32
      %dma_start3A_116 = arith.constant 0 : i32
      %dma_start3A_117 = tpu.memref_slice %arg12[%dma_start3A_115, %dma_start3A_116] : memref<125x128xf32, #tpu.memory_space<vmem>> -> memref<120x128xf32, #tpu.memory_space<vmem>>
      %dma_start3A_118 = arith.constant 0 : i32
      %dma_start3A_119 = tpu.memref_slice %arg7[%add3A_12, %dma_start3A_118] : memref<10112x128xf32, #tpu.memory_space<vmem_shared>> -> memref<120x128xf32, #tpu.memory_space<vmem_shared>>
      %dma_start3A_120 = arith.constant 0 : i32
      %dma_start3A_121 = tpu.memref_slice %arg7[%add3A_12, %dma_start3A_120] : memref<10112x128xf32, #tpu.memory_space<vmem_shared>> -> memref<120x128xf32, #tpu.memory_space<vmem_shared>>
      %dma_start3A_122 = arith.constant 0 : i32
      %dma_start3A_123 = arith.constant 0 : i32
      %dma_start3A_124 = tpu.memref_slice %arg12[%dma_start3A_122, %dma_start3A_123] : memref<125x128xf32, #tpu.memory_space<vmem>> -> memref<120x128xf32, #tpu.memory_space<vmem>>
      tpu.enqueue_dma source(%dma_start3A_124 : memref<120x128xf32, #tpu.memory_space<vmem>>) target(%dma_start3A_121 : memref<120x128xf32, #tpu.memory_space<vmem_shared>>) target_semaphore(%run_scoped3A : memref<!tpu.dma_semaphore, #tpu.memory_space<semaphore_mem>>)
      %dma_wait3A = arith.constant 0 : i32
      %dma_wait3A_125 = arith.constant 0 : i32
      %dma_wait3A_126 = tpu.memref_slice %arg12[%dma_wait3A, %dma_wait3A_125] : memref<125x128xf32, #tpu.memory_space<vmem>> -> memref<120x128xf32, #tpu.memory_space<vmem>>
      %dma_wait3A_127 = arith.constant 0 : i32
      %dma_wait3A_128 = tpu.memref_slice %arg7[%add3A_12, %dma_wait3A_127] : memref<10112x128xf32, #tpu.memory_space<vmem_shared>> -> memref<120x128xf32, #tpu.memory_space<vmem_shared>>
      %dma_wait3A_129 = arith.constant 0 : i32
      %dma_wait3A_130 = tpu.memref_slice %arg7[%add3A_12, %dma_wait3A_129] : memref<10112x128xf32, #tpu.memory_space<vmem_shared>> -> memref<120x128xf32, #tpu.memory_space<vmem_shared>>
      %dma_wait3A_131 = arith.constant 0 : i32
      %dma_wait3A_132 = arith.constant 0 : i32
      %dma_wait3A_133 = tpu.memref_slice %arg12[%dma_wait3A_131, %dma_wait3A_132] : memref<125x128xf32, #tpu.memory_space<vmem>> -> memref<120x128xf32, #tpu.memory_space<vmem>>
      tpu.wait_dma2 semaphore(%run_scoped3A : memref<!tpu.dma_semaphore, #tpu.memory_space<semaphore_mem>>) src(%dma_wait3A_133 : memref<120x128xf32, #tpu.memory_space<vmem>>) dst(%dma_wait3A_130 : memref<120x128xf32, #tpu.memory_space<vmem_shared>>)
      tpu.yield
    }) : () -> ()
    %add3A_13 = arith.constant 600 : i32
    %add3A_14 = arith.addi %mul3A_2, %add3A_13 : i32
    "tpu.region"() ({
      %run_scoped3A = tpu.sem_alloc : memref<!tpu.dma_semaphore, #tpu.memory_space<semaphore_mem>>
      %dma_start3A_115 = arith.constant 0 : i32
      %dma_start3A_116 = arith.constant 0 : i32
      %dma_start3A_117 = tpu.memref_slice %arg12[%dma_start3A_115, %dma_start3A_116] : memref<125x128xf32, #tpu.memory_space<vmem>> -> memref<32x128xf32, #tpu.memory_space<vmem>>
      %dma_start3A_118 = arith.constant 0 : i32
      %dma_start3A_119 = tpu.memref_slice %arg7[%add3A_14, %dma_start3A_118] : memref<10112x128xf32, #tpu.memory_space<vmem_shared>> -> memref<32x128xf32, #tpu.memory_space<vmem_shared>>
      %dma_start3A_120 = arith.constant 0 : i32
      %dma_start3A_121 = tpu.memref_slice %arg7[%add3A_14, %dma_start3A_120] : memref<10112x128xf32, #tpu.memory_space<vmem_shared>> -> memref<32x128xf32, #tpu.memory_space<vmem_shared>>
      %dma_start3A_122 = arith.constant 0 : i32
      %dma_start3A_123 = arith.constant 0 : i32
      %dma_start3A_124 = tpu.memref_slice %arg12[%dma_start3A_122, %dma_start3A_123] : memref<125x128xf32, #tpu.memory_space<vmem>> -> memref<32x128xf32, #tpu.memory_space<vmem>>
      tpu.enqueue_dma source(%dma_start3A_124 : memref<32x128xf32, #tpu.memory_space<vmem>>) target(%dma_start3A_121 : memref<32x128xf32, #tpu.memory_space<vmem_shared>>) target_semaphore(%run_scoped3A : memref<!tpu.dma_semaphore, #tpu.memory_space<semaphore_mem>>)
      %dma_wait3A = arith.constant 0 : i32
      %dma_wait3A_125 = arith.constant 0 : i32
      %dma_wait3A_126 = tpu.memref_slice %arg12[%dma_wait3A, %dma_wait3A_125] : memref<125x128xf32, #tpu.memory_space<vmem>> -> memref<32x128xf32, #tpu.memory_space<vmem>>
      %dma_wait3A_127 = arith.constant 0 : i32
      %dma_wait3A_128 = tpu.memref_slice %arg7[%add3A_14, %dma_wait3A_127] : memref<10112x128xf32, #tpu.memory_space<vmem_shared>> -> memref<32x128xf32, #tpu.memory_space<vmem_shared>>
      %dma_wait3A_129 = arith.constant 0 : i32
      %dma_wait3A_130 = tpu.memref_slice %arg7[%add3A_14, %dma_wait3A_129] : memref<10112x128xf32, #tpu.memory_space<vmem_shared>> -> memref<32x128xf32, #tpu.memory_space<vmem_shared>>
      %dma_wait3A_131 = arith.constant 0 : i32
      %dma_wait3A_132 = arith.constant 0 : i32
      %dma_wait3A_133 = tpu.memref_slice %arg12[%dma_wait3A_131, %dma_wait3A_132] : memref<125x128xf32, #tpu.memory_space<vmem>> -> memref<32x128xf32, #tpu.memory_space<vmem>>
      tpu.wait_dma2 semaphore(%run_scoped3A : memref<!tpu.dma_semaphore, #tpu.memory_space<semaphore_mem>>) src(%dma_wait3A_133 : memref<32x128xf32, #tpu.memory_space<vmem>>) dst(%dma_wait3A_130 : memref<32x128xf32, #tpu.memory_space<vmem_shared>>)
      tpu.yield
    }) : () -> ()
    %barrier3A = arith.constant 0 : index
    tpu.barrier barrier_id(%barrier3A)
    %dma_start3A = arith.constant 0 : i32
    %dma_start3A_15 = arith.constant 0 : i32
    %dma_start3A_16 = arith.constant 0 : i32
    %dma_start3A_17 = arith.constant 0 : i32
    %dma_start3A_18 = arith.constant 0 : i32
    %dma_start3A_19 = tpu.memref_slice %arg3[%add3A, %dma_start3A_15, %dma_start3A_16, %dma_start3A_17, %dma_start3A_18] : memref<32x10x8x1x125xi32, #tpu.memory_space<hbm>> -> memref<1x10x8x1x125xi32, #tpu.memory_space<hbm>>
    %dma_start3A_20 = tpu.memref_squeeze %dma_start3A_19 : memref<1x10x8x1x125xi32, #tpu.memory_space<hbm>> -> memref<10x8x1x125xi32, #tpu.memory_space<hbm>>
    %dma_start3A_21 = arith.constant 0 : i32
    %dma_start3A_22 = arith.constant 0 : i32
    %dma_start3A_23 = arith.constant 0 : i32
    %dma_start3A_24 = tpu.memref_slice %dma_start3A_20[%dma_start3A, %dma_start3A_21, %dma_start3A_22, %dma_start3A_23] : memref<10x8x1x125xi32, #tpu.memory_space<hbm>> -> memref<1x8x1x125xi32, #tpu.memory_space<hbm>>
    %dma_start3A_25 = tpu.memref_squeeze %dma_start3A_24 : memref<1x8x1x125xi32, #tpu.memory_space<hbm>> -> memref<8x1x125xi32, #tpu.memory_space<hbm>>
    %dma_start3A_26 = arith.constant 0 : i32
    %dma_start3A_27 = arith.constant 0 : i32
    %dma_start3A_28 = arith.constant 0 : i32
    %dma_start3A_29 = arith.constant 0 : i32
    %dma_start3A_30 = tpu.memref_slice %arg3[%add3A, %dma_start3A_26, %dma_start3A_27, %dma_start3A_28, %dma_start3A_29] : memref<32x10x8x1x125xi32, #tpu.memory_space<hbm>> -> memref<1x10x8x1x125xi32, #tpu.memory_space<hbm>>
    %dma_start3A_31 = tpu.memref_squeeze %dma_start3A_30 : memref<1x10x8x1x125xi32, #tpu.memory_space<hbm>> -> memref<10x8x1x125xi32, #tpu.memory_space<hbm>>
    %dma_start3A_32 = arith.constant 0 : i32
    %dma_start3A_33 = arith.constant 0 : i32
    %dma_start3A_34 = arith.constant 0 : i32
    %dma_start3A_35 = tpu.memref_slice %dma_start3A_31[%dma_start3A, %dma_start3A_32, %dma_start3A_33, %dma_start3A_34] : memref<10x8x1x125xi32, #tpu.memory_space<hbm>> -> memref<1x8x1x125xi32, #tpu.memory_space<hbm>>
    %dma_start3A_36 = tpu.memref_squeeze %dma_start3A_35 : memref<1x8x1x125xi32, #tpu.memory_space<hbm>> -> memref<8x1x125xi32, #tpu.memory_space<hbm>>
    tpu.enqueue_dma source(%dma_start3A_36 : memref<8x1x125xi32, #tpu.memory_space<hbm>>) target(%arg8 : memref<8x1x125xi32, #tpu.memory_space<vmem>>) target_semaphore(%arg16 : memref<!tpu.dma_semaphore, #tpu.memory_space<semaphore_mem>>)
    %dma_start3A_37 = arith.constant 0 : i32
    %dma_start3A_38 = arith.constant 0 : i32
    %dma_start3A_39 = arith.constant 0 : i32
    %dma_start3A_40 = arith.constant 0 : i32
    %dma_start3A_41 = arith.constant 0 : i32
    %dma_start3A_42 = tpu.memref_slice %arg4[%add3A, %dma_start3A_38, %dma_start3A_39, %dma_start3A_40, %dma_start3A_41] : memref<32x10x8x1x125xi32, #tpu.memory_space<hbm>> -> memref<1x10x8x1x125xi32, #tpu.memory_space<hbm>>
    %dma_start3A_43 = tpu.memref_squeeze %dma_start3A_42 : memref<1x10x8x1x125xi32, #tpu.memory_space<hbm>> -> memref<10x8x1x125xi32, #tpu.memory_space<hbm>>
    %dma_start3A_44 = arith.constant 0 : i32
    %dma_start3A_45 = arith.constant 0 : i32
    %dma_start3A_46 = arith.constant 0 : i32
    %dma_start3A_47 = tpu.memref_slice %dma_start3A_43[%dma_start3A_37, %dma_start3A_44, %dma_start3A_45, %dma_start3A_46] : memref<10x8x1x125xi32, #tpu.memory_space<hbm>> -> memref<1x8x1x125xi32, #tpu.memory_space<hbm>>
    %dma_start3A_48 = tpu.memref_squeeze %dma_start3A_47 : memref<1x8x1x125xi32, #tpu.memory_space<hbm>> -> memref<8x1x125xi32, #tpu.memory_space<hbm>>
    %dma_start3A_49 = arith.constant 0 : i32
    %dma_start3A_50 = arith.constant 0 : i32
    %dma_start3A_51 = arith.constant 0 : i32
    %dma_start3A_52 = arith.constant 0 : i32
    %dma_start3A_53 = tpu.memref_slice %arg4[%add3A, %dma_start3A_49, %dma_start3A_50, %dma_start3A_51, %dma_start3A_52] : memref<32x10x8x1x125xi32, #tpu.memory_space<hbm>> -> memref<1x10x8x1x125xi32, #tpu.memory_space<hbm>>
    %dma_start3A_54 = tpu.memref_squeeze %dma_start3A_53 : memref<1x10x8x1x125xi32, #tpu.memory_space<hbm>> -> memref<10x8x1x125xi32, #tpu.memory_space<hbm>>
    %dma_start3A_55 = arith.constant 0 : i32
    %dma_start3A_56 = arith.constant 0 : i32
    %dma_start3A_57 = arith.constant 0 : i32
    %dma_start3A_58 = tpu.memref_slice %dma_start3A_54[%dma_start3A_37, %dma_start3A_55, %dma_start3A_56, %dma_start3A_57] : memref<10x8x1x125xi32, #tpu.memory_space<hbm>> -> memref<1x8x1x125xi32, #tpu.memory_space<hbm>>
    %dma_start3A_59 = tpu.memref_squeeze %dma_start3A_58 : memref<1x8x1x125xi32, #tpu.memory_space<hbm>> -> memref<8x1x125xi32, #tpu.memory_space<hbm>>
    tpu.enqueue_dma source(%dma_start3A_59 : memref<8x1x125xi32, #tpu.memory_space<hbm>>) target(%arg9 : memref<8x1x125xi32, #tpu.memory_space<vmem>>) target_semaphore(%arg16 : memref<!tpu.dma_semaphore, #tpu.memory_space<semaphore_mem>>)
    %dma_start3A_60 = arith.constant 1 : i32
    %dma_start3A_61 = arith.constant 0 : i32
    %dma_start3A_62 = arith.constant 0 : i32
    %dma_start3A_63 = arith.constant 0 : i32
    %dma_start3A_64 = arith.constant 0 : i32
    %dma_start3A_65 = tpu.memref_slice %arg3[%add3A, %dma_start3A_61, %dma_start3A_62, %dma_start3A_63, %dma_start3A_64] : memref<32x10x8x1x125xi32, #tpu.memory_space<hbm>> -> memref<1x10x8x1x125xi32, #tpu.memory_space<hbm>>
    %dma_start3A_66 = tpu.memref_squeeze %dma_start3A_65 : memref<1x10x8x1x125xi32, #tpu.memory_space<hbm>> -> memref<10x8x1x125xi32, #tpu.memory_space<hbm>>
    %dma_start3A_67 = arith.constant 0 : i32
    %dma_start3A_68 = arith.constant 0 : i32
    %dma_start3A_69 = arith.constant 0 : i32
    %dma_start3A_70 = tpu.memref_slice %dma_start3A_66[%dma_start3A_60, %dma_start3A_67, %dma_start3A_68, %dma_start3A_69] : memref<10x8x1x125xi32, #tpu.memory_space<hbm>> -> memref<1x8x1x125xi32, #tpu.memory_space<hbm>>
    %dma_start3A_71 = tpu.memref_squeeze %dma_start3A_70 : memref<1x8x1x125xi32, #tpu.memory_space<hbm>> -> memref<8x1x125xi32, #tpu.memory_space<hbm>>
    %dma_start3A_72 = arith.constant 0 : i32
    %dma_start3A_73 = arith.constant 0 : i32
    %dma_start3A_74 = arith.constant 0 : i32
    %dma_start3A_75 = arith.constant 0 : i32
    %dma_start3A_76 = tpu.memref_slice %arg3[%add3A, %dma_start3A_72, %dma_start3A_73, %dma_start3A_74, %dma_start3A_75] : memref<32x10x8x1x125xi32, #tpu.memory_space<hbm>> -> memref<1x10x8x1x125xi32, #tpu.memory_space<hbm>>
    %dma_start3A_77 = tpu.memref_squeeze %dma_start3A_76 : memref<1x10x8x1x125xi32, #tpu.memory_space<hbm>> -> memref<10x8x1x125xi32, #tpu.memory_space<hbm>>
    %dma_start3A_78 = arith.constant 0 : i32
    %dma_start3A_79 = arith.constant 0 : i32
    %dma_start3A_80 = arith.constant 0 : i32
    %dma_start3A_81 = tpu.memref_slice %dma_start3A_77[%dma_start3A_60, %dma_start3A_78, %dma_start3A_79, %dma_start3A_80] : memref<10x8x1x125xi32, #tpu.memory_space<hbm>> -> memref<1x8x1x125xi32, #tpu.memory_space<hbm>>
    %dma_start3A_82 = tpu.memref_squeeze %dma_start3A_81 : memref<1x8x1x125xi32, #tpu.memory_space<hbm>> -> memref<8x1x125xi32, #tpu.memory_space<hbm>>
    tpu.enqueue_dma source(%dma_start3A_82 : memref<8x1x125xi32, #tpu.memory_space<hbm>>) target(%arg10 : memref<8x1x125xi32, #tpu.memory_space<vmem>>) target_semaphore(%arg17 : memref<!tpu.dma_semaphore, #tpu.memory_space<semaphore_mem>>)
    %dma_start3A_83 = arith.constant 1 : i32
    %dma_start3A_84 = arith.constant 0 : i32
    %dma_start3A_85 = arith.constant 0 : i32
    %dma_start3A_86 = arith.constant 0 : i32
    %dma_start3A_87 = arith.constant 0 : i32
    %dma_start3A_88 = tpu.memref_slice %arg4[%add3A, %dma_start3A_84, %dma_start3A_85, %dma_start3A_86, %dma_start3A_87] : memref<32x10x8x1x125xi32, #tpu.memory_space<hbm>> -> memref<1x10x8x1x125xi32, #tpu.memory_space<hbm>>
    %dma_start3A_89 = tpu.memref_squeeze %dma_start3A_88 : memref<1x10x8x1x125xi32, #tpu.memory_space<hbm>> -> memref<10x8x1x125xi32, #tpu.memory_space<hbm>>
    %dma_start3A_90 = arith.constant 0 : i32
    %dma_start3A_91 = arith.constant 0 : i32
    %dma_start3A_92 = arith.constant 0 : i32
    %dma_start3A_93 = tpu.memref_slice %dma_start3A_89[%dma_start3A_83, %dma_start3A_90, %dma_start3A_91, %dma_start3A_92] : memref<10x8x1x125xi32, #tpu.memory_space<hbm>> -> memref<1x8x1x125xi32, #tpu.memory_space<hbm>>
    %dma_start3A_94 = tpu.memref_squeeze %dma_start3A_93 : memref<1x8x1x125xi32, #tpu.memory_space<hbm>> -> memref<8x1x125xi32, #tpu.memory_space<hbm>>
    %dma_start3A_95 = arith.constant 0 : i32
    %dma_start3A_96 = arith.constant 0 : i32
    %dma_start3A_97 = arith.constant 0 : i32
    %dma_start3A_98 = arith.constant 0 : i32
    %dma_start3A_99 = tpu.memref_slice %arg4[%add3A, %dma_start3A_95, %dma_start3A_96, %dma_start3A_97, %dma_start3A_98] : memref<32x10x8x1x125xi32, #tpu.memory_space<hbm>> -> memref<1x10x8x1x125xi32, #tpu.memory_space<hbm>>
    %dma_start3A_100 = tpu.memref_squeeze %dma_start3A_99 : memref<1x10x8x1x125xi32, #tpu.memory_space<hbm>> -> memref<10x8x1x125xi32, #tpu.memory_space<hbm>>
    %dma_start3A_101 = arith.constant 0 : i32
    %dma_start3A_102 = arith.constant 0 : i32
    %dma_start3A_103 = arith.constant 0 : i32
    %dma_start3A_104 = tpu.memref_slice %dma_start3A_100[%dma_start3A_83, %dma_start3A_101, %dma_start3A_102, %dma_start3A_103] : memref<10x8x1x125xi32, #tpu.memory_space<hbm>> -> memref<1x8x1x125xi32, #tpu.memory_space<hbm>>
    %dma_start3A_105 = tpu.memref_squeeze %dma_start3A_104 : memref<1x8x1x125xi32, #tpu.memory_space<hbm>> -> memref<8x1x125xi32, #tpu.memory_space<hbm>>
    tpu.enqueue_dma source(%dma_start3A_105 : memref<8x1x125xi32, #tpu.memory_space<hbm>>) target(%arg11 : memref<8x1x125xi32, #tpu.memory_space<vmem>>) target_semaphore(%arg17 : memref<!tpu.dma_semaphore, #tpu.memory_space<semaphore_mem>>)
    %scan3A = arith.constant 0 : i32
    %scan3A_106 = arith.constant 5 : i32
    %scan3A_107 = arith.addi %scan3A, %scan3A_106 : i32
    %scan3A_108 = arith.constant 1 : i32
    scf.for %scan3A_115 = %scan3A to %scan3A_107 step %scan3A_108  : i32 {
      %mul3A_116 = arith.constant 2 : i32
      %mul3A_117 = arith.muli %scan3A_115, %mul3A_116 : i32
      %add3A_118 = arith.constant 0 : i32
      %add3A_119 = arith.addi %add3A_118, %mul3A_117 : i32
      %dma_wait3A = arith.constant 0 : i32
      %dma_wait3A_120 = arith.constant 0 : i32
      %dma_wait3A_121 = arith.constant 0 : i32
      %dma_wait3A_122 = arith.constant 0 : i32
      %dma_wait3A_123 = tpu.memref_slice %arg3[%add3A, %dma_wait3A, %dma_wait3A_120, %dma_wait3A_121, %dma_wait3A_122] : memref<32x10x8x1x125xi32, #tpu.memory_space<hbm>> -> memref<1x10x8x1x125xi32, #tpu.memory_space<hbm>>
      %dma_wait3A_124 = tpu.memref_squeeze %dma_wait3A_123 : memref<1x10x8x1x125xi32, #tpu.memory_space<hbm>> -> memref<10x8x1x125xi32, #tpu.memory_space<hbm>>
      %dma_wait3A_125 = arith.constant 0 : i32
      %dma_wait3A_126 = arith.constant 0 : i32
      %dma_wait3A_127 = arith.constant 0 : i32
      %dma_wait3A_128 = tpu.memref_slice %dma_wait3A_124[%add3A_119, %dma_wait3A_125, %dma_wait3A_126, %dma_wait3A_127] : memref<10x8x1x125xi32, #tpu.memory_space<hbm>> -> memref<1x8x1x125xi32, #tpu.memory_space<hbm>>
      %dma_wait3A_129 = tpu.memref_squeeze %dma_wait3A_128 : memref<1x8x1x125xi32, #tpu.memory_space<hbm>> -> memref<8x1x125xi32, #tpu.memory_space<hbm>>
      %dma_wait3A_130 = arith.constant 0 : i32
      %dma_wait3A_131 = arith.constant 0 : i32
      %dma_wait3A_132 = arith.constant 0 : i32
      %dma_wait3A_133 = arith.constant 0 : i32
      %dma_wait3A_134 = tpu.memref_slice %arg3[%add3A, %dma_wait3A_130, %dma_wait3A_131, %dma_wait3A_132, %dma_wait3A_133] : memref<32x10x8x1x125xi32, #tpu.memory_space<hbm>> -> memref<1x10x8x1x125xi32, #tpu.memory_space<hbm>>
      %dma_wait3A_135 = tpu.memref_squeeze %dma_wait3A_134 : memref<1x10x8x1x125xi32, #tpu.memory_space<hbm>> -> memref<10x8x1x125xi32, #tpu.memory_space<hbm>>
      %dma_wait3A_136 = arith.constant 0 : i32
      %dma_wait3A_137 = arith.constant 0 : i32
      %dma_wait3A_138 = arith.constant 0 : i32
      %dma_wait3A_139 = tpu.memref_slice %dma_wait3A_135[%add3A_119, %dma_wait3A_136, %dma_wait3A_137, %dma_wait3A_138] : memref<10x8x1x125xi32, #tpu.memory_space<hbm>> -> memref<1x8x1x125xi32, #tpu.memory_space<hbm>>
      %dma_wait3A_140 = tpu.memref_squeeze %dma_wait3A_139 : memref<1x8x1x125xi32, #tpu.memory_space<hbm>> -> memref<8x1x125xi32, #tpu.memory_space<hbm>>
      tpu.wait_dma2 semaphore(%arg16 : memref<!tpu.dma_semaphore, #tpu.memory_space<semaphore_mem>>) src(%dma_wait3A_140 : memref<8x1x125xi32, #tpu.memory_space<hbm>>) dst(%arg8 : memref<8x1x125xi32, #tpu.memory_space<vmem>>)
      %dma_wait3A_141 = arith.constant 0 : i32
      %dma_wait3A_142 = arith.constant 0 : i32
      %dma_wait3A_143 = arith.constant 0 : i32
      %dma_wait3A_144 = arith.constant 0 : i32
      %dma_wait3A_145 = tpu.memref_slice %arg4[%add3A, %dma_wait3A_141, %dma_wait3A_142, %dma_wait3A_143, %dma_wait3A_144] : memref<32x10x8x1x125xi32, #tpu.memory_space<hbm>> -> memref<1x10x8x1x125xi32, #tpu.memory_space<hbm>>
      %dma_wait3A_146 = tpu.memref_squeeze %dma_wait3A_145 : memref<1x10x8x1x125xi32, #tpu.memory_space<hbm>> -> memref<10x8x1x125xi32, #tpu.memory_space<hbm>>
      %dma_wait3A_147 = arith.constant 0 : i32
      %dma_wait3A_148 = arith.constant 0 : i32
      %dma_wait3A_149 = arith.constant 0 : i32
      %dma_wait3A_150 = tpu.memref_slice %dma_wait3A_146[%add3A_119, %dma_wait3A_147, %dma_wait3A_148, %dma_wait3A_149] : memref<10x8x1x125xi32, #tpu.memory_space<hbm>> -> memref<1x8x1x125xi32, #tpu.memory_space<hbm>>
      %dma_wait3A_151 = tpu.memref_squeeze %dma_wait3A_150 : memref<1x8x1x125xi32, #tpu.memory_space<hbm>> -> memref<8x1x125xi32, #tpu.memory_space<hbm>>
      %dma_wait3A_152 = arith.constant 0 : i32
      %dma_wait3A_153 = arith.constant 0 : i32
      %dma_wait3A_154 = arith.constant 0 : i32
      %dma_wait3A_155 = arith.constant 0 : i32
      %dma_wait3A_156 = tpu.memref_slice %arg4[%add3A, %dma_wait3A_152, %dma_wait3A_153, %dma_wait3A_154, %dma_wait3A_155] : memref<32x10x8x1x125xi32, #tpu.memory_space<hbm>> -> memref<1x10x8x1x125xi32, #tpu.memory_space<hbm>>
      %dma_wait3A_157 = tpu.memref_squeeze %dma_wait3A_156 : memref<1x10x8x1x125xi32, #tpu.memory_space<hbm>> -> memref<10x8x1x125xi32, #tpu.memory_space<hbm>>
      %dma_wait3A_158 = arith.constant 0 : i32
      %dma_wait3A_159 = arith.constant 0 : i32
      %dma_wait3A_160 = arith.constant 0 : i32
      %dma_wait3A_161 = tpu.memref_slice %dma_wait3A_157[%add3A_119, %dma_wait3A_158, %dma_wait3A_159, %dma_wait3A_160] : memref<10x8x1x125xi32, #tpu.memory_space<hbm>> -> memref<1x8x1x125xi32, #tpu.memory_space<hbm>>
      %dma_wait3A_162 = tpu.memref_squeeze %dma_wait3A_161 : memref<1x8x1x125xi32, #tpu.memory_space<hbm>> -> memref<8x1x125xi32, #tpu.memory_space<hbm>>
      tpu.wait_dma2 semaphore(%arg16 : memref<!tpu.dma_semaphore, #tpu.memory_space<semaphore_mem>>) src(%dma_wait3A_162 : memref<8x1x125xi32, #tpu.memory_space<hbm>>) dst(%arg9 : memref<8x1x125xi32, #tpu.memory_space<vmem>>)
      %dma_start3A_163 = arith.constant 0 : i32
      %dma_start3A_164 = arith.constant 0 : i32
      %dma_start3A_165 = arith.constant 0 : i32
      %dma_start3A_166 = arith.constant 0 : i32
      %dma_start3A_167 = tpu.memref_slice %arg8[%dma_start3A_163, %dma_start3A_165, %dma_start3A_166] : memref<8x1x125xi32, #tpu.memory_space<vmem>> -> memref<1x1x125xi32, #tpu.memory_space<vmem>>
      %dma_start3A_168 = tpu.memref_squeeze %dma_start3A_167 : memref<1x1x125xi32, #tpu.memory_space<vmem>> -> memref<1x125xi32, #tpu.memory_space<vmem>>
      %dma_start3A_169 = arith.constant 0 : i32
      %dma_start3A_170 = tpu.memref_slice %dma_start3A_168[%dma_start3A_164, %dma_start3A_169] : memref<1x125xi32, #tpu.memory_space<vmem>> -> memref<1x125xi32, #tpu.memory_space<vmem>>
      %dma_start3A_171 = tpu.memref_squeeze %dma_start3A_170 : memref<1x125xi32, #tpu.memory_space<vmem>> -> memref<125xi32, #tpu.memory_space<vmem>>
      %dma_start3A_172 = arith.constant 0 : i32
      %dma_start3A_173 = arith.constant 0 : i32
      %dma_start3A_174 = tpu.memref_slice %arg2[%dma_start3A_172, %dma_start3A_173] : memref<10112x128xf32, #tpu.memory_space<hbm>> -> memref<10112x128xf32, #tpu.memory_space<hbm>>
      tpu.enqueue_indirect_dma source(%dma_start3A_174 : memref<10112x128xf32, #tpu.memory_space<hbm>>) target(%arg12 : memref<125x128xf32, #tpu.memory_space<vmem>>) offsets(%dma_start3A_171 : memref<125xi32, #tpu.memory_space<vmem>>) semaphore(%arg14 : memref<!tpu.dma_semaphore, #tpu.memory_space<semaphore_mem>>)
      %dma_wait3A_175 = arith.constant 0 : i32
      %dma_wait3A_176 = arith.constant 0 : i32
      %dma_wait3A_177 = arith.constant 0 : i32
      %dma_wait3A_178 = arith.constant 0 : i32
      %dma_wait3A_179 = tpu.memref_slice %arg8[%dma_wait3A_175, %dma_wait3A_177, %dma_wait3A_178] : memref<8x1x125xi32, #tpu.memory_space<vmem>> -> memref<1x1x125xi32, #tpu.memory_space<vmem>>
      %dma_wait3A_180 = tpu.memref_squeeze %dma_wait3A_179 : memref<1x1x125xi32, #tpu.memory_space<vmem>> -> memref<1x125xi32, #tpu.memory_space<vmem>>
      %dma_wait3A_181 = arith.constant 0 : i32
      %dma_wait3A_182 = tpu.memref_slice %dma_wait3A_180[%dma_wait3A_176, %dma_wait3A_181] : memref<1x125xi32, #tpu.memory_space<vmem>> -> memref<1x125xi32, #tpu.memory_space<vmem>>
      %dma_wait3A_183 = tpu.memref_squeeze %dma_wait3A_182 : memref<1x125xi32, #tpu.memory_space<vmem>> -> memref<125xi32, #tpu.memory_space<vmem>>
      %dma_wait3A_184 = arith.constant 0 : i32
      %dma_wait3A_185 = arith.constant 0 : i32
      %dma_wait3A_186 = tpu.memref_slice %arg2[%dma_wait3A_184, %dma_wait3A_185] : memref<10112x128xf32, #tpu.memory_space<hbm>> -> memref<10112x128xf32, #tpu.memory_space<hbm>>
      tpu.wait_indirect_dma semaphore(%arg14 : memref<!tpu.dma_semaphore, #tpu.memory_space<semaphore_mem>>) src(%dma_wait3A_186 : memref<10112x128xf32, #tpu.memory_space<hbm>>) dst(%arg12 : memref<125x128xf32, #tpu.memory_space<vmem>>)
      %dma_start3A_187 = arith.constant 1 : i32
      %dma_start3A_188 = arith.constant 0 : i32
      %dma_start3A_189 = arith.constant 0 : i32
      %dma_start3A_190 = arith.constant 0 : i32
      %dma_start3A_191 = tpu.memref_slice %arg8[%dma_start3A_187, %dma_start3A_189, %dma_start3A_190] : memref<8x1x125xi32, #tpu.memory_space<vmem>> -> memref<1x1x125xi32, #tpu.memory_space<vmem>>
      %dma_start3A_192 = tpu.memref_squeeze %dma_start3A_191 : memref<1x1x125xi32, #tpu.memory_space<vmem>> -> memref<1x125xi32, #tpu.memory_space<vmem>>
      %dma_start3A_193 = arith.constant 0 : i32
      %dma_start3A_194 = tpu.memref_slice %dma_start3A_192[%dma_start3A_188, %dma_start3A_193] : memref<1x125xi32, #tpu.memory_space<vmem>> -> memref<1x125xi32, #tpu.memory_space<vmem>>
      %dma_start3A_195 = tpu.memref_squeeze %dma_start3A_194 : memref<1x125xi32, #tpu.memory_space<vmem>> -> memref<125xi32, #tpu.memory_space<vmem>>
      %dma_start3A_196 = arith.constant 0 : i32
      %dma_start3A_197 = arith.constant 0 : i32
      %dma_start3A_198 = tpu.memref_slice %arg2[%dma_start3A_196, %dma_start3A_197] : memref<10112x128xf32, #tpu.memory_space<hbm>> -> memref<10112x128xf32, #tpu.memory_space<hbm>>
      tpu.enqueue_indirect_dma source(%dma_start3A_198 : memref<10112x128xf32, #tpu.memory_space<hbm>>) target(%arg13 : memref<125x128xf32, #tpu.memory_space<vmem>>) offsets(%dma_start3A_195 : memref<125xi32, #tpu.memory_space<vmem>>) semaphore(%arg15 : memref<!tpu.dma_semaphore, #tpu.memory_space<semaphore_mem>>)
      %run_scoped3A = arith.constant 0 : i32
      %run_scoped3A_199 = arith.constant 0 : i32
      "tpu.region"() ({
        %run_scoped3A_635 = tpu.sem_alloc : memref<!tpu.dma_semaphore, #tpu.memory_space<semaphore_mem>>
        %dma_start3A_636 = arith.constant 0 : i32
        %dma_start3A_637 = arith.constant 0 : i32
        %dma_start3A_638 = tpu.memref_slice %arg9[%run_scoped3A, %dma_start3A_636, %dma_start3A_637] : memref<8x1x125xi32, #tpu.memory_space<vmem>> -> memref<1x1x125xi32, #tpu.memory_space<vmem>>
        %dma_start3A_639 = tpu.memref_squeeze %dma_start3A_638 : memref<1x1x125xi32, #tpu.memory_space<vmem>> -> memref<1x125xi32, #tpu.memory_space<vmem>>
        %dma_start3A_640 = arith.constant 0 : i32
        %dma_start3A_641 = tpu.memref_slice %dma_start3A_639[%run_scoped3A_199, %dma_start3A_640] : memref<1x125xi32, #tpu.memory_space<vmem>> -> memref<1x125xi32, #tpu.memory_space<vmem>>
        %dma_start3A_642 = tpu.memref_squeeze %dma_start3A_641 : memref<1x125xi32, #tpu.memory_space<vmem>> -> memref<125xi32, #tpu.memory_space<vmem>>
        %dma_start3A_643 = arith.constant 0 : i32
        %dma_start3A_644 = arith.constant 0 : i32
        %dma_start3A_645 = tpu.memref_slice %arg7[%dma_start3A_643, %dma_start3A_644] : memref<10112x128xf32, #tpu.memory_space<vmem_shared>> -> memref<10112x128xf32, #tpu.memory_space<vmem_shared>>
        tpu.enqueue_indirect_dma source(%arg12 : memref<125x128xf32, #tpu.memory_space<vmem>>) target(%dma_start3A_645 : memref<10112x128xf32, #tpu.memory_space<vmem_shared>>) offsets(%dma_start3A_642 : memref<125xi32, #tpu.memory_space<vmem>>) semaphore(%run_scoped3A_635 : memref<!tpu.dma_semaphore, #tpu.memory_space<semaphore_mem>>) {add = true}
        %dma_wait3A_646 = arith.constant 0 : i32
        %dma_wait3A_647 = arith.constant 0 : i32
        %dma_wait3A_648 = tpu.memref_slice %arg9[%run_scoped3A, %dma_wait3A_646, %dma_wait3A_647] : memref<8x1x125xi32, #tpu.memory_space<vmem>> -> memref<1x1x125xi32, #tpu.memory_space<vmem>>
        %dma_wait3A_649 = tpu.memref_squeeze %dma_wait3A_648 : memref<1x1x125xi32, #tpu.memory_space<vmem>> -> memref<1x125xi32, #tpu.memory_space<vmem>>
        %dma_wait3A_650 = arith.constant 0 : i32
        %dma_wait3A_651 = tpu.memref_slice %dma_wait3A_649[%run_scoped3A_199, %dma_wait3A_650] : memref<1x125xi32, #tpu.memory_space<vmem>> -> memref<1x125xi32, #tpu.memory_space<vmem>>
        %dma_wait3A_652 = tpu.memref_squeeze %dma_wait3A_651 : memref<1x125xi32, #tpu.memory_space<vmem>> -> memref<125xi32, #tpu.memory_space<vmem>>
        %dma_wait3A_653 = arith.constant 0 : i32
        %dma_wait3A_654 = arith.constant 0 : i32
        %dma_wait3A_655 = tpu.memref_slice %arg7[%dma_wait3A_653, %dma_wait3A_654] : memref<10112x128xf32, #tpu.memory_space<vmem_shared>> -> memref<10112x128xf32, #tpu.memory_space<vmem_shared>>
        tpu.wait_indirect_dma semaphore(%run_scoped3A_635 : memref<!tpu.dma_semaphore, #tpu.memory_space<semaphore_mem>>) src(%arg12 : memref<125x128xf32, #tpu.memory_space<vmem>>) dst(%dma_wait3A_655 : memref<10112x128xf32, #tpu.memory_space<vmem_shared>>)
        tpu.yield
      }) : () -> ()
      %dma_wait3A_200 = arith.constant 1 : i32
      %dma_wait3A_201 = arith.constant 0 : i32
      %dma_wait3A_202 = arith.constant 0 : i32
      %dma_wait3A_203 = arith.constant 0 : i32
      %dma_wait3A_204 = tpu.memref_slice %arg8[%dma_wait3A_200, %dma_wait3A_202, %dma_wait3A_203] : memref<8x1x125xi32, #tpu.memory_space<vmem>> -> memref<1x1x125xi32, #tpu.memory_space<vmem>>
      %dma_wait3A_205 = tpu.memref_squeeze %dma_wait3A_204 : memref<1x1x125xi32, #tpu.memory_space<vmem>> -> memref<1x125xi32, #tpu.memory_space<vmem>>
      %dma_wait3A_206 = arith.constant 0 : i32
      %dma_wait3A_207 = tpu.memref_slice %dma_wait3A_205[%dma_wait3A_201, %dma_wait3A_206] : memref<1x125xi32, #tpu.memory_space<vmem>> -> memref<1x125xi32, #tpu.memory_space<vmem>>
      %dma_wait3A_208 = tpu.memref_squeeze %dma_wait3A_207 : memref<1x125xi32, #tpu.memory_space<vmem>> -> memref<125xi32, #tpu.memory_space<vmem>>
      %dma_wait3A_209 = arith.constant 0 : i32
      %dma_wait3A_210 = arith.constant 0 : i32
      %dma_wait3A_211 = tpu.memref_slice %arg2[%dma_wait3A_209, %dma_wait3A_210] : memref<10112x128xf32, #tpu.memory_space<hbm>> -> memref<10112x128xf32, #tpu.memory_space<hbm>>
      tpu.wait_indirect_dma semaphore(%arg15 : memref<!tpu.dma_semaphore, #tpu.memory_space<semaphore_mem>>) src(%dma_wait3A_211 : memref<10112x128xf32, #tpu.memory_space<hbm>>) dst(%arg13 : memref<125x128xf32, #tpu.memory_space<vmem>>)
      %dma_start3A_212 = arith.constant 2 : i32
      %dma_start3A_213 = arith.constant 0 : i32
      %dma_start3A_214 = arith.constant 0 : i32
      %dma_start3A_215 = arith.constant 0 : i32
      %dma_start3A_216 = tpu.memref_slice %arg8[%dma_start3A_212, %dma_start3A_214, %dma_start3A_215] : memref<8x1x125xi32, #tpu.memory_space<vmem>> -> memref<1x1x125xi32, #tpu.memory_space<vmem>>
      %dma_start3A_217 = tpu.memref_squeeze %dma_start3A_216 : memref<1x1x125xi32, #tpu.memory_space<vmem>> -> memref<1x125xi32, #tpu.memory_space<vmem>>
      %dma_start3A_218 = arith.constant 0 : i32
      %dma_start3A_219 = tpu.memref_slice %dma_start3A_217[%dma_start3A_213, %dma_start3A_218] : memref<1x125xi32, #tpu.memory_space<vmem>> -> memref<1x125xi32, #tpu.memory_space<vmem>>
      %dma_start3A_220 = tpu.memref_squeeze %dma_start3A_219 : memref<1x125xi32, #tpu.memory_space<vmem>> -> memref<125xi32, #tpu.memory_space<vmem>>
      %dma_start3A_221 = arith.constant 0 : i32
      %dma_start3A_222 = arith.constant 0 : i32
      %dma_start3A_223 = tpu.memref_slice %arg2[%dma_start3A_221, %dma_start3A_222] : memref<10112x128xf32, #tpu.memory_space<hbm>> -> memref<10112x128xf32, #tpu.memory_space<hbm>>
      tpu.enqueue_indirect_dma source(%dma_start3A_223 : memref<10112x128xf32, #tpu.memory_space<hbm>>) target(%arg12 : memref<125x128xf32, #tpu.memory_space<vmem>>) offsets(%dma_start3A_220 : memref<125xi32, #tpu.memory_space<vmem>>) semaphore(%arg14 : memref<!tpu.dma_semaphore, #tpu.memory_space<semaphore_mem>>)
      %run_scoped3A_224 = arith.constant 1 : i32
      %run_scoped3A_225 = arith.constant 0 : i32
      "tpu.region"() ({
        %run_scoped3A_635 = tpu.sem_alloc : memref<!tpu.dma_semaphore, #tpu.memory_space<semaphore_mem>>
        %dma_start3A_636 = arith.constant 0 : i32
        %dma_start3A_637 = arith.constant 0 : i32
        %dma_start3A_638 = tpu.memref_slice %arg9[%run_scoped3A_224, %dma_start3A_636, %dma_start3A_637] : memref<8x1x125xi32, #tpu.memory_space<vmem>> -> memref<1x1x125xi32, #tpu.memory_space<vmem>>
        %dma_start3A_639 = tpu.memref_squeeze %dma_start3A_638 : memref<1x1x125xi32, #tpu.memory_space<vmem>> -> memref<1x125xi32, #tpu.memory_space<vmem>>
        %dma_start3A_640 = arith.constant 0 : i32
        %dma_start3A_641 = tpu.memref_slice %dma_start3A_639[%run_scoped3A_225, %dma_start3A_640] : memref<1x125xi32, #tpu.memory_space<vmem>> -> memref<1x125xi32, #tpu.memory_space<vmem>>
        %dma_start3A_642 = tpu.memref_squeeze %dma_start3A_641 : memref<1x125xi32, #tpu.memory_space<vmem>> -> memref<125xi32, #tpu.memory_space<vmem>>
        %dma_start3A_643 = arith.constant 0 : i32
        %dma_start3A_644 = arith.constant 0 : i32
        %dma_start3A_645 = tpu.memref_slice %arg7[%dma_start3A_643, %dma_start3A_644] : memref<10112x128xf32, #tpu.memory_space<vmem_shared>> -> memref<10112x128xf32, #tpu.memory_space<vmem_shared>>
        tpu.enqueue_indirect_dma source(%arg13 : memref<125x128xf32, #tpu.memory_space<vmem>>) target(%dma_start3A_645 : memref<10112x128xf32, #tpu.memory_space<vmem_shared>>) offsets(%dma_start3A_642 : memref<125xi32, #tpu.memory_space<vmem>>) semaphore(%run_scoped3A_635 : memref<!tpu.dma_semaphore, #tpu.memory_space<semaphore_mem>>) {add = true}
        %dma_wait3A_646 = arith.constant 0 : i32
        %dma_wait3A_647 = arith.constant 0 : i32
        %dma_wait3A_648 = tpu.memref_slice %arg9[%run_scoped3A_224, %dma_wait3A_646, %dma_wait3A_647] : memref<8x1x125xi32, #tpu.memory_space<vmem>> -> memref<1x1x125xi32, #tpu.memory_space<vmem>>
        %dma_wait3A_649 = tpu.memref_squeeze %dma_wait3A_648 : memref<1x1x125xi32, #tpu.memory_space<vmem>> -> memref<1x125xi32, #tpu.memory_space<vmem>>
        %dma_wait3A_650 = arith.constant 0 : i32
        %dma_wait3A_651 = tpu.memref_slice %dma_wait3A_649[%run_scoped3A_225, %dma_wait3A_650] : memref<1x125xi32, #tpu.memory_space<vmem>> -> memref<1x125xi32, #tpu.memory_space<vmem>>
        %dma_wait3A_652 = tpu.memref_squeeze %dma_wait3A_651 : memref<1x125xi32, #tpu.memory_space<vmem>> -> memref<125xi32, #tpu.memory_space<vmem>>
        %dma_wait3A_653 = arith.constant 0 : i32
        %dma_wait3A_654 = arith.constant 0 : i32
        %dma_wait3A_655 = tpu.memref_slice %arg7[%dma_wait3A_653, %dma_wait3A_654] : memref<10112x128xf32, #tpu.memory_space<vmem_shared>> -> memref<10112x128xf32, #tpu.memory_space<vmem_shared>>
        tpu.wait_indirect_dma semaphore(%run_scoped3A_635 : memref<!tpu.dma_semaphore, #tpu.memory_space<semaphore_mem>>) src(%arg13 : memref<125x128xf32, #tpu.memory_space<vmem>>) dst(%dma_wait3A_655 : memref<10112x128xf32, #tpu.memory_space<vmem_shared>>)
        tpu.yield
      }) : () -> ()
      %dma_wait3A_226 = arith.constant 2 : i32
      %dma_wait3A_227 = arith.constant 0 : i32
      %dma_wait3A_228 = arith.constant 0 : i32
      %dma_wait3A_229 = arith.constant 0 : i32
      %dma_wait3A_230 = tpu.memref_slice %arg8[%dma_wait3A_226, %dma_wait3A_228, %dma_wait3A_229] : memref<8x1x125xi32, #tpu.memory_space<vmem>> -> memref<1x1x125xi32, #tpu.memory_space<vmem>>
      %dma_wait3A_231 = tpu.memref_squeeze %dma_wait3A_230 : memref<1x1x125xi32, #tpu.memory_space<vmem>> -> memref<1x125xi32, #tpu.memory_space<vmem>>
      %dma_wait3A_232 = arith.constant 0 : i32
      %dma_wait3A_233 = tpu.memref_slice %dma_wait3A_231[%dma_wait3A_227, %dma_wait3A_232] : memref<1x125xi32, #tpu.memory_space<vmem>> -> memref<1x125xi32, #tpu.memory_space<vmem>>
      %dma_wait3A_234 = tpu.memref_squeeze %dma_wait3A_233 : memref<1x125xi32, #tpu.memory_space<vmem>> -> memref<125xi32, #tpu.memory_space<vmem>>
      %dma_wait3A_235 = arith.constant 0 : i32
      %dma_wait3A_236 = arith.constant 0 : i32
      %dma_wait3A_237 = tpu.memref_slice %arg2[%dma_wait3A_235, %dma_wait3A_236] : memref<10112x128xf32, #tpu.memory_space<hbm>> -> memref<10112x128xf32, #tpu.memory_space<hbm>>
      tpu.wait_indirect_dma semaphore(%arg14 : memref<!tpu.dma_semaphore, #tpu.memory_space<semaphore_mem>>) src(%dma_wait3A_237 : memref<10112x128xf32, #tpu.memory_space<hbm>>) dst(%arg12 : memref<125x128xf32, #tpu.memory_space<vmem>>)
      %dma_start3A_238 = arith.constant 3 : i32
      %dma_start3A_239 = arith.constant 0 : i32
      %dma_start3A_240 = arith.constant 0 : i32
      %dma_start3A_241 = arith.constant 0 : i32
      %dma_start3A_242 = tpu.memref_slice %arg8[%dma_start3A_238, %dma_start3A_240, %dma_start3A_241] : memref<8x1x125xi32, #tpu.memory_space<vmem>> -> memref<1x1x125xi32, #tpu.memory_space<vmem>>
      %dma_start3A_243 = tpu.memref_squeeze %dma_start3A_242 : memref<1x1x125xi32, #tpu.memory_space<vmem>> -> memref<1x125xi32, #tpu.memory_space<vmem>>
      %dma_start3A_244 = arith.constant 0 : i32
      %dma_start3A_245 = tpu.memref_slice %dma_start3A_243[%dma_start3A_239, %dma_start3A_244] : memref<1x125xi32, #tpu.memory_space<vmem>> -> memref<1x125xi32, #tpu.memory_space<vmem>>
      %dma_start3A_246 = tpu.memref_squeeze %dma_start3A_245 : memref<1x125xi32, #tpu.memory_space<vmem>> -> memref<125xi32, #tpu.memory_space<vmem>>
      %dma_start3A_247 = arith.constant 0 : i32
      %dma_start3A_248 = arith.constant 0 : i32
      %dma_start3A_249 = tpu.memref_slice %arg2[%dma_start3A_247, %dma_start3A_248] : memref<10112x128xf32, #tpu.memory_space<hbm>> -> memref<10112x128xf32, #tpu.memory_space<hbm>>
      tpu.enqueue_indirect_dma source(%dma_start3A_249 : memref<10112x128xf32, #tpu.memory_space<hbm>>) target(%arg13 : memref<125x128xf32, #tpu.memory_space<vmem>>) offsets(%dma_start3A_246 : memref<125xi32, #tpu.memory_space<vmem>>) semaphore(%arg15 : memref<!tpu.dma_semaphore, #tpu.memory_space<semaphore_mem>>)
      %run_scoped3A_250 = arith.constant 2 : i32
      %run_scoped3A_251 = arith.constant 0 : i32
      "tpu.region"() ({
        %run_scoped3A_635 = tpu.sem_alloc : memref<!tpu.dma_semaphore, #tpu.memory_space<semaphore_mem>>
        %dma_start3A_636 = arith.constant 0 : i32
        %dma_start3A_637 = arith.constant 0 : i32
        %dma_start3A_638 = tpu.memref_slice %arg9[%run_scoped3A_250, %dma_start3A_636, %dma_start3A_637] : memref<8x1x125xi32, #tpu.memory_space<vmem>> -> memref<1x1x125xi32, #tpu.memory_space<vmem>>
        %dma_start3A_639 = tpu.memref_squeeze %dma_start3A_638 : memref<1x1x125xi32, #tpu.memory_space<vmem>> -> memref<1x125xi32, #tpu.memory_space<vmem>>
        %dma_start3A_640 = arith.constant 0 : i32
        %dma_start3A_641 = tpu.memref_slice %dma_start3A_639[%run_scoped3A_251, %dma_start3A_640] : memref<1x125xi32, #tpu.memory_space<vmem>> -> memref<1x125xi32, #tpu.memory_space<vmem>>
        %dma_start3A_642 = tpu.memref_squeeze %dma_start3A_641 : memref<1x125xi32, #tpu.memory_space<vmem>> -> memref<125xi32, #tpu.memory_space<vmem>>
        %dma_start3A_643 = arith.constant 0 : i32
        %dma_start3A_644 = arith.constant 0 : i32
        %dma_start3A_645 = tpu.memref_slice %arg7[%dma_start3A_643, %dma_start3A_644] : memref<10112x128xf32, #tpu.memory_space<vmem_shared>> -> memref<10112x128xf32, #tpu.memory_space<vmem_shared>>
        tpu.enqueue_indirect_dma source(%arg12 : memref<125x128xf32, #tpu.memory_space<vmem>>) target(%dma_start3A_645 : memref<10112x128xf32, #tpu.memory_space<vmem_shared>>) offsets(%dma_start3A_642 : memref<125xi32, #tpu.memory_space<vmem>>) semaphore(%run_scoped3A_635 : memref<!tpu.dma_semaphore, #tpu.memory_space<semaphore_mem>>) {add = true}
        %dma_wait3A_646 = arith.constant 0 : i32
        %dma_wait3A_647 = arith.constant 0 : i32
        %dma_wait3A_648 = tpu.memref_slice %arg9[%run_scoped3A_250, %dma_wait3A_646, %dma_wait3A_647] : memref<8x1x125xi32, #tpu.memory_space<vmem>> -> memref<1x1x125xi32, #tpu.memory_space<vmem>>
        %dma_wait3A_649 = tpu.memref_squeeze %dma_wait3A_648 : memref<1x1x125xi32, #tpu.memory_space<vmem>> -> memref<1x125xi32, #tpu.memory_space<vmem>>
        %dma_wait3A_650 = arith.constant 0 : i32
        %dma_wait3A_651 = tpu.memref_slice %dma_wait3A_649[%run_scoped3A_251, %dma_wait3A_650] : memref<1x125xi32, #tpu.memory_space<vmem>> -> memref<1x125xi32, #tpu.memory_space<vmem>>
        %dma_wait3A_652 = tpu.memref_squeeze %dma_wait3A_651 : memref<1x125xi32, #tpu.memory_space<vmem>> -> memref<125xi32, #tpu.memory_space<vmem>>
        %dma_wait3A_653 = arith.constant 0 : i32
        %dma_wait3A_654 = arith.constant 0 : i32
        %dma_wait3A_655 = tpu.memref_slice %arg7[%dma_wait3A_653, %dma_wait3A_654] : memref<10112x128xf32, #tpu.memory_space<vmem_shared>> -> memref<10112x128xf32, #tpu.memory_space<vmem_shared>>
        tpu.wait_indirect_dma semaphore(%run_scoped3A_635 : memref<!tpu.dma_semaphore, #tpu.memory_space<semaphore_mem>>) src(%arg12 : memref<125x128xf32, #tpu.memory_space<vmem>>) dst(%dma_wait3A_655 : memref<10112x128xf32, #tpu.memory_space<vmem_shared>>)
        tpu.yield
      }) : () -> ()
      %dma_wait3A_252 = arith.constant 3 : i32
      %dma_wait3A_253 = arith.constant 0 : i32
      %dma_wait3A_254 = arith.constant 0 : i32
      %dma_wait3A_255 = arith.constant 0 : i32
      %dma_wait3A_256 = tpu.memref_slice %arg8[%dma_wait3A_252, %dma_wait3A_254, %dma_wait3A_255] : memref<8x1x125xi32, #tpu.memory_space<vmem>> -> memref<1x1x125xi32, #tpu.memory_space<vmem>>
      %dma_wait3A_257 = tpu.memref_squeeze %dma_wait3A_256 : memref<1x1x125xi32, #tpu.memory_space<vmem>> -> memref<1x125xi32, #tpu.memory_space<vmem>>
      %dma_wait3A_258 = arith.constant 0 : i32
      %dma_wait3A_259 = tpu.memref_slice %dma_wait3A_257[%dma_wait3A_253, %dma_wait3A_258] : memref<1x125xi32, #tpu.memory_space<vmem>> -> memref<1x125xi32, #tpu.memory_space<vmem>>
      %dma_wait3A_260 = tpu.memref_squeeze %dma_wait3A_259 : memref<1x125xi32, #tpu.memory_space<vmem>> -> memref<125xi32, #tpu.memory_space<vmem>>
      %dma_wait3A_261 = arith.constant 0 : i32
      %dma_wait3A_262 = arith.constant 0 : i32
      %dma_wait3A_263 = tpu.memref_slice %arg2[%dma_wait3A_261, %dma_wait3A_262] : memref<10112x128xf32, #tpu.memory_space<hbm>> -> memref<10112x128xf32, #tpu.memory_space<hbm>>
      tpu.wait_indirect_dma semaphore(%arg15 : memref<!tpu.dma_semaphore, #tpu.memory_space<semaphore_mem>>) src(%dma_wait3A_263 : memref<10112x128xf32, #tpu.memory_space<hbm>>) dst(%arg13 : memref<125x128xf32, #tpu.memory_space<vmem>>)
      %dma_start3A_264 = arith.constant 4 : i32
      %dma_start3A_265 = arith.constant 0 : i32
      %dma_start3A_266 = arith.constant 0 : i32
      %dma_start3A_267 = arith.constant 0 : i32
      %dma_start3A_268 = tpu.memref_slice %arg8[%dma_start3A_264, %dma_start3A_266, %dma_start3A_267] : memref<8x1x125xi32, #tpu.memory_space<vmem>> -> memref<1x1x125xi32, #tpu.memory_space<vmem>>
      %dma_start3A_269 = tpu.memref_squeeze %dma_start3A_268 : memref<1x1x125xi32, #tpu.memory_space<vmem>> -> memref<1x125xi32, #tpu.memory_space<vmem>>
      %dma_start3A_270 = arith.constant 0 : i32
      %dma_start3A_271 = tpu.memref_slice %dma_start3A_269[%dma_start3A_265, %dma_start3A_270] : memref<1x125xi32, #tpu.memory_space<vmem>> -> memref<1x125xi32, #tpu.memory_space<vmem>>
      %dma_start3A_272 = tpu.memref_squeeze %dma_start3A_271 : memref<1x125xi32, #tpu.memory_space<vmem>> -> memref<125xi32, #tpu.memory_space<vmem>>
      %dma_start3A_273 = arith.constant 0 : i32
      %dma_start3A_274 = arith.constant 0 : i32
      %dma_start3A_275 = tpu.memref_slice %arg2[%dma_start3A_273, %dma_start3A_274] : memref<10112x128xf32, #tpu.memory_space<hbm>> -> memref<10112x128xf32, #tpu.memory_space<hbm>>
      tpu.enqueue_indirect_dma source(%dma_start3A_275 : memref<10112x128xf32, #tpu.memory_space<hbm>>) target(%arg12 : memref<125x128xf32, #tpu.memory_space<vmem>>) offsets(%dma_start3A_272 : memref<125xi32, #tpu.memory_space<vmem>>) semaphore(%arg14 : memref<!tpu.dma_semaphore, #tpu.memory_space<semaphore_mem>>)
      %run_scoped3A_276 = arith.constant 3 : i32
      %run_scoped3A_277 = arith.constant 0 : i32
      "tpu.region"() ({
        %run_scoped3A_635 = tpu.sem_alloc : memref<!tpu.dma_semaphore, #tpu.memory_space<semaphore_mem>>
        %dma_start3A_636 = arith.constant 0 : i32
        %dma_start3A_637 = arith.constant 0 : i32
        %dma_start3A_638 = tpu.memref_slice %arg9[%run_scoped3A_276, %dma_start3A_636, %dma_start3A_637] : memref<8x1x125xi32, #tpu.memory_space<vmem>> -> memref<1x1x125xi32, #tpu.memory_space<vmem>>
        %dma_start3A_639 = tpu.memref_squeeze %dma_start3A_638 : memref<1x1x125xi32, #tpu.memory_space<vmem>> -> memref<1x125xi32, #tpu.memory_space<vmem>>
        %dma_start3A_640 = arith.constant 0 : i32
        %dma_start3A_641 = tpu.memref_slice %dma_start3A_639[%run_scoped3A_277, %dma_start3A_640] : memref<1x125xi32, #tpu.memory_space<vmem>> -> memref<1x125xi32, #tpu.memory_space<vmem>>
        %dma_start3A_642 = tpu.memref_squeeze %dma_start3A_641 : memref<1x125xi32, #tpu.memory_space<vmem>> -> memref<125xi32, #tpu.memory_space<vmem>>
        %dma_start3A_643 = arith.constant 0 : i32
        %dma_start3A_644 = arith.constant 0 : i32
        %dma_start3A_645 = tpu.memref_slice %arg7[%dma_start3A_643, %dma_start3A_644] : memref<10112x128xf32, #tpu.memory_space<vmem_shared>> -> memref<10112x128xf32, #tpu.memory_space<vmem_shared>>
        tpu.enqueue_indirect_dma source(%arg13 : memref<125x128xf32, #tpu.memory_space<vmem>>) target(%dma_start3A_645 : memref<10112x128xf32, #tpu.memory_space<vmem_shared>>) offsets(%dma_start3A_642 : memref<125xi32, #tpu.memory_space<vmem>>) semaphore(%run_scoped3A_635 : memref<!tpu.dma_semaphore, #tpu.memory_space<semaphore_mem>>) {add = true}
        %dma_wait3A_646 = arith.constant 0 : i32
        %dma_wait3A_647 = arith.constant 0 : i32
        %dma_wait3A_648 = tpu.memref_slice %arg9[%run_scoped3A_276, %dma_wait3A_646, %dma_wait3A_647] : memref<8x1x125xi32, #tpu.memory_space<vmem>> -> memref<1x1x125xi32, #tpu.memory_space<vmem>>
        %dma_wait3A_649 = tpu.memref_squeeze %dma_wait3A_648 : memref<1x1x125xi32, #tpu.memory_space<vmem>> -> memref<1x125xi32, #tpu.memory_space<vmem>>
        %dma_wait3A_650 = arith.constant 0 : i32
        %dma_wait3A_651 = tpu.memref_slice %dma_wait3A_649[%run_scoped3A_277, %dma_wait3A_650] : memref<1x125xi32, #tpu.memory_space<vmem>> -> memref<1x125xi32, #tpu.memory_space<vmem>>
        %dma_wait3A_652 = tpu.memref_squeeze %dma_wait3A_651 : memref<1x125xi32, #tpu.memory_space<vmem>> -> memref<125xi32, #tpu.memory_space<vmem>>
        %dma_wait3A_653 = arith.constant 0 : i32
        %dma_wait3A_654 = arith.constant 0 : i32
        %dma_wait3A_655 = tpu.memref_slice %arg7[%dma_wait3A_653, %dma_wait3A_654] : memref<10112x128xf32, #tpu.memory_space<vmem_shared>> -> memref<10112x128xf32, #tpu.memory_space<vmem_shared>>
        tpu.wait_indirect_dma semaphore(%run_scoped3A_635 : memref<!tpu.dma_semaphore, #tpu.memory_space<semaphore_mem>>) src(%arg13 : memref<125x128xf32, #tpu.memory_space<vmem>>) dst(%dma_wait3A_655 : memref<10112x128xf32, #tpu.memory_space<vmem_shared>>)
        tpu.yield
      }) : () -> ()
      %dma_wait3A_278 = arith.constant 4 : i32
      %dma_wait3A_279 = arith.constant 0 : i32
      %dma_wait3A_280 = arith.constant 0 : i32
      %dma_wait3A_281 = arith.constant 0 : i32
      %dma_wait3A_282 = tpu.memref_slice %arg8[%dma_wait3A_278, %dma_wait3A_280, %dma_wait3A_281] : memref<8x1x125xi32, #tpu.memory_space<vmem>> -> memref<1x1x125xi32, #tpu.memory_space<vmem>>
      %dma_wait3A_283 = tpu.memref_squeeze %dma_wait3A_282 : memref<1x1x125xi32, #tpu.memory_space<vmem>> -> memref<1x125xi32, #tpu.memory_space<vmem>>
      %dma_wait3A_284 = arith.constant 0 : i32
      %dma_wait3A_285 = tpu.memref_slice %dma_wait3A_283[%dma_wait3A_279, %dma_wait3A_284] : memref<1x125xi32, #tpu.memory_space<vmem>> -> memref<1x125xi32, #tpu.memory_space<vmem>>
      %dma_wait3A_286 = tpu.memref_squeeze %dma_wait3A_285 : memref<1x125xi32, #tpu.memory_space<vmem>> -> memref<125xi32, #tpu.memory_space<vmem>>
      %dma_wait3A_287 = arith.constant 0 : i32
      %dma_wait3A_288 = arith.constant 0 : i32
      %dma_wait3A_289 = tpu.memref_slice %arg2[%dma_wait3A_287, %dma_wait3A_288] : memref<10112x128xf32, #tpu.memory_space<hbm>> -> memref<10112x128xf32, #tpu.memory_space<hbm>>
      tpu.wait_indirect_dma semaphore(%arg14 : memref<!tpu.dma_semaphore, #tpu.memory_space<semaphore_mem>>) src(%dma_wait3A_289 : memref<10112x128xf32, #tpu.memory_space<hbm>>) dst(%arg12 : memref<125x128xf32, #tpu.memory_space<vmem>>)
      %dma_start3A_290 = arith.constant 5 : i32
      %dma_start3A_291 = arith.constant 0 : i32
      %dma_start3A_292 = arith.constant 0 : i32
      %dma_start3A_293 = arith.constant 0 : i32
      %dma_start3A_294 = tpu.memref_slice %arg8[%dma_start3A_290, %dma_start3A_292, %dma_start3A_293] : memref<8x1x125xi32, #tpu.memory_space<vmem>> -> memref<1x1x125xi32, #tpu.memory_space<vmem>>
      %dma_start3A_295 = tpu.memref_squeeze %dma_start3A_294 : memref<1x1x125xi32, #tpu.memory_space<vmem>> -> memref<1x125xi32, #tpu.memory_space<vmem>>
      %dma_start3A_296 = arith.constant 0 : i32
      %dma_start3A_297 = tpu.memref_slice %dma_start3A_295[%dma_start3A_291, %dma_start3A_296] : memref<1x125xi32, #tpu.memory_space<vmem>> -> memref<1x125xi32, #tpu.memory_space<vmem>>
      %dma_start3A_298 = tpu.memref_squeeze %dma_start3A_297 : memref<1x125xi32, #tpu.memory_space<vmem>> -> memref<125xi32, #tpu.memory_space<vmem>>
      %dma_start3A_299 = arith.constant 0 : i32
      %dma_start3A_300 = arith.constant 0 : i32
      %dma_start3A_301 = tpu.memref_slice %arg2[%dma_start3A_299, %dma_start3A_300] : memref<10112x128xf32, #tpu.memory_space<hbm>> -> memref<10112x128xf32, #tpu.memory_space<hbm>>
      tpu.enqueue_indirect_dma source(%dma_start3A_301 : memref<10112x128xf32, #tpu.memory_space<hbm>>) target(%arg13 : memref<125x128xf32, #tpu.memory_space<vmem>>) offsets(%dma_start3A_298 : memref<125xi32, #tpu.memory_space<vmem>>) semaphore(%arg15 : memref<!tpu.dma_semaphore, #tpu.memory_space<semaphore_mem>>)
      %run_scoped3A_302 = arith.constant 4 : i32
      %run_scoped3A_303 = arith.constant 0 : i32
      "tpu.region"() ({
        %run_scoped3A_635 = tpu.sem_alloc : memref<!tpu.dma_semaphore, #tpu.memory_space<semaphore_mem>>
        %dma_start3A_636 = arith.constant 0 : i32
        %dma_start3A_637 = arith.constant 0 : i32
        %dma_start3A_638 = tpu.memref_slice %arg9[%run_scoped3A_302, %dma_start3A_636, %dma_start3A_637] : memref<8x1x125xi32, #tpu.memory_space<vmem>> -> memref<1x1x125xi32, #tpu.memory_space<vmem>>
        %dma_start3A_639 = tpu.memref_squeeze %dma_start3A_638 : memref<1x1x125xi32, #tpu.memory_space<vmem>> -> memref<1x125xi32, #tpu.memory_space<vmem>>
        %dma_start3A_640 = arith.constant 0 : i32
        %dma_start3A_641 = tpu.memref_slice %dma_start3A_639[%run_scoped3A_303, %dma_start3A_640] : memref<1x125xi32, #tpu.memory_space<vmem>> -> memref<1x125xi32, #tpu.memory_space<vmem>>
        %dma_start3A_642 = tpu.memref_squeeze %dma_start3A_641 : memref<1x125xi32, #tpu.memory_space<vmem>> -> memref<125xi32, #tpu.memory_space<vmem>>
        %dma_start3A_643 = arith.constant 0 : i32
        %dma_start3A_644 = arith.constant 0 : i32
        %dma_start3A_645 = tpu.memref_slice %arg7[%dma_start3A_643, %dma_start3A_644] : memref<10112x128xf32, #tpu.memory_space<vmem_shared>> -> memref<10112x128xf32, #tpu.memory_space<vmem_shared>>
        tpu.enqueue_indirect_dma source(%arg12 : memref<125x128xf32, #tpu.memory_space<vmem>>) target(%dma_start3A_645 : memref<10112x128xf32, #tpu.memory_space<vmem_shared>>) offsets(%dma_start3A_642 : memref<125xi32, #tpu.memory_space<vmem>>) semaphore(%run_scoped3A_635 : memref<!tpu.dma_semaphore, #tpu.memory_space<semaphore_mem>>) {add = true}
        %dma_wait3A_646 = arith.constant 0 : i32
        %dma_wait3A_647 = arith.constant 0 : i32
        %dma_wait3A_648 = tpu.memref_slice %arg9[%run_scoped3A_302, %dma_wait3A_646, %dma_wait3A_647] : memref<8x1x125xi32, #tpu.memory_space<vmem>> -> memref<1x1x125xi32, #tpu.memory_space<vmem>>
        %dma_wait3A_649 = tpu.memref_squeeze %dma_wait3A_648 : memref<1x1x125xi32, #tpu.memory_space<vmem>> -> memref<1x125xi32, #tpu.memory_space<vmem>>
        %dma_wait3A_650 = arith.constant 0 : i32
        %dma_wait3A_651 = tpu.memref_slice %dma_wait3A_649[%run_scoped3A_303, %dma_wait3A_650] : memref<1x125xi32, #tpu.memory_space<vmem>> -> memref<1x125xi32, #tpu.memory_space<vmem>>
        %dma_wait3A_652 = tpu.memref_squeeze %dma_wait3A_651 : memref<1x125xi32, #tpu.memory_space<vmem>> -> memref<125xi32, #tpu.memory_space<vmem>>
        %dma_wait3A_653 = arith.constant 0 : i32
        %dma_wait3A_654 = arith.constant 0 : i32
        %dma_wait3A_655 = tpu.memref_slice %arg7[%dma_wait3A_653, %dma_wait3A_654] : memref<10112x128xf32, #tpu.memory_space<vmem_shared>> -> memref<10112x128xf32, #tpu.memory_space<vmem_shared>>
        tpu.wait_indirect_dma semaphore(%run_scoped3A_635 : memref<!tpu.dma_semaphore, #tpu.memory_space<semaphore_mem>>) src(%arg12 : memref<125x128xf32, #tpu.memory_space<vmem>>) dst(%dma_wait3A_655 : memref<10112x128xf32, #tpu.memory_space<vmem_shared>>)
        tpu.yield
      }) : () -> ()
      %dma_wait3A_304 = arith.constant 5 : i32
      %dma_wait3A_305 = arith.constant 0 : i32
      %dma_wait3A_306 = arith.constant 0 : i32
      %dma_wait3A_307 = arith.constant 0 : i32
      %dma_wait3A_308 = tpu.memref_slice %arg8[%dma_wait3A_304, %dma_wait3A_306, %dma_wait3A_307] : memref<8x1x125xi32, #tpu.memory_space<vmem>> -> memref<1x1x125xi32, #tpu.memory_space<vmem>>
      %dma_wait3A_309 = tpu.memref_squeeze %dma_wait3A_308 : memref<1x1x125xi32, #tpu.memory_space<vmem>> -> memref<1x125xi32, #tpu.memory_space<vmem>>
      %dma_wait3A_310 = arith.constant 0 : i32
      %dma_wait3A_311 = tpu.memref_slice %dma_wait3A_309[%dma_wait3A_305, %dma_wait3A_310] : memref<1x125xi32, #tpu.memory_space<vmem>> -> memref<1x125xi32, #tpu.memory_space<vmem>>
      %dma_wait3A_312 = tpu.memref_squeeze %dma_wait3A_311 : memref<1x125xi32, #tpu.memory_space<vmem>> -> memref<125xi32, #tpu.memory_space<vmem>>
      %dma_wait3A_313 = arith.constant 0 : i32
      %dma_wait3A_314 = arith.constant 0 : i32
      %dma_wait3A_315 = tpu.memref_slice %arg2[%dma_wait3A_313, %dma_wait3A_314] : memref<10112x128xf32, #tpu.memory_space<hbm>> -> memref<10112x128xf32, #tpu.memory_space<hbm>>
      tpu.wait_indirect_dma semaphore(%arg15 : memref<!tpu.dma_semaphore, #tpu.memory_space<semaphore_mem>>) src(%dma_wait3A_315 : memref<10112x128xf32, #tpu.memory_space<hbm>>) dst(%arg13 : memref<125x128xf32, #tpu.memory_space<vmem>>)
      %dma_start3A_316 = arith.constant 6 : i32
      %dma_start3A_317 = arith.constant 0 : i32
      %dma_start3A_318 = arith.constant 0 : i32
      %dma_start3A_319 = arith.constant 0 : i32
      %dma_start3A_320 = tpu.memref_slice %arg8[%dma_start3A_316, %dma_start3A_318, %dma_start3A_319] : memref<8x1x125xi32, #tpu.memory_space<vmem>> -> memref<1x1x125xi32, #tpu.memory_space<vmem>>
      %dma_start3A_321 = tpu.memref_squeeze %dma_start3A_320 : memref<1x1x125xi32, #tpu.memory_space<vmem>> -> memref<1x125xi32, #tpu.memory_space<vmem>>
      %dma_start3A_322 = arith.constant 0 : i32
      %dma_start3A_323 = tpu.memref_slice %dma_start3A_321[%dma_start3A_317, %dma_start3A_322] : memref<1x125xi32, #tpu.memory_space<vmem>> -> memref<1x125xi32, #tpu.memory_space<vmem>>
      %dma_start3A_324 = tpu.memref_squeeze %dma_start3A_323 : memref<1x125xi32, #tpu.memory_space<vmem>> -> memref<125xi32, #tpu.memory_space<vmem>>
      %dma_start3A_325 = arith.constant 0 : i32
      %dma_start3A_326 = arith.constant 0 : i32
      %dma_start3A_327 = tpu.memref_slice %arg2[%dma_start3A_325, %dma_start3A_326] : memref<10112x128xf32, #tpu.memory_space<hbm>> -> memref<10112x128xf32, #tpu.memory_space<hbm>>
      tpu.enqueue_indirect_dma source(%dma_start3A_327 : memref<10112x128xf32, #tpu.memory_space<hbm>>) target(%arg12 : memref<125x128xf32, #tpu.memory_space<vmem>>) offsets(%dma_start3A_324 : memref<125xi32, #tpu.memory_space<vmem>>) semaphore(%arg14 : memref<!tpu.dma_semaphore, #tpu.memory_space<semaphore_mem>>)
      %run_scoped3A_328 = arith.constant 5 : i32
      %run_scoped3A_329 = arith.constant 0 : i32
      "tpu.region"() ({
        %run_scoped3A_635 = tpu.sem_alloc : memref<!tpu.dma_semaphore, #tpu.memory_space<semaphore_mem>>
        %dma_start3A_636 = arith.constant 0 : i32
        %dma_start3A_637 = arith.constant 0 : i32
        %dma_start3A_638 = tpu.memref_slice %arg9[%run_scoped3A_328, %dma_start3A_636, %dma_start3A_637] : memref<8x1x125xi32, #tpu.memory_space<vmem>> -> memref<1x1x125xi32, #tpu.memory_space<vmem>>
        %dma_start3A_639 = tpu.memref_squeeze %dma_start3A_638 : memref<1x1x125xi32, #tpu.memory_space<vmem>> -> memref<1x125xi32, #tpu.memory_space<vmem>>
        %dma_start3A_640 = arith.constant 0 : i32
        %dma_start3A_641 = tpu.memref_slice %dma_start3A_639[%run_scoped3A_329, %dma_start3A_640] : memref<1x125xi32, #tpu.memory_space<vmem>> -> memref<1x125xi32, #tpu.memory_space<vmem>>
        %dma_start3A_642 = tpu.memref_squeeze %dma_start3A_641 : memref<1x125xi32, #tpu.memory_space<vmem>> -> memref<125xi32, #tpu.memory_space<vmem>>
        %dma_start3A_643 = arith.constant 0 : i32
        %dma_start3A_644 = arith.constant 0 : i32
        %dma_start3A_645 = tpu.memref_slice %arg7[%dma_start3A_643, %dma_start3A_644] : memref<10112x128xf32, #tpu.memory_space<vmem_shared>> -> memref<10112x128xf32, #tpu.memory_space<vmem_shared>>
        tpu.enqueue_indirect_dma source(%arg13 : memref<125x128xf32, #tpu.memory_space<vmem>>) target(%dma_start3A_645 : memref<10112x128xf32, #tpu.memory_space<vmem_shared>>) offsets(%dma_start3A_642 : memref<125xi32, #tpu.memory_space<vmem>>) semaphore(%run_scoped3A_635 : memref<!tpu.dma_semaphore, #tpu.memory_space<semaphore_mem>>) {add = true}
        %dma_wait3A_646 = arith.constant 0 : i32
        %dma_wait3A_647 = arith.constant 0 : i32
        %dma_wait3A_648 = tpu.memref_slice %arg9[%run_scoped3A_328, %dma_wait3A_646, %dma_wait3A_647] : memref<8x1x125xi32, #tpu.memory_space<vmem>> -> memref<1x1x125xi32, #tpu.memory_space<vmem>>
        %dma_wait3A_649 = tpu.memref_squeeze %dma_wait3A_648 : memref<1x1x125xi32, #tpu.memory_space<vmem>> -> memref<1x125xi32, #tpu.memory_space<vmem>>
        %dma_wait3A_650 = arith.constant 0 : i32
        %dma_wait3A_651 = tpu.memref_slice %dma_wait3A_649[%run_scoped3A_329, %dma_wait3A_650] : memref<1x125xi32, #tpu.memory_space<vmem>> -> memref<1x125xi32, #tpu.memory_space<vmem>>
        %dma_wait3A_652 = tpu.memref_squeeze %dma_wait3A_651 : memref<1x125xi32, #tpu.memory_space<vmem>> -> memref<125xi32, #tpu.memory_space<vmem>>
        %dma_wait3A_653 = arith.constant 0 : i32
        %dma_wait3A_654 = arith.constant 0 : i32
        %dma_wait3A_655 = tpu.memref_slice %arg7[%dma_wait3A_653, %dma_wait3A_654] : memref<10112x128xf32, #tpu.memory_space<vmem_shared>> -> memref<10112x128xf32, #tpu.memory_space<vmem_shared>>
        tpu.wait_indirect_dma semaphore(%run_scoped3A_635 : memref<!tpu.dma_semaphore, #tpu.memory_space<semaphore_mem>>) src(%arg13 : memref<125x128xf32, #tpu.memory_space<vmem>>) dst(%dma_wait3A_655 : memref<10112x128xf32, #tpu.memory_space<vmem_shared>>)
        tpu.yield
      }) : () -> ()
      %dma_wait3A_330 = arith.constant 6 : i32
      %dma_wait3A_331 = arith.constant 0 : i32
      %dma_wait3A_332 = arith.constant 0 : i32
      %dma_wait3A_333 = arith.constant 0 : i32
      %dma_wait3A_334 = tpu.memref_slice %arg8[%dma_wait3A_330, %dma_wait3A_332, %dma_wait3A_333] : memref<8x1x125xi32, #tpu.memory_space<vmem>> -> memref<1x1x125xi32, #tpu.memory_space<vmem>>
      %dma_wait3A_335 = tpu.memref_squeeze %dma_wait3A_334 : memref<1x1x125xi32, #tpu.memory_space<vmem>> -> memref<1x125xi32, #tpu.memory_space<vmem>>
      %dma_wait3A_336 = arith.constant 0 : i32
      %dma_wait3A_337 = tpu.memref_slice %dma_wait3A_335[%dma_wait3A_331, %dma_wait3A_336] : memref<1x125xi32, #tpu.memory_space<vmem>> -> memref<1x125xi32, #tpu.memory_space<vmem>>
      %dma_wait3A_338 = tpu.memref_squeeze %dma_wait3A_337 : memref<1x125xi32, #tpu.memory_space<vmem>> -> memref<125xi32, #tpu.memory_space<vmem>>
      %dma_wait3A_339 = arith.constant 0 : i32
      %dma_wait3A_340 = arith.constant 0 : i32
      %dma_wait3A_341 = tpu.memref_slice %arg2[%dma_wait3A_339, %dma_wait3A_340] : memref<10112x128xf32, #tpu.memory_space<hbm>> -> memref<10112x128xf32, #tpu.memory_space<hbm>>
      tpu.wait_indirect_dma semaphore(%arg14 : memref<!tpu.dma_semaphore, #tpu.memory_space<semaphore_mem>>) src(%dma_wait3A_341 : memref<10112x128xf32, #tpu.memory_space<hbm>>) dst(%arg12 : memref<125x128xf32, #tpu.memory_space<vmem>>)
      %dma_start3A_342 = arith.constant 7 : i32
      %dma_start3A_343 = arith.constant 0 : i32
      %dma_start3A_344 = arith.constant 0 : i32
      %dma_start3A_345 = arith.constant 0 : i32
      %dma_start3A_346 = tpu.memref_slice %arg8[%dma_start3A_342, %dma_start3A_344, %dma_start3A_345] : memref<8x1x125xi32, #tpu.memory_space<vmem>> -> memref<1x1x125xi32, #tpu.memory_space<vmem>>
      %dma_start3A_347 = tpu.memref_squeeze %dma_start3A_346 : memref<1x1x125xi32, #tpu.memory_space<vmem>> -> memref<1x125xi32, #tpu.memory_space<vmem>>
      %dma_start3A_348 = arith.constant 0 : i32
      %dma_start3A_349 = tpu.memref_slice %dma_start3A_347[%dma_start3A_343, %dma_start3A_348] : memref<1x125xi32, #tpu.memory_space<vmem>> -> memref<1x125xi32, #tpu.memory_space<vmem>>
      %dma_start3A_350 = tpu.memref_squeeze %dma_start3A_349 : memref<1x125xi32, #tpu.memory_space<vmem>> -> memref<125xi32, #tpu.memory_space<vmem>>
      %dma_start3A_351 = arith.constant 0 : i32
      %dma_start3A_352 = arith.constant 0 : i32
      %dma_start3A_353 = tpu.memref_slice %arg2[%dma_start3A_351, %dma_start3A_352] : memref<10112x128xf32, #tpu.memory_space<hbm>> -> memref<10112x128xf32, #tpu.memory_space<hbm>>
      tpu.enqueue_indirect_dma source(%dma_start3A_353 : memref<10112x128xf32, #tpu.memory_space<hbm>>) target(%arg13 : memref<125x128xf32, #tpu.memory_space<vmem>>) offsets(%dma_start3A_350 : memref<125xi32, #tpu.memory_space<vmem>>) semaphore(%arg15 : memref<!tpu.dma_semaphore, #tpu.memory_space<semaphore_mem>>)
      %run_scoped3A_354 = arith.constant 6 : i32
      %run_scoped3A_355 = arith.constant 0 : i32
      "tpu.region"() ({
        %run_scoped3A_635 = tpu.sem_alloc : memref<!tpu.dma_semaphore, #tpu.memory_space<semaphore_mem>>
        %dma_start3A_636 = arith.constant 0 : i32
        %dma_start3A_637 = arith.constant 0 : i32
        %dma_start3A_638 = tpu.memref_slice %arg9[%run_scoped3A_354, %dma_start3A_636, %dma_start3A_637] : memref<8x1x125xi32, #tpu.memory_space<vmem>> -> memref<1x1x125xi32, #tpu.memory_space<vmem>>
        %dma_start3A_639 = tpu.memref_squeeze %dma_start3A_638 : memref<1x1x125xi32, #tpu.memory_space<vmem>> -> memref<1x125xi32, #tpu.memory_space<vmem>>
        %dma_start3A_640 = arith.constant 0 : i32
        %dma_start3A_641 = tpu.memref_slice %dma_start3A_639[%run_scoped3A_355, %dma_start3A_640] : memref<1x125xi32, #tpu.memory_space<vmem>> -> memref<1x125xi32, #tpu.memory_space<vmem>>
        %dma_start3A_642 = tpu.memref_squeeze %dma_start3A_641 : memref<1x125xi32, #tpu.memory_space<vmem>> -> memref<125xi32, #tpu.memory_space<vmem>>
        %dma_start3A_643 = arith.constant 0 : i32
        %dma_start3A_644 = arith.constant 0 : i32
        %dma_start3A_645 = tpu.memref_slice %arg7[%dma_start3A_643, %dma_start3A_644] : memref<10112x128xf32, #tpu.memory_space<vmem_shared>> -> memref<10112x128xf32, #tpu.memory_space<vmem_shared>>
        tpu.enqueue_indirect_dma source(%arg12 : memref<125x128xf32, #tpu.memory_space<vmem>>) target(%dma_start3A_645 : memref<10112x128xf32, #tpu.memory_space<vmem_shared>>) offsets(%dma_start3A_642 : memref<125xi32, #tpu.memory_space<vmem>>) semaphore(%run_scoped3A_635 : memref<!tpu.dma_semaphore, #tpu.memory_space<semaphore_mem>>) {add = true}
        %dma_wait3A_646 = arith.constant 0 : i32
        %dma_wait3A_647 = arith.constant 0 : i32
        %dma_wait3A_648 = tpu.memref_slice %arg9[%run_scoped3A_354, %dma_wait3A_646, %dma_wait3A_647] : memref<8x1x125xi32, #tpu.memory_space<vmem>> -> memref<1x1x125xi32, #tpu.memory_space<vmem>>
        %dma_wait3A_649 = tpu.memref_squeeze %dma_wait3A_648 : memref<1x1x125xi32, #tpu.memory_space<vmem>> -> memref<1x125xi32, #tpu.memory_space<vmem>>
        %dma_wait3A_650 = arith.constant 0 : i32
        %dma_wait3A_651 = tpu.memref_slice %dma_wait3A_649[%run_scoped3A_355, %dma_wait3A_650] : memref<1x125xi32, #tpu.memory_space<vmem>> -> memref<1x125xi32, #tpu.memory_space<vmem>>
        %dma_wait3A_652 = tpu.memref_squeeze %dma_wait3A_651 : memref<1x125xi32, #tpu.memory_space<vmem>> -> memref<125xi32, #tpu.memory_space<vmem>>
        %dma_wait3A_653 = arith.constant 0 : i32
        %dma_wait3A_654 = arith.constant 0 : i32
        %dma_wait3A_655 = tpu.memref_slice %arg7[%dma_wait3A_653, %dma_wait3A_654] : memref<10112x128xf32, #tpu.memory_space<vmem_shared>> -> memref<10112x128xf32, #tpu.memory_space<vmem_shared>>
        tpu.wait_indirect_dma semaphore(%run_scoped3A_635 : memref<!tpu.dma_semaphore, #tpu.memory_space<semaphore_mem>>) src(%arg12 : memref<125x128xf32, #tpu.memory_space<vmem>>) dst(%dma_wait3A_655 : memref<10112x128xf32, #tpu.memory_space<vmem_shared>>)
        tpu.yield
      }) : () -> ()
      %dma_wait3A_356 = arith.constant 7 : i32
      %dma_wait3A_357 = arith.constant 0 : i32
      %dma_wait3A_358 = arith.constant 0 : i32
      %dma_wait3A_359 = arith.constant 0 : i32
      %dma_wait3A_360 = tpu.memref_slice %arg8[%dma_wait3A_356, %dma_wait3A_358, %dma_wait3A_359] : memref<8x1x125xi32, #tpu.memory_space<vmem>> -> memref<1x1x125xi32, #tpu.memory_space<vmem>>
      %dma_wait3A_361 = tpu.memref_squeeze %dma_wait3A_360 : memref<1x1x125xi32, #tpu.memory_space<vmem>> -> memref<1x125xi32, #tpu.memory_space<vmem>>
      %dma_wait3A_362 = arith.constant 0 : i32
      %dma_wait3A_363 = tpu.memref_slice %dma_wait3A_361[%dma_wait3A_357, %dma_wait3A_362] : memref<1x125xi32, #tpu.memory_space<vmem>> -> memref<1x125xi32, #tpu.memory_space<vmem>>
      %dma_wait3A_364 = tpu.memref_squeeze %dma_wait3A_363 : memref<1x125xi32, #tpu.memory_space<vmem>> -> memref<125xi32, #tpu.memory_space<vmem>>
      %dma_wait3A_365 = arith.constant 0 : i32
      %dma_wait3A_366 = arith.constant 0 : i32
      %dma_wait3A_367 = tpu.memref_slice %arg2[%dma_wait3A_365, %dma_wait3A_366] : memref<10112x128xf32, #tpu.memory_space<hbm>> -> memref<10112x128xf32, #tpu.memory_space<hbm>>
      tpu.wait_indirect_dma semaphore(%arg15 : memref<!tpu.dma_semaphore, #tpu.memory_space<semaphore_mem>>) src(%dma_wait3A_367 : memref<10112x128xf32, #tpu.memory_space<hbm>>) dst(%arg13 : memref<125x128xf32, #tpu.memory_space<vmem>>)
      %run_scoped3A_368 = arith.constant 7 : i32
      %run_scoped3A_369 = arith.constant 0 : i32
      "tpu.region"() ({
        %run_scoped3A_635 = tpu.sem_alloc : memref<!tpu.dma_semaphore, #tpu.memory_space<semaphore_mem>>
        %dma_start3A_636 = arith.constant 0 : i32
        %dma_start3A_637 = arith.constant 0 : i32
        %dma_start3A_638 = tpu.memref_slice %arg9[%run_scoped3A_368, %dma_start3A_636, %dma_start3A_637] : memref<8x1x125xi32, #tpu.memory_space<vmem>> -> memref<1x1x125xi32, #tpu.memory_space<vmem>>
        %dma_start3A_639 = tpu.memref_squeeze %dma_start3A_638 : memref<1x1x125xi32, #tpu.memory_space<vmem>> -> memref<1x125xi32, #tpu.memory_space<vmem>>
        %dma_start3A_640 = arith.constant 0 : i32
        %dma_start3A_641 = tpu.memref_slice %dma_start3A_639[%run_scoped3A_369, %dma_start3A_640] : memref<1x125xi32, #tpu.memory_space<vmem>> -> memref<1x125xi32, #tpu.memory_space<vmem>>
        %dma_start3A_642 = tpu.memref_squeeze %dma_start3A_641 : memref<1x125xi32, #tpu.memory_space<vmem>> -> memref<125xi32, #tpu.memory_space<vmem>>
        %dma_start3A_643 = arith.constant 0 : i32
        %dma_start3A_644 = arith.constant 0 : i32
        %dma_start3A_645 = tpu.memref_slice %arg7[%dma_start3A_643, %dma_start3A_644] : memref<10112x128xf32, #tpu.memory_space<vmem_shared>> -> memref<10112x128xf32, #tpu.memory_space<vmem_shared>>
        tpu.enqueue_indirect_dma source(%arg13 : memref<125x128xf32, #tpu.memory_space<vmem>>) target(%dma_start3A_645 : memref<10112x128xf32, #tpu.memory_space<vmem_shared>>) offsets(%dma_start3A_642 : memref<125xi32, #tpu.memory_space<vmem>>) semaphore(%run_scoped3A_635 : memref<!tpu.dma_semaphore, #tpu.memory_space<semaphore_mem>>) {add = true}
        %dma_wait3A_646 = arith.constant 0 : i32
        %dma_wait3A_647 = arith.constant 0 : i32
        %dma_wait3A_648 = tpu.memref_slice %arg9[%run_scoped3A_368, %dma_wait3A_646, %dma_wait3A_647] : memref<8x1x125xi32, #tpu.memory_space<vmem>> -> memref<1x1x125xi32, #tpu.memory_space<vmem>>
        %dma_wait3A_649 = tpu.memref_squeeze %dma_wait3A_648 : memref<1x1x125xi32, #tpu.memory_space<vmem>> -> memref<1x125xi32, #tpu.memory_space<vmem>>
        %dma_wait3A_650 = arith.constant 0 : i32
        %dma_wait3A_651 = tpu.memref_slice %dma_wait3A_649[%run_scoped3A_369, %dma_wait3A_650] : memref<1x125xi32, #tpu.memory_space<vmem>> -> memref<1x125xi32, #tpu.memory_space<vmem>>
        %dma_wait3A_652 = tpu.memref_squeeze %dma_wait3A_651 : memref<1x125xi32, #tpu.memory_space<vmem>> -> memref<125xi32, #tpu.memory_space<vmem>>
        %dma_wait3A_653 = arith.constant 0 : i32
        %dma_wait3A_654 = arith.constant 0 : i32
        %dma_wait3A_655 = tpu.memref_slice %arg7[%dma_wait3A_653, %dma_wait3A_654] : memref<10112x128xf32, #tpu.memory_space<vmem_shared>> -> memref<10112x128xf32, #tpu.memory_space<vmem_shared>>
        tpu.wait_indirect_dma semaphore(%run_scoped3A_635 : memref<!tpu.dma_semaphore, #tpu.memory_space<semaphore_mem>>) src(%arg13 : memref<125x128xf32, #tpu.memory_space<vmem>>) dst(%dma_wait3A_655 : memref<10112x128xf32, #tpu.memory_space<vmem_shared>>)
        tpu.yield
      }) : () -> ()
      %add3A_370 = arith.constant 2 : i32
      %add3A_371 = arith.addi %add3A_119, %add3A_370 : i32
      %lt3A = arith.constant 10 : i32
      %lt3A_372 = arith.cmpi slt, %add3A_371, %lt3A : i32
      %convert_element_type3A = arith.extui %lt3A_372 : i1 to i32
      %cond3A = arith.constant 0 : i32
      %cond3A_373 = arith.cmpi ne, %convert_element_type3A, %cond3A : i32
      scf.if %cond3A_373 {
        %add3A_635 = arith.constant 2 : i32
        %add3A_636 = arith.addi %add3A_119, %add3A_635 : i32
        %dma_start3A_637 = arith.constant 0 : i32
        %dma_start3A_638 = arith.constant 0 : i32
        %dma_start3A_639 = arith.constant 0 : i32
        %dma_start3A_640 = arith.constant 0 : i32
        %dma_start3A_641 = tpu.memref_slice %arg3[%add3A, %dma_start3A_637, %dma_start3A_638, %dma_start3A_639, %dma_start3A_640] : memref<32x10x8x1x125xi32, #tpu.memory_space<hbm>> -> memref<1x10x8x1x125xi32, #tpu.memory_space<hbm>>
        %dma_start3A_642 = tpu.memref_squeeze %dma_start3A_641 : memref<1x10x8x1x125xi32, #tpu.memory_space<hbm>> -> memref<10x8x1x125xi32, #tpu.memory_space<hbm>>
        %dma_start3A_643 = arith.constant 0 : i32
        %dma_start3A_644 = arith.constant 0 : i32
        %dma_start3A_645 = arith.constant 0 : i32
        %dma_start3A_646 = tpu.memref_slice %dma_start3A_642[%add3A_636, %dma_start3A_643, %dma_start3A_644, %dma_start3A_645] : memref<10x8x1x125xi32, #tpu.memory_space<hbm>> -> memref<1x8x1x125xi32, #tpu.memory_space<hbm>>
        %dma_start3A_647 = tpu.memref_squeeze %dma_start3A_646 : memref<1x8x1x125xi32, #tpu.memory_space<hbm>> -> memref<8x1x125xi32, #tpu.memory_space<hbm>>
        %dma_start3A_648 = arith.constant 0 : i32
        %dma_start3A_649 = arith.constant 0 : i32
        %dma_start3A_650 = arith.constant 0 : i32
        %dma_start3A_651 = arith.constant 0 : i32
        %dma_start3A_652 = tpu.memref_slice %arg3[%add3A, %dma_start3A_648, %dma_start3A_649, %dma_start3A_650, %dma_start3A_651] : memref<32x10x8x1x125xi32, #tpu.memory_space<hbm>> -> memref<1x10x8x1x125xi32, #tpu.memory_space<hbm>>
        %dma_start3A_653 = tpu.memref_squeeze %dma_start3A_652 : memref<1x10x8x1x125xi32, #tpu.memory_space<hbm>> -> memref<10x8x1x125xi32, #tpu.memory_space<hbm>>
        %dma_start3A_654 = arith.constant 0 : i32
        %dma_start3A_655 = arith.constant 0 : i32
        %dma_start3A_656 = arith.constant 0 : i32
        %dma_start3A_657 = tpu.memref_slice %dma_start3A_653[%add3A_636, %dma_start3A_654, %dma_start3A_655, %dma_start3A_656] : memref<10x8x1x125xi32, #tpu.memory_space<hbm>> -> memref<1x8x1x125xi32, #tpu.memory_space<hbm>>
        %dma_start3A_658 = tpu.memref_squeeze %dma_start3A_657 : memref<1x8x1x125xi32, #tpu.memory_space<hbm>> -> memref<8x1x125xi32, #tpu.memory_space<hbm>>
        tpu.enqueue_dma source(%dma_start3A_658 : memref<8x1x125xi32, #tpu.memory_space<hbm>>) target(%arg8 : memref<8x1x125xi32, #tpu.memory_space<vmem>>) target_semaphore(%arg16 : memref<!tpu.dma_semaphore, #tpu.memory_space<semaphore_mem>>)
        %dma_start3A_659 = arith.constant 0 : i32
        %dma_start3A_660 = arith.constant 0 : i32
        %dma_start3A_661 = arith.constant 0 : i32
        %dma_start3A_662 = arith.constant 0 : i32
        %dma_start3A_663 = tpu.memref_slice %arg4[%add3A, %dma_start3A_659, %dma_start3A_660, %dma_start3A_661, %dma_start3A_662] : memref<32x10x8x1x125xi32, #tpu.memory_space<hbm>> -> memref<1x10x8x1x125xi32, #tpu.memory_space<hbm>>
        %dma_start3A_664 = tpu.memref_squeeze %dma_start3A_663 : memref<1x10x8x1x125xi32, #tpu.memory_space<hbm>> -> memref<10x8x1x125xi32, #tpu.memory_space<hbm>>
        %dma_start3A_665 = arith.constant 0 : i32
        %dma_start3A_666 = arith.constant 0 : i32
        %dma_start3A_667 = arith.constant 0 : i32
        %dma_start3A_668 = tpu.memref_slice %dma_start3A_664[%add3A_636, %dma_start3A_665, %dma_start3A_666, %dma_start3A_667] : memref<10x8x1x125xi32, #tpu.memory_space<hbm>> -> memref<1x8x1x125xi32, #tpu.memory_space<hbm>>
        %dma_start3A_669 = tpu.memref_squeeze %dma_start3A_668 : memref<1x8x1x125xi32, #tpu.memory_space<hbm>> -> memref<8x1x125xi32, #tpu.memory_space<hbm>>
        %dma_start3A_670 = arith.constant 0 : i32
        %dma_start3A_671 = arith.constant 0 : i32
        %dma_start3A_672 = arith.constant 0 : i32
        %dma_start3A_673 = arith.constant 0 : i32
        %dma_start3A_674 = tpu.memref_slice %arg4[%add3A, %dma_start3A_670, %dma_start3A_671, %dma_start3A_672, %dma_start3A_673] : memref<32x10x8x1x125xi32, #tpu.memory_space<hbm>> -> memref<1x10x8x1x125xi32, #tpu.memory_space<hbm>>
        %dma_start3A_675 = tpu.memref_squeeze %dma_start3A_674 : memref<1x10x8x1x125xi32, #tpu.memory_space<hbm>> -> memref<10x8x1x125xi32, #tpu.memory_space<hbm>>
        %dma_start3A_676 = arith.constant 0 : i32
        %dma_start3A_677 = arith.constant 0 : i32
        %dma_start3A_678 = arith.constant 0 : i32
        %dma_start3A_679 = tpu.memref_slice %dma_start3A_675[%add3A_636, %dma_start3A_676, %dma_start3A_677, %dma_start3A_678] : memref<10x8x1x125xi32, #tpu.memory_space<hbm>> -> memref<1x8x1x125xi32, #tpu.memory_space<hbm>>
        %dma_start3A_680 = tpu.memref_squeeze %dma_start3A_679 : memref<1x8x1x125xi32, #tpu.memory_space<hbm>> -> memref<8x1x125xi32, #tpu.memory_space<hbm>>
        tpu.enqueue_dma source(%dma_start3A_680 : memref<8x1x125xi32, #tpu.memory_space<hbm>>) target(%arg9 : memref<8x1x125xi32, #tpu.memory_space<vmem>>) target_semaphore(%arg16 : memref<!tpu.dma_semaphore, #tpu.memory_space<semaphore_mem>>)
      } else {
      }
      %add3A_374 = arith.constant 1 : i32
      %add3A_375 = arith.addi %add3A_119, %add3A_374 : i32
      %dma_wait3A_376 = arith.constant 0 : i32
      %dma_wait3A_377 = arith.constant 0 : i32
      %dma_wait3A_378 = arith.constant 0 : i32
      %dma_wait3A_379 = arith.constant 0 : i32
      %dma_wait3A_380 = tpu.memref_slice %arg3[%add3A, %dma_wait3A_376, %dma_wait3A_377, %dma_wait3A_378, %dma_wait3A_379] : memref<32x10x8x1x125xi32, #tpu.memory_space<hbm>> -> memref<1x10x8x1x125xi32, #tpu.memory_space<hbm>>
      %dma_wait3A_381 = tpu.memref_squeeze %dma_wait3A_380 : memref<1x10x8x1x125xi32, #tpu.memory_space<hbm>> -> memref<10x8x1x125xi32, #tpu.memory_space<hbm>>
      %dma_wait3A_382 = arith.constant 0 : i32
      %dma_wait3A_383 = arith.constant 0 : i32
      %dma_wait3A_384 = arith.constant 0 : i32
      %dma_wait3A_385 = tpu.memref_slice %dma_wait3A_381[%add3A_375, %dma_wait3A_382, %dma_wait3A_383, %dma_wait3A_384] : memref<10x8x1x125xi32, #tpu.memory_space<hbm>> -> memref<1x8x1x125xi32, #tpu.memory_space<hbm>>
      %dma_wait3A_386 = tpu.memref_squeeze %dma_wait3A_385 : memref<1x8x1x125xi32, #tpu.memory_space<hbm>> -> memref<8x1x125xi32, #tpu.memory_space<hbm>>
      %dma_wait3A_387 = arith.constant 0 : i32
      %dma_wait3A_388 = arith.constant 0 : i32
      %dma_wait3A_389 = arith.constant 0 : i32
      %dma_wait3A_390 = arith.constant 0 : i32
      %dma_wait3A_391 = tpu.memref_slice %arg3[%add3A, %dma_wait3A_387, %dma_wait3A_388, %dma_wait3A_389, %dma_wait3A_390] : memref<32x10x8x1x125xi32, #tpu.memory_space<hbm>> -> memref<1x10x8x1x125xi32, #tpu.memory_space<hbm>>
      %dma_wait3A_392 = tpu.memref_squeeze %dma_wait3A_391 : memref<1x10x8x1x125xi32, #tpu.memory_space<hbm>> -> memref<10x8x1x125xi32, #tpu.memory_space<hbm>>
      %dma_wait3A_393 = arith.constant 0 : i32
      %dma_wait3A_394 = arith.constant 0 : i32
      %dma_wait3A_395 = arith.constant 0 : i32
      %dma_wait3A_396 = tpu.memref_slice %dma_wait3A_392[%add3A_375, %dma_wait3A_393, %dma_wait3A_394, %dma_wait3A_395] : memref<10x8x1x125xi32, #tpu.memory_space<hbm>> -> memref<1x8x1x125xi32, #tpu.memory_space<hbm>>
      %dma_wait3A_397 = tpu.memref_squeeze %dma_wait3A_396 : memref<1x8x1x125xi32, #tpu.memory_space<hbm>> -> memref<8x1x125xi32, #tpu.memory_space<hbm>>
      tpu.wait_dma2 semaphore(%arg17 : memref<!tpu.dma_semaphore, #tpu.memory_space<semaphore_mem>>) src(%dma_wait3A_397 : memref<8x1x125xi32, #tpu.memory_space<hbm>>) dst(%arg10 : memref<8x1x125xi32, #tpu.memory_space<vmem>>)
      %dma_wait3A_398 = arith.constant 0 : i32
      %dma_wait3A_399 = arith.constant 0 : i32
      %dma_wait3A_400 = arith.constant 0 : i32
      %dma_wait3A_401 = arith.constant 0 : i32
      %dma_wait3A_402 = tpu.memref_slice %arg4[%add3A, %dma_wait3A_398, %dma_wait3A_399, %dma_wait3A_400, %dma_wait3A_401] : memref<32x10x8x1x125xi32, #tpu.memory_space<hbm>> -> memref<1x10x8x1x125xi32, #tpu.memory_space<hbm>>
      %dma_wait3A_403 = tpu.memref_squeeze %dma_wait3A_402 : memref<1x10x8x1x125xi32, #tpu.memory_space<hbm>> -> memref<10x8x1x125xi32, #tpu.memory_space<hbm>>
      %dma_wait3A_404 = arith.constant 0 : i32
      %dma_wait3A_405 = arith.constant 0 : i32
      %dma_wait3A_406 = arith.constant 0 : i32
      %dma_wait3A_407 = tpu.memref_slice %dma_wait3A_403[%add3A_375, %dma_wait3A_404, %dma_wait3A_405, %dma_wait3A_406] : memref<10x8x1x125xi32, #tpu.memory_space<hbm>> -> memref<1x8x1x125xi32, #tpu.memory_space<hbm>>
      %dma_wait3A_408 = tpu.memref_squeeze %dma_wait3A_407 : memref<1x8x1x125xi32, #tpu.memory_space<hbm>> -> memref<8x1x125xi32, #tpu.memory_space<hbm>>
      %dma_wait3A_409 = arith.constant 0 : i32
      %dma_wait3A_410 = arith.constant 0 : i32
      %dma_wait3A_411 = arith.constant 0 : i32
      %dma_wait3A_412 = arith.constant 0 : i32
      %dma_wait3A_413 = tpu.memref_slice %arg4[%add3A, %dma_wait3A_409, %dma_wait3A_410, %dma_wait3A_411, %dma_wait3A_412] : memref<32x10x8x1x125xi32, #tpu.memory_space<hbm>> -> memref<1x10x8x1x125xi32, #tpu.memory_space<hbm>>
      %dma_wait3A_414 = tpu.memref_squeeze %dma_wait3A_413 : memref<1x10x8x1x125xi32, #tpu.memory_space<hbm>> -> memref<10x8x1x125xi32, #tpu.memory_space<hbm>>
      %dma_wait3A_415 = arith.constant 0 : i32
      %dma_wait3A_416 = arith.constant 0 : i32
      %dma_wait3A_417 = arith.constant 0 : i32
      %dma_wait3A_418 = tpu.memref_slice %dma_wait3A_414[%add3A_375, %dma_wait3A_415, %dma_wait3A_416, %dma_wait3A_417] : memref<10x8x1x125xi32, #tpu.memory_space<hbm>> -> memref<1x8x1x125xi32, #tpu.memory_space<hbm>>
      %dma_wait3A_419 = tpu.memref_squeeze %dma_wait3A_418 : memref<1x8x1x125xi32, #tpu.memory_space<hbm>> -> memref<8x1x125xi32, #tpu.memory_space<hbm>>
      tpu.wait_dma2 semaphore(%arg17 : memref<!tpu.dma_semaphore, #tpu.memory_space<semaphore_mem>>) src(%dma_wait3A_419 : memref<8x1x125xi32, #tpu.memory_space<hbm>>) dst(%arg11 : memref<8x1x125xi32, #tpu.memory_space<vmem>>)
      %dma_start3A_420 = arith.constant 0 : i32
      %dma_start3A_421 = arith.constant 0 : i32
      %dma_start3A_422 = arith.constant 0 : i32
      %dma_start3A_423 = arith.constant 0 : i32
      %dma_start3A_424 = tpu.memref_slice %arg10[%dma_start3A_420, %dma_start3A_422, %dma_start3A_423] : memref<8x1x125xi32, #tpu.memory_space<vmem>> -> memref<1x1x125xi32, #tpu.memory_space<vmem>>
      %dma_start3A_425 = tpu.memref_squeeze %dma_start3A_424 : memref<1x1x125xi32, #tpu.memory_space<vmem>> -> memref<1x125xi32, #tpu.memory_space<vmem>>
      %dma_start3A_426 = arith.constant 0 : i32
      %dma_start3A_427 = tpu.memref_slice %dma_start3A_425[%dma_start3A_421, %dma_start3A_426] : memref<1x125xi32, #tpu.memory_space<vmem>> -> memref<1x125xi32, #tpu.memory_space<vmem>>
      %dma_start3A_428 = tpu.memref_squeeze %dma_start3A_427 : memref<1x125xi32, #tpu.memory_space<vmem>> -> memref<125xi32, #tpu.memory_space<vmem>>
      %dma_start3A_429 = arith.constant 0 : i32
      %dma_start3A_430 = arith.constant 0 : i32
      %dma_start3A_431 = tpu.memref_slice %arg2[%dma_start3A_429, %dma_start3A_430] : memref<10112x128xf32, #tpu.memory_space<hbm>> -> memref<10112x128xf32, #tpu.memory_space<hbm>>
      tpu.enqueue_indirect_dma source(%dma_start3A_431 : memref<10112x128xf32, #tpu.memory_space<hbm>>) target(%arg12 : memref<125x128xf32, #tpu.memory_space<vmem>>) offsets(%dma_start3A_428 : memref<125xi32, #tpu.memory_space<vmem>>) semaphore(%arg14 : memref<!tpu.dma_semaphore, #tpu.memory_space<semaphore_mem>>)
      %dma_wait3A_432 = arith.constant 0 : i32
      %dma_wait3A_433 = arith.constant 0 : i32
      %dma_wait3A_434 = arith.constant 0 : i32
      %dma_wait3A_435 = arith.constant 0 : i32
      %dma_wait3A_436 = tpu.memref_slice %arg10[%dma_wait3A_432, %dma_wait3A_434, %dma_wait3A_435] : memref<8x1x125xi32, #tpu.memory_space<vmem>> -> memref<1x1x125xi32, #tpu.memory_space<vmem>>
      %dma_wait3A_437 = tpu.memref_squeeze %dma_wait3A_436 : memref<1x1x125xi32, #tpu.memory_space<vmem>> -> memref<1x125xi32, #tpu.memory_space<vmem>>
      %dma_wait3A_438 = arith.constant 0 : i32
      %dma_wait3A_439 = tpu.memref_slice %dma_wait3A_437[%dma_wait3A_433, %dma_wait3A_438] : memref<1x125xi32, #tpu.memory_space<vmem>> -> memref<1x125xi32, #tpu.memory_space<vmem>>
      %dma_wait3A_440 = tpu.memref_squeeze %dma_wait3A_439 : memref<1x125xi32, #tpu.memory_space<vmem>> -> memref<125xi32, #tpu.memory_space<vmem>>
      %dma_wait3A_441 = arith.constant 0 : i32
      %dma_wait3A_442 = arith.constant 0 : i32
      %dma_wait3A_443 = tpu.memref_slice %arg2[%dma_wait3A_441, %dma_wait3A_442] : memref<10112x128xf32, #tpu.memory_space<hbm>> -> memref<10112x128xf32, #tpu.memory_space<hbm>>
      tpu.wait_indirect_dma semaphore(%arg14 : memref<!tpu.dma_semaphore, #tpu.memory_space<semaphore_mem>>) src(%dma_wait3A_443 : memref<10112x128xf32, #tpu.memory_space<hbm>>) dst(%arg12 : memref<125x128xf32, #tpu.memory_space<vmem>>)
      %dma_start3A_444 = arith.constant 1 : i32
      %dma_start3A_445 = arith.constant 0 : i32
      %dma_start3A_446 = arith.constant 0 : i32
      %dma_start3A_447 = arith.constant 0 : i32
      %dma_start3A_448 = tpu.memref_slice %arg10[%dma_start3A_444, %dma_start3A_446, %dma_start3A_447] : memref<8x1x125xi32, #tpu.memory_space<vmem>> -> memref<1x1x125xi32, #tpu.memory_space<vmem>>
      %dma_start3A_449 = tpu.memref_squeeze %dma_start3A_448 : memref<1x1x125xi32, #tpu.memory_space<vmem>> -> memref<1x125xi32, #tpu.memory_space<vmem>>
      %dma_start3A_450 = arith.constant 0 : i32
      %dma_start3A_451 = tpu.memref_slice %dma_start3A_449[%dma_start3A_445, %dma_start3A_450] : memref<1x125xi32, #tpu.memory_space<vmem>> -> memref<1x125xi32, #tpu.memory_space<vmem>>
      %dma_start3A_452 = tpu.memref_squeeze %dma_start3A_451 : memref<1x125xi32, #tpu.memory_space<vmem>> -> memref<125xi32, #tpu.memory_space<vmem>>
      %dma_start3A_453 = arith.constant 0 : i32
      %dma_start3A_454 = arith.constant 0 : i32
      %dma_start3A_455 = tpu.memref_slice %arg2[%dma_start3A_453, %dma_start3A_454] : memref<10112x128xf32, #tpu.memory_space<hbm>> -> memref<10112x128xf32, #tpu.memory_space<hbm>>
      tpu.enqueue_indirect_dma source(%dma_start3A_455 : memref<10112x128xf32, #tpu.memory_space<hbm>>) target(%arg13 : memref<125x128xf32, #tpu.memory_space<vmem>>) offsets(%dma_start3A_452 : memref<125xi32, #tpu.memory_space<vmem>>) semaphore(%arg15 : memref<!tpu.dma_semaphore, #tpu.memory_space<semaphore_mem>>)
      %run_scoped3A_456 = arith.constant 0 : i32
      %run_scoped3A_457 = arith.constant 0 : i32
      "tpu.region"() ({
        %run_scoped3A_635 = tpu.sem_alloc : memref<!tpu.dma_semaphore, #tpu.memory_space<semaphore_mem>>
        %dma_start3A_636 = arith.constant 0 : i32
        %dma_start3A_637 = arith.constant 0 : i32
        %dma_start3A_638 = tpu.memref_slice %arg11[%run_scoped3A_456, %dma_start3A_636, %dma_start3A_637] : memref<8x1x125xi32, #tpu.memory_space<vmem>> -> memref<1x1x125xi32, #tpu.memory_space<vmem>>
        %dma_start3A_639 = tpu.memref_squeeze %dma_start3A_638 : memref<1x1x125xi32, #tpu.memory_space<vmem>> -> memref<1x125xi32, #tpu.memory_space<vmem>>
        %dma_start3A_640 = arith.constant 0 : i32
        %dma_start3A_641 = tpu.memref_slice %dma_start3A_639[%run_scoped3A_457, %dma_start3A_640] : memref<1x125xi32, #tpu.memory_space<vmem>> -> memref<1x125xi32, #tpu.memory_space<vmem>>
        %dma_start3A_642 = tpu.memref_squeeze %dma_start3A_641 : memref<1x125xi32, #tpu.memory_space<vmem>> -> memref<125xi32, #tpu.memory_space<vmem>>
        %dma_start3A_643 = arith.constant 0 : i32
        %dma_start3A_644 = arith.constant 0 : i32
        %dma_start3A_645 = tpu.memref_slice %arg7[%dma_start3A_643, %dma_start3A_644] : memref<10112x128xf32, #tpu.memory_space<vmem_shared>> -> memref<10112x128xf32, #tpu.memory_space<vmem_shared>>
        tpu.enqueue_indirect_dma source(%arg12 : memref<125x128xf32, #tpu.memory_space<vmem>>) target(%dma_start3A_645 : memref<10112x128xf32, #tpu.memory_space<vmem_shared>>) offsets(%dma_start3A_642 : memref<125xi32, #tpu.memory_space<vmem>>) semaphore(%run_scoped3A_635 : memref<!tpu.dma_semaphore, #tpu.memory_space<semaphore_mem>>) {add = true}
        %dma_wait3A_646 = arith.constant 0 : i32
        %dma_wait3A_647 = arith.constant 0 : i32
        %dma_wait3A_648 = tpu.memref_slice %arg11[%run_scoped3A_456, %dma_wait3A_646, %dma_wait3A_647] : memref<8x1x125xi32, #tpu.memory_space<vmem>> -> memref<1x1x125xi32, #tpu.memory_space<vmem>>
        %dma_wait3A_649 = tpu.memref_squeeze %dma_wait3A_648 : memref<1x1x125xi32, #tpu.memory_space<vmem>> -> memref<1x125xi32, #tpu.memory_space<vmem>>
        %dma_wait3A_650 = arith.constant 0 : i32
        %dma_wait3A_651 = tpu.memref_slice %dma_wait3A_649[%run_scoped3A_457, %dma_wait3A_650] : memref<1x125xi32, #tpu.memory_space<vmem>> -> memref<1x125xi32, #tpu.memory_space<vmem>>
        %dma_wait3A_652 = tpu.memref_squeeze %dma_wait3A_651 : memref<1x125xi32, #tpu.memory_space<vmem>> -> memref<125xi32, #tpu.memory_space<vmem>>
        %dma_wait3A_653 = arith.constant 0 : i32
        %dma_wait3A_654 = arith.constant 0 : i32
        %dma_wait3A_655 = tpu.memref_slice %arg7[%dma_wait3A_653, %dma_wait3A_654] : memref<10112x128xf32, #tpu.memory_space<vmem_shared>> -> memref<10112x128xf32, #tpu.memory_space<vmem_shared>>
        tpu.wait_indirect_dma semaphore(%run_scoped3A_635 : memref<!tpu.dma_semaphore, #tpu.memory_space<semaphore_mem>>) src(%arg12 : memref<125x128xf32, #tpu.memory_space<vmem>>) dst(%dma_wait3A_655 : memref<10112x128xf32, #tpu.memory_space<vmem_shared>>)
        tpu.yield
      }) : () -> ()
      %dma_wait3A_458 = arith.constant 1 : i32
      %dma_wait3A_459 = arith.constant 0 : i32
      %dma_wait3A_460 = arith.constant 0 : i32
      %dma_wait3A_461 = arith.constant 0 : i32
      %dma_wait3A_462 = tpu.memref_slice %arg10[%dma_wait3A_458, %dma_wait3A_460, %dma_wait3A_461] : memref<8x1x125xi32, #tpu.memory_space<vmem>> -> memref<1x1x125xi32, #tpu.memory_space<vmem>>
      %dma_wait3A_463 = tpu.memref_squeeze %dma_wait3A_462 : memref<1x1x125xi32, #tpu.memory_space<vmem>> -> memref<1x125xi32, #tpu.memory_space<vmem>>
      %dma_wait3A_464 = arith.constant 0 : i32
      %dma_wait3A_465 = tpu.memref_slice %dma_wait3A_463[%dma_wait3A_459, %dma_wait3A_464] : memref<1x125xi32, #tpu.memory_space<vmem>> -> memref<1x125xi32, #tpu.memory_space<vmem>>
      %dma_wait3A_466 = tpu.memref_squeeze %dma_wait3A_465 : memref<1x125xi32, #tpu.memory_space<vmem>> -> memref<125xi32, #tpu.memory_space<vmem>>
      %dma_wait3A_467 = arith.constant 0 : i32
      %dma_wait3A_468 = arith.constant 0 : i32
      %dma_wait3A_469 = tpu.memref_slice %arg2[%dma_wait3A_467, %dma_wait3A_468] : memref<10112x128xf32, #tpu.memory_space<hbm>> -> memref<10112x128xf32, #tpu.memory_space<hbm>>
      tpu.wait_indirect_dma semaphore(%arg15 : memref<!tpu.dma_semaphore, #tpu.memory_space<semaphore_mem>>) src(%dma_wait3A_469 : memref<10112x128xf32, #tpu.memory_space<hbm>>) dst(%arg13 : memref<125x128xf32, #tpu.memory_space<vmem>>)
      %dma_start3A_470 = arith.constant 2 : i32
      %dma_start3A_471 = arith.constant 0 : i32
      %dma_start3A_472 = arith.constant 0 : i32
      %dma_start3A_473 = arith.constant 0 : i32
      %dma_start3A_474 = tpu.memref_slice %arg10[%dma_start3A_470, %dma_start3A_472, %dma_start3A_473] : memref<8x1x125xi32, #tpu.memory_space<vmem>> -> memref<1x1x125xi32, #tpu.memory_space<vmem>>
      %dma_start3A_475 = tpu.memref_squeeze %dma_start3A_474 : memref<1x1x125xi32, #tpu.memory_space<vmem>> -> memref<1x125xi32, #tpu.memory_space<vmem>>
      %dma_start3A_476 = arith.constant 0 : i32
      %dma_start3A_477 = tpu.memref_slice %dma_start3A_475[%dma_start3A_471, %dma_start3A_476] : memref<1x125xi32, #tpu.memory_space<vmem>> -> memref<1x125xi32, #tpu.memory_space<vmem>>
      %dma_start3A_478 = tpu.memref_squeeze %dma_start3A_477 : memref<1x125xi32, #tpu.memory_space<vmem>> -> memref<125xi32, #tpu.memory_space<vmem>>
      %dma_start3A_479 = arith.constant 0 : i32
      %dma_start3A_480 = arith.constant 0 : i32
      %dma_start3A_481 = tpu.memref_slice %arg2[%dma_start3A_479, %dma_start3A_480] : memref<10112x128xf32, #tpu.memory_space<hbm>> -> memref<10112x128xf32, #tpu.memory_space<hbm>>
      tpu.enqueue_indirect_dma source(%dma_start3A_481 : memref<10112x128xf32, #tpu.memory_space<hbm>>) target(%arg12 : memref<125x128xf32, #tpu.memory_space<vmem>>) offsets(%dma_start3A_478 : memref<125xi32, #tpu.memory_space<vmem>>) semaphore(%arg14 : memref<!tpu.dma_semaphore, #tpu.memory_space<semaphore_mem>>)
      %run_scoped3A_482 = arith.constant 1 : i32
      %run_scoped3A_483 = arith.constant 0 : i32
      "tpu.region"() ({
        %run_scoped3A_635 = tpu.sem_alloc : memref<!tpu.dma_semaphore, #tpu.memory_space<semaphore_mem>>
        %dma_start3A_636 = arith.constant 0 : i32
        %dma_start3A_637 = arith.constant 0 : i32
        %dma_start3A_638 = tpu.memref_slice %arg11[%run_scoped3A_482, %dma_start3A_636, %dma_start3A_637] : memref<8x1x125xi32, #tpu.memory_space<vmem>> -> memref<1x1x125xi32, #tpu.memory_space<vmem>>
        %dma_start3A_639 = tpu.memref_squeeze %dma_start3A_638 : memref<1x1x125xi32, #tpu.memory_space<vmem>> -> memref<1x125xi32, #tpu.memory_space<vmem>>
        %dma_start3A_640 = arith.constant 0 : i32
        %dma_start3A_641 = tpu.memref_slice %dma_start3A_639[%run_scoped3A_483, %dma_start3A_640] : memref<1x125xi32, #tpu.memory_space<vmem>> -> memref<1x125xi32, #tpu.memory_space<vmem>>
        %dma_start3A_642 = tpu.memref_squeeze %dma_start3A_641 : memref<1x125xi32, #tpu.memory_space<vmem>> -> memref<125xi32, #tpu.memory_space<vmem>>
        %dma_start3A_643 = arith.constant 0 : i32
        %dma_start3A_644 = arith.constant 0 : i32
        %dma_start3A_645 = tpu.memref_slice %arg7[%dma_start3A_643, %dma_start3A_644] : memref<10112x128xf32, #tpu.memory_space<vmem_shared>> -> memref<10112x128xf32, #tpu.memory_space<vmem_shared>>
        tpu.enqueue_indirect_dma source(%arg13 : memref<125x128xf32, #tpu.memory_space<vmem>>) target(%dma_start3A_645 : memref<10112x128xf32, #tpu.memory_space<vmem_shared>>) offsets(%dma_start3A_642 : memref<125xi32, #tpu.memory_space<vmem>>) semaphore(%run_scoped3A_635 : memref<!tpu.dma_semaphore, #tpu.memory_space<semaphore_mem>>) {add = true}
        %dma_wait3A_646 = arith.constant 0 : i32
        %dma_wait3A_647 = arith.constant 0 : i32
        %dma_wait3A_648 = tpu.memref_slice %arg11[%run_scoped3A_482, %dma_wait3A_646, %dma_wait3A_647] : memref<8x1x125xi32, #tpu.memory_space<vmem>> -> memref<1x1x125xi32, #tpu.memory_space<vmem>>
        %dma_wait3A_649 = tpu.memref_squeeze %dma_wait3A_648 : memref<1x1x125xi32, #tpu.memory_space<vmem>> -> memref<1x125xi32, #tpu.memory_space<vmem>>
        %dma_wait3A_650 = arith.constant 0 : i32
        %dma_wait3A_651 = tpu.memref_slice %dma_wait3A_649[%run_scoped3A_483, %dma_wait3A_650] : memref<1x125xi32, #tpu.memory_space<vmem>> -> memref<1x125xi32, #tpu.memory_space<vmem>>
        %dma_wait3A_652 = tpu.memref_squeeze %dma_wait3A_651 : memref<1x125xi32, #tpu.memory_space<vmem>> -> memref<125xi32, #tpu.memory_space<vmem>>
        %dma_wait3A_653 = arith.constant 0 : i32
        %dma_wait3A_654 = arith.constant 0 : i32
        %dma_wait3A_655 = tpu.memref_slice %arg7[%dma_wait3A_653, %dma_wait3A_654] : memref<10112x128xf32, #tpu.memory_space<vmem_shared>> -> memref<10112x128xf32, #tpu.memory_space<vmem_shared>>
        tpu.wait_indirect_dma semaphore(%run_scoped3A_635 : memref<!tpu.dma_semaphore, #tpu.memory_space<semaphore_mem>>) src(%arg13 : memref<125x128xf32, #tpu.memory_space<vmem>>) dst(%dma_wait3A_655 : memref<10112x128xf32, #tpu.memory_space<vmem_shared>>)
        tpu.yield
      }) : () -> ()
      %dma_wait3A_484 = arith.constant 2 : i32
      %dma_wait3A_485 = arith.constant 0 : i32
      %dma_wait3A_486 = arith.constant 0 : i32
      %dma_wait3A_487 = arith.constant 0 : i32
      %dma_wait3A_488 = tpu.memref_slice %arg10[%dma_wait3A_484, %dma_wait3A_486, %dma_wait3A_487] : memref<8x1x125xi32, #tpu.memory_space<vmem>> -> memref<1x1x125xi32, #tpu.memory_space<vmem>>
      %dma_wait3A_489 = tpu.memref_squeeze %dma_wait3A_488 : memref<1x1x125xi32, #tpu.memory_space<vmem>> -> memref<1x125xi32, #tpu.memory_space<vmem>>
      %dma_wait3A_490 = arith.constant 0 : i32
      %dma_wait3A_491 = tpu.memref_slice %dma_wait3A_489[%dma_wait3A_485, %dma_wait3A_490] : memref<1x125xi32, #tpu.memory_space<vmem>> -> memref<1x125xi32, #tpu.memory_space<vmem>>
      %dma_wait3A_492 = tpu.memref_squeeze %dma_wait3A_491 : memref<1x125xi32, #tpu.memory_space<vmem>> -> memref<125xi32, #tpu.memory_space<vmem>>
      %dma_wait3A_493 = arith.constant 0 : i32
      %dma_wait3A_494 = arith.constant 0 : i32
      %dma_wait3A_495 = tpu.memref_slice %arg2[%dma_wait3A_493, %dma_wait3A_494] : memref<10112x128xf32, #tpu.memory_space<hbm>> -> memref<10112x128xf32, #tpu.memory_space<hbm>>
      tpu.wait_indirect_dma semaphore(%arg14 : memref<!tpu.dma_semaphore, #tpu.memory_space<semaphore_mem>>) src(%dma_wait3A_495 : memref<10112x128xf32, #tpu.memory_space<hbm>>) dst(%arg12 : memref<125x128xf32, #tpu.memory_space<vmem>>)
      %dma_start3A_496 = arith.constant 3 : i32
      %dma_start3A_497 = arith.constant 0 : i32
      %dma_start3A_498 = arith.constant 0 : i32
      %dma_start3A_499 = arith.constant 0 : i32
      %dma_start3A_500 = tpu.memref_slice %arg10[%dma_start3A_496, %dma_start3A_498, %dma_start3A_499] : memref<8x1x125xi32, #tpu.memory_space<vmem>> -> memref<1x1x125xi32, #tpu.memory_space<vmem>>
      %dma_start3A_501 = tpu.memref_squeeze %dma_start3A_500 : memref<1x1x125xi32, #tpu.memory_space<vmem>> -> memref<1x125xi32, #tpu.memory_space<vmem>>
      %dma_start3A_502 = arith.constant 0 : i32
      %dma_start3A_503 = tpu.memref_slice %dma_start3A_501[%dma_start3A_497, %dma_start3A_502] : memref<1x125xi32, #tpu.memory_space<vmem>> -> memref<1x125xi32, #tpu.memory_space<vmem>>
      %dma_start3A_504 = tpu.memref_squeeze %dma_start3A_503 : memref<1x125xi32, #tpu.memory_space<vmem>> -> memref<125xi32, #tpu.memory_space<vmem>>
      %dma_start3A_505 = arith.constant 0 : i32
      %dma_start3A_506 = arith.constant 0 : i32
      %dma_start3A_507 = tpu.memref_slice %arg2[%dma_start3A_505, %dma_start3A_506] : memref<10112x128xf32, #tpu.memory_space<hbm>> -> memref<10112x128xf32, #tpu.memory_space<hbm>>
      tpu.enqueue_indirect_dma source(%dma_start3A_507 : memref<10112x128xf32, #tpu.memory_space<hbm>>) target(%arg13 : memref<125x128xf32, #tpu.memory_space<vmem>>) offsets(%dma_start3A_504 : memref<125xi32, #tpu.memory_space<vmem>>) semaphore(%arg15 : memref<!tpu.dma_semaphore, #tpu.memory_space<semaphore_mem>>)
      %run_scoped3A_508 = arith.constant 2 : i32
      %run_scoped3A_509 = arith.constant 0 : i32
      "tpu.region"() ({
        %run_scoped3A_635 = tpu.sem_alloc : memref<!tpu.dma_semaphore, #tpu.memory_space<semaphore_mem>>
        %dma_start3A_636 = arith.constant 0 : i32
        %dma_start3A_637 = arith.constant 0 : i32
        %dma_start3A_638 = tpu.memref_slice %arg11[%run_scoped3A_508, %dma_start3A_636, %dma_start3A_637] : memref<8x1x125xi32, #tpu.memory_space<vmem>> -> memref<1x1x125xi32, #tpu.memory_space<vmem>>
        %dma_start3A_639 = tpu.memref_squeeze %dma_start3A_638 : memref<1x1x125xi32, #tpu.memory_space<vmem>> -> memref<1x125xi32, #tpu.memory_space<vmem>>
        %dma_start3A_640 = arith.constant 0 : i32
        %dma_start3A_641 = tpu.memref_slice %dma_start3A_639[%run_scoped3A_509, %dma_start3A_640] : memref<1x125xi32, #tpu.memory_space<vmem>> -> memref<1x125xi32, #tpu.memory_space<vmem>>
        %dma_start3A_642 = tpu.memref_squeeze %dma_start3A_641 : memref<1x125xi32, #tpu.memory_space<vmem>> -> memref<125xi32, #tpu.memory_space<vmem>>
        %dma_start3A_643 = arith.constant 0 : i32
        %dma_start3A_644 = arith.constant 0 : i32
        %dma_start3A_645 = tpu.memref_slice %arg7[%dma_start3A_643, %dma_start3A_644] : memref<10112x128xf32, #tpu.memory_space<vmem_shared>> -> memref<10112x128xf32, #tpu.memory_space<vmem_shared>>
        tpu.enqueue_indirect_dma source(%arg12 : memref<125x128xf32, #tpu.memory_space<vmem>>) target(%dma_start3A_645 : memref<10112x128xf32, #tpu.memory_space<vmem_shared>>) offsets(%dma_start3A_642 : memref<125xi32, #tpu.memory_space<vmem>>) semaphore(%run_scoped3A_635 : memref<!tpu.dma_semaphore, #tpu.memory_space<semaphore_mem>>) {add = true}
        %dma_wait3A_646 = arith.constant 0 : i32
        %dma_wait3A_647 = arith.constant 0 : i32
        %dma_wait3A_648 = tpu.memref_slice %arg11[%run_scoped3A_508, %dma_wait3A_646, %dma_wait3A_647] : memref<8x1x125xi32, #tpu.memory_space<vmem>> -> memref<1x1x125xi32, #tpu.memory_space<vmem>>
        %dma_wait3A_649 = tpu.memref_squeeze %dma_wait3A_648 : memref<1x1x125xi32, #tpu.memory_space<vmem>> -> memref<1x125xi32, #tpu.memory_space<vmem>>
        %dma_wait3A_650 = arith.constant 0 : i32
        %dma_wait3A_651 = tpu.memref_slice %dma_wait3A_649[%run_scoped3A_509, %dma_wait3A_650] : memref<1x125xi32, #tpu.memory_space<vmem>> -> memref<1x125xi32, #tpu.memory_space<vmem>>
        %dma_wait3A_652 = tpu.memref_squeeze %dma_wait3A_651 : memref<1x125xi32, #tpu.memory_space<vmem>> -> memref<125xi32, #tpu.memory_space<vmem>>
        %dma_wait3A_653 = arith.constant 0 : i32
        %dma_wait3A_654 = arith.constant 0 : i32
        %dma_wait3A_655 = tpu.memref_slice %arg7[%dma_wait3A_653, %dma_wait3A_654] : memref<10112x128xf32, #tpu.memory_space<vmem_shared>> -> memref<10112x128xf32, #tpu.memory_space<vmem_shared>>
        tpu.wait_indirect_dma semaphore(%run_scoped3A_635 : memref<!tpu.dma_semaphore, #tpu.memory_space<semaphore_mem>>) src(%arg12 : memref<125x128xf32, #tpu.memory_space<vmem>>) dst(%dma_wait3A_655 : memref<10112x128xf32, #tpu.memory_space<vmem_shared>>)
        tpu.yield
      }) : () -> ()
      %dma_wait3A_510 = arith.constant 3 : i32
      %dma_wait3A_511 = arith.constant 0 : i32
      %dma_wait3A_512 = arith.constant 0 : i32
      %dma_wait3A_513 = arith.constant 0 : i32
      %dma_wait3A_514 = tpu.memref_slice %arg10[%dma_wait3A_510, %dma_wait3A_512, %dma_wait3A_513] : memref<8x1x125xi32, #tpu.memory_space<vmem>> -> memref<1x1x125xi32, #tpu.memory_space<vmem>>
      %dma_wait3A_515 = tpu.memref_squeeze %dma_wait3A_514 : memref<1x1x125xi32, #tpu.memory_space<vmem>> -> memref<1x125xi32, #tpu.memory_space<vmem>>
      %dma_wait3A_516 = arith.constant 0 : i32
      %dma_wait3A_517 = tpu.memref_slice %dma_wait3A_515[%dma_wait3A_511, %dma_wait3A_516] : memref<1x125xi32, #tpu.memory_space<vmem>> -> memref<1x125xi32, #tpu.memory_space<vmem>>
      %dma_wait3A_518 = tpu.memref_squeeze %dma_wait3A_517 : memref<1x125xi32, #tpu.memory_space<vmem>> -> memref<125xi32, #tpu.memory_space<vmem>>
      %dma_wait3A_519 = arith.constant 0 : i32
      %dma_wait3A_520 = arith.constant 0 : i32
      %dma_wait3A_521 = tpu.memref_slice %arg2[%dma_wait3A_519, %dma_wait3A_520] : memref<10112x128xf32, #tpu.memory_space<hbm>> -> memref<10112x128xf32, #tpu.memory_space<hbm>>
      tpu.wait_indirect_dma semaphore(%arg15 : memref<!tpu.dma_semaphore, #tpu.memory_space<semaphore_mem>>) src(%dma_wait3A_521 : memref<10112x128xf32, #tpu.memory_space<hbm>>) dst(%arg13 : memref<125x128xf32, #tpu.memory_space<vmem>>)
      %dma_start3A_522 = arith.constant 4 : i32
      %dma_start3A_523 = arith.constant 0 : i32
      %dma_start3A_524 = arith.constant 0 : i32
      %dma_start3A_525 = arith.constant 0 : i32
      %dma_start3A_526 = tpu.memref_slice %arg10[%dma_start3A_522, %dma_start3A_524, %dma_start3A_525] : memref<8x1x125xi32, #tpu.memory_space<vmem>> -> memref<1x1x125xi32, #tpu.memory_space<vmem>>
      %dma_start3A_527 = tpu.memref_squeeze %dma_start3A_526 : memref<1x1x125xi32, #tpu.memory_space<vmem>> -> memref<1x125xi32, #tpu.memory_space<vmem>>
      %dma_start3A_528 = arith.constant 0 : i32
      %dma_start3A_529 = tpu.memref_slice %dma_start3A_527[%dma_start3A_523, %dma_start3A_528] : memref<1x125xi32, #tpu.memory_space<vmem>> -> memref<1x125xi32, #tpu.memory_space<vmem>>
      %dma_start3A_530 = tpu.memref_squeeze %dma_start3A_529 : memref<1x125xi32, #tpu.memory_space<vmem>> -> memref<125xi32, #tpu.memory_space<vmem>>
      %dma_start3A_531 = arith.constant 0 : i32
      %dma_start3A_532 = arith.constant 0 : i32
      %dma_start3A_533 = tpu.memref_slice %arg2[%dma_start3A_531, %dma_start3A_532] : memref<10112x128xf32, #tpu.memory_space<hbm>> -> memref<10112x128xf32, #tpu.memory_space<hbm>>
      tpu.enqueue_indirect_dma source(%dma_start3A_533 : memref<10112x128xf32, #tpu.memory_space<hbm>>) target(%arg12 : memref<125x128xf32, #tpu.memory_space<vmem>>) offsets(%dma_start3A_530 : memref<125xi32, #tpu.memory_space<vmem>>) semaphore(%arg14 : memref<!tpu.dma_semaphore, #tpu.memory_space<semaphore_mem>>)
      %run_scoped3A_534 = arith.constant 3 : i32
      %run_scoped3A_535 = arith.constant 0 : i32
      "tpu.region"() ({
        %run_scoped3A_635 = tpu.sem_alloc : memref<!tpu.dma_semaphore, #tpu.memory_space<semaphore_mem>>
        %dma_start3A_636 = arith.constant 0 : i32
        %dma_start3A_637 = arith.constant 0 : i32
        %dma_start3A_638 = tpu.memref_slice %arg11[%run_scoped3A_534, %dma_start3A_636, %dma_start3A_637] : memref<8x1x125xi32, #tpu.memory_space<vmem>> -> memref<1x1x125xi32, #tpu.memory_space<vmem>>
        %dma_start3A_639 = tpu.memref_squeeze %dma_start3A_638 : memref<1x1x125xi32, #tpu.memory_space<vmem>> -> memref<1x125xi32, #tpu.memory_space<vmem>>
        %dma_start3A_640 = arith.constant 0 : i32
        %dma_start3A_641 = tpu.memref_slice %dma_start3A_639[%run_scoped3A_535, %dma_start3A_640] : memref<1x125xi32, #tpu.memory_space<vmem>> -> memref<1x125xi32, #tpu.memory_space<vmem>>
        %dma_start3A_642 = tpu.memref_squeeze %dma_start3A_641 : memref<1x125xi32, #tpu.memory_space<vmem>> -> memref<125xi32, #tpu.memory_space<vmem>>
        %dma_start3A_643 = arith.constant 0 : i32
        %dma_start3A_644 = arith.constant 0 : i32
        %dma_start3A_645 = tpu.memref_slice %arg7[%dma_start3A_643, %dma_start3A_644] : memref<10112x128xf32, #tpu.memory_space<vmem_shared>> -> memref<10112x128xf32, #tpu.memory_space<vmem_shared>>
        tpu.enqueue_indirect_dma source(%arg13 : memref<125x128xf32, #tpu.memory_space<vmem>>) target(%dma_start3A_645 : memref<10112x128xf32, #tpu.memory_space<vmem_shared>>) offsets(%dma_start3A_642 : memref<125xi32, #tpu.memory_space<vmem>>) semaphore(%run_scoped3A_635 : memref<!tpu.dma_semaphore, #tpu.memory_space<semaphore_mem>>) {add = true}
        %dma_wait3A_646 = arith.constant 0 : i32
        %dma_wait3A_647 = arith.constant 0 : i32
        %dma_wait3A_648 = tpu.memref_slice %arg11[%run_scoped3A_534, %dma_wait3A_646, %dma_wait3A_647] : memref<8x1x125xi32, #tpu.memory_space<vmem>> -> memref<1x1x125xi32, #tpu.memory_space<vmem>>
        %dma_wait3A_649 = tpu.memref_squeeze %dma_wait3A_648 : memref<1x1x125xi32, #tpu.memory_space<vmem>> -> memref<1x125xi32, #tpu.memory_space<vmem>>
        %dma_wait3A_650 = arith.constant 0 : i32
        %dma_wait3A_651 = tpu.memref_slice %dma_wait3A_649[%run_scoped3A_535, %dma_wait3A_650] : memref<1x125xi32, #tpu.memory_space<vmem>> -> memref<1x125xi32, #tpu.memory_space<vmem>>
        %dma_wait3A_652 = tpu.memref_squeeze %dma_wait3A_651 : memref<1x125xi32, #tpu.memory_space<vmem>> -> memref<125xi32, #tpu.memory_space<vmem>>
        %dma_wait3A_653 = arith.constant 0 : i32
        %dma_wait3A_654 = arith.constant 0 : i32
        %dma_wait3A_655 = tpu.memref_slice %arg7[%dma_wait3A_653, %dma_wait3A_654] : memref<10112x128xf32, #tpu.memory_space<vmem_shared>> -> memref<10112x128xf32, #tpu.memory_space<vmem_shared>>
        tpu.wait_indirect_dma semaphore(%run_scoped3A_635 : memref<!tpu.dma_semaphore, #tpu.memory_space<semaphore_mem>>) src(%arg13 : memref<125x128xf32, #tpu.memory_space<vmem>>) dst(%dma_wait3A_655 : memref<10112x128xf32, #tpu.memory_space<vmem_shared>>)
        tpu.yield
      }) : () -> ()
      %dma_wait3A_536 = arith.constant 4 : i32
      %dma_wait3A_537 = arith.constant 0 : i32
      %dma_wait3A_538 = arith.constant 0 : i32
      %dma_wait3A_539 = arith.constant 0 : i32
      %dma_wait3A_540 = tpu.memref_slice %arg10[%dma_wait3A_536, %dma_wait3A_538, %dma_wait3A_539] : memref<8x1x125xi32, #tpu.memory_space<vmem>> -> memref<1x1x125xi32, #tpu.memory_space<vmem>>
      %dma_wait3A_541 = tpu.memref_squeeze %dma_wait3A_540 : memref<1x1x125xi32, #tpu.memory_space<vmem>> -> memref<1x125xi32, #tpu.memory_space<vmem>>
      %dma_wait3A_542 = arith.constant 0 : i32
      %dma_wait3A_543 = tpu.memref_slice %dma_wait3A_541[%dma_wait3A_537, %dma_wait3A_542] : memref<1x125xi32, #tpu.memory_space<vmem>> -> memref<1x125xi32, #tpu.memory_space<vmem>>
      %dma_wait3A_544 = tpu.memref_squeeze %dma_wait3A_543 : memref<1x125xi32, #tpu.memory_space<vmem>> -> memref<125xi32, #tpu.memory_space<vmem>>
      %dma_wait3A_545 = arith.constant 0 : i32
      %dma_wait3A_546 = arith.constant 0 : i32
      %dma_wait3A_547 = tpu.memref_slice %arg2[%dma_wait3A_545, %dma_wait3A_546] : memref<10112x128xf32, #tpu.memory_space<hbm>> -> memref<10112x128xf32, #tpu.memory_space<hbm>>
      tpu.wait_indirect_dma semaphore(%arg14 : memref<!tpu.dma_semaphore, #tpu.memory_space<semaphore_mem>>) src(%dma_wait3A_547 : memref<10112x128xf32, #tpu.memory_space<hbm>>) dst(%arg12 : memref<125x128xf32, #tpu.memory_space<vmem>>)
      %dma_start3A_548 = arith.constant 5 : i32
      %dma_start3A_549 = arith.constant 0 : i32
      %dma_start3A_550 = arith.constant 0 : i32
      %dma_start3A_551 = arith.constant 0 : i32
      %dma_start3A_552 = tpu.memref_slice %arg10[%dma_start3A_548, %dma_start3A_550, %dma_start3A_551] : memref<8x1x125xi32, #tpu.memory_space<vmem>> -> memref<1x1x125xi32, #tpu.memory_space<vmem>>
      %dma_start3A_553 = tpu.memref_squeeze %dma_start3A_552 : memref<1x1x125xi32, #tpu.memory_space<vmem>> -> memref<1x125xi32, #tpu.memory_space<vmem>>
      %dma_start3A_554 = arith.constant 0 : i32
      %dma_start3A_555 = tpu.memref_slice %dma_start3A_553[%dma_start3A_549, %dma_start3A_554] : memref<1x125xi32, #tpu.memory_space<vmem>> -> memref<1x125xi32, #tpu.memory_space<vmem>>
      %dma_start3A_556 = tpu.memref_squeeze %dma_start3A_555 : memref<1x125xi32, #tpu.memory_space<vmem>> -> memref<125xi32, #tpu.memory_space<vmem>>
      %dma_start3A_557 = arith.constant 0 : i32
      %dma_start3A_558 = arith.constant 0 : i32
      %dma_start3A_559 = tpu.memref_slice %arg2[%dma_start3A_557, %dma_start3A_558] : memref<10112x128xf32, #tpu.memory_space<hbm>> -> memref<10112x128xf32, #tpu.memory_space<hbm>>
      tpu.enqueue_indirect_dma source(%dma_start3A_559 : memref<10112x128xf32, #tpu.memory_space<hbm>>) target(%arg13 : memref<125x128xf32, #tpu.memory_space<vmem>>) offsets(%dma_start3A_556 : memref<125xi32, #tpu.memory_space<vmem>>) semaphore(%arg15 : memref<!tpu.dma_semaphore, #tpu.memory_space<semaphore_mem>>)
      %run_scoped3A_560 = arith.constant 4 : i32
      %run_scoped3A_561 = arith.constant 0 : i32
      "tpu.region"() ({
        %run_scoped3A_635 = tpu.sem_alloc : memref<!tpu.dma_semaphore, #tpu.memory_space<semaphore_mem>>
        %dma_start3A_636 = arith.constant 0 : i32
        %dma_start3A_637 = arith.constant 0 : i32
        %dma_start3A_638 = tpu.memref_slice %arg11[%run_scoped3A_560, %dma_start3A_636, %dma_start3A_637] : memref<8x1x125xi32, #tpu.memory_space<vmem>> -> memref<1x1x125xi32, #tpu.memory_space<vmem>>
        %dma_start3A_639 = tpu.memref_squeeze %dma_start3A_638 : memref<1x1x125xi32, #tpu.memory_space<vmem>> -> memref<1x125xi32, #tpu.memory_space<vmem>>
        %dma_start3A_640 = arith.constant 0 : i32
        %dma_start3A_641 = tpu.memref_slice %dma_start3A_639[%run_scoped3A_561, %dma_start3A_640] : memref<1x125xi32, #tpu.memory_space<vmem>> -> memref<1x125xi32, #tpu.memory_space<vmem>>
        %dma_start3A_642 = tpu.memref_squeeze %dma_start3A_641 : memref<1x125xi32, #tpu.memory_space<vmem>> -> memref<125xi32, #tpu.memory_space<vmem>>
        %dma_start3A_643 = arith.constant 0 : i32
        %dma_start3A_644 = arith.constant 0 : i32
        %dma_start3A_645 = tpu.memref_slice %arg7[%dma_start3A_643, %dma_start3A_644] : memref<10112x128xf32, #tpu.memory_space<vmem_shared>> -> memref<10112x128xf32, #tpu.memory_space<vmem_shared>>
        tpu.enqueue_indirect_dma source(%arg12 : memref<125x128xf32, #tpu.memory_space<vmem>>) target(%dma_start3A_645 : memref<10112x128xf32, #tpu.memory_space<vmem_shared>>) offsets(%dma_start3A_642 : memref<125xi32, #tpu.memory_space<vmem>>) semaphore(%run_scoped3A_635 : memref<!tpu.dma_semaphore, #tpu.memory_space<semaphore_mem>>) {add = true}
        %dma_wait3A_646 = arith.constant 0 : i32
        %dma_wait3A_647 = arith.constant 0 : i32
        %dma_wait3A_648 = tpu.memref_slice %arg11[%run_scoped3A_560, %dma_wait3A_646, %dma_wait3A_647] : memref<8x1x125xi32, #tpu.memory_space<vmem>> -> memref<1x1x125xi32, #tpu.memory_space<vmem>>
        %dma_wait3A_649 = tpu.memref_squeeze %dma_wait3A_648 : memref<1x1x125xi32, #tpu.memory_space<vmem>> -> memref<1x125xi32, #tpu.memory_space<vmem>>
        %dma_wait3A_650 = arith.constant 0 : i32
        %dma_wait3A_651 = tpu.memref_slice %dma_wait3A_649[%run_scoped3A_561, %dma_wait3A_650] : memref<1x125xi32, #tpu.memory_space<vmem>> -> memref<1x125xi32, #tpu.memory_space<vmem>>
        %dma_wait3A_652 = tpu.memref_squeeze %dma_wait3A_651 : memref<1x125xi32, #tpu.memory_space<vmem>> -> memref<125xi32, #tpu.memory_space<vmem>>
        %dma_wait3A_653 = arith.constant 0 : i32
        %dma_wait3A_654 = arith.constant 0 : i32
        %dma_wait3A_655 = tpu.memref_slice %arg7[%dma_wait3A_653, %dma_wait3A_654] : memref<10112x128xf32, #tpu.memory_space<vmem_shared>> -> memref<10112x128xf32, #tpu.memory_space<vmem_shared>>
        tpu.wait_indirect_dma semaphore(%run_scoped3A_635 : memref<!tpu.dma_semaphore, #tpu.memory_space<semaphore_mem>>) src(%arg12 : memref<125x128xf32, #tpu.memory_space<vmem>>) dst(%dma_wait3A_655 : memref<10112x128xf32, #tpu.memory_space<vmem_shared>>)
        tpu.yield
      }) : () -> ()
      %dma_wait3A_562 = arith.constant 5 : i32
      %dma_wait3A_563 = arith.constant 0 : i32
      %dma_wait3A_564 = arith.constant 0 : i32
      %dma_wait3A_565 = arith.constant 0 : i32
      %dma_wait3A_566 = tpu.memref_slice %arg10[%dma_wait3A_562, %dma_wait3A_564, %dma_wait3A_565] : memref<8x1x125xi32, #tpu.memory_space<vmem>> -> memref<1x1x125xi32, #tpu.memory_space<vmem>>
      %dma_wait3A_567 = tpu.memref_squeeze %dma_wait3A_566 : memref<1x1x125xi32, #tpu.memory_space<vmem>> -> memref<1x125xi32, #tpu.memory_space<vmem>>
      %dma_wait3A_568 = arith.constant 0 : i32
      %dma_wait3A_569 = tpu.memref_slice %dma_wait3A_567[%dma_wait3A_563, %dma_wait3A_568] : memref<1x125xi32, #tpu.memory_space<vmem>> -> memref<1x125xi32, #tpu.memory_space<vmem>>
      %dma_wait3A_570 = tpu.memref_squeeze %dma_wait3A_569 : memref<1x125xi32, #tpu.memory_space<vmem>> -> memref<125xi32, #tpu.memory_space<vmem>>
      %dma_wait3A_571 = arith.constant 0 : i32
      %dma_wait3A_572 = arith.constant 0 : i32
      %dma_wait3A_573 = tpu.memref_slice %arg2[%dma_wait3A_571, %dma_wait3A_572] : memref<10112x128xf32, #tpu.memory_space<hbm>> -> memref<10112x128xf32, #tpu.memory_space<hbm>>
      tpu.wait_indirect_dma semaphore(%arg15 : memref<!tpu.dma_semaphore, #tpu.memory_space<semaphore_mem>>) src(%dma_wait3A_573 : memref<10112x128xf32, #tpu.memory_space<hbm>>) dst(%arg13 : memref<125x128xf32, #tpu.memory_space<vmem>>)
      %dma_start3A_574 = arith.constant 6 : i32
      %dma_start3A_575 = arith.constant 0 : i32
      %dma_start3A_576 = arith.constant 0 : i32
      %dma_start3A_577 = arith.constant 0 : i32
      %dma_start3A_578 = tpu.memref_slice %arg10[%dma_start3A_574, %dma_start3A_576, %dma_start3A_577] : memref<8x1x125xi32, #tpu.memory_space<vmem>> -> memref<1x1x125xi32, #tpu.memory_space<vmem>>
      %dma_start3A_579 = tpu.memref_squeeze %dma_start3A_578 : memref<1x1x125xi32, #tpu.memory_space<vmem>> -> memref<1x125xi32, #tpu.memory_space<vmem>>
      %dma_start3A_580 = arith.constant 0 : i32
      %dma_start3A_581 = tpu.memref_slice %dma_start3A_579[%dma_start3A_575, %dma_start3A_580] : memref<1x125xi32, #tpu.memory_space<vmem>> -> memref<1x125xi32, #tpu.memory_space<vmem>>
      %dma_start3A_582 = tpu.memref_squeeze %dma_start3A_581 : memref<1x125xi32, #tpu.memory_space<vmem>> -> memref<125xi32, #tpu.memory_space<vmem>>
      %dma_start3A_583 = arith.constant 0 : i32
      %dma_start3A_584 = arith.constant 0 : i32
      %dma_start3A_585 = tpu.memref_slice %arg2[%dma_start3A_583, %dma_start3A_584] : memref<10112x128xf32, #tpu.memory_space<hbm>> -> memref<10112x128xf32, #tpu.memory_space<hbm>>
      tpu.enqueue_indirect_dma source(%dma_start3A_585 : memref<10112x128xf32, #tpu.memory_space<hbm>>) target(%arg12 : memref<125x128xf32, #tpu.memory_space<vmem>>) offsets(%dma_start3A_582 : memref<125xi32, #tpu.memory_space<vmem>>) semaphore(%arg14 : memref<!tpu.dma_semaphore, #tpu.memory_space<semaphore_mem>>)
      %run_scoped3A_586 = arith.constant 5 : i32
      %run_scoped3A_587 = arith.constant 0 : i32
      "tpu.region"() ({
        %run_scoped3A_635 = tpu.sem_alloc : memref<!tpu.dma_semaphore, #tpu.memory_space<semaphore_mem>>
        %dma_start3A_636 = arith.constant 0 : i32
        %dma_start3A_637 = arith.constant 0 : i32
        %dma_start3A_638 = tpu.memref_slice %arg11[%run_scoped3A_586, %dma_start3A_636, %dma_start3A_637] : memref<8x1x125xi32, #tpu.memory_space<vmem>> -> memref<1x1x125xi32, #tpu.memory_space<vmem>>
        %dma_start3A_639 = tpu.memref_squeeze %dma_start3A_638 : memref<1x1x125xi32, #tpu.memory_space<vmem>> -> memref<1x125xi32, #tpu.memory_space<vmem>>
        %dma_start3A_640 = arith.constant 0 : i32
        %dma_start3A_641 = tpu.memref_slice %dma_start3A_639[%run_scoped3A_587, %dma_start3A_640] : memref<1x125xi32, #tpu.memory_space<vmem>> -> memref<1x125xi32, #tpu.memory_space<vmem>>
        %dma_start3A_642 = tpu.memref_squeeze %dma_start3A_641 : memref<1x125xi32, #tpu.memory_space<vmem>> -> memref<125xi32, #tpu.memory_space<vmem>>
        %dma_start3A_643 = arith.constant 0 : i32
        %dma_start3A_644 = arith.constant 0 : i32
        %dma_start3A_645 = tpu.memref_slice %arg7[%dma_start3A_643, %dma_start3A_644] : memref<10112x128xf32, #tpu.memory_space<vmem_shared>> -> memref<10112x128xf32, #tpu.memory_space<vmem_shared>>
        tpu.enqueue_indirect_dma source(%arg13 : memref<125x128xf32, #tpu.memory_space<vmem>>) target(%dma_start3A_645 : memref<10112x128xf32, #tpu.memory_space<vmem_shared>>) offsets(%dma_start3A_642 : memref<125xi32, #tpu.memory_space<vmem>>) semaphore(%run_scoped3A_635 : memref<!tpu.dma_semaphore, #tpu.memory_space<semaphore_mem>>) {add = true}
        %dma_wait3A_646 = arith.constant 0 : i32
        %dma_wait3A_647 = arith.constant 0 : i32
        %dma_wait3A_648 = tpu.memref_slice %arg11[%run_scoped3A_586, %dma_wait3A_646, %dma_wait3A_647] : memref<8x1x125xi32, #tpu.memory_space<vmem>> -> memref<1x1x125xi32, #tpu.memory_space<vmem>>
        %dma_wait3A_649 = tpu.memref_squeeze %dma_wait3A_648 : memref<1x1x125xi32, #tpu.memory_space<vmem>> -> memref<1x125xi32, #tpu.memory_space<vmem>>
        %dma_wait3A_650 = arith.constant 0 : i32
        %dma_wait3A_651 = tpu.memref_slice %dma_wait3A_649[%run_scoped3A_587, %dma_wait3A_650] : memref<1x125xi32, #tpu.memory_space<vmem>> -> memref<1x125xi32, #tpu.memory_space<vmem>>
        %dma_wait3A_652 = tpu.memref_squeeze %dma_wait3A_651 : memref<1x125xi32, #tpu.memory_space<vmem>> -> memref<125xi32, #tpu.memory_space<vmem>>
        %dma_wait3A_653 = arith.constant 0 : i32
        %dma_wait3A_654 = arith.constant 0 : i32
        %dma_wait3A_655 = tpu.memref_slice %arg7[%dma_wait3A_653, %dma_wait3A_654] : memref<10112x128xf32, #tpu.memory_space<vmem_shared>> -> memref<10112x128xf32, #tpu.memory_space<vmem_shared>>
        tpu.wait_indirect_dma semaphore(%run_scoped3A_635 : memref<!tpu.dma_semaphore, #tpu.memory_space<semaphore_mem>>) src(%arg13 : memref<125x128xf32, #tpu.memory_space<vmem>>) dst(%dma_wait3A_655 : memref<10112x128xf32, #tpu.memory_space<vmem_shared>>)
        tpu.yield
      }) : () -> ()
      %dma_wait3A_588 = arith.constant 6 : i32
      %dma_wait3A_589 = arith.constant 0 : i32
      %dma_wait3A_590 = arith.constant 0 : i32
      %dma_wait3A_591 = arith.constant 0 : i32
      %dma_wait3A_592 = tpu.memref_slice %arg10[%dma_wait3A_588, %dma_wait3A_590, %dma_wait3A_591] : memref<8x1x125xi32, #tpu.memory_space<vmem>> -> memref<1x1x125xi32, #tpu.memory_space<vmem>>
      %dma_wait3A_593 = tpu.memref_squeeze %dma_wait3A_592 : memref<1x1x125xi32, #tpu.memory_space<vmem>> -> memref<1x125xi32, #tpu.memory_space<vmem>>
      %dma_wait3A_594 = arith.constant 0 : i32
      %dma_wait3A_595 = tpu.memref_slice %dma_wait3A_593[%dma_wait3A_589, %dma_wait3A_594] : memref<1x125xi32, #tpu.memory_space<vmem>> -> memref<1x125xi32, #tpu.memory_space<vmem>>
      %dma_wait3A_596 = tpu.memref_squeeze %dma_wait3A_595 : memref<1x125xi32, #tpu.memory_space<vmem>> -> memref<125xi32, #tpu.memory_space<vmem>>
      %dma_wait3A_597 = arith.constant 0 : i32
      %dma_wait3A_598 = arith.constant 0 : i32
      %dma_wait3A_599 = tpu.memref_slice %arg2[%dma_wait3A_597, %dma_wait3A_598] : memref<10112x128xf32, #tpu.memory_space<hbm>> -> memref<10112x128xf32, #tpu.memory_space<hbm>>
      tpu.wait_indirect_dma semaphore(%arg14 : memref<!tpu.dma_semaphore, #tpu.memory_space<semaphore_mem>>) src(%dma_wait3A_599 : memref<10112x128xf32, #tpu.memory_space<hbm>>) dst(%arg12 : memref<125x128xf32, #tpu.memory_space<vmem>>)
      %dma_start3A_600 = arith.constant 7 : i32
      %dma_start3A_601 = arith.constant 0 : i32
      %dma_start3A_602 = arith.constant 0 : i32
      %dma_start3A_603 = arith.constant 0 : i32
      %dma_start3A_604 = tpu.memref_slice %arg10[%dma_start3A_600, %dma_start3A_602, %dma_start3A_603] : memref<8x1x125xi32, #tpu.memory_space<vmem>> -> memref<1x1x125xi32, #tpu.memory_space<vmem>>
      %dma_start3A_605 = tpu.memref_squeeze %dma_start3A_604 : memref<1x1x125xi32, #tpu.memory_space<vmem>> -> memref<1x125xi32, #tpu.memory_space<vmem>>
      %dma_start3A_606 = arith.constant 0 : i32
      %dma_start3A_607 = tpu.memref_slice %dma_start3A_605[%dma_start3A_601, %dma_start3A_606] : memref<1x125xi32, #tpu.memory_space<vmem>> -> memref<1x125xi32, #tpu.memory_space<vmem>>
      %dma_start3A_608 = tpu.memref_squeeze %dma_start3A_607 : memref<1x125xi32, #tpu.memory_space<vmem>> -> memref<125xi32, #tpu.memory_space<vmem>>
      %dma_start3A_609 = arith.constant 0 : i32
      %dma_start3A_610 = arith.constant 0 : i32
      %dma_start3A_611 = tpu.memref_slice %arg2[%dma_start3A_609, %dma_start3A_610] : memref<10112x128xf32, #tpu.memory_space<hbm>> -> memref<10112x128xf32, #tpu.memory_space<hbm>>
      tpu.enqueue_indirect_dma source(%dma_start3A_611 : memref<10112x128xf32, #tpu.memory_space<hbm>>) target(%arg13 : memref<125x128xf32, #tpu.memory_space<vmem>>) offsets(%dma_start3A_608 : memref<125xi32, #tpu.memory_space<vmem>>) semaphore(%arg15 : memref<!tpu.dma_semaphore, #tpu.memory_space<semaphore_mem>>)
      %run_scoped3A_612 = arith.constant 6 : i32
      %run_scoped3A_613 = arith.constant 0 : i32
      "tpu.region"() ({
        %run_scoped3A_635 = tpu.sem_alloc : memref<!tpu.dma_semaphore, #tpu.memory_space<semaphore_mem>>
        %dma_start3A_636 = arith.constant 0 : i32
        %dma_start3A_637 = arith.constant 0 : i32
        %dma_start3A_638 = tpu.memref_slice %arg11[%run_scoped3A_612, %dma_start3A_636, %dma_start3A_637] : memref<8x1x125xi32, #tpu.memory_space<vmem>> -> memref<1x1x125xi32, #tpu.memory_space<vmem>>
        %dma_start3A_639 = tpu.memref_squeeze %dma_start3A_638 : memref<1x1x125xi32, #tpu.memory_space<vmem>> -> memref<1x125xi32, #tpu.memory_space<vmem>>
        %dma_start3A_640 = arith.constant 0 : i32
        %dma_start3A_641 = tpu.memref_slice %dma_start3A_639[%run_scoped3A_613, %dma_start3A_640] : memref<1x125xi32, #tpu.memory_space<vmem>> -> memref<1x125xi32, #tpu.memory_space<vmem>>
        %dma_start3A_642 = tpu.memref_squeeze %dma_start3A_641 : memref<1x125xi32, #tpu.memory_space<vmem>> -> memref<125xi32, #tpu.memory_space<vmem>>
        %dma_start3A_643 = arith.constant 0 : i32
        %dma_start3A_644 = arith.constant 0 : i32
        %dma_start3A_645 = tpu.memref_slice %arg7[%dma_start3A_643, %dma_start3A_644] : memref<10112x128xf32, #tpu.memory_space<vmem_shared>> -> memref<10112x128xf32, #tpu.memory_space<vmem_shared>>
        tpu.enqueue_indirect_dma source(%arg12 : memref<125x128xf32, #tpu.memory_space<vmem>>) target(%dma_start3A_645 : memref<10112x128xf32, #tpu.memory_space<vmem_shared>>) offsets(%dma_start3A_642 : memref<125xi32, #tpu.memory_space<vmem>>) semaphore(%run_scoped3A_635 : memref<!tpu.dma_semaphore, #tpu.memory_space<semaphore_mem>>) {add = true}
        %dma_wait3A_646 = arith.constant 0 : i32
        %dma_wait3A_647 = arith.constant 0 : i32
        %dma_wait3A_648 = tpu.memref_slice %arg11[%run_scoped3A_612, %dma_wait3A_646, %dma_wait3A_647] : memref<8x1x125xi32, #tpu.memory_space<vmem>> -> memref<1x1x125xi32, #tpu.memory_space<vmem>>
        %dma_wait3A_649 = tpu.memref_squeeze %dma_wait3A_648 : memref<1x1x125xi32, #tpu.memory_space<vmem>> -> memref<1x125xi32, #tpu.memory_space<vmem>>
        %dma_wait3A_650 = arith.constant 0 : i32
        %dma_wait3A_651 = tpu.memref_slice %dma_wait3A_649[%run_scoped3A_613, %dma_wait3A_650] : memref<1x125xi32, #tpu.memory_space<vmem>> -> memref<1x125xi32, #tpu.memory_space<vmem>>
        %dma_wait3A_652 = tpu.memref_squeeze %dma_wait3A_651 : memref<1x125xi32, #tpu.memory_space<vmem>> -> memref<125xi32, #tpu.memory_space<vmem>>
        %dma_wait3A_653 = arith.constant 0 : i32
        %dma_wait3A_654 = arith.constant 0 : i32
        %dma_wait3A_655 = tpu.memref_slice %arg7[%dma_wait3A_653, %dma_wait3A_654] : memref<10112x128xf32, #tpu.memory_space<vmem_shared>> -> memref<10112x128xf32, #tpu.memory_space<vmem_shared>>
        tpu.wait_indirect_dma semaphore(%run_scoped3A_635 : memref<!tpu.dma_semaphore, #tpu.memory_space<semaphore_mem>>) src(%arg12 : memref<125x128xf32, #tpu.memory_space<vmem>>) dst(%dma_wait3A_655 : memref<10112x128xf32, #tpu.memory_space<vmem_shared>>)
        tpu.yield
      }) : () -> ()
      %dma_wait3A_614 = arith.constant 7 : i32
      %dma_wait3A_615 = arith.constant 0 : i32
      %dma_wait3A_616 = arith.constant 0 : i32
      %dma_wait3A_617 = arith.constant 0 : i32
      %dma_wait3A_618 = tpu.memref_slice %arg10[%dma_wait3A_614, %dma_wait3A_616, %dma_wait3A_617] : memref<8x1x125xi32, #tpu.memory_space<vmem>> -> memref<1x1x125xi32, #tpu.memory_space<vmem>>
      %dma_wait3A_619 = tpu.memref_squeeze %dma_wait3A_618 : memref<1x1x125xi32, #tpu.memory_space<vmem>> -> memref<1x125xi32, #tpu.memory_space<vmem>>
      %dma_wait3A_620 = arith.constant 0 : i32
      %dma_wait3A_621 = tpu.memref_slice %dma_wait3A_619[%dma_wait3A_615, %dma_wait3A_620] : memref<1x125xi32, #tpu.memory_space<vmem>> -> memref<1x125xi32, #tpu.memory_space<vmem>>
      %dma_wait3A_622 = tpu.memref_squeeze %dma_wait3A_621 : memref<1x125xi32, #tpu.memory_space<vmem>> -> memref<125xi32, #tpu.memory_space<vmem>>
      %dma_wait3A_623 = arith.constant 0 : i32
      %dma_wait3A_624 = arith.constant 0 : i32
      %dma_wait3A_625 = tpu.memref_slice %arg2[%dma_wait3A_623, %dma_wait3A_624] : memref<10112x128xf32, #tpu.memory_space<hbm>> -> memref<10112x128xf32, #tpu.memory_space<hbm>>
      tpu.wait_indirect_dma semaphore(%arg15 : memref<!tpu.dma_semaphore, #tpu.memory_space<semaphore_mem>>) src(%dma_wait3A_625 : memref<10112x128xf32, #tpu.memory_space<hbm>>) dst(%arg13 : memref<125x128xf32, #tpu.memory_space<vmem>>)
      %run_scoped3A_626 = arith.constant 7 : i32
      %run_scoped3A_627 = arith.constant 0 : i32
      "tpu.region"() ({
        %run_scoped3A_635 = tpu.sem_alloc : memref<!tpu.dma_semaphore, #tpu.memory_space<semaphore_mem>>
        %dma_start3A_636 = arith.constant 0 : i32
        %dma_start3A_637 = arith.constant 0 : i32
        %dma_start3A_638 = tpu.memref_slice %arg11[%run_scoped3A_626, %dma_start3A_636, %dma_start3A_637] : memref<8x1x125xi32, #tpu.memory_space<vmem>> -> memref<1x1x125xi32, #tpu.memory_space<vmem>>
        %dma_start3A_639 = tpu.memref_squeeze %dma_start3A_638 : memref<1x1x125xi32, #tpu.memory_space<vmem>> -> memref<1x125xi32, #tpu.memory_space<vmem>>
        %dma_start3A_640 = arith.constant 0 : i32
        %dma_start3A_641 = tpu.memref_slice %dma_start3A_639[%run_scoped3A_627, %dma_start3A_640] : memref<1x125xi32, #tpu.memory_space<vmem>> -> memref<1x125xi32, #tpu.memory_space<vmem>>
        %dma_start3A_642 = tpu.memref_squeeze %dma_start3A_641 : memref<1x125xi32, #tpu.memory_space<vmem>> -> memref<125xi32, #tpu.memory_space<vmem>>
        %dma_start3A_643 = arith.constant 0 : i32
        %dma_start3A_644 = arith.constant 0 : i32
        %dma_start3A_645 = tpu.memref_slice %arg7[%dma_start3A_643, %dma_start3A_644] : memref<10112x128xf32, #tpu.memory_space<vmem_shared>> -> memref<10112x128xf32, #tpu.memory_space<vmem_shared>>
        tpu.enqueue_indirect_dma source(%arg13 : memref<125x128xf32, #tpu.memory_space<vmem>>) target(%dma_start3A_645 : memref<10112x128xf32, #tpu.memory_space<vmem_shared>>) offsets(%dma_start3A_642 : memref<125xi32, #tpu.memory_space<vmem>>) semaphore(%run_scoped3A_635 : memref<!tpu.dma_semaphore, #tpu.memory_space<semaphore_mem>>) {add = true}
        %dma_wait3A_646 = arith.constant 0 : i32
        %dma_wait3A_647 = arith.constant 0 : i32
        %dma_wait3A_648 = tpu.memref_slice %arg11[%run_scoped3A_626, %dma_wait3A_646, %dma_wait3A_647] : memref<8x1x125xi32, #tpu.memory_space<vmem>> -> memref<1x1x125xi32, #tpu.memory_space<vmem>>
        %dma_wait3A_649 = tpu.memref_squeeze %dma_wait3A_648 : memref<1x1x125xi32, #tpu.memory_space<vmem>> -> memref<1x125xi32, #tpu.memory_space<vmem>>
        %dma_wait3A_650 = arith.constant 0 : i32
        %dma_wait3A_651 = tpu.memref_slice %dma_wait3A_649[%run_scoped3A_627, %dma_wait3A_650] : memref<1x125xi32, #tpu.memory_space<vmem>> -> memref<1x125xi32, #tpu.memory_space<vmem>>
        %dma_wait3A_652 = tpu.memref_squeeze %dma_wait3A_651 : memref<1x125xi32, #tpu.memory_space<vmem>> -> memref<125xi32, #tpu.memory_space<vmem>>
        %dma_wait3A_653 = arith.constant 0 : i32
        %dma_wait3A_654 = arith.constant 0 : i32
        %dma_wait3A_655 = tpu.memref_slice %arg7[%dma_wait3A_653, %dma_wait3A_654] : memref<10112x128xf32, #tpu.memory_space<vmem_shared>> -> memref<10112x128xf32, #tpu.memory_space<vmem_shared>>
        tpu.wait_indirect_dma semaphore(%run_scoped3A_635 : memref<!tpu.dma_semaphore, #tpu.memory_space<semaphore_mem>>) src(%arg13 : memref<125x128xf32, #tpu.memory_space<vmem>>) dst(%dma_wait3A_655 : memref<10112x128xf32, #tpu.memory_space<vmem_shared>>)
        tpu.yield
      }) : () -> ()
      %add3A_628 = arith.constant 3 : i32
      %add3A_629 = arith.addi %add3A_119, %add3A_628 : i32
      %lt3A_630 = arith.constant 10 : i32
      %lt3A_631 = arith.cmpi slt, %add3A_629, %lt3A_630 : i32
      %convert_element_type3A_632 = arith.extui %lt3A_631 : i1 to i32
      %cond3A_633 = arith.constant 0 : i32
      %cond3A_634 = arith.cmpi ne, %convert_element_type3A_632, %cond3A_633 : i32
      scf.if %cond3A_634 {
        %add3A_635 = arith.constant 3 : i32
        %add3A_636 = arith.addi %add3A_119, %add3A_635 : i32
        %dma_start3A_637 = arith.constant 0 : i32
        %dma_start3A_638 = arith.constant 0 : i32
        %dma_start3A_639 = arith.constant 0 : i32
        %dma_start3A_640 = arith.constant 0 : i32
        %dma_start3A_641 = tpu.memref_slice %arg3[%add3A, %dma_start3A_637, %dma_start3A_638, %dma_start3A_639, %dma_start3A_640] : memref<32x10x8x1x125xi32, #tpu.memory_space<hbm>> -> memref<1x10x8x1x125xi32, #tpu.memory_space<hbm>>
        %dma_start3A_642 = tpu.memref_squeeze %dma_start3A_641 : memref<1x10x8x1x125xi32, #tpu.memory_space<hbm>> -> memref<10x8x1x125xi32, #tpu.memory_space<hbm>>
        %dma_start3A_643 = arith.constant 0 : i32
        %dma_start3A_644 = arith.constant 0 : i32
        %dma_start3A_645 = arith.constant 0 : i32
        %dma_start3A_646 = tpu.memref_slice %dma_start3A_642[%add3A_636, %dma_start3A_643, %dma_start3A_644, %dma_start3A_645] : memref<10x8x1x125xi32, #tpu.memory_space<hbm>> -> memref<1x8x1x125xi32, #tpu.memory_space<hbm>>
        %dma_start3A_647 = tpu.memref_squeeze %dma_start3A_646 : memref<1x8x1x125xi32, #tpu.memory_space<hbm>> -> memref<8x1x125xi32, #tpu.memory_space<hbm>>
        %dma_start3A_648 = arith.constant 0 : i32
        %dma_start3A_649 = arith.constant 0 : i32
        %dma_start3A_650 = arith.constant 0 : i32
        %dma_start3A_651 = arith.constant 0 : i32
        %dma_start3A_652 = tpu.memref_slice %arg3[%add3A, %dma_start3A_648, %dma_start3A_649, %dma_start3A_650, %dma_start3A_651] : memref<32x10x8x1x125xi32, #tpu.memory_space<hbm>> -> memref<1x10x8x1x125xi32, #tpu.memory_space<hbm>>
        %dma_start3A_653 = tpu.memref_squeeze %dma_start3A_652 : memref<1x10x8x1x125xi32, #tpu.memory_space<hbm>> -> memref<10x8x1x125xi32, #tpu.memory_space<hbm>>
        %dma_start3A_654 = arith.constant 0 : i32
        %dma_start3A_655 = arith.constant 0 : i32
        %dma_start3A_656 = arith.constant 0 : i32
        %dma_start3A_657 = tpu.memref_slice %dma_start3A_653[%add3A_636, %dma_start3A_654, %dma_start3A_655, %dma_start3A_656] : memref<10x8x1x125xi32, #tpu.memory_space<hbm>> -> memref<1x8x1x125xi32, #tpu.memory_space<hbm>>
        %dma_start3A_658 = tpu.memref_squeeze %dma_start3A_657 : memref<1x8x1x125xi32, #tpu.memory_space<hbm>> -> memref<8x1x125xi32, #tpu.memory_space<hbm>>
        tpu.enqueue_dma source(%dma_start3A_658 : memref<8x1x125xi32, #tpu.memory_space<hbm>>) target(%arg10 : memref<8x1x125xi32, #tpu.memory_space<vmem>>) target_semaphore(%arg17 : memref<!tpu.dma_semaphore, #tpu.memory_space<semaphore_mem>>)
        %dma_start3A_659 = arith.constant 0 : i32
        %dma_start3A_660 = arith.constant 0 : i32
        %dma_start3A_661 = arith.constant 0 : i32
        %dma_start3A_662 = arith.constant 0 : i32
        %dma_start3A_663 = tpu.memref_slice %arg4[%add3A, %dma_start3A_659, %dma_start3A_660, %dma_start3A_661, %dma_start3A_662] : memref<32x10x8x1x125xi32, #tpu.memory_space<hbm>> -> memref<1x10x8x1x125xi32, #tpu.memory_space<hbm>>
        %dma_start3A_664 = tpu.memref_squeeze %dma_start3A_663 : memref<1x10x8x1x125xi32, #tpu.memory_space<hbm>> -> memref<10x8x1x125xi32, #tpu.memory_space<hbm>>
        %dma_start3A_665 = arith.constant 0 : i32
        %dma_start3A_666 = arith.constant 0 : i32
        %dma_start3A_667 = arith.constant 0 : i32
        %dma_start3A_668 = tpu.memref_slice %dma_start3A_664[%add3A_636, %dma_start3A_665, %dma_start3A_666, %dma_start3A_667] : memref<10x8x1x125xi32, #tpu.memory_space<hbm>> -> memref<1x8x1x125xi32, #tpu.memory_space<hbm>>
        %dma_start3A_669 = tpu.memref_squeeze %dma_start3A_668 : memref<1x8x1x125xi32, #tpu.memory_space<hbm>> -> memref<8x1x125xi32, #tpu.memory_space<hbm>>
        %dma_start3A_670 = arith.constant 0 : i32
        %dma_start3A_671 = arith.constant 0 : i32
        %dma_start3A_672 = arith.constant 0 : i32
        %dma_start3A_673 = arith.constant 0 : i32
        %dma_start3A_674 = tpu.memref_slice %arg4[%add3A, %dma_start3A_670, %dma_start3A_671, %dma_start3A_672, %dma_start3A_673] : memref<32x10x8x1x125xi32, #tpu.memory_space<hbm>> -> memref<1x10x8x1x125xi32, #tpu.memory_space<hbm>>
        %dma_start3A_675 = tpu.memref_squeeze %dma_start3A_674 : memref<1x10x8x1x125xi32, #tpu.memory_space<hbm>> -> memref<10x8x1x125xi32, #tpu.memory_space<hbm>>
        %dma_start3A_676 = arith.constant 0 : i32
        %dma_start3A_677 = arith.constant 0 : i32
        %dma_start3A_678 = arith.constant 0 : i32
        %dma_start3A_679 = tpu.memref_slice %dma_start3A_675[%add3A_636, %dma_start3A_676, %dma_start3A_677, %dma_start3A_678] : memref<10x8x1x125xi32, #tpu.memory_space<hbm>> -> memref<1x8x1x125xi32, #tpu.memory_space<hbm>>
        %dma_start3A_680 = tpu.memref_squeeze %dma_start3A_679 : memref<1x8x1x125xi32, #tpu.memory_space<hbm>> -> memref<8x1x125xi32, #tpu.memory_space<hbm>>
        tpu.enqueue_dma source(%dma_start3A_680 : memref<8x1x125xi32, #tpu.memory_space<hbm>>) target(%arg11 : memref<8x1x125xi32, #tpu.memory_space<vmem>>) target_semaphore(%arg17 : memref<!tpu.dma_semaphore, #tpu.memory_space<semaphore_mem>>)
      } else {
      }
    }
    %scan3A_109 = arith.constant 5 : i32
    %barrier3A_110 = arith.constant 0 : index
    tpu.barrier barrier_id(%barrier3A_110)
    %mul3A_111 = arith.constant 632 : i32
    %mul3A_112 = arith.muli %arg1, %mul3A_111 : i32
    %mul3A_113 = arith.constant 632 : i32
    %mul3A_114 = arith.muli %arg1, %mul3A_113 : i32
    "tpu.region"() ({
      %run_scoped3A = tpu.sem_alloc : memref<!tpu.dma_semaphore, #tpu.memory_space<semaphore_mem>>
      %dma_start3A_115 = arith.constant 0 : i32
      %dma_start3A_116 = arith.constant 0 : i32
      %dma_start3A_117 = tpu.memref_slice %arg6[%arg0, %dma_start3A_115, %dma_start3A_116] : memref<2x10112x128xf32, #tpu.memory_space<hbm>> -> memref<1x10112x128xf32, #tpu.memory_space<hbm>>
      %dma_start3A_118 = tpu.memref_squeeze %dma_start3A_117 : memref<1x10112x128xf32, #tpu.memory_space<hbm>> -> memref<10112x128xf32, #tpu.memory_space<hbm>>
      %dma_start3A_119 = arith.constant 0 : i32
      %dma_start3A_120 = tpu.memref_slice %dma_start3A_118[%mul3A_114, %dma_start3A_119] : memref<10112x128xf32, #tpu.memory_space<hbm>> -> memref<632x128xf32, #tpu.memory_space<hbm>>
      %dma_start3A_121 = arith.constant 0 : i32
      %dma_start3A_122 = tpu.memref_slice %arg7[%mul3A_112, %dma_start3A_121] : memref<10112x128xf32, #tpu.memory_space<vmem_shared>> -> memref<632x128xf32, #tpu.memory_space<vmem_shared>>
      tpu.enqueue_dma source(%dma_start3A_122 : memref<632x128xf32, #tpu.memory_space<vmem_shared>>) target(%dma_start3A_120 : memref<632x128xf32, #tpu.memory_space<hbm>>) target_semaphore(%run_scoped3A : memref<!tpu.dma_semaphore, #tpu.memory_space<semaphore_mem>>)
      %dma_wait3A = arith.constant 0 : i32
      %dma_wait3A_123 = arith.constant 0 : i32
      %dma_wait3A_124 = tpu.memref_slice %arg6[%arg0, %dma_wait3A, %dma_wait3A_123] : memref<2x10112x128xf32, #tpu.memory_space<hbm>> -> memref<1x10112x128xf32, #tpu.memory_space<hbm>>
      %dma_wait3A_125 = tpu.memref_squeeze %dma_wait3A_124 : memref<1x10112x128xf32, #tpu.memory_space<hbm>> -> memref<10112x128xf32, #tpu.memory_space<hbm>>
      %dma_wait3A_126 = arith.constant 0 : i32
      %dma_wait3A_127 = tpu.memref_slice %dma_wait3A_125[%mul3A_114, %dma_wait3A_126] : memref<10112x128xf32, #tpu.memory_space<hbm>> -> memref<632x128xf32, #tpu.memory_space<hbm>>
      %dma_wait3A_128 = arith.constant 0 : i32
      %dma_wait3A_129 = tpu.memref_slice %arg7[%mul3A_112, %dma_wait3A_128] : memref<10112x128xf32, #tpu.memory_space<vmem_shared>> -> memref<632x128xf32, #tpu.memory_space<vmem_shared>>
      tpu.wait_dma2 semaphore(%run_scoped3A : memref<!tpu.dma_semaphore, #tpu.memory_space<semaphore_mem>>) src(%dma_wait3A_129 : memref<632x128xf32, #tpu.memory_space<vmem_shared>>) dst(%dma_wait3A_127 : memref<632x128xf32, #tpu.memory_space<hbm>>)
      tpu.yield
    }) : () -> ()
    return
  }
}

module attributes {stable_mosaic.version = 14 : i64} {
  func.func @_scale_mm_body(%arg0: i32, %arg1: memref<1264x128xf32, #tpu.memory_space<vmem>>, %arg2: memref<1264x32xf32, #tpu.memory_space<vmem>>, %arg3: memref<128x128xf32, #tpu.memory_space<vmem>>, %arg4: memref<1264x128xf32, #tpu.memory_space<vmem>>) attributes {dimension_semantics = [#tpu.dimension_semantics<arbitrary>], iteration_bounds = array<i64: 8>, scalar_prefetch = 0 : i64, scratch_operands = 0 : i64, tpu.core_type = #tpu.core_type<tc>, window_params = [{transform_indices = @transform_0, window_bounds = array<i64: 1264, 128>}, {transform_indices = @transform_1, window_bounds = array<i64: 1264, 32>}, {pipeline_mode = #tpu.pipeline_mode<synchronous>, transform_indices = @transform_2, window_bounds = array<i64: 128, 128>}, {transform_indices = @transform_3, window_bounds = array<i64: 1264, 128>}]} {
    %get3A = arith.constant 0 : index
    %get3A_0 = arith.constant 0 : index
    %get3A_1 = vector.load %arg1[%get3A, %get3A_0] : memref<1264x128xf32, #tpu.memory_space<vmem>>, vector<1264x128xf32>
    %get3A_2 = arith.constant 0 : index
    %get3A_3 = arith.constant 0 : index
    %get3A_4 = vector.load %arg2[%get3A_2, %get3A_3] : memref<1264x32xf32, #tpu.memory_space<vmem>>, vector<1264x32xf32>
    %reduce_sum3A = arith.constant dense<0.000000e+00> : vector<1264xf32>
    %reduce_sum3A_5 = vector.multi_reduction <add>, %get3A_4, %reduce_sum3A [1] : vector<1264x32xf32> to vector<1264xf32>
    %broadcast_in_dim3A = vector.shape_cast %reduce_sum3A_5 : vector<1264xf32> to vector<1264x1xf32>
    %gt3A = arith.constant 0.000000e+00 : f32
    %gt3A_6 = vector.broadcast %gt3A : f32 to vector<1264x1xf32>
    %gt3A_7 = arith.cmpf ogt, %broadcast_in_dim3A, %gt3A_6 : vector<1264x1xf32>
    %gt3A_8 = arith.constant 0.000000e+00 : f32
    %gt3A_9 = vector.broadcast %gt3A_8 : f32 to vector<1264x1xf32>
    %gt3A_10 = arith.cmpf ogt, %broadcast_in_dim3A, %gt3A_9 : vector<1264x1xf32>
    %jit3A = arith.constant 1.000000e+00 : f32
    %broadcast_in_dim3A_11 = vector.broadcast %jit3A : f32 to vector<1264x1xf32>
    %select_n3A = arith.select %gt3A_10, %broadcast_in_dim3A, %broadcast_in_dim3A_11 : vector<1264x1xi1>, vector<1264x1xf32>
    %rsqrt3A = math.rsqrt %select_n3A : vector<1264x1xf32>
    %jit3A_12 = arith.constant 1.000000e+00 : f32
    %broadcast_in_dim3A_13 = vector.broadcast %jit3A_12 : f32 to vector<1264x1xf32>
    %select_n3A_14 = arith.select %gt3A_7, %rsqrt3A, %broadcast_in_dim3A_13 : vector<1264x1xi1>, vector<1264x1xf32>
    %mul3A = vector.broadcast %select_n3A_14 : vector<1264x1xf32> to vector<1264x128xf32>
    %mul3A_15 = arith.mulf %get3A_1, %mul3A : vector<1264x128xf32>
    %get3A_16 = arith.constant 0 : index
    %get3A_17 = arith.constant 0 : index
    %get3A_18 = vector.load %arg3[%get3A_16, %get3A_17] : memref<128x128xf32, #tpu.memory_space<vmem>>, vector<128x128xf32>
    %dot_general3A = arith.constant dense<0.000000e+00> : vector<1264x128xf32>
    %dot_general3A_19 = tpu.matmul %mul3A_15, %get3A_18, %dot_general3A {dimension_numbers = #tpu.dot_dimension_numbers<[1], [0], [0], [1], [0, 0, 1, 1], [], []>, transpose_lhs_hint = false} : vector<1264x128xf32>, vector<128x128xf32>, vector<1264x128xf32> -> vector<1264x128xf32>
    %swap3A = arith.constant 0 : index
    %swap3A_20 = arith.constant 0 : index
    %swap3A_21 = vector.load %arg4[%swap3A, %swap3A_20] : memref<1264x128xf32, #tpu.memory_space<vmem>>, vector<1264x128xf32>
    tpu.vector_store %arg4[%swap3A, %swap3A_20], %dot_general3A_19 {strides = array<i32>} : memref<1264x128xf32, #tpu.memory_space<vmem>>, vector<1264x128xf32>,
    return
  }
  func.func @transform_0(%arg0: i32) -> (i32, i32) {
    %c0_i32 = arith.constant 0 : i32
    %c0_i32_0 = arith.constant 0 : i32
    return %arg0, %c0_i32 : i32, i32
  }
  func.func @transform_1(%arg0: i32) -> (i32, i32) {
    %c0_i32 = arith.constant 0 : i32
    %c0_i32_0 = arith.constant 0 : i32
    return %arg0, %c0_i32 : i32, i32
  }
  func.func @transform_2(%arg0: i32) -> (i32, i32) {
    %c0_i32 = arith.constant 0 : i32
    %c0_i32_0 = arith.constant 0 : i32
    %c0_i32_1 = arith.constant 0 : i32
    return %c0_i32, %c0_i32_0 : i32, i32
  }
  func.func @transform_3(%arg0: i32) -> (i32, i32) {
    %c0_i32 = arith.constant 0 : i32
    %c0_i32_0 = arith.constant 0 : i32
    return %arg0, %c0_i32 : i32, i32
  }
}

module attributes {stable_mosaic.version = 14 : i64} {
  func.func @_layer_body(%arg0: i32, %arg1: memref<1x1264x128xf32, #tpu.memory_space<vmem>>, %arg2: memref<1x1264x128xf32, #tpu.memory_space<vmem>>, %arg3: memref<1264x32xf32, #tpu.memory_space<vmem>>, %arg4: memref<1264x32xf32, #tpu.memory_space<vmem>>, %arg5: memref<1x128xf32, #tpu.memory_space<vmem>>, %arg6: memref<128x128xf32, #tpu.memory_space<vmem>>, %arg7: memref<1264x128xf32, #tpu.memory_space<vmem>>) attributes {dimension_semantics = [#tpu.dimension_semantics<arbitrary>], iteration_bounds = array<i64: 8>, scalar_prefetch = 0 : i64, scratch_operands = 0 : i64, tpu.core_type = #tpu.core_type<tc>, window_params = [{transform_indices = @transform_0, window_bounds = array<i64: 1, 1264, 128>}, {transform_indices = @transform_1, window_bounds = array<i64: 1, 1264, 128>}, {transform_indices = @transform_2, window_bounds = array<i64: 1264, 32>}, {transform_indices = @transform_3, window_bounds = array<i64: 1264, 32>}, {pipeline_mode = #tpu.pipeline_mode<synchronous>, transform_indices = @transform_4, window_bounds = array<i64: 1, 128>}, {pipeline_mode = #tpu.pipeline_mode<synchronous>, transform_indices = @transform_5, window_bounds = array<i64: 128, 128>}, {transform_indices = @transform_6, window_bounds = array<i64: 1264, 128>}]} {
    %get3A = arith.constant 0 : index
    %get3A_0 = arith.constant 0 : index
    %get3A_1 = arith.constant 0 : index
    %get3A_2 = vector.load %arg1[%get3A, %get3A_0, %get3A_1] : memref<1x1264x128xf32, #tpu.memory_space<vmem>>, vector<1x1264x128xf32>
    %get3A_3 = vector.shape_cast %get3A_2 : vector<1x1264x128xf32> to vector<1264x128xf32>
    %get3A_4 = arith.constant 0 : index
    %get3A_5 = arith.constant 0 : index
    %get3A_6 = arith.constant 0 : index
    %get3A_7 = vector.load %arg2[%get3A_4, %get3A_5, %get3A_6] : memref<1x1264x128xf32, #tpu.memory_space<vmem>>, vector<1x1264x128xf32>
    %get3A_8 = vector.shape_cast %get3A_7 : vector<1x1264x128xf32> to vector<1264x128xf32>
    %add3A = arith.addf %get3A_3, %get3A_8 : vector<1264x128xf32>
    %get3A_9 = arith.constant 0 : index
    %get3A_10 = arith.constant 0 : index
    %get3A_11 = vector.load %arg4[%get3A_9, %get3A_10] : memref<1264x32xf32, #tpu.memory_space<vmem>>, vector<1264x32xf32>
    %reduce_sum3A = arith.constant dense<0.000000e+00> : vector<1264xf32>
    %reduce_sum3A_12 = vector.multi_reduction <add>, %get3A_11, %reduce_sum3A [1] : vector<1264x32xf32> to vector<1264xf32>
    %broadcast_in_dim3A = vector.shape_cast %reduce_sum3A_12 : vector<1264xf32> to vector<1264x1xf32>
    %gt3A = arith.constant 0.000000e+00 : f32
    %gt3A_13 = vector.broadcast %gt3A : f32 to vector<1264x1xf32>
    %gt3A_14 = arith.cmpf ogt, %broadcast_in_dim3A, %gt3A_13 : vector<1264x1xf32>
    %gt3A_15 = arith.constant 0.000000e+00 : f32
    %gt3A_16 = vector.broadcast %gt3A_15 : f32 to vector<1264x1xf32>
    %gt3A_17 = arith.cmpf ogt, %broadcast_in_dim3A, %gt3A_16 : vector<1264x1xf32>
    %jit3A = arith.constant 1.000000e+00 : f32
    %broadcast_in_dim3A_18 = vector.broadcast %jit3A : f32 to vector<1264x1xf32>
    %select_n3A = arith.select %gt3A_17, %broadcast_in_dim3A, %broadcast_in_dim3A_18 : vector<1264x1xi1>, vector<1264x1xf32>
    %rsqrt3A = math.rsqrt %select_n3A : vector<1264x1xf32>
    %jit3A_19 = arith.constant 1.000000e+00 : f32
    %broadcast_in_dim3A_20 = vector.broadcast %jit3A_19 : f32 to vector<1264x1xf32>
    %select_n3A_21 = arith.select %gt3A_14, %rsqrt3A, %broadcast_in_dim3A_20 : vector<1264x1xi1>, vector<1264x1xf32>
    %mul3A = vector.broadcast %select_n3A_21 : vector<1264x1xf32> to vector<1264x128xf32>
    %mul3A_22 = arith.mulf %add3A, %mul3A : vector<1264x128xf32>
    %get3A_23 = arith.constant 0 : index
    %get3A_24 = arith.constant 0 : index
    %get3A_25 = vector.load %arg5[%get3A_23, %get3A_24] : memref<1x128xf32, #tpu.memory_space<vmem>>, vector<1x128xf32>
    %add3A_26 = vector.broadcast %get3A_25 : vector<1x128xf32> to vector<1264x128xf32>
    %add3A_27 = arith.addf %mul3A_22, %add3A_26 : vector<1264x128xf32>
    %max3A = arith.constant 0.000000e+00 : f32
    %max3A_28 = vector.broadcast %max3A : f32 to vector<1264x128xf32>
    %max3A_29 = arith.maximumf %add3A_27, %max3A_28 : vector<1264x128xf32>
    %get3A_30 = arith.constant 0 : index
    %get3A_31 = arith.constant 0 : index
    %get3A_32 = vector.load %arg3[%get3A_30, %get3A_31] : memref<1264x32xf32, #tpu.memory_space<vmem>>, vector<1264x32xf32>
    %reduce_sum3A_33 = arith.constant dense<0.000000e+00> : vector<1264xf32>
    %reduce_sum3A_34 = vector.multi_reduction <add>, %get3A_32, %reduce_sum3A_33 [1] : vector<1264x32xf32> to vector<1264xf32>
    %broadcast_in_dim3A_35 = vector.shape_cast %reduce_sum3A_34 : vector<1264xf32> to vector<1264x1xf32>
    %gt3A_36 = arith.constant 0.000000e+00 : f32
    %gt3A_37 = vector.broadcast %gt3A_36 : f32 to vector<1264x1xf32>
    %gt3A_38 = arith.cmpf ogt, %broadcast_in_dim3A_35, %gt3A_37 : vector<1264x1xf32>
    %gt3A_39 = arith.constant 0.000000e+00 : f32
    %gt3A_40 = vector.broadcast %gt3A_39 : f32 to vector<1264x1xf32>
    %gt3A_41 = arith.cmpf ogt, %broadcast_in_dim3A_35, %gt3A_40 : vector<1264x1xf32>
    %jit3A_42 = arith.constant 1.000000e+00 : f32
    %broadcast_in_dim3A_43 = vector.broadcast %jit3A_42 : f32 to vector<1264x1xf32>
    %select_n3A_44 = arith.select %gt3A_41, %broadcast_in_dim3A_35, %broadcast_in_dim3A_43 : vector<1264x1xi1>, vector<1264x1xf32>
    %rsqrt3A_45 = math.rsqrt %select_n3A_44 : vector<1264x1xf32>
    %jit3A_46 = arith.constant 1.000000e+00 : f32
    %broadcast_in_dim3A_47 = vector.broadcast %jit3A_46 : f32 to vector<1264x1xf32>
    %select_n3A_48 = arith.select %gt3A_38, %rsqrt3A_45, %broadcast_in_dim3A_47 : vector<1264x1xi1>, vector<1264x1xf32>
    %mul3A_49 = vector.broadcast %select_n3A_48 : vector<1264x1xf32> to vector<1264x128xf32>
    %mul3A_50 = arith.mulf %max3A_29, %mul3A_49 : vector<1264x128xf32>
    %get3A_51 = arith.constant 0 : index
    %get3A_52 = arith.constant 0 : index
    %get3A_53 = vector.load %arg6[%get3A_51, %get3A_52] : memref<128x128xf32, #tpu.memory_space<vmem>>, vector<128x128xf32>
    %dot_general3A = arith.constant dense<0.000000e+00> : vector<1264x128xf32>
    %dot_general3A_54 = tpu.matmul %mul3A_50, %get3A_53, %dot_general3A {dimension_numbers = #tpu.dot_dimension_numbers<[1], [0], [0], [1], [0, 0, 1, 1], [], []>, transpose_lhs_hint = false} : vector<1264x128xf32>, vector<128x128xf32>, vector<1264x128xf32> -> vector<1264x128xf32>
    %swap3A = arith.constant 0 : index
    %swap3A_55 = arith.constant 0 : index
    %swap3A_56 = vector.load %arg7[%swap3A, %swap3A_55] : memref<1264x128xf32, #tpu.memory_space<vmem>>, vector<1264x128xf32>
    tpu.vector_store %arg7[%swap3A, %swap3A_55], %dot_general3A_54 {strides = array<i32>} : memref<1264x128xf32, #tpu.memory_space<vmem>>, vector<1264x128xf32>,
    return
  }
  func.func @transform_0(%arg0: i32) -> (i32, i32, i32) {
    %c0_i32 = arith.constant 0 : i32
    %c0_i32_0 = arith.constant 0 : i32
    %c0_i32_1 = arith.constant 0 : i32
    return %c0_i32, %arg0, %c0_i32_0 : i32, i32, i32
  }
  func.func @transform_1(%arg0: i32) -> (i32, i32, i32) {
    %c1_i32 = arith.constant 1 : i32
    %c0_i32 = arith.constant 0 : i32
    %c0_i32_0 = arith.constant 0 : i32
    return %c1_i32, %arg0, %c0_i32 : i32, i32, i32
  }
  func.func @transform_2(%arg0: i32) -> (i32, i32) {
    %c0_i32 = arith.constant 0 : i32
    %c0_i32_0 = arith.constant 0 : i32
    return %arg0, %c0_i32 : i32, i32
  }
  func.func @transform_3(%arg0: i32) -> (i32, i32) {
    %c0_i32 = arith.constant 0 : i32
    %c0_i32_0 = arith.constant 0 : i32
    return %arg0, %c0_i32 : i32, i32
  }
  func.func @transform_4(%arg0: i32) -> (i32, i32) {
    %c0_i32 = arith.constant 0 : i32
    %c0_i32_0 = arith.constant 0 : i32
    %c0_i32_1 = arith.constant 0 : i32
    return %c0_i32, %c0_i32_0 : i32, i32
  }
  func.func @transform_5(%arg0: i32) -> (i32, i32) {
    %c0_i32 = arith.constant 0 : i32
    %c0_i32_0 = arith.constant 0 : i32
    %c0_i32_1 = arith.constant 0 : i32
    return %c0_i32, %c0_i32_0 : i32, i32
  }
  func.func @transform_6(%arg0: i32) -> (i32, i32) {
    %c0_i32 = arith.constant 0 : i32
    %c0_i32_0 = arith.constant 0 : i32
    return %arg0, %c0_i32 : i32, i32
  }
}

module attributes {stable_mosaic.version = 14 : i64} {
  func.func @_head_body(%arg0: i32, %arg1: memref<1x1264x128xf32, #tpu.memory_space<vmem>>, %arg2: memref<1x1264x128xf32, #tpu.memory_space<vmem>>, %arg3: memref<1264x32xf32, #tpu.memory_space<vmem>>, %arg4: memref<1x128xf32, #tpu.memory_space<vmem>>, %arg5: memref<128x256xf32, #tpu.memory_space<vmem>>, %arg6: memref<1x256xf32, #tpu.memory_space<vmem>>, %arg7: memref<256x128xf32, #tpu.memory_space<vmem>>, %arg8: memref<1x128xf32, #tpu.memory_space<vmem>>, %arg9: memref<128x1xf32, #tpu.memory_space<vmem>>, %arg10: memref<1x1xf32, #tpu.memory_space<vmem>>, %arg11: memref<1x1xf32, #tpu.memory_space<vmem>>, %arg12: memref<8x128xf32, #tpu.memory_space<vmem>>) attributes {dimension_semantics = [#tpu.dimension_semantics<arbitrary>], iteration_bounds = array<i64: 8>, scalar_prefetch = 0 : i64, scratch_operands = 1 : i64, tpu.core_type = #tpu.core_type<tc>, window_params = [{transform_indices = @transform_0, window_bounds = array<i64: 1, 1264, 128>}, {transform_indices = @transform_1, window_bounds = array<i64: 1, 1264, 128>}, {transform_indices = @transform_2, window_bounds = array<i64: 1264, 32>}, {pipeline_mode = #tpu.pipeline_mode<synchronous>, transform_indices = @transform_3, window_bounds = array<i64: 1, 128>}, {pipeline_mode = #tpu.pipeline_mode<synchronous>, transform_indices = @transform_4, window_bounds = array<i64: 128, 256>}, {pipeline_mode = #tpu.pipeline_mode<synchronous>, transform_indices = @transform_5, window_bounds = array<i64: 1, 256>}, {pipeline_mode = #tpu.pipeline_mode<synchronous>, transform_indices = @transform_6, window_bounds = array<i64: 256, 128>}, {pipeline_mode = #tpu.pipeline_mode<synchronous>, transform_indices = @transform_7, window_bounds = array<i64: 1, 128>}, {pipeline_mode = #tpu.pipeline_mode<synchronous>, transform_indices = @transform_8, window_bounds = array<i64: 128, 1>}, {pipeline_mode = #tpu.pipeline_mode<synchronous>, transform_indices = @transform_9, window_bounds = array<i64: 1, 1>}, {pipeline_mode = #tpu.pipeline_mode<synchronous>, transform_indices = @transform_10, window_bounds = array<i64: 1, 1>}]} {
    %get3A = arith.constant 0 : index
    %get3A_0 = arith.constant 0 : index
    %get3A_1 = arith.constant 0 : index
    %get3A_2 = vector.load %arg1[%get3A, %get3A_0, %get3A_1] : memref<1x1264x128xf32, #tpu.memory_space<vmem>>, vector<1x1264x128xf32>
    %get3A_3 = vector.shape_cast %get3A_2 : vector<1x1264x128xf32> to vector<1264x128xf32>
    %get3A_4 = arith.constant 0 : index
    %get3A_5 = arith.constant 0 : index
    %get3A_6 = arith.constant 0 : index
    %get3A_7 = vector.load %arg2[%get3A_4, %get3A_5, %get3A_6] : memref<1x1264x128xf32, #tpu.memory_space<vmem>>, vector<1x1264x128xf32>
    %get3A_8 = vector.shape_cast %get3A_7 : vector<1x1264x128xf32> to vector<1264x128xf32>
    %add3A = arith.addf %get3A_3, %get3A_8 : vector<1264x128xf32>
    %get3A_9 = arith.constant 0 : index
    %get3A_10 = arith.constant 0 : index
    %get3A_11 = vector.load %arg3[%get3A_9, %get3A_10] : memref<1264x32xf32, #tpu.memory_space<vmem>>, vector<1264x32xf32>
    %reduce_sum3A = arith.constant dense<0.000000e+00> : vector<1264xf32>
    %reduce_sum3A_12 = vector.multi_reduction <add>, %get3A_11, %reduce_sum3A [1] : vector<1264x32xf32> to vector<1264xf32>
    %broadcast_in_dim3A = vector.shape_cast %reduce_sum3A_12 : vector<1264xf32> to vector<1264x1xf32>
    %gt3A = arith.constant 0.000000e+00 : f32
    %gt3A_13 = vector.broadcast %gt3A : f32 to vector<1264x1xf32>
    %gt3A_14 = arith.cmpf ogt, %broadcast_in_dim3A, %gt3A_13 : vector<1264x1xf32>
    %gt3A_15 = arith.constant 0.000000e+00 : f32
    %gt3A_16 = vector.broadcast %gt3A_15 : f32 to vector<1264x1xf32>
    %gt3A_17 = arith.cmpf ogt, %broadcast_in_dim3A, %gt3A_16 : vector<1264x1xf32>
    %jit3A = arith.constant 1.000000e+00 : f32
    %broadcast_in_dim3A_18 = vector.broadcast %jit3A : f32 to vector<1264x1xf32>
    %select_n3A = arith.select %gt3A_17, %broadcast_in_dim3A, %broadcast_in_dim3A_18 : vector<1264x1xi1>, vector<1264x1xf32>
    %rsqrt3A = math.rsqrt %select_n3A : vector<1264x1xf32>
    %jit3A_19 = arith.constant 1.000000e+00 : f32
    %broadcast_in_dim3A_20 = vector.broadcast %jit3A_19 : f32 to vector<1264x1xf32>
    %select_n3A_21 = arith.select %gt3A_14, %rsqrt3A, %broadcast_in_dim3A_20 : vector<1264x1xi1>, vector<1264x1xf32>
    %mul3A = vector.broadcast %select_n3A_21 : vector<1264x1xf32> to vector<1264x128xf32>
    %mul3A_22 = arith.mulf %add3A, %mul3A : vector<1264x128xf32>
    %get3A_23 = arith.constant 0 : index
    %get3A_24 = arith.constant 0 : index
    %get3A_25 = vector.load %arg4[%get3A_23, %get3A_24] : memref<1x128xf32, #tpu.memory_space<vmem>>, vector<1x128xf32>
    %add3A_26 = vector.broadcast %get3A_25 : vector<1x128xf32> to vector<1264x128xf32>
    %add3A_27 = arith.addf %mul3A_22, %add3A_26 : vector<1264x128xf32>
    %max3A = arith.constant 0.000000e+00 : f32
    %max3A_28 = vector.broadcast %max3A : f32 to vector<1264x128xf32>
    %max3A_29 = arith.maximumf %add3A_27, %max3A_28 : vector<1264x128xf32>
    %mul3A_30 = arith.constant 1264 : i32
    %mul3A_31 = arith.muli %arg0, %mul3A_30 : i32
    %iota3A = tpu.iota {dimensions = array<i32: 0>} : vector<1264x1xi32>
    %add3A_32 = vector.broadcast %mul3A_31 : i32 to vector<1264x1xi32>
    %add3A_33 = arith.addi %add3A_32, %iota3A : vector<1264x1xi32>
    %lt3A = arith.constant 10000 : i32
    %lt3A_34 = vector.broadcast %lt3A : i32 to vector<1264x1xi32>
    %lt3A_35 = arith.cmpi slt, %add3A_33, %lt3A_34 : vector<1264x1xi32>
    %jit3A_36 = arith.constant 0.000000e+00 : f32
    %broadcast_in_dim3A_37 = vector.shape_cast %lt3A_35 : vector<1264x1xi1> to vector<1264x1xi1>
    %broadcast_in_dim3A_38 = vector.broadcast %broadcast_in_dim3A_37 : vector<1264x1xi1> to vector<1264x128xi1>
    %broadcast_in_dim3A_39 = vector.broadcast %jit3A_36 : f32 to vector<1264x128xf32>
    %select_n3A_40 = arith.select %broadcast_in_dim3A_38, %max3A_29, %broadcast_in_dim3A_39 : vector<1264x128xi1>, vector<1264x128xf32>
    %reduce_sum3A_41 = arith.constant dense<0.000000e+00> : vector<128xf32>
    %reduce_sum3A_42 = vector.multi_reduction <add>, %select_n3A_40, %reduce_sum3A_41 [0] : vector<1264x128xf32> to vector<128xf32>
    %broadcast_in_dim3A_43 = vector.shape_cast %reduce_sum3A_42 : vector<128xf32> to vector<1x128xf32>
    %eq3A = arith.constant 0 : i32
    %eq3A_44 = arith.cmpi eq, %arg0, %eq3A : i32
    %convert_element_type3A = arith.extui %eq3A_44 : i1 to i32
    %cond3A = arith.constant 0 : i32
    %cond3A_45 = arith.cmpi ne, %convert_element_type3A, %cond3A : i32
    scf.if %cond3A_45 {
      %swap3A = arith.constant 0 : index
      %swap3A_56 = arith.constant 0 : index
      %swap3A_57 = vector.load %arg12[%swap3A, %swap3A_56] : memref<8x128xf32, #tpu.memory_space<vmem>>, vector<1x128xf32>
      tpu.vector_store %arg12[%swap3A, %swap3A_56], %broadcast_in_dim3A_43 {strides = array<i32>} : memref<8x128xf32, #tpu.memory_space<vmem>>, vector<1x128xf32>,
    } else {
    }
    %gt3A_46 = arith.constant 0 : i32
    %gt3A_47 = arith.cmpi sgt, %arg0, %gt3A_46 : i32
    %convert_element_type3A_48 = arith.extui %gt3A_47 : i1 to i32
    %cond3A_49 = arith.constant 0 : i32
    %cond3A_50 = arith.cmpi ne, %convert_element_type3A_48, %cond3A_49 : i32
    scf.if %cond3A_50 {
      %get3A_56 = arith.constant 0 : index
      %get3A_57 = arith.constant 0 : index
      %get3A_58 = vector.load %arg12[%get3A_56, %get3A_57] : memref<8x128xf32, #tpu.memory_space<vmem>>, vector<1x128xf32>
      %add3A_59 = arith.addf %get3A_58, %broadcast_in_dim3A_43 : vector<1x128xf32>
      %swap3A = arith.constant 0 : index
      %swap3A_60 = arith.constant 0 : index
      %swap3A_61 = vector.load %arg12[%swap3A, %swap3A_60] : memref<8x128xf32, #tpu.memory_space<vmem>>, vector<1x128xf32>
      tpu.vector_store %arg12[%swap3A, %swap3A_60], %add3A_59 {strides = array<i32>} : memref<8x128xf32, #tpu.memory_space<vmem>>, vector<1x128xf32>,
    } else {
    }
    %eq3A_51 = arith.constant 7 : i32
    %eq3A_52 = arith.cmpi eq, %arg0, %eq3A_51 : i32
    %convert_element_type3A_53 = arith.extui %eq3A_52 : i1 to i32
    %cond3A_54 = arith.constant 0 : i32
    %cond3A_55 = arith.cmpi ne, %convert_element_type3A_53, %cond3A_54 : i32
    scf.if %cond3A_55 {
      %get3A_56 = arith.constant 0 : index
      %get3A_57 = arith.constant 0 : index
      %get3A_58 = vector.load %arg12[%get3A_56, %get3A_57] : memref<8x128xf32, #tpu.memory_space<vmem>>, vector<1x128xf32>
      %mul3A_59 = arith.constant 9.99999974E-5 : f32
      %mul3A_60 = vector.broadcast %mul3A_59 : f32 to vector<1x128xf32>
      %mul3A_61 = arith.mulf %get3A_58, %mul3A_60 : vector<1x128xf32>
      %get3A_62 = arith.constant 0 : index
      %get3A_63 = arith.constant 0 : index
      %get3A_64 = vector.load %arg5[%get3A_62, %get3A_63] : memref<128x256xf32, #tpu.memory_space<vmem>>, vector<128x256xf32>
      %dot_general3A = arith.constant dense<0.000000e+00> : vector<1x256xf32>
      %dot_general3A_65 = tpu.matmul %mul3A_61, %get3A_64, %dot_general3A {dimension_numbers = #tpu.dot_dimension_numbers<[1], [0], [0], [1], [0, 0, 1, 1], [], []>, transpose_lhs_hint = false} : vector<1x128xf32>, vector<128x256xf32>, vector<1x256xf32> -> vector<1x256xf32>
      %get3A_66 = arith.constant 0 : index
      %get3A_67 = arith.constant 0 : index
      %get3A_68 = vector.load %arg6[%get3A_66, %get3A_67] : memref<1x256xf32, #tpu.memory_space<vmem>>, vector<1x256xf32>
      %add3A_69 = arith.addf %dot_general3A_65, %get3A_68 : vector<1x256xf32>
      %max3A_70 = arith.constant 0.000000e+00 : f32
      %max3A_71 = vector.broadcast %max3A_70 : f32 to vector<1x256xf32>
      %max3A_72 = arith.maximumf %add3A_69, %max3A_71 : vector<1x256xf32>
      %get3A_73 = arith.constant 0 : index
      %get3A_74 = arith.constant 0 : index
      %get3A_75 = vector.load %arg7[%get3A_73, %get3A_74] : memref<256x128xf32, #tpu.memory_space<vmem>>, vector<256x128xf32>
      %dot_general3A_76 = arith.constant dense<0.000000e+00> : vector<1x128xf32>
      %dot_general3A_77 = tpu.matmul %max3A_72, %get3A_75, %dot_general3A_76 {dimension_numbers = #tpu.dot_dimension_numbers<[1], [0], [0], [1], [0, 0, 1, 1], [], []>, transpose_lhs_hint = false} : vector<1x256xf32>, vector<256x128xf32>, vector<1x128xf32> -> vector<1x128xf32>
      %get3A_78 = arith.constant 0 : index
      %get3A_79 = arith.constant 0 : index
      %get3A_80 = vector.load %arg8[%get3A_78, %get3A_79] : memref<1x128xf32, #tpu.memory_space<vmem>>, vector<1x128xf32>
      %add3A_81 = arith.addf %dot_general3A_77, %get3A_80 : vector<1x128xf32>
      %max3A_82 = arith.constant 0.000000e+00 : f32
      %max3A_83 = vector.broadcast %max3A_82 : f32 to vector<1x128xf32>
      %max3A_84 = arith.maximumf %add3A_81, %max3A_83 : vector<1x128xf32>
      %get3A_85 = arith.constant 0 : index
      %get3A_86 = arith.constant 0 : index
      %get3A_87 = vector.load %arg9[%get3A_85, %get3A_86] : memref<128x1xf32, #tpu.memory_space<vmem>>, vector<128x1xf32>
      %dot_general3A_88 = arith.constant dense<0.000000e+00> : vector<1x1xf32>
      %dot_general3A_89 = tpu.matmul %max3A_84, %get3A_87, %dot_general3A_88 {dimension_numbers = #tpu.dot_dimension_numbers<[1], [0], [0], [1], [0, 0, 1, 1], [], []>, transpose_lhs_hint = false} : vector<1x128xf32>, vector<128x1xf32>, vector<1x1xf32> -> vector<1x1xf32>
      %get3A_90 = arith.constant 0 : index
      %get3A_91 = arith.constant 0 : index
      %get3A_92 = vector.load %arg10[%get3A_90, %get3A_91] : memref<1x1xf32, #tpu.memory_space<vmem>>, vector<1x1xf32>
      %add3A_93 = arith.addf %dot_general3A_89, %get3A_92 : vector<1x1xf32>
      %swap3A = arith.constant 0 : index
      %swap3A_94 = arith.constant 0 : index
      %swap3A_95 = vector.load %arg11[%swap3A, %swap3A_94] : memref<1x1xf32, #tpu.memory_space<vmem>>, vector<1x1xf32>
      tpu.vector_store %arg11[%swap3A, %swap3A_94], %add3A_93 {strides = array<i32>} : memref<1x1xf32, #tpu.memory_space<vmem>>, vector<1x1xf32>,
    } else {
    }
    return
  }
  func.func @transform_0(%arg0: i32) -> (i32, i32, i32) {
    %c0_i32 = arith.constant 0 : i32
    %c0_i32_0 = arith.constant 0 : i32
    %c0_i32_1 = arith.constant 0 : i32
    return %c0_i32, %arg0, %c0_i32_0 : i32, i32, i32
  }
  func.func @transform_1(%arg0: i32) -> (i32, i32, i32) {
    %c1_i32 = arith.constant 1 : i32
    %c0_i32 = arith.constant 0 : i32
    %c0_i32_0 = arith.constant 0 : i32
    return %c1_i32, %arg0, %c0_i32 : i32, i32, i32
  }
  func.func @transform_2(%arg0: i32) -> (i32, i32) {
    %c0_i32 = arith.constant 0 : i32
    %c0_i32_0 = arith.constant 0 : i32
    return %arg0, %c0_i32 : i32, i32
  }
  func.func @transform_3(%arg0: i32) -> (i32, i32) {
    %c0_i32 = arith.constant 0 : i32
    %c0_i32_0 = arith.constant 0 : i32
    %c0_i32_1 = arith.constant 0 : i32
    return %c0_i32, %c0_i32_0 : i32, i32
  }
  func.func @transform_4(%arg0: i32) -> (i32, i32) {
    %c0_i32 = arith.constant 0 : i32
    %c0_i32_0 = arith.constant 0 : i32
    %c0_i32_1 = arith.constant 0 : i32
    return %c0_i32, %c0_i32_0 : i32, i32
  }
  func.func @transform_5(%arg0: i32) -> (i32, i32) {
    %c0_i32 = arith.constant 0 : i32
    %c0_i32_0 = arith.constant 0 : i32
    %c0_i32_1 = arith.constant 0 : i32
    return %c0_i32, %c0_i32_0 : i32, i32
  }
  func.func @transform_6(%arg0: i32) -> (i32, i32) {
    %c0_i32 = arith.constant 0 : i32
    %c0_i32_0 = arith.constant 0 : i32
    %c0_i32_1 = arith.constant 0 : i32
    return %c0_i32, %c0_i32_0 : i32, i32
  }
  func.func @transform_7(%arg0: i32) -> (i32, i32) {
    %c0_i32 = arith.constant 0 : i32
    %c0_i32_0 = arith.constant 0 : i32
    %c0_i32_1 = arith.constant 0 : i32
    return %c0_i32, %c0_i32_0 : i32, i32
  }
  func.func @transform_8(%arg0: i32) -> (i32, i32) {
    %c0_i32 = arith.constant 0 : i32
    %c0_i32_0 = arith.constant 0 : i32
    %c0_i32_1 = arith.constant 0 : i32
    return %c0_i32, %c0_i32_0 : i32, i32
  }
  func.func @transform_9(%arg0: i32) -> (i32, i32) {
    %c0_i32 = arith.constant 0 : i32
    %c0_i32_0 = arith.constant 0 : i32
    %c0_i32_1 = arith.constant 0 : i32
    return %c0_i32, %c0_i32_0 : i32, i32
  }
  func.func @transform_10(%arg0: i32) -> (i32, i32) {
    %c0_i32 = arith.constant 0 : i32
    %c0_i32_0 = arith.constant 0 : i32
    %c0_i32_1 = arith.constant 0 : i32
    return %c0_i32, %c0_i32_0 : i32, i32
  }
}

</mosaic_0001>

<sc_bundles>
// kernel: _run.11.cloned.1.call-start
scs
__scs_entry_jumppad:
0x0: {  	(pc) =	sbr.rel $0x88, $3  }
0x1: {  	(tag) =	ssettag $0x0;
	lr =	simm.s32 $0x1  }
0x2: {  	[smem:$0x3F95] =	sst lr;
	_ =	strace $0xD0000000  }
0x3: {  	_ = 	snop  }
0x4: {  	_ = 	snop  }
0x5: {  	_ = 	snop  }
0x6: {  	_ = 	snop  }
0x7: {  	_ = 	snop  }
__scs_overlays_trampoline_lowered:
0x8: {  	[smem:$0x3FA4] =	sst s0  }
0x9: {  	[smem:$0x3FA5] =	sst s1  }
0xa: {  	[smem:$0x3FA6] =	sst s2  }
0xb: {  	[smem:$0x3FA7] =	sst s3  }
0xc: {  	[smem:$0x3FA8] =	sst s4  }
0xd: {  	[smem:$0x3FA9] =	sst s5  }
0xe: {  	[smem:$0x3FAA] =	sst s6  }
0xf: {  	[smem:$0x3FAB] =	sst s7  }
0x10: {  	[smem:$0x3FAC] =	sst s8  }
0x11: {  	[smem:$0x3FAD] =	sst s9;
	s0 =	simm.s32 @!p0 $0x0  }
0x12: {  	s1 =	sld [smem:$0x3F93];
	s0 =	simm.s32 @p0 $0x1  }
0x13: {  	[smem:$0x3FAE] =	sst s0;
	s0 =	simm.s32 @!p1 $0x0  }
0x14: {  	s2 =	sld [smem:$0x3F92];
	s0 =	simm.s32 @p1 $0x1  }
0x15: {  	[smem:$0x3FAF] =	sst s0;
	s0 =	simm.s32 @!p2 $0x0  }
0x16: {  	s3 =	sld [smem:$0x3FDB];
	s0 =	simm.s32 @p2 $0x1  }
0x17: {  	s4 =	simm.s32 $0x1BF5;
	[smem:$0x3FB1] =	sst s0  }
0x18: {  	s0 =	sld [smem:$0x3F94];
	_ =	swait.ge [sflag:s4], $0x0  }
0x19: {  	s7 =	sld [smem:$0x3F95]  }
0x1a: {  	s8 =	sadd.s32 $0xFFFFE003, lr  }
0x1b: {  	s9 =	sadd.s32 $0xFFFFFEF7, lr;
	s5 =	simm.s32 $0xFFFFFFFF;
	p2 =	slt.u32 s8, $0xFFFFF086  }
0x1c: {  	p1 =	slt.u32 s9, $0xF7A;
	s5 =	simm.s32 @!p2 $0x0  }
0x1d: {  	s5 =	simm.s32 @p1 $0x1;
	p0 =	seq.s32 s7, s2  }
0x1e: {  	s7 =	smul.u32 @!p0 $0xF7A, s2;
	p2 =	seq.s32 @!p0 s5, $0x0  }
0x1f: {  	s9 =	smul.u32 $0xF7A, s1;
	s8 =	simm.s32 @!p0 $0x1BF5;
	p2 =	por !p2, p0  }
0x20: {  	[sflag:s8] =	ssyncset.s32 @!p0 $0xFFFFF086;
	s6 =	sadd.s32 @!p0 s3, s7;
	s7 =	simm.s32 @!p0 $0x108  }
0x21: {  	s3 =	sadd.s32 s3, s9;
	s6 =	sadd.s32 @!p0 $0x88, s6;
	s7 =	simm.s32 @p2 $0x1082  }
0x22: {  	[simem:s7], [sflag:s8] =	dma.local @!p0 [hbm:s6], $0xF7A  }
0x23: {  	s9 =	sor.u32 $0xD0000000, s2;
	s6 =	simm.s32 $0x108;
	_ =	swait.ge @!p0 [sflag:s8], $0x0  }
0x24: {  	s3 =	sadd.s32 $0x88, s3;
	s6 =	simm.s32 @!p1 $0x1082;
	[sflag:s4] =	ssyncset.s32 $0xFFFFF086  }
0x25: {  	[simem:s6], [sflag:s4] =	dma.local [hbm:s3], $0xF7A  }
0x26: {  	[smem:$0x3F95] =	sst s1;
	(tag) =	ssettag s2;
	_ =	strace s9  }
0x27: {  	s1 =	sld [smem:$0x3FA5]  }
0x28: {  	s2 =	sld [smem:$0x3FA6]  }
0x29: {  	s4 =	sld [smem:$0x3FA8]  }
0x2a: {  	p0 =	seq.s32 s5, $0x0;
	s5 =	sld [smem:$0x3FA9]  }
0x2b: {  	s6 =	sld [smem:$0x3FAA]  }
0x2c: {  	s7 =	sld [smem:$0x3FAB]  }
0x2d: {  	s3 =	simm.s32 $0x108;
	s8 =	sld [smem:$0x3FAC]  }
0x2e: {  	s3 =	simm.s32 @!p0 $0x1082;
	s9 =	sld [smem:$0x3FAD]  }
0x2f: {  	lr =	sadd.s32 s0, s3;
	s0 =	sld [smem:$0x3FA4]  }
0x30: {  	s3 =	sld [smem:$0x3FA7]  }
0x31: {  	[smem:$0x3FB0] =	sst s10  }
0x32: {  	s10 =	sld [smem:$0x3FAE];
	_ =	sdelay $0x3  }
0x33: {  	p0 =	seq.s32 s10, $0x1;
	s10 =	sld [smem:$0x3FB0];
	_ =	sdelay $0x3  }
0x34: {  	[smem:$0x3FB0] =	sst s10  }
0x35: {  	s10 =	sld [smem:$0x3FAF];
	_ =	sdelay $0x3  }
0x36: {  	p1 =	seq.s32 s10, $0x1;
	s10 =	sld [smem:$0x3FB0];
	_ =	sdelay $0x3  }
0x37: {  	[smem:$0x3FB0] =	sst s10  }
0x38: {  	s10 =	sld [smem:$0x3FB1]  }
0x39: {  	_ = 	snop;
	(pc) =	sbr.ind lr, $3  }
0x3a: {  	_ = 	snop  }
0x3b: {  	_ = 	snop  }
0x3c: {  	p2 =	seq.s32 s10, $0x1;
	s10 =	sld [smem:$0x3FB0]  }
0x3d: {  	_ =	shalt  }
0x3e: {  	_ =	shalt  }
0x3f: {  	_ =	shalt  }
0x40: {  	_ =	shalt  }
0x41: {  	_ =	shalt  }
0x42: {  	_ =	shalt  }
0x43: {  	_ =	shalt  }
0x44: {  	_ =	shalt  }
0x45: {  	_ =	shalt  }
0x46: {  	_ =	shalt  }
0x47: {  	_ =	shalt  }
0x48: {  	_ =	shalt  }
0x49: {  	_ =	shalt  }
0x4a: {  	_ =	shalt  }
0x4b: {  	_ =	shalt  }
0x4c: {  	_ =	shalt  }
0x4d: {  	_ =	shalt  }
0x4e: {  	_ =	shalt  }
0x4f: {  	_ =	shalt  }
0x50: {  	_ =	shalt  }
0x51: {  	_ =	shalt  }
0x52: {  	_ =	shalt  }
0x53: {  	_ =	shalt  }
0x54: {  	_ =	shalt  }
0x55: {  	_ =	shalt  }
0x56: {  	_ =	shalt  }
0x57: {  	_ =	shalt  }
0x58: {  	_ =	shalt  }
0x59: {  	_ =	shalt  }
0x5a: {  	_ =	shalt  }
0x5b: {  	_ =	shalt  }
0x5c: {  	_ =	shalt  }
0x5d: {  	_ =	shalt  }
0x5e: {  	_ =	shalt  }
0x5f: {  	_ =	shalt  }
0x60: {  	_ =	shalt  }
0x61: {  	_ =	shalt  }
0x62: {  	_ =	shalt  }
0x63: {  	_ =	shalt  }
0x64: {  	_ =	shalt  }
0x65: {  	_ =	shalt  }
0x66: {  	_ =	shalt  }
0x67: {  	_ =	shalt  }
0x68: {  	_ =	shalt  }
0x69: {  	_ =	shalt  }
0x6a: {  	_ =	shalt  }
0x6b: {  	_ =	shalt  }
0x6c: {  	_ =	shalt  }
0x6d: {  	_ =	shalt  }
0x6e: {  	_ =	shalt  }
0x6f: {  	_ =	shalt  }
0x70: {  	_ =	shalt  }
0x71: {  	_ =	shalt  }
0x72: {  	_ =	shalt  }
0x73: {  	_ =	shalt  }
0x74: {  	_ =	shalt  }
0x75: {  	_ =	shalt  }
0x76: {  	_ =	shalt  }
0x77: {  	_ =	shalt  }
0x78: {  	_ =	shalt  }
0x79: {  	_ =	shalt  }
0x7a: {  	_ =	shalt  }
0x7b: {  	_ =	shalt  }
0x7c: {  	_ =	shalt  }
0x7d: {  	_ =	shalt  }
0x7e: {  	_ =	shalt  }
0x7f: {  	_ =	shalt  }
0x80: {  	_ =	shalt  }
0x81: {  	_ =	shalt  }
0x82: {  	_ =	shalt  }
0x83: {  	_ =	shalt  }
0x84: {  	_ =	shalt  }
0x85: {  	_ =	shalt  }
0x86: {  	_ =	shalt  }
0x87: {  	_ =	shalt  }
.Lfunc_end0:
.L_simem_size_0:
called_computation.1_lowered:
.L_overlay_start_0:
0x88: {  	s2 =	sld [smem:$0x3FD9]  }
0x89: {  	s3 =	sld [smem:$0x3FFE];
	_ =	sdelay $0x1  }
0x8a: {  	s1 =	srdreg.scid  }
0x8b: {  	s0 =	sand.u32 $0x1, s1  }
0x8c: {  	s16 =	sshll.u32 s0, $0xA;
	s2 =	sadd.s32 s3, s2  }
0x8d: {  	s2 =	sadd.s32 s2, s16  }
0x8e: {  	[smem:$0x3FBC] =	sst s2  }
0x8f: {  	_ = 	snop  }
0x90: {  	(tm) =	ssettm $0x1  }
0x91: {  	s17 =	sld [smem:$0x3FFB];
	_ =	sdelay $0x3  }
0x92: {  	_ =	strace s17  }
0x93: {  	s2 =	sld [smem:$0x3FFC];
	_ =	sdelay $0x3  }
0x94: {  	_ =	strace s2  }
0x95: {  	s2 =	sld [smem:$0x3FFD];
	_ =	sdelay $0x3  }
0x96: {  	_ =	strace s2  }
0x97: {  	_ =	strace $0x8FFFFFFF  }
0x98: {  	s18 =	sld [smem:$0x3FDB];
	_ =	sdelay $0x1  }
0x99: {  	s19 =	simm.s32 $_scs_section_size  }
0x9a: {  	s4 =	simm.s32 $_size__tile_overlayer_lowered;
	s5 =	simm.s32 $_tile_overlayer_lowered  }
0x9b: {  	s22 =	simm.s32 $0x1BFF;
	s21 =	sshll.u32 s5, $0x1;
	s2 =	sadd.s32 s19, s18  }
0x9c: {  	s6 =	simm.s32 $0x0;
	s20 =	sshll.u32 s4, $0x1;
	s4 =	sadd.s32 s21, s2  }
0x9d: {  	[timem:s6], [sflag:s22] =	dma.local [hbm:s4], s20  }
0x9e: {  	_ =	swait.ge [sflag:s22], s20  }
0x9f: {  	s3 =	ssub.s32 $0x0, s20;
	[sflag:s22] =	ssyncset.done $0x0  }
0xa0: {  	[sflag:s22] =	ssyncadd.s32 s3;
	_ =	sdelay $0x1  }
0xa1: {  	s23 =	simm.s32 $0x1B8B  }
0xa2: {  	_ =	swait.ge [sflag:s23], $0x1  }
0xa3: {  	[sflag:s23] =	ssyncset.done $0x0  }
0xa4: {  	s25 =	simm.s32 $0x1B8E;
	s24 =	sld [smem:$0x3FFE];
	[sflag:s23] =	ssyncadd.s32 $0xFFFFFFFF  }
0xa5: {  	s26 =	simm.s32 $execute0_lowered;
	[smem:$0x3FD2] =	sst s25  }
0xa6: {  	s4 =	sshll.u32 s26, $0x1;
	_ =	strace $0x80000049;
	[dreg:$0x1] =	wrdreg $0xFFFFFFFF  }
0xa7: {  	s28 =	simm.s32 $_size_execute0_lowered;
	s2 =	sadd.s32 s2, s4;
	[dreg:$0x0] =	wrdreg $0x0  }
0xa8: {  	s4 =	sshll.u32 s28, $0x1;
	[dreg:$0x2] =	wrdreg s2  }
0xa9: {  	[dreg:$0x3] =	wrdreg s4  }
0xaa: {  	[dreg:$0x4] =	wrdreg $0xC0  }
0xab: {  	_ =	task [dreg:s6], $0x5FFFF  }
0xac: {  	[dreg:$0x1] =	wrdreg $0xFFFFFFFF  }
0xad: {  	[dreg:$0x0] =	wrdreg $0x60  }
0xae: {  	[dreg:$0x2] =	wrdreg s24  }
0xaf: {  	[dreg:$0x3] =	wrdreg $0x0  }
0xb0: {  	[dreg:$0x4] =	wrdreg $0x9  }
0xb1: {  	_ =	task.clear_ibuf [dreg:s6], $0x5FFFF;
	_ =	strace $0x90000049  }
0xb2: {  	s29 =	simm.s32 $0x9;
	_ =	strace $0x8000004B  }
0xb3: {  	_ =	swait.ge [sflag:s29], $0x1  }
0xb4: {  	[sflag:s29] =	ssyncadd.s32 $0xFFFFFFFF  }
0xb5: {  	_ =	strace $0x9000004B  }
0xb6: {  	_ =	sfence  }
0xb7: {  	s30 =	sld [smem:$0x0];
	_ =	sdelay $0x2  }
0xb8: {  	s31 =	sshll.u32 s1, $0xD;
	s1 =	sshrl.u32 s1, $0x2  }
0xb9: {  	s3 =	sand.u32 $0x4000, s31;
	s1 =	sadd.s32 s1, s30  }
0xba: {  	s0 =	sor.u32 s3, s0;
	s1 =	sshll.u32 s1, $0x11  }
0xbb: {  	s0 =	sor.u32 s1, s0  }
0xbc: {  	s0 =	sadd.s32 $0x8F2B, s0  }
0xbd: {  	[sflag:s0] =	ssyncadd.remote.s32 $0x1  }
0xbe: {  	_ =	sfence.sel $0xFFFF  }
0xbf: {  	[dreg:$0x0] =	wrdreg $0xFFFFFFFF;
	(pc) =	sbr.abs _section_cstart, $3  }
0xc0: {  	[dreg:$0x1] =	wrdreg $0xFFFFFFFF  }
0xc1: {  	_ =	task.clear_ibuf [dreg:s6], $0x2FFFF;
	_ =	strace $0x9FFFFFFF  }
0xc2: {  	(tm) =	ssettm $0x7FFFFFFF  }
0xc3: {  	_ =	shalt  }
tec
execute0_lowered:
.L_overlay_start_1:
0x0: {  	(tag) =	ssettag $0x1  }
0x1: {  	s0 =	rddreg [dreg:$0x0];
	s1 =	srdreg.scid  }
0x2: {  	s9 =	stileid.u32;
	s2 =	rddreg [dreg:$0x1]  }
0x3: {  	s3 =	simm.s32 $0x0;
	s15 =	simm.s32 $0x14C00;
	s16 =	simm.s32 $0x5  }
0x4: {  	s29 =	simm.s32 $0x18C00;
	s30 =	simm.s32 $0x2;
	s28 =	simm.s32 $0x14880  }
0x5: {  	s31 =	simm.s32 $0x14580;
	s10 =	simm.s32 $0x14A80;
	s11 =	simm.s32 $0x14780  }
0x6: {  	s14 =	simm.s32 $0x14B00;
	s1 =	sand.u32 $0x1, s1;
	s4 =	sshll.u32 s9, $0x1  }
0x7: {  	[smem:$0x7FF] =	sst s3;
	s6 =	smul.u32 $0x4F000, s9;
	s8 =	sadd.s32 $0x2C00, s0  }
0x8: {  	s24 =	smul.u32 $0x2780, s9;
	s9 =	simm.s32 $0x14700;
	s4 =	sor.u32 s1, s4  }
0x9: {  	_ =	strace $0x8000004A;
	s7 =	smul.u32 $0x27800, s1;
	s1 =	ssub.s32 $0x2, s1  }
0xa: {  	[dreg:$0x3] =	wrdreg s8;
	s8 =	simm.s32 $0x14A00;
	s6 =	sshrl.u32 s6, $0x2  }
0xb: {  	s5 =	smul.u32 $0x500, s4;
	s4 =	sadd.s32 $0x3E800, s0;
	s21 =	sadd.s32 s6, s2  }
0xc: {  	s18 =	sshrl.u32 s1, $0x1;
	s6 =	sadd.s32 $0x3C00, s21;
	[dreg:$0x4] =	wrdreg s21  }
0xd: {  	s1 =	ssub.s32 s1, s18;
	s19 =	sadd.s32 $0x7800, s21;
	[dreg:$0x5] =	wrdreg s6  }
0xe: {  	s18 =	simm.s32 $0x0;
	s20 =	sadd.s32 $0xB400, s21;
	[dreg:$0x6] =	wrdreg s19  }
0xf: {  	s5 =	sadd.s32 s5, s0;
	s22 =	sadd.s32 $0xF000, s21;
	[dreg:$0x7] =	wrdreg s20  }
0x10: {  	s0 =	sadd.s32 s7, s0;
	s23 =	sadd.s32 $0x12C00, s21;
	[dreg:$0x8] =	wrdreg s22  }
0x11: {  	s1 =	smax.u32 s1, $0x1;
	s7 =	simm.s32 $0x14680;
	[dreg:$0x9] =	wrdreg s23  }
0x12: {  	s12 =	sadd.s32 $0x2A800, s5;
	s13 =	sadd.s32 $0x34800, s5;
	s0 =	sadd.s32 $0x66000, s0  }
0x13: {  	[dreg:$0xa] =	wrdreg s1;
	s20 =	simm.s32 $0x14400;
	s22 =	simm.s32 $0x14800  }
.Ltmp0:
0x14: {  	s23 =	simm.s32 $0x3;
	s25 =	sadd.s32 $0x80, s12;
	(pc) =	sbr.rel .LBB2_1-.Ltmp0, $4  }
0x15: {  	s6 =	simm.s32 $0x4;
	s26 =	sadd.s32 $0x80, s13;
	[dreg:$0xb] =	wrdreg s25  }
0x16: {  	s1 =	simm.s32 $0x14900;
	s0 =	sadd.s32 s24, s0;
	[dreg:$0xc] =	wrdreg s26  }
0x17: {  	s5 =	simm.s32 $0x14980;
	s19 =	simm.s32 $0x14B80;
	[dreg:$0xd] =	wrdreg s0  }
0x18: {  	s25 =	simm.s32 $0x7D;
	s26 =	simm.s32 $0x1;
	s0 =	simm.s32 $0x14600  }
.LBB2_4:
0x19: {  	s17 =	stileid.u32;
	[bflag:$0x0] =	sbarrier.arrive $0xFFFF  }
0x1a: {  	s17 =	sshll.u32 s17, $0x6;
	s21 =	rddreg [dreg:$0x4]  }
0x1b: {  	s24 =	rddreg [dreg:$0xd];
	s17 =	sor.u32 $0x1C05, s17;
	s18 =	sshrl.u32 s21, $0x3  }
0x1c: {  	[hbm:s24], [sflag:s17] =	dma.local [spmem:s18], $0x2780  }
0x1d: {  	_ =	swait.ge [sflag:s16], $0x2780  }
0x1e: {  	s17 =	rddreg [dreg:$0xe]  }
0x1f: {  	s24 =	rddreg [dreg:$0xa];
	s18 =	sadd.s32 $0x1, s17  }
0x20: {  	p0 =	sne.s32 s18, s24  }
.Ltmp1:
0x21: {  	_ = 	snop;
	(pc) =	sbr.rel @!p0 .LBB2_5-.Ltmp1, $3  }
0x22: {  	_ =	sdelay $0x1  }
0x23: {  	[sflag:s16] =	ssyncset.done $0x0  }
0x24: {  	[sflag:s16] =	ssyncadd.s32 $0xFFFFD880  }
.LBB2_1:
0x25: {  	[dreg:$0xe] =	wrdreg s18  }
0x26: {  	s17 =	rddreg [dreg:$0x3]  }
0x27: {  	[tilespmem:s15], [sflag:$0x5] =	stream.linear.gather [hbm4b:s17+s3], $0x3E80, $0x38;
	[tilespmem:$0x1CC00] =	vst v63  }
0x28: {  	_ =	swait.ge [sflag:s16], $0x3E80  }
0x29: {  	[sflag:s16] =	ssyncset.done $0x0  }
0x2a: {  	[sflag:s16] =	ssyncadd.s32 $0xFFFFC180  }
0x2b: {  	[spmem:s21] =	stream.linear.scatter [tilespmem:s15], [sflag:$0x5], $0x3C00, $0x38;
	[tilespmem:$0x1CC00] =	vst v63  }
0x2c: {  	_ =	swait.ge [sflag:s16], $0x3C00  }
0x2d: {  	[sflag:s16] =	ssyncset.done $0x0  }
0x2e: {  	s18 =	rddreg [dreg:$0x5];
	[sflag:s16] =	ssyncadd.s32 $0xFFFFC400  }
0x2f: {  	[spmem:s18] =	stream.linear.scatter [tilespmem:s15], [sflag:$0x5], $0x3C00, $0x38;
	[tilespmem:$0x1CC00] =	vst v63  }
0x30: {  	_ =	swait.ge [sflag:s16], $0x3C00  }
0x31: {  	[sflag:s16] =	ssyncset.done $0x0  }
0x32: {  	s21 =	rddreg [dreg:$0x6];
	[sflag:s16] =	ssyncadd.s32 $0xFFFFC400  }
0x33: {  	[spmem:s21] =	stream.linear.scatter [tilespmem:s15], [sflag:$0x5], $0x3C00, $0x38;
	[tilespmem:$0x1CC00] =	vst v63  }
0x34: {  	_ =	swait.ge [sflag:s16], $0x3C00  }
0x35: {  	[sflag:s16] =	ssyncset.done $0x0  }
0x36: {  	s24 =	rddreg [dreg:$0x7];
	[sflag:s16] =	ssyncadd.s32 $0xFFFFC400  }
0x37: {  	[spmem:s24] =	stream.linear.scatter [tilespmem:s15], [sflag:$0x5], $0x3C00, $0x38;
	[tilespmem:$0x1CC00] =	vst v63  }
0x38: {  	_ =	swait.ge [sflag:s16], $0x3C00  }
0x39: {  	[sflag:s16] =	ssyncset.done $0x0  }
0x3a: {  	s18 =	rddreg [dreg:$0x8];
	[sflag:s16] =	ssyncadd.s32 $0xFFFFC400  }
0x3b: {  	[spmem:s18] =	stream.linear.scatter [tilespmem:s15], [sflag:$0x5], $0x3C00, $0x38;
	[tilespmem:$0x1CC00] =	vst v63  }
0x3c: {  	_ =	swait.ge [sflag:s16], $0x3C00  }
0x3d: {  	[sflag:s16] =	ssyncset.done $0x0  }
0x3e: {  	s21 =	rddreg [dreg:$0x9];
	[sflag:s16] =	ssyncadd.s32 $0xFFFFC400  }
0x3f: {  	[spmem:s21] =	stream.linear.scatter [tilespmem:s15], [sflag:$0x5], $0x1000, $0x38;
	[tilespmem:$0x1CC00] =	vst v63  }
0x40: {  	_ =	swait.ge [sflag:s16], $0x1000  }
0x41: {  	[sflag:s16] =	ssyncset.done $0x0  }
0x42: {  	[sflag:s16] =	ssyncadd.s32 $0xFFFFF000  }
0x43: {  	s24 =	simm.s32 $0x13C00;
	[bflag:$0x0] =	sbarrier.arrive $0xFFFF  }
0x44: {  	[tilespmem:s24], [sflag:$0x3] =	stream.linear.gather [hbm4b:s12+s3], $0x400, $0x38;
	[tilespmem:$0x1CC00] =	vst v63  }
0x45: {  	s18 =	simm.s32 $0x14000  }
0x46: {  	[tilespmem:s18], [sflag:$0x3] =	stream.linear.gather [hbm4b:s13+s3], $0x400, $0x38;
	[tilespmem:$0x1CC00] =	vst v63  }
0x47: {  	s21 =	rddreg [dreg:$0xb]  }
0x48: {  	[tilespmem:s20], [sflag:$0x4] =	stream.linear.gather [hbm4b:s21+s3], $0x400, $0x38;
	[tilespmem:$0x1CC00] =	vst v63  }
0x49: {  	s24 =	rddreg [dreg:$0xc];
	s21 =	simm.s32 $0xFFFFFC00  }
0x4a: {  	[tilespmem:s22], [sflag:$0x4] =	stream.linear.gather [hbm4b:s24+s3], $0x400, $0x38;
	[tilespmem:$0x1CC00] =	vst v63  }
.LBB2_2:
0x4b: {  	_ =	swait.ge [sflag:s23], $0x400  }
0x4c: {  	[sflag:s23] =	ssyncset.done $0x0  }
0x4d: {  	[sflag:s23] =	ssyncadd.s32 $0xFFFFFC00  }
0x4e: {  	_ =	swait.ge [sflag:s23], $0x400  }
0x4f: {  	[sflag:s23] =	ssyncset.done $0x0  }
0x50: {  	s17 =	simm.s32 $0x13C00;
	[sflag:s23] =	ssyncadd.s32 $0xFFFFFC00  }
0x51: {  	[tilespmem:s15], [sflag:$0x1] =	stream.indirect.gather [hbm4b:s4+s25], $0x80, s17, s25, $0xb8;
	[tilespmem:$0x1CC00] =	vst v63  }
0x52: {  	_ =	swait.ge [sflag:s26], $0x3E80  }
0x53: {  	[sflag:s26] =	ssyncset.done $0x0  }
0x54: {  	s24 =	simm.s32 $0x13C80;
	[sflag:s26] =	ssyncadd.s32 $0xFFFFC180  }
0x55: {  	[tilespmem:s29], [sflag:$0x2] =	stream.indirect.gather [hbm4b:s4+s25], $0x80, s24, s25, $0xb8;
	[tilespmem:$0x1CC00] =	vst v63  }
0x56: {  	s18 =	simm.s32 $0x14000  }
0x57: {  	[spmem:s2] =	stream.indirect.scatter.add.f32 [tilespmem:s15], [sflag:$0x5], $0x80, s18, s25, $0xb8;
	[tilespmem:$0x1CC00] =	vst v63  }
0x58: {  	_ =	swait.ge [sflag:s16], $0x3E80  }
0x59: {  	[sflag:s16] =	ssyncset.done $0x0  }
0x5a: {  	[sflag:s16] =	ssyncadd.s32 $0xFFFFC180  }
0x5b: {  	_ =	swait.ge [sflag:s30], $0x3E80  }
0x5c: {  	[sflag:s30] =	ssyncset.done $0x0  }
0x5d: {  	s24 =	simm.s32 $0x13D00;
	[sflag:s30] =	ssyncadd.s32 $0xFFFFC180  }
0x5e: {  	[tilespmem:s15], [sflag:$0x1] =	stream.indirect.gather [hbm4b:s4+s25], $0x80, s24, s25, $0xb8;
	[tilespmem:$0x1CC00] =	vst v63  }
0x5f: {  	s18 =	simm.s32 $0x14080  }
0x60: {  	[spmem:s2] =	stream.indirect.scatter.add.f32 [tilespmem:s29], [sflag:$0x5], $0x80, s18, s25, $0xb8;
	[tilespmem:$0x1CC00] =	vst v63  }
0x61: {  	_ =	swait.ge [sflag:s16], $0x3E80  }
0x62: {  	[sflag:s16] =	ssyncset.done $0x0  }
0x63: {  	[sflag:s16] =	ssyncadd.s32 $0xFFFFC180  }
0x64: {  	_ =	swait.ge [sflag:s26], $0x3E80  }
0x65: {  	[sflag:s26] =	ssyncset.done $0x0  }
0x66: {  	s24 =	simm.s32 $0x13D80;
	[sflag:s26] =	ssyncadd.s32 $0xFFFFC180  }
0x67: {  	[tilespmem:s29], [sflag:$0x2] =	stream.indirect.gather [hbm4b:s4+s25], $0x80, s24, s25, $0xb8;
	[tilespmem:$0x1CC00] =	vst v63  }
0x68: {  	s18 =	simm.s32 $0x14100  }
0x69: {  	[spmem:s2] =	stream.indirect.scatter.add.f32 [tilespmem:s15], [sflag:$0x5], $0x80, s18, s25, $0xb8;
	[tilespmem:$0x1CC00] =	vst v63  }
0x6a: {  	_ =	swait.ge [sflag:s16], $0x3E80  }
0x6b: {  	[sflag:s16] =	ssyncset.done $0x0  }
0x6c: {  	[sflag:s16] =	ssyncadd.s32 $0xFFFFC180  }
0x6d: {  	_ =	swait.ge [sflag:s30], $0x3E80  }
0x6e: {  	[sflag:s30] =	ssyncset.done $0x0  }
0x6f: {  	s24 =	simm.s32 $0x13E00;
	[sflag:s30] =	ssyncadd.s32 $0xFFFFC180  }
0x70: {  	[tilespmem:s15], [sflag:$0x1] =	stream.indirect.gather [hbm4b:s4+s25], $0x80, s24, s25, $0xb8;
	[tilespmem:$0x1CC00] =	vst v63  }
0x71: {  	s18 =	simm.s32 $0x14180  }
0x72: {  	[spmem:s2] =	stream.indirect.scatter.add.f32 [tilespmem:s29], [sflag:$0x5], $0x80, s18, s25, $0xb8;
	[tilespmem:$0x1CC00] =	vst v63  }
0x73: {  	_ =	swait.ge [sflag:s16], $0x3E80  }
0x74: {  	[sflag:s16] =	ssyncset.done $0x0  }
0x75: {  	[sflag:s16] =	ssyncadd.s32 $0xFFFFC180  }
0x76: {  	_ =	swait.ge [sflag:s26], $0x3E80  }
0x77: {  	[sflag:s26] =	ssyncset.done $0x0  }
0x78: {  	s24 =	simm.s32 $0x13E80;
	[sflag:s26] =	ssyncadd.s32 $0xFFFFC180  }
0x79: {  	[tilespmem:s29], [sflag:$0x2] =	stream.indirect.gather [hbm4b:s4+s25], $0x80, s24, s25, $0xb8;
	[tilespmem:$0x1CC00] =	vst v63  }
0x7a: {  	s18 =	simm.s32 $0x14200  }
0x7b: {  	[spmem:s2] =	stream.indirect.scatter.add.f32 [tilespmem:s15], [sflag:$0x5], $0x80, s18, s25, $0xb8;
	[tilespmem:$0x1CC00] =	vst v63  }
0x7c: {  	_ =	swait.ge [sflag:s16], $0x3E80  }
0x7d: {  	[sflag:s16] =	ssyncset.done $0x0  }
0x7e: {  	[sflag:s16] =	ssyncadd.s32 $0xFFFFC180  }
0x7f: {  	_ =	swait.ge [sflag:s30], $0x3E80  }
0x80: {  	[sflag:s30] =	ssyncset.done $0x0  }
0x81: {  	s24 =	simm.s32 $0x13F00;
	[sflag:s30] =	ssyncadd.s32 $0xFFFFC180  }
0x82: {  	[tilespmem:s15], [sflag:$0x1] =	stream.indirect.gather [hbm4b:s4+s25], $0x80, s24, s25, $0xb8;
	[tilespmem:$0x1CC00] =	vst v63  }
0x83: {  	s18 =	simm.s32 $0x14280  }
0x84: {  	[spmem:s2] =	stream.indirect.scatter.add.f32 [tilespmem:s29], [sflag:$0x5], $0x80, s18, s25, $0xb8;
	[tilespmem:$0x1CC00] =	vst v63  }
0x85: {  	_ =	swait.ge [sflag:s16], $0x3E80  }
0x86: {  	[sflag:s16] =	ssyncset.done $0x0  }
0x87: {  	[sflag:s16] =	ssyncadd.s32 $0xFFFFC180  }
0x88: {  	_ =	swait.ge [sflag:s26], $0x3E80  }
0x89: {  	[sflag:s26] =	ssyncset.done $0x0  }
0x8a: {  	s24 =	simm.s32 $0x13F80;
	[sflag:s26] =	ssyncadd.s32 $0xFFFFC180  }
0x8b: {  	[tilespmem:s29], [sflag:$0x2] =	stream.indirect.gather [hbm4b:s4+s25], $0x80, s24, s25, $0xb8;
	[tilespmem:$0x1CC00] =	vst v63  }
0x8c: {  	s18 =	simm.s32 $0x14300  }
0x8d: {  	[spmem:s2] =	stream.indirect.scatter.add.f32 [tilespmem:s15], [sflag:$0x5], $0x80, s18, s25, $0xb8;
	[tilespmem:$0x1CC00] =	vst v63  }
0x8e: {  	_ =	swait.ge [sflag:s16], $0x3E80  }
0x8f: {  	[sflag:s16] =	ssyncset.done $0x0  }
0x90: {  	[sflag:s16] =	ssyncadd.s32 $0xFFFFC180  }
0x91: {  	_ =	swait.ge [sflag:s30], $0x3E80  }
0x92: {  	[sflag:s30] =	ssyncset.done $0x0  }
0x93: {  	s24 =	simm.s32 $0x14380;
	[sflag:s30] =	ssyncadd.s32 $0xFFFFC180  }
0x94: {  	[spmem:s2] =	stream.indirect.scatter.add.f32 [tilespmem:s29], [sflag:$0x5], $0x80, s24, s25, $0xb8;
	[tilespmem:$0x1CC00] =	vst v63  }
0x95: {  	p0 =	seq.s32 s21, $0x0;
	_ =	swait.ge [sflag:s16], $0x3E80  }
0x96: {  	s17 =	simm.s32 @!p0 $0x0;
	s24 =	sadd.s32 @!p0 s21, s12;
	[sflag:s16] =	ssyncset.done $0x0  }
0x97: {  	s18 =	simm.s32 @!p0 $0x13C00;
	s24 =	sadd.s32 @!p0 $0x500, s24;
	[sflag:s16] =	ssyncadd.s32 $0xFFFFC180  }
0x98: {  	[tilespmem:s18], [sflag:$0x3] =	stream.linear.gather @!p0 [hbm4b:s24+s17], $0x400, $0x38;
	[tilespmem:$0x1CC00] =	vst v63  }
0x99: {  	s18 =	sadd.s32 @!p0 s21, s13  }
0x9a: {  	s24 =	simm.s32 @!p0 $0x14000;
	s18 =	sadd.s32 @!p0 $0x500, s18  }
0x9b: {  	[tilespmem:s24], [sflag:$0x3] =	stream.linear.gather @!p0 [hbm4b:s18+s17], $0x400, $0x38;
	[tilespmem:$0x1CC00] =	vst v63  }
0x9c: {  	_ =	swait.ge [sflag:s6], $0x400  }
0x9d: {  	[sflag:s6] =	ssyncset.done $0x0  }
0x9e: {  	[sflag:s6] =	ssyncadd.s32 $0xFFFFFC00  }
0x9f: {  	_ =	swait.ge [sflag:s6], $0x400  }
0xa0: {  	[sflag:s6] =	ssyncset.done $0x0  }
0xa1: {  	[sflag:s6] =	ssyncadd.s32 $0xFFFFFC00  }
0xa2: {  	[tilespmem:s15], [sflag:$0x1] =	stream.indirect.gather [hbm4b:s4+s25], $0x80, s20, s25, $0xb8;
	[tilespmem:$0x1CC00] =	vst v63  }
0xa3: {  	_ =	swait.ge [sflag:s26], $0x3E80  }
0xa4: {  	[sflag:s26] =	ssyncset.done $0x0  }
0xa5: {  	s18 =	simm.s32 $0x14480;
	[sflag:s26] =	ssyncadd.s32 $0xFFFFC180  }
0xa6: {  	[tilespmem:s29], [sflag:$0x2] =	stream.indirect.gather [hbm4b:s4+s25], $0x80, s18, s25, $0xb8;
	[tilespmem:$0x1CC00] =	vst v63  }
0xa7: {  	_ = 	snop  }
0xa8: {  	[spmem:s2] =	stream.indirect.scatter.add.f32 [tilespmem:s15], [sflag:$0x5], $0x80, s22, s25, $0xb8;
	[tilespmem:$0x1CC00] =	vst v63  }
0xa9: {  	_ =	swait.ge [sflag:s16], $0x3E80  }
0xaa: {  	[sflag:s16] =	ssyncset.done $0x0  }
0xab: {  	[sflag:s16] =	ssyncadd.s32 $0xFFFFC180  }
0xac: {  	_ =	swait.ge [sflag:s30], $0x3E80  }
0xad: {  	[sflag:s30] =	ssyncset.done $0x0  }
0xae: {  	s24 =	simm.s32 $0x14500;
	[sflag:s30] =	ssyncadd.s32 $0xFFFFC180  }
0xaf: {  	[tilespmem:s15], [sflag:$0x1] =	stream.indirect.gather [hbm4b:s4+s25], $0x80, s24, s25, $0xb8;
	[tilespmem:$0x1CC00] =	vst v63  }
0xb0: {  	_ = 	snop  }
0xb1: {  	[spmem:s2] =	stream.indirect.scatter.add.f32 [tilespmem:s29], [sflag:$0x5], $0x80, s28, s25, $0xb8;
	[tilespmem:$0x1CC00] =	vst v63  }
0xb2: {  	_ =	swait.ge [sflag:s16], $0x3E80  }
0xb3: {  	[sflag:s16] =	ssyncset.done $0x0  }
0xb4: {  	[sflag:s16] =	ssyncadd.s32 $0xFFFFC180  }
0xb5: {  	_ =	swait.ge [sflag:s26], $0x3E80  }
0xb6: {  	[sflag:s26] =	ssyncset.done $0x0  }
0xb7: {  	[sflag:s26] =	ssyncadd.s32 $0xFFFFC180  }
0xb8: {  	[tilespmem:s29], [sflag:$0x2] =	stream.indirect.gather [hbm4b:s4+s25], $0x80, s31, s25, $0xb8;
	[tilespmem:$0x1CC00] =	vst v63  }
0xb9: {  	_ = 	snop  }
0xba: {  	[spmem:s2] =	stream.indirect.scatter.add.f32 [tilespmem:s15], [sflag:$0x5], $0x80, s1, s25, $0xb8;
	[tilespmem:$0x1CC00] =	vst v63  }
0xbb: {  	_ =	swait.ge [sflag:s16], $0x3E80  }
0xbc: {  	[sflag:s16] =	ssyncset.done $0x0  }
0xbd: {  	[sflag:s16] =	ssyncadd.s32 $0xFFFFC180  }
0xbe: {  	_ =	swait.ge [sflag:s30], $0x3E80  }
0xbf: {  	[sflag:s30] =	ssyncset.done $0x0  }
0xc0: {  	[sflag:s30] =	ssyncadd.s32 $0xFFFFC180  }
0xc1: {  	[tilespmem:s15], [sflag:$0x1] =	stream.indirect.gather [hbm4b:s4+s25], $0x80, s0, s25, $0xb8;
	[tilespmem:$0x1CC00] =	vst v63  }
0xc2: {  	_ = 	snop  }
0xc3: {  	[spmem:s2] =	stream.indirect.scatter.add.f32 [tilespmem:s29], [sflag:$0x5], $0x80, s5, s25, $0xb8;
	[tilespmem:$0x1CC00] =	vst v63  }
0xc4: {  	_ =	swait.ge [sflag:s16], $0x3E80  }
0xc5: {  	[sflag:s16] =	ssyncset.done $0x0  }
0xc6: {  	[sflag:s16] =	ssyncadd.s32 $0xFFFFC180  }
0xc7: {  	_ =	swait.ge [sflag:s26], $0x3E80  }
0xc8: {  	[sflag:s26] =	ssyncset.done $0x0  }
0xc9: {  	[sflag:s26] =	ssyncadd.s32 $0xFFFFC180  }
0xca: {  	[tilespmem:s29], [sflag:$0x2] =	stream.indirect.gather [hbm4b:s4+s25], $0x80, s7, s25, $0xb8;
	[tilespmem:$0x1CC00] =	vst v63  }
0xcb: {  	_ = 	snop  }
0xcc: {  	[spmem:s2] =	stream.indirect.scatter.add.f32 [tilespmem:s15], [sflag:$0x5], $0x80, s8, s25, $0xb8;
	[tilespmem:$0x1CC00] =	vst v63  }
0xcd: {  	_ =	swait.ge [sflag:s16], $0x3E80  }
0xce: {  	[sflag:s16] =	ssyncset.done $0x0  }
0xcf: {  	[sflag:s16] =	ssyncadd.s32 $0xFFFFC180  }
0xd0: {  	_ =	swait.ge [sflag:s30], $0x3E80  }
0xd1: {  	[sflag:s30] =	ssyncset.done $0x0  }
0xd2: {  	[sflag:s30] =	ssyncadd.s32 $0xFFFFC180  }
0xd3: {  	[tilespmem:s15], [sflag:$0x1] =	stream.indirect.gather [hbm4b:s4+s25], $0x80, s9, s25, $0xb8;
	[tilespmem:$0x1CC00] =	vst v63  }
0xd4: {  	_ = 	snop  }
0xd5: {  	[spmem:s2] =	stream.indirect.scatter.add.f32 [tilespmem:s29], [sflag:$0x5], $0x80, s10, s25, $0xb8;
	[tilespmem:$0x1CC00] =	vst v63  }
0xd6: {  	_ =	swait.ge [sflag:s16], $0x3E80  }
0xd7: {  	[sflag:s16] =	ssyncset.done $0x0  }
0xd8: {  	[sflag:s16] =	ssyncadd.s32 $0xFFFFC180  }
0xd9: {  	_ =	swait.ge [sflag:s26], $0x3E80  }
0xda: {  	[sflag:s26] =	ssyncset.done $0x0  }
0xdb: {  	[sflag:s26] =	ssyncadd.s32 $0xFFFFC180  }
0xdc: {  	[tilespmem:s29], [sflag:$0x2] =	stream.indirect.gather [hbm4b:s4+s25], $0x80, s11, s25, $0xb8;
	[tilespmem:$0x1CC00] =	vst v63  }
0xdd: {  	_ = 	snop  }
0xde: {  	[spmem:s2] =	stream.indirect.scatter.add.f32 [tilespmem:s15], [sflag:$0x5], $0x80, s14, s25, $0xb8;
	[tilespmem:$0x1CC00] =	vst v63  }
0xdf: {  	_ =	swait.ge [sflag:s16], $0x3E80  }
0xe0: {  	[sflag:s16] =	ssyncset.done $0x0  }
0xe1: {  	[sflag:s16] =	ssyncadd.s32 $0xFFFFC180  }
0xe2: {  	_ =	swait.ge [sflag:s30], $0x3E80  }
0xe3: {  	[sflag:s30] =	ssyncset.done $0x0  }
.Ltmp2:
0xe4: {  	[sflag:s30] =	ssyncadd.s32 $0xFFFFC180;
	(pc) =	sbr.rel @p0 .LBB2_4-.Ltmp2, $4  }
0xe5: {  	[spmem:s2] =	stream.indirect.scatter.add.f32 [tilespmem:s29], [sflag:$0x5], $0x80, s19, s25, $0xb8;
	[tilespmem:$0x1CC00] =	vst v63  }
0xe6: {  	_ =	swait.ge [sflag:s16], $0x3E80  }
0xe7: {  	[sflag:s16] =	ssyncset.done $0x0  }
0xe8: {  	[sflag:s16] =	ssyncadd.s32 $0xFFFFC180  }
.Ltmp3:
0xe9: {  	s17 =	sadd.s32 s21, s12;
	(pc) =	sbr.rel .LBB2_2-.Ltmp3, $4  }
0xea: {  	s24 =	sadd.s32 s21, s13;
	s17 =	sadd.s32 $0x580, s17  }
0xeb: {  	[tilespmem:s20], [sflag:$0x4] =	stream.linear.gather [hbm4b:s17+s3], $0x400, $0x38;
	[tilespmem:$0x1CC00] =	vst v63  }
0xec: {  	s21 =	sadd.s32 $0x100, s21;
	s17 =	sadd.s32 $0x580, s24  }
0xed: {  	[tilespmem:s22], [sflag:$0x4] =	stream.linear.gather [hbm4b:s17+s3], $0x400, $0x38;
	[tilespmem:$0x1CC00] =	vst v63  }
.LBB2_5:
0xee: {  	_ =	sfence.sel $0x180000  }
0xef: {  	[bflag:$0x0] =	sbarrier.arrive $0xFFFF  }
0xf0: {  	_ =	strace $0x9000004A  }
0xf1: {  	s0 =	stileid.u32;
	[bflag:$0x2] =	sbarrier.arrive $0xFFFF  }
0xf2: {  	p0 =	sne.s32 s0, $0x0;
	s0 =	rddreg [dreg:$0x2]  }
0xf3: {  	s0 =	sadd.s32 @!p0 $0x100000, s0  }
0xf4: {  	[sflag:s0] =	ssyncadd.tile.s32 @!p0 $0x1;
	_ =	shalt  }
.Lfunc_end2:
_tile_overlayer_lowered:
.L_overlay_start_2:
0xf5: {  	(tag) =	ssettag $0x2  }
0xf6: {  	s0 =	rddreg [dreg:$0x0];
	s2 =	stileid.u32  }
0xf7: {  	s1 =	rddreg [dreg:$0x1];
	p0 =	sne.s32 s2, $0x0  }
0xf8: {  	s3 =	rddreg [dreg:$0x2];
	[bflag:$0x3] =	sbarrier.arrive $0xFFFF;
	s2 =	simm.s32 @!p0 $0x1C05  }
0xf9: {  	[timem:s3], [sflag:s2] =	dma.local @!p0 [hbm:s0], s1  }
0xfa: {  	s0 =	simm.s32 @!p0 $0x5  }
0xfb: {  	_ =	swait.ge @!p0 [sflag:s0], s1  }
0xfc: {  	s1 =	ssub.s32 @!p0 $0x0, s1;
	[sflag:s0] =	ssyncset.done @!p0 $0x0  }
0xfd: {  	[sflag:s0] =	ssyncadd.s32 @!p0 s1  }
0xfe: {  	[bflag:$0x3] =	sbarrier.arrive $0xFFFF  }
0xff: {  	_ =	shalt  }

// kernel: _run.14.cloned.1.call-start
scs
__scs_entry_jumppad:
0x0: {  	(pc) =	sbr.rel $0x88, $3  }
0x1: {  	(tag) =	ssettag $0x0;
	lr =	simm.s32 $0x1  }
0x2: {  	[smem:$0x3F95] =	sst lr;
	_ =	strace $0xD0000000  }
0x3: {  	_ = 	snop  }
0x4: {  	_ = 	snop  }
0x5: {  	_ = 	snop  }
0x6: {  	_ = 	snop  }
0x7: {  	_ = 	snop  }
__scs_overlays_trampoline_lowered:
0x8: {  	[smem:$0x3FA4] =	sst s0  }
0x9: {  	[smem:$0x3FA5] =	sst s1  }
0xa: {  	[smem:$0x3FA6] =	sst s2  }
0xb: {  	[smem:$0x3FA7] =	sst s3  }
0xc: {  	[smem:$0x3FA8] =	sst s4  }
0xd: {  	[smem:$0x3FA9] =	sst s5  }
0xe: {  	[smem:$0x3FAA] =	sst s6  }
0xf: {  	[smem:$0x3FAB] =	sst s7  }
0x10: {  	[smem:$0x3FAC] =	sst s8  }
0x11: {  	[smem:$0x3FAD] =	sst s9;
	s0 =	simm.s32 @!p0 $0x0  }
0x12: {  	s1 =	sld [smem:$0x3F93];
	s0 =	simm.s32 @p0 $0x1  }
0x13: {  	[smem:$0x3FAE] =	sst s0;
	s0 =	simm.s32 @!p1 $0x0  }
0x14: {  	s2 =	sld [smem:$0x3F92];
	s0 =	simm.s32 @p1 $0x1  }
0x15: {  	[smem:$0x3FAF] =	sst s0;
	s0 =	simm.s32 @!p2 $0x0  }
0x16: {  	s3 =	sld [smem:$0x3FDB];
	s0 =	simm.s32 @p2 $0x1  }
0x17: {  	s4 =	simm.s32 $0x1BF5;
	[smem:$0x3FB1] =	sst s0  }
0x18: {  	s0 =	sld [smem:$0x3F94];
	_ =	swait.ge [sflag:s4], $0x0  }
0x19: {  	s7 =	sld [smem:$0x3F95]  }
0x1a: {  	s8 =	sadd.s32 $0xFFFFE003, lr  }
0x1b: {  	s9 =	sadd.s32 $0xFFFFFEF7, lr;
	s5 =	simm.s32 $0xFFFFFFFF;
	p2 =	slt.u32 s8, $0xFFFFF086  }
0x1c: {  	p1 =	slt.u32 s9, $0xF7A;
	s5 =	simm.s32 @!p2 $0x0  }
0x1d: {  	s5 =	simm.s32 @p1 $0x1;
	p0 =	seq.s32 s7, s2  }
0x1e: {  	s7 =	smul.u32 @!p0 $0xF7A, s2;
	p2 =	seq.s32 @!p0 s5, $0x0  }
0x1f: {  	s9 =	smul.u32 $0xF7A, s1;
	s8 =	simm.s32 @!p0 $0x1BF5;
	p2 =	por !p2, p0  }
0x20: {  	[sflag:s8] =	ssyncset.s32 @!p0 $0xFFFFF086;
	s6 =	sadd.s32 @!p0 s3, s7;
	s7 =	simm.s32 @!p0 $0x108  }
0x21: {  	s3 =	sadd.s32 s3, s9;
	s6 =	sadd.s32 @!p0 $0x88, s6;
	s7 =	simm.s32 @p2 $0x1082  }
0x22: {  	[simem:s7], [sflag:s8] =	dma.local @!p0 [hbm:s6], $0xF7A  }
0x23: {  	s9 =	sor.u32 $0xD0000000, s2;
	s6 =	simm.s32 $0x108;
	_ =	swait.ge @!p0 [sflag:s8], $0x0  }
0x24: {  	s3 =	sadd.s32 $0x88, s3;
	s6 =	simm.s32 @!p1 $0x1082;
	[sflag:s4] =	ssyncset.s32 $0xFFFFF086  }
0x25: {  	[simem:s6], [sflag:s4] =	dma.local [hbm:s3], $0xF7A  }
0x26: {  	[smem:$0x3F95] =	sst s1;
	(tag) =	ssettag s2;
	_ =	strace s9  }
0x27: {  	s1 =	sld [smem:$0x3FA5]  }
0x28: {  	s2 =	sld [smem:$0x3FA6]  }
0x29: {  	s4 =	sld [smem:$0x3FA8]  }
0x2a: {  	p0 =	seq.s32 s5, $0x0;
	s5 =	sld [smem:$0x3FA9]  }
0x2b: {  	s6 =	sld [smem:$0x3FAA]  }
0x2c: {  	s7 =	sld [smem:$0x3FAB]  }
0x2d: {  	s3 =	simm.s32 $0x108;
	s8 =	sld [smem:$0x3FAC]  }
0x2e: {  	s3 =	simm.s32 @!p0 $0x1082;
	s9 =	sld [smem:$0x3FAD]  }
0x2f: {  	lr =	sadd.s32 s0, s3;
	s0 =	sld [smem:$0x3FA4]  }
0x30: {  	s3 =	sld [smem:$0x3FA7]  }
0x31: {  	[smem:$0x3FB0] =	sst s10  }
0x32: {  	s10 =	sld [smem:$0x3FAE];
	_ =	sdelay $0x3  }
0x33: {  	p0 =	seq.s32 s10, $0x1;
	s10 =	sld [smem:$0x3FB0];
	_ =	sdelay $0x3  }
0x34: {  	[smem:$0x3FB0] =	sst s10  }
0x35: {  	s10 =	sld [smem:$0x3FAF];
	_ =	sdelay $0x3  }
0x36: {  	p1 =	seq.s32 s10, $0x1;
	s10 =	sld [smem:$0x3FB0];
	_ =	sdelay $0x3  }
0x37: {  	[smem:$0x3FB0] =	sst s10  }
0x38: {  	s10 =	sld [smem:$0x3FB1]  }
0x39: {  	_ = 	snop;
	(pc) =	sbr.ind lr, $3  }
0x3a: {  	_ = 	snop  }
0x3b: {  	_ = 	snop  }
0x3c: {  	p2 =	seq.s32 s10, $0x1;
	s10 =	sld [smem:$0x3FB0]  }
0x3d: {  	_ =	shalt  }
0x3e: {  	_ =	shalt  }
0x3f: {  	_ =	shalt  }
0x40: {  	_ =	shalt  }
0x41: {  	_ =	shalt  }
0x42: {  	_ =	shalt  }
0x43: {  	_ =	shalt  }
0x44: {  	_ =	shalt  }
0x45: {  	_ =	shalt  }
0x46: {  	_ =	shalt  }
0x47: {  	_ =	shalt  }
0x48: {  	_ =	shalt  }
0x49: {  	_ =	shalt  }
0x4a: {  	_ =	shalt  }
0x4b: {  	_ =	shalt  }
0x4c: {  	_ =	shalt  }
0x4d: {  	_ =	shalt  }
0x4e: {  	_ =	shalt  }
0x4f: {  	_ =	shalt  }
0x50: {  	_ =	shalt  }
0x51: {  	_ =	shalt  }
0x52: {  	_ =	shalt  }
0x53: {  	_ =	shalt  }
0x54: {  	_ =	shalt  }
0x55: {  	_ =	shalt  }
0x56: {  	_ =	shalt  }
0x57: {  	_ =	shalt  }
0x58: {  	_ =	shalt  }
0x59: {  	_ =	shalt  }
0x5a: {  	_ =	shalt  }
0x5b: {  	_ =	shalt  }
0x5c: {  	_ =	shalt  }
0x5d: {  	_ =	shalt  }
0x5e: {  	_ =	shalt  }
0x5f: {  	_ =	shalt  }
0x60: {  	_ =	shalt  }
0x61: {  	_ =	shalt  }
0x62: {  	_ =	shalt  }
0x63: {  	_ =	shalt  }
0x64: {  	_ =	shalt  }
0x65: {  	_ =	shalt  }
0x66: {  	_ =	shalt  }
0x67: {  	_ =	shalt  }
0x68: {  	_ =	shalt  }
0x69: {  	_ =	shalt  }
0x6a: {  	_ =	shalt  }
0x6b: {  	_ =	shalt  }
0x6c: {  	_ =	shalt  }
0x6d: {  	_ =	shalt  }
0x6e: {  	_ =	shalt  }
0x6f: {  	_ =	shalt  }
0x70: {  	_ =	shalt  }
0x71: {  	_ =	shalt  }
0x72: {  	_ =	shalt  }
0x73: {  	_ =	shalt  }
0x74: {  	_ =	shalt  }
0x75: {  	_ =	shalt  }
0x76: {  	_ =	shalt  }
0x77: {  	_ =	shalt  }
0x78: {  	_ =	shalt  }
0x79: {  	_ =	shalt  }
0x7a: {  	_ =	shalt  }
0x7b: {  	_ =	shalt  }
0x7c: {  	_ =	shalt  }
0x7d: {  	_ =	shalt  }
0x7e: {  	_ =	shalt  }
0x7f: {  	_ =	shalt  }
0x80: {  	_ =	shalt  }
0x81: {  	_ =	shalt  }
0x82: {  	_ =	shalt  }
0x83: {  	_ =	shalt  }
0x84: {  	_ =	shalt  }
0x85: {  	_ =	shalt  }
0x86: {  	_ =	shalt  }
0x87: {  	_ =	shalt  }
.Lfunc_end0:
.L_simem_size_0:
called_computation.2_lowered:
.L_overlay_start_0:
0x88: {  	s2 =	sld [smem:$0x3FD9]  }
0x89: {  	s3 =	sld [smem:$0x3FFE];
	_ =	sdelay $0x1  }
0x8a: {  	s1 =	srdreg.scid  }
0x8b: {  	s0 =	sand.u32 $0x1, s1  }
0x8c: {  	s16 =	sshll.u32 s0, $0xA;
	s2 =	sadd.s32 s3, s2  }
0x8d: {  	s2 =	sadd.s32 s2, s16  }
0x8e: {  	[smem:$0x3FBC] =	sst s2  }
0x8f: {  	_ = 	snop  }
0x90: {  	(tm) =	ssettm $0x1  }
0x91: {  	s17 =	sld [smem:$0x3FFB];
	_ =	sdelay $0x3  }
0x92: {  	_ =	strace s17  }
0x93: {  	s2 =	sld [smem:$0x3FFC];
	_ =	sdelay $0x3  }
0x94: {  	_ =	strace s2  }
0x95: {  	s2 =	sld [smem:$0x3FFD];
	_ =	sdelay $0x3  }
0x96: {  	_ =	strace s2  }
0x97: {  	_ =	strace $0x8FFFFFFF  }
0x98: {  	s18 =	sld [smem:$0x3FDB];
	_ =	sdelay $0x1  }
0x99: {  	s19 =	simm.s32 $_scs_section_size  }
0x9a: {  	s4 =	simm.s32 $_size__tile_overlayer_lowered;
	s5 =	simm.s32 $_tile_overlayer_lowered  }
0x9b: {  	s22 =	simm.s32 $0x1BFF;
	s21 =	sshll.u32 s5, $0x1;
	s2 =	sadd.s32 s19, s18  }
0x9c: {  	s6 =	simm.s32 $0x0;
	s20 =	sshll.u32 s4, $0x1;
	s4 =	sadd.s32 s21, s2  }
0x9d: {  	[timem:s6], [sflag:s22] =	dma.local [hbm:s4], s20  }
0x9e: {  	_ =	swait.ge [sflag:s22], s20  }
0x9f: {  	s3 =	ssub.s32 $0x0, s20;
	[sflag:s22] =	ssyncset.done $0x0  }
0xa0: {  	[sflag:s22] =	ssyncadd.s32 s3;
	_ =	sdelay $0x1  }
0xa1: {  	s23 =	simm.s32 $0x1B8B  }
0xa2: {  	_ =	swait.ge [sflag:s23], $0x1  }
0xa3: {  	[sflag:s23] =	ssyncset.done $0x0  }
0xa4: {  	s25 =	simm.s32 $0x1B8E;
	s24 =	sld [smem:$0x3FFE];
	[sflag:s23] =	ssyncadd.s32 $0xFFFFFFFF  }
0xa5: {  	s26 =	simm.s32 $execute0_lowered;
	[smem:$0x3FD2] =	sst s25  }
0xa6: {  	s4 =	sshll.u32 s26, $0x1;
	_ =	strace $0x8000004C;
	[dreg:$0x1] =	wrdreg $0xFFFFFFFF  }
0xa7: {  	s28 =	simm.s32 $_size_execute0_lowered;
	s2 =	sadd.s32 s2, s4;
	[dreg:$0x0] =	wrdreg $0x0  }
0xa8: {  	s4 =	sshll.u32 s28, $0x1;
	[dreg:$0x2] =	wrdreg s2  }
0xa9: {  	[dreg:$0x3] =	wrdreg s4  }
0xaa: {  	[dreg:$0x4] =	wrdreg $0xC0  }
0xab: {  	_ =	task [dreg:s6], $0x5FFFF  }
0xac: {  	[dreg:$0x1] =	wrdreg $0xFFFFFFFF  }
0xad: {  	[dreg:$0x0] =	wrdreg $0x60  }
0xae: {  	[dreg:$0x2] =	wrdreg s24  }
0xaf: {  	[dreg:$0x3] =	wrdreg $0x0  }
0xb0: {  	[dreg:$0x4] =	wrdreg $0x9  }
0xb1: {  	_ =	task.clear_ibuf [dreg:s6], $0x5FFFF;
	_ =	strace $0x9000004C  }
0xb2: {  	s29 =	simm.s32 $0x9;
	_ =	strace $0x8000004E  }
0xb3: {  	_ =	swait.ge [sflag:s29], $0x1  }
0xb4: {  	[sflag:s29] =	ssyncadd.s32 $0xFFFFFFFF  }
0xb5: {  	_ =	strace $0x9000004E  }
0xb6: {  	_ =	sfence  }
0xb7: {  	s30 =	sld [smem:$0x0];
	_ =	sdelay $0x2  }
0xb8: {  	s31 =	sshll.u32 s1, $0xD;
	s1 =	sshrl.u32 s1, $0x2  }
0xb9: {  	s3 =	sand.u32 $0x4000, s31;
	s1 =	sadd.s32 s1, s30  }
0xba: {  	s0 =	sor.u32 s3, s0;
	s1 =	sshll.u32 s1, $0x11  }
0xbb: {  	s0 =	sor.u32 s1, s0  }
0xbc: {  	s0 =	sadd.s32 $0x8F2B, s0  }
0xbd: {  	[sflag:s0] =	ssyncadd.remote.s32 $0x1  }
0xbe: {  	_ =	sfence.sel $0xFFFF  }
0xbf: {  	[dreg:$0x0] =	wrdreg $0xFFFFFFFF;
	(pc) =	sbr.abs _section_cstart, $3  }
0xc0: {  	[dreg:$0x1] =	wrdreg $0xFFFFFFFF  }
0xc1: {  	_ =	task.clear_ibuf [dreg:s6], $0x2FFFF;
	_ =	strace $0x9FFFFFFF  }
0xc2: {  	(tm) =	ssettm $0x7FFFFFFF  }
0xc3: {  	_ =	shalt  }
tec
execute0_lowered:
.L_overlay_start_1:
0x0: {  	(tag) =	ssettag $0x1  }
0x1: {  	s0 =	rddreg [dreg:$0x0];
	s1 =	srdreg.scid  }
0x2: {  	s9 =	stileid.u32;
	s2 =	rddreg [dreg:$0x1]  }
0x3: {  	s3 =	simm.s32 $0x0;
	s15 =	simm.s32 $0x14C00;
	s16 =	simm.s32 $0x5  }
0x4: {  	s29 =	simm.s32 $0x18C00;
	s30 =	simm.s32 $0x2;
	s28 =	simm.s32 $0x14880  }
0x5: {  	s31 =	simm.s32 $0x14580;
	s10 =	simm.s32 $0x14A80;
	s11 =	simm.s32 $0x14780  }
0x6: {  	s14 =	simm.s32 $0x14B00;
	s1 =	sand.u32 $0x1, s1;
	s4 =	sshll.u32 s9, $0x1  }
0x7: {  	[smem:$0x7FF] =	sst s3;
	s6 =	smul.u32 $0x4F000, s9;
	s8 =	sadd.s32 $0x2C00, s0  }
0x8: {  	s24 =	smul.u32 $0x2780, s9;
	s9 =	simm.s32 $0x14700;
	s4 =	sor.u32 s1, s4  }
0x9: {  	_ =	strace $0x8000004D;
	s7 =	smul.u32 $0x27800, s1;
	s1 =	ssub.s32 $0x2, s1  }
0xa: {  	[dreg:$0x3] =	wrdreg s8;
	s8 =	simm.s32 $0x14A00;
	s6 =	sshrl.u32 s6, $0x2  }
0xb: {  	s5 =	smul.u32 $0x500, s4;
	s4 =	sadd.s32 $0x3E800, s0;
	s21 =	sadd.s32 s6, s2  }
0xc: {  	s18 =	sshrl.u32 s1, $0x1;
	s6 =	sadd.s32 $0x3C00, s21;
	[dreg:$0x4] =	wrdreg s21  }
0xd: {  	s1 =	ssub.s32 s1, s18;
	s19 =	sadd.s32 $0x7800, s21;
	[dreg:$0x5] =	wrdreg s6  }
0xe: {  	s18 =	simm.s32 $0x0;
	s20 =	sadd.s32 $0xB400, s21;
	[dreg:$0x6] =	wrdreg s19  }
0xf: {  	s5 =	sadd.s32 s5, s0;
	s22 =	sadd.s32 $0xF000, s21;
	[dreg:$0x7] =	wrdreg s20  }
0x10: {  	s0 =	sadd.s32 s7, s0;
	s23 =	sadd.s32 $0x12C00, s21;
	[dreg:$0x8] =	wrdreg s22  }
0x11: {  	s1 =	smax.u32 s1, $0x1;
	s7 =	simm.s32 $0x14680;
	[dreg:$0x9] =	wrdreg s23  }
0x12: {  	s12 =	sadd.s32 $0x2A800, s5;
	s13 =	sadd.s32 $0x34800, s5;
	s0 =	sadd.s32 $0x66000, s0  }
0x13: {  	[dreg:$0xa] =	wrdreg s1;
	s20 =	simm.s32 $0x14400;
	s22 =	simm.s32 $0x14800  }
.Ltmp0:
0x14: {  	s23 =	simm.s32 $0x3;
	s25 =	sadd.s32 $0x80, s12;
	(pc) =	sbr.rel .LBB2_1-.Ltmp0, $4  }
0x15: {  	s6 =	simm.s32 $0x4;
	s26 =	sadd.s32 $0x80, s13;
	[dreg:$0xb] =	wrdreg s25  }
0x16: {  	s1 =	simm.s32 $0x14900;
	s0 =	sadd.s32 s24, s0;
	[dreg:$0xc] =	wrdreg s26  }
0x17: {  	s5 =	simm.s32 $0x14980;
	s19 =	simm.s32 $0x14B80;
	[dreg:$0xd] =	wrdreg s0  }
0x18: {  	s25 =	simm.s32 $0x7D;
	s26 =	simm.s32 $0x1;
	s0 =	simm.s32 $0x14600  }
.LBB2_4:
0x19: {  	s17 =	stileid.u32;
	[bflag:$0x0] =	sbarrier.arrive $0xFFFF  }
0x1a: {  	s17 =	sshll.u32 s17, $0x6;
	s21 =	rddreg [dreg:$0x4]  }
0x1b: {  	s24 =	rddreg [dreg:$0xd];
	s17 =	sor.u32 $0x1C05, s17;
	s18 =	sshrl.u32 s21, $0x3  }
0x1c: {  	[hbm:s24], [sflag:s17] =	dma.local [spmem:s18], $0x2780  }
0x1d: {  	_ =	swait.ge [sflag:s16], $0x2780  }
0x1e: {  	s17 =	rddreg [dreg:$0xe]  }
0x1f: {  	s24 =	rddreg [dreg:$0xa];
	s18 =	sadd.s32 $0x1, s17  }
0x20: {  	p0 =	sne.s32 s18, s24  }
.Ltmp1:
0x21: {  	_ = 	snop;
	(pc) =	sbr.rel @!p0 .LBB2_5-.Ltmp1, $3  }
0x22: {  	_ =	sdelay $0x1  }
0x23: {  	[sflag:s16] =	ssyncset.done $0x0  }
0x24: {  	[sflag:s16] =	ssyncadd.s32 $0xFFFFD880  }
.LBB2_1:
0x25: {  	[dreg:$0xe] =	wrdreg s18  }
0x26: {  	s17 =	rddreg [dreg:$0x3]  }
0x27: {  	[tilespmem:s15], [sflag:$0x5] =	stream.linear.gather [hbm4b:s17+s3], $0x3E80, $0x38;
	[tilespmem:$0x1CC00] =	vst v63  }
0x28: {  	_ =	swait.ge [sflag:s16], $0x3E80  }
0x29: {  	[sflag:s16] =	ssyncset.done $0x0  }
0x2a: {  	[sflag:s16] =	ssyncadd.s32 $0xFFFFC180  }
0x2b: {  	[spmem:s21] =	stream.linear.scatter [tilespmem:s15], [sflag:$0x5], $0x3C00, $0x38;
	[tilespmem:$0x1CC00] =	vst v63  }
0x2c: {  	_ =	swait.ge [sflag:s16], $0x3C00  }
0x2d: {  	[sflag:s16] =	ssyncset.done $0x0  }
0x2e: {  	s18 =	rddreg [dreg:$0x5];
	[sflag:s16] =	ssyncadd.s32 $0xFFFFC400  }
0x2f: {  	[spmem:s18] =	stream.linear.scatter [tilespmem:s15], [sflag:$0x5], $0x3C00, $0x38;
	[tilespmem:$0x1CC00] =	vst v63  }
0x30: {  	_ =	swait.ge [sflag:s16], $0x3C00  }
0x31: {  	[sflag:s16] =	ssyncset.done $0x0  }
0x32: {  	s21 =	rddreg [dreg:$0x6];
	[sflag:s16] =	ssyncadd.s32 $0xFFFFC400  }
0x33: {  	[spmem:s21] =	stream.linear.scatter [tilespmem:s15], [sflag:$0x5], $0x3C00, $0x38;
	[tilespmem:$0x1CC00] =	vst v63  }
0x34: {  	_ =	swait.ge [sflag:s16], $0x3C00  }
0x35: {  	[sflag:s16] =	ssyncset.done $0x0  }
0x36: {  	s24 =	rddreg [dreg:$0x7];
	[sflag:s16] =	ssyncadd.s32 $0xFFFFC400  }
0x37: {  	[spmem:s24] =	stream.linear.scatter [tilespmem:s15], [sflag:$0x5], $0x3C00, $0x38;
	[tilespmem:$0x1CC00] =	vst v63  }
0x38: {  	_ =	swait.ge [sflag:s16], $0x3C00  }
0x39: {  	[sflag:s16] =	ssyncset.done $0x0  }
0x3a: {  	s18 =	rddreg [dreg:$0x8];
	[sflag:s16] =	ssyncadd.s32 $0xFFFFC400  }
0x3b: {  	[spmem:s18] =	stream.linear.scatter [tilespmem:s15], [sflag:$0x5], $0x3C00, $0x38;
	[tilespmem:$0x1CC00] =	vst v63  }
0x3c: {  	_ =	swait.ge [sflag:s16], $0x3C00  }
0x3d: {  	[sflag:s16] =	ssyncset.done $0x0  }
0x3e: {  	s21 =	rddreg [dreg:$0x9];
	[sflag:s16] =	ssyncadd.s32 $0xFFFFC400  }
0x3f: {  	[spmem:s21] =	stream.linear.scatter [tilespmem:s15], [sflag:$0x5], $0x1000, $0x38;
	[tilespmem:$0x1CC00] =	vst v63  }
0x40: {  	_ =	swait.ge [sflag:s16], $0x1000  }
0x41: {  	[sflag:s16] =	ssyncset.done $0x0  }
0x42: {  	[sflag:s16] =	ssyncadd.s32 $0xFFFFF000  }
0x43: {  	s24 =	simm.s32 $0x13C00;
	[bflag:$0x0] =	sbarrier.arrive $0xFFFF  }
0x44: {  	[tilespmem:s24], [sflag:$0x3] =	stream.linear.gather [hbm4b:s12+s3], $0x400, $0x38;
	[tilespmem:$0x1CC00] =	vst v63  }
0x45: {  	s18 =	simm.s32 $0x14000  }
0x46: {  	[tilespmem:s18], [sflag:$0x3] =	stream.linear.gather [hbm4b:s13+s3], $0x400, $0x38;
	[tilespmem:$0x1CC00] =	vst v63  }
0x47: {  	s21 =	rddreg [dreg:$0xb]  }
0x48: {  	[tilespmem:s20], [sflag:$0x4] =	stream.linear.gather [hbm4b:s21+s3], $0x400, $0x38;
	[tilespmem:$0x1CC00] =	vst v63  }
0x49: {  	s24 =	rddreg [dreg:$0xc];
	s21 =	simm.s32 $0xFFFFFC00  }
0x4a: {  	[tilespmem:s22], [sflag:$0x4] =	stream.linear.gather [hbm4b:s24+s3], $0x400, $0x38;
	[tilespmem:$0x1CC00] =	vst v63  }
.LBB2_2:
0x4b: {  	_ =	swait.ge [sflag:s23], $0x400  }
0x4c: {  	[sflag:s23] =	ssyncset.done $0x0  }
0x4d: {  	[sflag:s23] =	ssyncadd.s32 $0xFFFFFC00  }
0x4e: {  	_ =	swait.ge [sflag:s23], $0x400  }
0x4f: {  	[sflag:s23] =	ssyncset.done $0x0  }
0x50: {  	s17 =	simm.s32 $0x13C00;
	[sflag:s23] =	ssyncadd.s32 $0xFFFFFC00  }
0x51: {  	[tilespmem:s15], [sflag:$0x1] =	stream.indirect.gather [hbm4b:s4+s25], $0x80, s17, s25, $0xb8;
	[tilespmem:$0x1CC00] =	vst v63  }
0x52: {  	_ =	swait.ge [sflag:s26], $0x3E80  }
0x53: {  	[sflag:s26] =	ssyncset.done $0x0  }
0x54: {  	s24 =	simm.s32 $0x13C80;
	[sflag:s26] =	ssyncadd.s32 $0xFFFFC180  }
0x55: {  	[tilespmem:s29], [sflag:$0x2] =	stream.indirect.gather [hbm4b:s4+s25], $0x80, s24, s25, $0xb8;
	[tilespmem:$0x1CC00] =	vst v63  }
0x56: {  	s18 =	simm.s32 $0x14000  }
0x57: {  	[spmem:s2] =	stream.indirect.scatter.add.f32 [tilespmem:s15], [sflag:$0x5], $0x80, s18, s25, $0xb8;
	[tilespmem:$0x1CC00] =	vst v63  }
0x58: {  	_ =	swait.ge [sflag:s16], $0x3E80  }
0x59: {  	[sflag:s16] =	ssyncset.done $0x0  }
0x5a: {  	[sflag:s16] =	ssyncadd.s32 $0xFFFFC180  }
0x5b: {  	_ =	swait.ge [sflag:s30], $0x3E80  }
0x5c: {  	[sflag:s30] =	ssyncset.done $0x0  }
0x5d: {  	s24 =	simm.s32 $0x13D00;
	[sflag:s30] =	ssyncadd.s32 $0xFFFFC180  }
0x5e: {  	[tilespmem:s15], [sflag:$0x1] =	stream.indirect.gather [hbm4b:s4+s25], $0x80, s24, s25, $0xb8;
	[tilespmem:$0x1CC00] =	vst v63  }
0x5f: {  	s18 =	simm.s32 $0x14080  }
0x60: {  	[spmem:s2] =	stream.indirect.scatter.add.f32 [tilespmem:s29], [sflag:$0x5], $0x80, s18, s25, $0xb8;
	[tilespmem:$0x1CC00] =	vst v63  }
0x61: {  	_ =	swait.ge [sflag:s16], $0x3E80  }
0x62: {  	[sflag:s16] =	ssyncset.done $0x0  }
0x63: {  	[sflag:s16] =	ssyncadd.s32 $0xFFFFC180  }
0x64: {  	_ =	swait.ge [sflag:s26], $0x3E80  }
0x65: {  	[sflag:s26] =	ssyncset.done $0x0  }
0x66: {  	s24 =	simm.s32 $0x13D80;
	[sflag:s26] =	ssyncadd.s32 $0xFFFFC180  }
0x67: {  	[tilespmem:s29], [sflag:$0x2] =	stream.indirect.gather [hbm4b:s4+s25], $0x80, s24, s25, $0xb8;
	[tilespmem:$0x1CC00] =	vst v63  }
0x68: {  	s18 =	simm.s32 $0x14100  }
0x69: {  	[spmem:s2] =	stream.indirect.scatter.add.f32 [tilespmem:s15], [sflag:$0x5], $0x80, s18, s25, $0xb8;
	[tilespmem:$0x1CC00] =	vst v63  }
0x6a: {  	_ =	swait.ge [sflag:s16], $0x3E80  }
0x6b: {  	[sflag:s16] =	ssyncset.done $0x0  }
0x6c: {  	[sflag:s16] =	ssyncadd.s32 $0xFFFFC180  }
0x6d: {  	_ =	swait.ge [sflag:s30], $0x3E80  }
0x6e: {  	[sflag:s30] =	ssyncset.done $0x0  }
0x6f: {  	s24 =	simm.s32 $0x13E00;
	[sflag:s30] =	ssyncadd.s32 $0xFFFFC180  }
0x70: {  	[tilespmem:s15], [sflag:$0x1] =	stream.indirect.gather [hbm4b:s4+s25], $0x80, s24, s25, $0xb8;
	[tilespmem:$0x1CC00] =	vst v63  }
0x71: {  	s18 =	simm.s32 $0x14180  }
0x72: {  	[spmem:s2] =	stream.indirect.scatter.add.f32 [tilespmem:s29], [sflag:$0x5], $0x80, s18, s25, $0xb8;
	[tilespmem:$0x1CC00] =	vst v63  }
0x73: {  	_ =	swait.ge [sflag:s16], $0x3E80  }
0x74: {  	[sflag:s16] =	ssyncset.done $0x0  }
0x75: {  	[sflag:s16] =	ssyncadd.s32 $0xFFFFC180  }
0x76: {  	_ =	swait.ge [sflag:s26], $0x3E80  }
0x77: {  	[sflag:s26] =	ssyncset.done $0x0  }
0x78: {  	s24 =	simm.s32 $0x13E80;
	[sflag:s26] =	ssyncadd.s32 $0xFFFFC180  }
0x79: {  	[tilespmem:s29], [sflag:$0x2] =	stream.indirect.gather [hbm4b:s4+s25], $0x80, s24, s25, $0xb8;
	[tilespmem:$0x1CC00] =	vst v63  }
0x7a: {  	s18 =	simm.s32 $0x14200  }
0x7b: {  	[spmem:s2] =	stream.indirect.scatter.add.f32 [tilespmem:s15], [sflag:$0x5], $0x80, s18, s25, $0xb8;
	[tilespmem:$0x1CC00] =	vst v63  }
0x7c: {  	_ =	swait.ge [sflag:s16], $0x3E80  }
0x7d: {  	[sflag:s16] =	ssyncset.done $0x0  }
0x7e: {  	[sflag:s16] =	ssyncadd.s32 $0xFFFFC180  }
0x7f: {  	_ =	swait.ge [sflag:s30], $0x3E80  }
0x80: {  	[sflag:s30] =	ssyncset.done $0x0  }
0x81: {  	s24 =	simm.s32 $0x13F00;
	[sflag:s30] =	ssyncadd.s32 $0xFFFFC180  }
0x82: {  	[tilespmem:s15], [sflag:$0x1] =	stream.indirect.gather [hbm4b:s4+s25], $0x80, s24, s25, $0xb8;
	[tilespmem:$0x1CC00] =	vst v63  }
0x83: {  	s18 =	simm.s32 $0x14280  }
0x84: {  	[spmem:s2] =	stream.indirect.scatter.add.f32 [tilespmem:s29], [sflag:$0x5], $0x80, s18, s25, $0xb8;
	[tilespmem:$0x1CC00] =	vst v63  }
0x85: {  	_ =	swait.ge [sflag:s16], $0x3E80  }
0x86: {  	[sflag:s16] =	ssyncset.done $0x0  }
0x87: {  	[sflag:s16] =	ssyncadd.s32 $0xFFFFC180  }
0x88: {  	_ =	swait.ge [sflag:s26], $0x3E80  }
0x89: {  	[sflag:s26] =	ssyncset.done $0x0  }
0x8a: {  	s24 =	simm.s32 $0x13F80;
	[sflag:s26] =	ssyncadd.s32 $0xFFFFC180  }
0x8b: {  	[tilespmem:s29], [sflag:$0x2] =	stream.indirect.gather [hbm4b:s4+s25], $0x80, s24, s25, $0xb8;
	[tilespmem:$0x1CC00] =	vst v63  }
0x8c: {  	s18 =	simm.s32 $0x14300  }
0x8d: {  	[spmem:s2] =	stream.indirect.scatter.add.f32 [tilespmem:s15], [sflag:$0x5], $0x80, s18, s25, $0xb8;
	[tilespmem:$0x1CC00] =	vst v63  }
0x8e: {  	_ =	swait.ge [sflag:s16], $0x3E80  }
0x8f: {  	[sflag:s16] =	ssyncset.done $0x0  }
0x90: {  	[sflag:s16] =	ssyncadd.s32 $0xFFFFC180  }
0x91: {  	_ =	swait.ge [sflag:s30], $0x3E80  }
0x92: {  	[sflag:s30] =	ssyncset.done $0x0  }
0x93: {  	s24 =	simm.s32 $0x14380;
	[sflag:s30] =	ssyncadd.s32 $0xFFFFC180  }
0x94: {  	[spmem:s2] =	stream.indirect.scatter.add.f32 [tilespmem:s29], [sflag:$0x5], $0x80, s24, s25, $0xb8;
	[tilespmem:$0x1CC00] =	vst v63  }
0x95: {  	p0 =	seq.s32 s21, $0x0;
	_ =	swait.ge [sflag:s16], $0x3E80  }
0x96: {  	s17 =	simm.s32 @!p0 $0x0;
	s24 =	sadd.s32 @!p0 s21, s12;
	[sflag:s16] =	ssyncset.done $0x0  }
0x97: {  	s18 =	simm.s32 @!p0 $0x13C00;
	s24 =	sadd.s32 @!p0 $0x500, s24;
	[sflag:s16] =	ssyncadd.s32 $0xFFFFC180  }
0x98: {  	[tilespmem:s18], [sflag:$0x3] =	stream.linear.gather @!p0 [hbm4b:s24+s17], $0x400, $0x38;
	[tilespmem:$0x1CC00] =	vst v63  }
0x99: {  	s18 =	sadd.s32 @!p0 s21, s13  }
0x9a: {  	s24 =	simm.s32 @!p0 $0x14000;
	s18 =	sadd.s32 @!p0 $0x500, s18  }
0x9b: {  	[tilespmem:s24], [sflag:$0x3] =	stream.linear.gather @!p0 [hbm4b:s18+s17], $0x400, $0x38;
	[tilespmem:$0x1CC00] =	vst v63  }
0x9c: {  	_ =	swait.ge [sflag:s6], $0x400  }
0x9d: {  	[sflag:s6] =	ssyncset.done $0x0  }
0x9e: {  	[sflag:s6] =	ssyncadd.s32 $0xFFFFFC00  }
0x9f: {  	_ =	swait.ge [sflag:s6], $0x400  }
0xa0: {  	[sflag:s6] =	ssyncset.done $0x0  }
0xa1: {  	[sflag:s6] =	ssyncadd.s32 $0xFFFFFC00  }
0xa2: {  	[tilespmem:s15], [sflag:$0x1] =	stream.indirect.gather [hbm4b:s4+s25], $0x80, s20, s25, $0xb8;
	[tilespmem:$0x1CC00] =	vst v63  }
0xa3: {  	_ =	swait.ge [sflag:s26], $0x3E80  }
0xa4: {  	[sflag:s26] =	ssyncset.done $0x0  }
0xa5: {  	s18 =	simm.s32 $0x14480;
	[sflag:s26] =	ssyncadd.s32 $0xFFFFC180  }
0xa6: {  	[tilespmem:s29], [sflag:$0x2] =	stream.indirect.gather [hbm4b:s4+s25], $0x80, s18, s25, $0xb8;
	[tilespmem:$0x1CC00] =	vst v63  }
0xa7: {  	_ = 	snop  }
0xa8: {  	[spmem:s2] =	stream.indirect.scatter.add.f32 [tilespmem:s15], [sflag:$0x5], $0x80, s22, s25, $0xb8;
	[tilespmem:$0x1CC00] =	vst v63  }
0xa9: {  	_ =	swait.ge [sflag:s16], $0x3E80  }
0xaa: {  	[sflag:s16] =	ssyncset.done $0x0  }
0xab: {  	[sflag:s16] =	ssyncadd.s32 $0xFFFFC180  }
0xac: {  	_ =	swait.ge [sflag:s30], $0x3E80  }
0xad: {  	[sflag:s30] =	ssyncset.done $0x0  }
0xae: {  	s24 =	simm.s32 $0x14500;
	[sflag:s30] =	ssyncadd.s32 $0xFFFFC180  }
0xaf: {  	[tilespmem:s15], [sflag:$0x1] =	stream.indirect.gather [hbm4b:s4+s25], $0x80, s24, s25, $0xb8;
	[tilespmem:$0x1CC00] =	vst v63  }
0xb0: {  	_ = 	snop  }
0xb1: {  	[spmem:s2] =	stream.indirect.scatter.add.f32 [tilespmem:s29], [sflag:$0x5], $0x80, s28, s25, $0xb8;
	[tilespmem:$0x1CC00] =	vst v63  }
0xb2: {  	_ =	swait.ge [sflag:s16], $0x3E80  }
0xb3: {  	[sflag:s16] =	ssyncset.done $0x0  }
0xb4: {  	[sflag:s16] =	ssyncadd.s32 $0xFFFFC180  }
0xb5: {  	_ =	swait.ge [sflag:s26], $0x3E80  }
0xb6: {  	[sflag:s26] =	ssyncset.done $0x0  }
0xb7: {  	[sflag:s26] =	ssyncadd.s32 $0xFFFFC180  }
0xb8: {  	[tilespmem:s29], [sflag:$0x2] =	stream.indirect.gather [hbm4b:s4+s25], $0x80, s31, s25, $0xb8;
	[tilespmem:$0x1CC00] =	vst v63  }
0xb9: {  	_ = 	snop  }
0xba: {  	[spmem:s2] =	stream.indirect.scatter.add.f32 [tilespmem:s15], [sflag:$0x5], $0x80, s1, s25, $0xb8;
	[tilespmem:$0x1CC00] =	vst v63  }
0xbb: {  	_ =	swait.ge [sflag:s16], $0x3E80  }
0xbc: {  	[sflag:s16] =	ssyncset.done $0x0  }
0xbd: {  	[sflag:s16] =	ssyncadd.s32 $0xFFFFC180  }
0xbe: {  	_ =	swait.ge [sflag:s30], $0x3E80  }
0xbf: {  	[sflag:s30] =	ssyncset.done $0x0  }
0xc0: {  	[sflag:s30] =	ssyncadd.s32 $0xFFFFC180  }
0xc1: {  	[tilespmem:s15], [sflag:$0x1] =	stream.indirect.gather [hbm4b:s4+s25], $0x80, s0, s25, $0xb8;
	[tilespmem:$0x1CC00] =	vst v63  }
0xc2: {  	_ = 	snop  }
0xc3: {  	[spmem:s2] =	stream.indirect.scatter.add.f32 [tilespmem:s29], [sflag:$0x5], $0x80, s5, s25, $0xb8;
	[tilespmem:$0x1CC00] =	vst v63  }
0xc4: {  	_ =	swait.ge [sflag:s16], $0x3E80  }
0xc5: {  	[sflag:s16] =	ssyncset.done $0x0  }
0xc6: {  	[sflag:s16] =	ssyncadd.s32 $0xFFFFC180  }
0xc7: {  	_ =	swait.ge [sflag:s26], $0x3E80  }
0xc8: {  	[sflag:s26] =	ssyncset.done $0x0  }
0xc9: {  	[sflag:s26] =	ssyncadd.s32 $0xFFFFC180  }
0xca: {  	[tilespmem:s29], [sflag:$0x2] =	stream.indirect.gather [hbm4b:s4+s25], $0x80, s7, s25, $0xb8;
	[tilespmem:$0x1CC00] =	vst v63  }
0xcb: {  	_ = 	snop  }
0xcc: {  	[spmem:s2] =	stream.indirect.scatter.add.f32 [tilespmem:s15], [sflag:$0x5], $0x80, s8, s25, $0xb8;
	[tilespmem:$0x1CC00] =	vst v63  }
0xcd: {  	_ =	swait.ge [sflag:s16], $0x3E80  }
0xce: {  	[sflag:s16] =	ssyncset.done $0x0  }
0xcf: {  	[sflag:s16] =	ssyncadd.s32 $0xFFFFC180  }
0xd0: {  	_ =	swait.ge [sflag:s30], $0x3E80  }
0xd1: {  	[sflag:s30] =	ssyncset.done $0x0  }
0xd2: {  	[sflag:s30] =	ssyncadd.s32 $0xFFFFC180  }
0xd3: {  	[tilespmem:s15], [sflag:$0x1] =	stream.indirect.gather [hbm4b:s4+s25], $0x80, s9, s25, $0xb8;
	[tilespmem:$0x1CC00] =	vst v63  }
0xd4: {  	_ = 	snop  }
0xd5: {  	[spmem:s2] =	stream.indirect.scatter.add.f32 [tilespmem:s29], [sflag:$0x5], $0x80, s10, s25, $0xb8;
	[tilespmem:$0x1CC00] =	vst v63  }
0xd6: {  	_ =	swait.ge [sflag:s16], $0x3E80  }
0xd7: {  	[sflag:s16] =	ssyncset.done $0x0  }
0xd8: {  	[sflag:s16] =	ssyncadd.s32 $0xFFFFC180  }
0xd9: {  	_ =	swait.ge [sflag:s26], $0x3E80  }
0xda: {  	[sflag:s26] =	ssyncset.done $0x0  }
0xdb: {  	[sflag:s26] =	ssyncadd.s32 $0xFFFFC180  }
0xdc: {  	[tilespmem:s29], [sflag:$0x2] =	stream.indirect.gather [hbm4b:s4+s25], $0x80, s11, s25, $0xb8;
	[tilespmem:$0x1CC00] =	vst v63  }
0xdd: {  	_ = 	snop  }
0xde: {  	[spmem:s2] =	stream.indirect.scatter.add.f32 [tilespmem:s15], [sflag:$0x5], $0x80, s14, s25, $0xb8;
	[tilespmem:$0x1CC00] =	vst v63  }
0xdf: {  	_ =	swait.ge [sflag:s16], $0x3E80  }
0xe0: {  	[sflag:s16] =	ssyncset.done $0x0  }
0xe1: {  	[sflag:s16] =	ssyncadd.s32 $0xFFFFC180  }
0xe2: {  	_ =	swait.ge [sflag:s30], $0x3E80  }
0xe3: {  	[sflag:s30] =	ssyncset.done $0x0  }
.Ltmp2:
0xe4: {  	[sflag:s30] =	ssyncadd.s32 $0xFFFFC180;
	(pc) =	sbr.rel @p0 .LBB2_4-.Ltmp2, $4  }
0xe5: {  	[spmem:s2] =	stream.indirect.scatter.add.f32 [tilespmem:s29], [sflag:$0x5], $0x80, s19, s25, $0xb8;
	[tilespmem:$0x1CC00] =	vst v63  }
0xe6: {  	_ =	swait.ge [sflag:s16], $0x3E80  }
0xe7: {  	[sflag:s16] =	ssyncset.done $0x0  }
0xe8: {  	[sflag:s16] =	ssyncadd.s32 $0xFFFFC180  }
.Ltmp3:
0xe9: {  	s17 =	sadd.s32 s21, s12;
	(pc) =	sbr.rel .LBB2_2-.Ltmp3, $4  }
0xea: {  	s24 =	sadd.s32 s21, s13;
	s17 =	sadd.s32 $0x580, s17  }
0xeb: {  	[tilespmem:s20], [sflag:$0x4] =	stream.linear.gather [hbm4b:s17+s3], $0x400, $0x38;
	[tilespmem:$0x1CC00] =	vst v63  }
0xec: {  	s21 =	sadd.s32 $0x100, s21;
	s17 =	sadd.s32 $0x580, s24  }
0xed: {  	[tilespmem:s22], [sflag:$0x4] =	stream.linear.gather [hbm4b:s17+s3], $0x400, $0x38;
	[tilespmem:$0x1CC00] =	vst v63  }
.LBB2_5:
0xee: {  	_ =	sfence.sel $0x180000  }
0xef: {  	[bflag:$0x0] =	sbarrier.arrive $0xFFFF  }
0xf0: {  	_ =	strace $0x9000004D  }
0xf1: {  	s0 =	stileid.u32;
	[bflag:$0x2] =	sbarrier.arrive $0xFFFF  }
0xf2: {  	p0 =	sne.s32 s0, $0x0;
	s0 =	rddreg [dreg:$0x2]  }
0xf3: {  	s0 =	sadd.s32 @!p0 $0x100000, s0  }
0xf4: {  	[sflag:s0] =	ssyncadd.tile.s32 @!p0 $0x1;
	_ =	shalt  }
.Lfunc_end2:
_tile_overlayer_lowered:
.L_overlay_start_2:
0xf5: {  	(tag) =	ssettag $0x2  }
0xf6: {  	s0 =	rddreg [dreg:$0x0];
	s2 =	stileid.u32  }
0xf7: {  	s1 =	rddreg [dreg:$0x1];
	p0 =	sne.s32 s2, $0x0  }
0xf8: {  	s3 =	rddreg [dreg:$0x2];
	[bflag:$0x3] =	sbarrier.arrive $0xFFFF;
	s2 =	simm.s32 @!p0 $0x1C05  }
0xf9: {  	[timem:s3], [sflag:s2] =	dma.local @!p0 [hbm:s0], s1  }
0xfa: {  	s0 =	simm.s32 @!p0 $0x5  }
0xfb: {  	_ =	swait.ge @!p0 [sflag:s0], s1  }
0xfc: {  	s1 =	ssub.s32 @!p0 $0x0, s1;
	[sflag:s0] =	ssyncset.done @!p0 $0x0  }
0xfd: {  	[sflag:s0] =	ssyncadd.s32 @!p0 s1  }
0xfe: {  	[bflag:$0x3] =	sbarrier.arrive $0xFFFF  }
0xff: {  	_ =	shalt  }

// kernel: _run.8.cloned.1.call-start
scs
__scs_entry_jumppad:
0x0: {  	(pc) =	sbr.rel $0x88, $3  }
0x1: {  	(tag) =	ssettag $0x0;
	lr =	simm.s32 $0x1  }
0x2: {  	[smem:$0x3F95] =	sst lr;
	_ =	strace $0xD0000000  }
0x3: {  	_ = 	snop  }
0x4: {  	_ = 	snop  }
0x5: {  	_ = 	snop  }
0x6: {  	_ = 	snop  }
0x7: {  	_ = 	snop  }
__scs_overlays_trampoline_lowered:
0x8: {  	[smem:$0x3FA4] =	sst s0  }
0x9: {  	[smem:$0x3FA5] =	sst s1  }
0xa: {  	[smem:$0x3FA6] =	sst s2  }
0xb: {  	[smem:$0x3FA7] =	sst s3  }
0xc: {  	[smem:$0x3FA8] =	sst s4  }
0xd: {  	[smem:$0x3FA9] =	sst s5  }
0xe: {  	[smem:$0x3FAA] =	sst s6  }
0xf: {  	[smem:$0x3FAB] =	sst s7  }
0x10: {  	[smem:$0x3FAC] =	sst s8  }
0x11: {  	[smem:$0x3FAD] =	sst s9;
	s0 =	simm.s32 @!p0 $0x0  }
0x12: {  	s1 =	sld [smem:$0x3F93];
	s0 =	simm.s32 @p0 $0x1  }
0x13: {  	[smem:$0x3FAE] =	sst s0;
	s0 =	simm.s32 @!p1 $0x0  }
0x14: {  	s2 =	sld [smem:$0x3F92];
	s0 =	simm.s32 @p1 $0x1  }
0x15: {  	[smem:$0x3FAF] =	sst s0;
	s0 =	simm.s32 @!p2 $0x0  }
0x16: {  	s3 =	sld [smem:$0x3FDB];
	s0 =	simm.s32 @p2 $0x1  }
0x17: {  	s4 =	simm.s32 $0x1BF5;
	[smem:$0x3FB1] =	sst s0  }
0x18: {  	s0 =	sld [smem:$0x3F94];
	_ =	swait.ge [sflag:s4], $0x0  }
0x19: {  	s7 =	sld [smem:$0x3F95]  }
0x1a: {  	s8 =	sadd.s32 $0xFFFFE003, lr  }
0x1b: {  	s9 =	sadd.s32 $0xFFFFFEF7, lr;
	s5 =	simm.s32 $0xFFFFFFFF;
	p2 =	slt.u32 s8, $0xFFFFF086  }
0x1c: {  	p1 =	slt.u32 s9, $0xF7A;
	s5 =	simm.s32 @!p2 $0x0  }
0x1d: {  	s5 =	simm.s32 @p1 $0x1;
	p0 =	seq.s32 s7, s2  }
0x1e: {  	s7 =	smul.u32 @!p0 $0xF7A, s2;
	p2 =	seq.s32 @!p0 s5, $0x0  }
0x1f: {  	s9 =	smul.u32 $0xF7A, s1;
	s8 =	simm.s32 @!p0 $0x1BF5;
	p2 =	por !p2, p0  }
0x20: {  	[sflag:s8] =	ssyncset.s32 @!p0 $0xFFFFF086;
	s6 =	sadd.s32 @!p0 s3, s7;
	s7 =	simm.s32 @!p0 $0x108  }
0x21: {  	s3 =	sadd.s32 s3, s9;
	s6 =	sadd.s32 @!p0 $0x88, s6;
	s7 =	simm.s32 @p2 $0x1082  }
0x22: {  	[simem:s7], [sflag:s8] =	dma.local @!p0 [hbm:s6], $0xF7A  }
0x23: {  	s9 =	sor.u32 $0xD0000000, s2;
	s6 =	simm.s32 $0x108;
	_ =	swait.ge @!p0 [sflag:s8], $0x0  }
0x24: {  	s3 =	sadd.s32 $0x88, s3;
	s6 =	simm.s32 @!p1 $0x1082;
	[sflag:s4] =	ssyncset.s32 $0xFFFFF086  }
0x25: {  	[simem:s6], [sflag:s4] =	dma.local [hbm:s3], $0xF7A  }
0x26: {  	[smem:$0x3F95] =	sst s1;
	(tag) =	ssettag s2;
	_ =	strace s9  }
0x27: {  	s1 =	sld [smem:$0x3FA5]  }
0x28: {  	s2 =	sld [smem:$0x3FA6]  }
0x29: {  	s4 =	sld [smem:$0x3FA8]  }
0x2a: {  	p0 =	seq.s32 s5, $0x0;
	s5 =	sld [smem:$0x3FA9]  }
0x2b: {  	s6 =	sld [smem:$0x3FAA]  }
0x2c: {  	s7 =	sld [smem:$0x3FAB]  }
0x2d: {  	s3 =	simm.s32 $0x108;
	s8 =	sld [smem:$0x3FAC]  }
0x2e: {  	s3 =	simm.s32 @!p0 $0x1082;
	s9 =	sld [smem:$0x3FAD]  }
0x2f: {  	lr =	sadd.s32 s0, s3;
	s0 =	sld [smem:$0x3FA4]  }
0x30: {  	s3 =	sld [smem:$0x3FA7]  }
0x31: {  	[smem:$0x3FB0] =	sst s10  }
0x32: {  	s10 =	sld [smem:$0x3FAE];
	_ =	sdelay $0x3  }
0x33: {  	p0 =	seq.s32 s10, $0x1;
	s10 =	sld [smem:$0x3FB0];
	_ =	sdelay $0x3  }
0x34: {  	[smem:$0x3FB0] =	sst s10  }
0x35: {  	s10 =	sld [smem:$0x3FAF];
	_ =	sdelay $0x3  }
0x36: {  	p1 =	seq.s32 s10, $0x1;
	s10 =	sld [smem:$0x3FB0];
	_ =	sdelay $0x3  }
0x37: {  	[smem:$0x3FB0] =	sst s10  }
0x38: {  	s10 =	sld [smem:$0x3FB1]  }
0x39: {  	_ = 	snop;
	(pc) =	sbr.ind lr, $3  }
0x3a: {  	_ = 	snop  }
0x3b: {  	_ = 	snop  }
0x3c: {  	p2 =	seq.s32 s10, $0x1;
	s10 =	sld [smem:$0x3FB0]  }
0x3d: {  	_ =	shalt  }
0x3e: {  	_ =	shalt  }
0x3f: {  	_ =	shalt  }
0x40: {  	_ =	shalt  }
0x41: {  	_ =	shalt  }
0x42: {  	_ =	shalt  }
0x43: {  	_ =	shalt  }
0x44: {  	_ =	shalt  }
0x45: {  	_ =	shalt  }
0x46: {  	_ =	shalt  }
0x47: {  	_ =	shalt  }
0x48: {  	_ =	shalt  }
0x49: {  	_ =	shalt  }
0x4a: {  	_ =	shalt  }
0x4b: {  	_ =	shalt  }
0x4c: {  	_ =	shalt  }
0x4d: {  	_ =	shalt  }
0x4e: {  	_ =	shalt  }
0x4f: {  	_ =	shalt  }
0x50: {  	_ =	shalt  }
0x51: {  	_ =	shalt  }
0x52: {  	_ =	shalt  }
0x53: {  	_ =	shalt  }
0x54: {  	_ =	shalt  }
0x55: {  	_ =	shalt  }
0x56: {  	_ =	shalt  }
0x57: {  	_ =	shalt  }
0x58: {  	_ =	shalt  }
0x59: {  	_ =	shalt  }
0x5a: {  	_ =	shalt  }
0x5b: {  	_ =	shalt  }
0x5c: {  	_ =	shalt  }
0x5d: {  	_ =	shalt  }
0x5e: {  	_ =	shalt  }
0x5f: {  	_ =	shalt  }
0x60: {  	_ =	shalt  }
0x61: {  	_ =	shalt  }
0x62: {  	_ =	shalt  }
0x63: {  	_ =	shalt  }
0x64: {  	_ =	shalt  }
0x65: {  	_ =	shalt  }
0x66: {  	_ =	shalt  }
0x67: {  	_ =	shalt  }
0x68: {  	_ =	shalt  }
0x69: {  	_ =	shalt  }
0x6a: {  	_ =	shalt  }
0x6b: {  	_ =	shalt  }
0x6c: {  	_ =	shalt  }
0x6d: {  	_ =	shalt  }
0x6e: {  	_ =	shalt  }
0x6f: {  	_ =	shalt  }
0x70: {  	_ =	shalt  }
0x71: {  	_ =	shalt  }
0x72: {  	_ =	shalt  }
0x73: {  	_ =	shalt  }
0x74: {  	_ =	shalt  }
0x75: {  	_ =	shalt  }
0x76: {  	_ =	shalt  }
0x77: {  	_ =	shalt  }
0x78: {  	_ =	shalt  }
0x79: {  	_ =	shalt  }
0x7a: {  	_ =	shalt  }
0x7b: {  	_ =	shalt  }
0x7c: {  	_ =	shalt  }
0x7d: {  	_ =	shalt  }
0x7e: {  	_ =	shalt  }
0x7f: {  	_ =	shalt  }
0x80: {  	_ =	shalt  }
0x81: {  	_ =	shalt  }
0x82: {  	_ =	shalt  }
0x83: {  	_ =	shalt  }
0x84: {  	_ =	shalt  }
0x85: {  	_ =	shalt  }
0x86: {  	_ =	shalt  }
0x87: {  	_ =	shalt  }
.Lfunc_end0:
.L_simem_size_0:
called_computation_lowered:
.L_overlay_start_0:
0x88: {  	s2 =	sld [smem:$0x3FD9]  }
0x89: {  	s3 =	sld [smem:$0x3FFE];
	_ =	sdelay $0x1  }
0x8a: {  	s1 =	srdreg.scid  }
0x8b: {  	s0 =	sand.u32 $0x1, s1  }
0x8c: {  	s16 =	sshll.u32 s0, $0xA;
	s2 =	sadd.s32 s3, s2  }
0x8d: {  	s2 =	sadd.s32 s2, s16  }
0x8e: {  	[smem:$0x3FBC] =	sst s2  }
0x8f: {  	_ = 	snop  }
0x90: {  	(tm) =	ssettm $0x1  }
0x91: {  	s17 =	sld [smem:$0x3FFB];
	_ =	sdelay $0x3  }
0x92: {  	_ =	strace s17  }
0x93: {  	s2 =	sld [smem:$0x3FFC];
	_ =	sdelay $0x3  }
0x94: {  	_ =	strace s2  }
0x95: {  	s2 =	sld [smem:$0x3FFD];
	_ =	sdelay $0x3  }
0x96: {  	_ =	strace s2  }
0x97: {  	_ =	strace $0x8FFFFFFF  }
0x98: {  	s18 =	sld [smem:$0x3FDB];
	_ =	sdelay $0x1  }
0x99: {  	s19 =	simm.s32 $_scs_section_size  }
0x9a: {  	s4 =	simm.s32 $_size__tile_overlayer_lowered;
	s5 =	simm.s32 $_tile_overlayer_lowered  }
0x9b: {  	s22 =	simm.s32 $0x1BFF;
	s21 =	sshll.u32 s5, $0x1;
	s2 =	sadd.s32 s19, s18  }
0x9c: {  	s6 =	simm.s32 $0x0;
	s20 =	sshll.u32 s4, $0x1;
	s4 =	sadd.s32 s21, s2  }
0x9d: {  	[timem:s6], [sflag:s22] =	dma.local [hbm:s4], s20  }
0x9e: {  	_ =	swait.ge [sflag:s22], s20  }
0x9f: {  	s3 =	ssub.s32 $0x0, s20;
	[sflag:s22] =	ssyncset.done $0x0  }
0xa0: {  	[sflag:s22] =	ssyncadd.s32 s3;
	_ =	sdelay $0x1  }
0xa1: {  	s23 =	simm.s32 $0x1B8B  }
0xa2: {  	_ =	swait.ge [sflag:s23], $0x1  }
0xa3: {  	[sflag:s23] =	ssyncset.done $0x0  }
0xa4: {  	s25 =	simm.s32 $0x1B8E;
	s24 =	sld [smem:$0x3FFE];
	[sflag:s23] =	ssyncadd.s32 $0xFFFFFFFF  }
0xa5: {  	s26 =	simm.s32 $execute0_lowered;
	[smem:$0x3FD2] =	sst s25  }
0xa6: {  	s4 =	sshll.u32 s26, $0x1;
	_ =	strace $0x80000046;
	[dreg:$0x1] =	wrdreg $0xFFFFFFFF  }
0xa7: {  	s28 =	simm.s32 $_size_execute0_lowered;
	s2 =	sadd.s32 s2, s4;
	[dreg:$0x0] =	wrdreg $0x0  }
0xa8: {  	s4 =	sshll.u32 s28, $0x1;
	[dreg:$0x2] =	wrdreg s2  }
0xa9: {  	[dreg:$0x3] =	wrdreg s4  }
0xaa: {  	[dreg:$0x4] =	wrdreg $0xC0  }
0xab: {  	_ =	task [dreg:s6], $0x5FFFF  }
0xac: {  	[dreg:$0x1] =	wrdreg $0xFFFFFFFF  }
0xad: {  	[dreg:$0x0] =	wrdreg $0x60  }
0xae: {  	[dreg:$0x2] =	wrdreg s24  }
0xaf: {  	[dreg:$0x3] =	wrdreg $0x9  }
0xb0: {  	_ =	task.clear_ibuf [dreg:s6], $0x4FFFF;
	_ =	strace $0x90000046  }
0xb1: {  	s29 =	simm.s32 $0x9;
	_ =	strace $0x80000048  }
0xb2: {  	_ =	swait.ge [sflag:s29], $0x1  }
0xb3: {  	[sflag:s29] =	ssyncadd.s32 $0xFFFFFFFF  }
0xb4: {  	_ =	strace $0x90000048  }
0xb5: {  	_ =	sfence  }
0xb6: {  	s30 =	sld [smem:$0x0];
	_ =	sdelay $0x2  }
0xb7: {  	s31 =	sshll.u32 s1, $0xD;
	s1 =	sshrl.u32 s1, $0x2  }
0xb8: {  	s3 =	sand.u32 $0x4000, s31;
	s1 =	sadd.s32 s1, s30  }
0xb9: {  	s0 =	sor.u32 s3, s0;
	s1 =	sshll.u32 s1, $0x11  }
0xba: {  	s0 =	sor.u32 s1, s0  }
0xbb: {  	s0 =	sadd.s32 $0x8F2B, s0  }
0xbc: {  	[sflag:s0] =	ssyncadd.remote.s32 $0x1  }
0xbd: {  	_ =	sfence.sel $0xFFFF  }
0xbe: {  	[dreg:$0x0] =	wrdreg $0xFFFFFFFF;
	(pc) =	sbr.abs _section_cstart, $3  }
0xbf: {  	[dreg:$0x1] =	wrdreg $0xFFFFFFFF  }
0xc0: {  	_ =	task.clear_ibuf [dreg:s6], $0x2FFFF;
	_ =	strace $0x9FFFFFFF  }
0xc1: {  	(tm) =	ssettm $0x7FFFFFFF  }
tec
execute0_lowered:
.L_overlay_start_1:
0x0: {  	(tag) =	ssettag $0x1  }
0x1: {  	s1 =	srdreg.scid  }
0x2: {  	s0 =	stileid.u32;
	s4 =	rddreg [dreg:$0x0]  }
0x3: {  	s10 =	simm.s32 $0x2780;
	s11 =	simm.s32 $0x4F00;
	s12 =	simm.s32 $0x7680  }
0x4: {  	s13 =	simm.s32 $0x80;
	s14 =	simm.s32 $0x400;
	s15 =	simm.s32 $0x0  }
0x5: {  	s3 =	sand.u32 $0x1, s1;
	s2 =	sshll.u32 s0, $0x1;
	s1 =	rddreg [dreg:$0x1]  }
0x6: {  	s7 =	sshrl.u32 s0, $0x2;
	s5 =	sor.u32 s3, s2;
	s2 =	simm.s32 $0x0  }
0x7: {  	s7 =	smul.u32 $0x13C00, s7;
	s31 =	ssub.s32 $0x2, s3;
	s3 =	sadd.s32 $0x16600, s4  }
0x8: {  	s6 =	smul.u32 $0x2710, s5;
	[smem:$0x7FF] =	sst s2;
	s5 =	sshll.u32 s5, $0x7  }
0x9: {  	s8 =	sshrl.u32 s31, $0x1;
	_ =	strace $0x80000047;
	s5 =	sand.u32 $0x380, s5  }
0xa: {  	s8 =	ssub.s32 s31, s8;
	s6 =	sshrl.u32 s6, $0x3;
	s5 =	sor.u32 s7, s5  }
0xb: {  	s8 =	smax.u32 s8, $0x1;
	s6 =	sadd.s32 s6, s4;
	s5 =	sshrl.u32 s5, $0x3  }
0xc: {  	s9 =	sadd.s32 s5, s4;
	s4 =	sadd.s32 $0x2C00, s6;
	s5 =	sadd.s32 $0xC840, s6  }
0xd: {  	v0 =	vimm.f32 $1.000000000e+00;
	s6 =	sadd.s32 $0x16C00, s9;
	s7 =	sadd.s32 $0x20A00, s9;
	s9 =	simm.s32 $0x1  }
.LBB2_1:
0xe: {  	[tilespmem:s2], [sflag:$0x1] =	stream.linear.gather [hbm4b:s3+s2], $0x2780, $0x38;
	[tilespmem:$0x9E00] =	vst v63  }
0xf: {  	_ =	swait.ge [sflag:s9], $0x2780  }
0x10: {  	[sflag:s9] =	ssyncset.done $0x0  }
0x11: {  	[sflag:s9] =	ssyncadd.s32 $0xFFFFD880  }
0x12: {  	[tilespmem:s10], [sflag:$0x1] =	stream.linear.gather [hbm4b:s3+s2], $0x2780, $0x38;
	[tilespmem:$0x9E00] =	vst v63  }
0x13: {  	_ =	swait.ge [sflag:s9], $0x2780  }
0x14: {  	[sflag:s9] =	ssyncset.done $0x0  }
0x15: {  	[sflag:s9] =	ssyncadd.s32 $0xFFFFD880  }
0x16: {  	[tilespmem:s11], [sflag:$0x1] =	stream.linear.gather [hbm4b:s4+s2], $0x2710, $0x38;
	[tilespmem:$0x9E00] =	vst v63  }
0x17: {  	_ =	swait.ge [sflag:s9], $0x2710  }
0x18: {  	[sflag:s9] =	ssyncset.done $0x0  }
0x19: {  	[sflag:s9] =	ssyncadd.s32 $0xFFFFD8F0  }
0x1a: {  	[tilespmem:s12], [sflag:$0x1] =	stream.linear.gather [hbm4b:s5+s2], $0x2710, $0x38;
	[tilespmem:$0x9E00] =	vst v63  }
0x1b: {  	_ =	swait.ge [sflag:s9], $0x2710  }
0x1c: {  	[sflag:s9] =	ssyncset.done $0x0  }
0x1d: {  	s17 =	simm.s32 $0x0;
	s16 =	simm.s32 $0x40;
	[sflag:s9] =	ssyncadd.s32 $0xFFFFD8F0  }
.LBB2_2:
0x1e: {  	p0 =	sne.s32 s16, $0x9C00;
	v1 =	vld [tilespmem:s17+$0x4F00];
	_ =	sdelay $0x7  }
0x1f: {  	[tilespmem:v1+s2+$0x0] =	vst.idx.add.f32.msk $0xffff, v0  }
0x20: {  	v1 =	vld [tilespmem:s17+$0x7680];
	_ =	sdelay $0x3  }
.Ltmp0:
0x21: {  	(pc) =	sbr.rel @p0 .LBB2_2-.Ltmp0, $2  }
0x22: {  	_ =	sdelay $0x2  }
0x23: {  	s17 =	sshra.s32 s16, $0x2;
	s16 =	sadd.s32 $0x40, s16;
	[tilespmem:v1+s10+$0x0] =	vst.idx.add.f32.msk $0xffff, v0  }
0x24: {  	v1 =	vld [tilespmem:s17+$0x4F00];
	_ =	sdelay $0x7  }
0x25: {  	[tilespmem:v1+s2+$0x0] =	vst.idx.add.f32.msk $0xffff, v0  }
0x26: {  	v1 =	vld [tilespmem:s17+$0x7680];
	_ =	sdelay $0x7  }
0x27: {  	[tilespmem:v1+s10+$0x0] =	vst.idx.add.f32.msk $0xffff, v0  }
0x28: {  	[hbm4b:s6+s13] =	stream.strided.scatter [tilespmem:s2], [sflag:$0x1], $0x2780, s14, s13, $0x38;
	[tilespmem:$0x9E00] =	vst v63  }
0x29: {  	s15 =	sadd.s32 $0x1, s15;
	_ =	swait.ge [sflag:s9], $0x2780  }
0x2a: {  	p0 =	sne.s32 s15, s8;
	[sflag:s9] =	ssyncset.done $0x0  }
.Ltmp1:
0x2b: {  	[sflag:s9] =	ssyncadd.s32 $0xFFFFD880;
	(pc) =	sbr.rel @p0 .LBB2_1-.Ltmp1, $4  }
0x2c: {  	[hbm4b:s7+s13] =	stream.strided.scatter [tilespmem:s10], [sflag:$0x1], $0x2780, s14, s13, $0x38;
	[tilespmem:$0x9E00] =	vst v63  }
0x2d: {  	_ =	swait.ge [sflag:s9], $0x2780  }
0x2e: {  	[sflag:s9] =	ssyncset.done $0x0  }
0x2f: {  	[sflag:s9] =	ssyncadd.s32 $0xFFFFD880  }
0x30: {  	_ =	sfence.sel $0x180000  }
0x31: {  	[bflag:$0x0] =	sbarrier.arrive $0xFFFF  }
0x32: {  	p0 =	sne.s32 s0, $0x0;
	_ =	strace $0x90000047  }
0x33: {  	s0 =	sadd.s32 @!p0 $0x100000, s1;
	[bflag:$0x2] =	sbarrier.arrive $0xFFFF  }
0x34: {  	[sflag:s0] =	ssyncadd.tile.s32 @!p0 $0x1;
	_ =	shalt  }
.Lfunc_end2:
_tile_overlayer_lowered:
.L_overlay_start_2:
0x35: {  	(tag) =	ssettag $0x2  }
0x36: {  	s0 =	rddreg [dreg:$0x0];
	s2 =	stileid.u32  }
0x37: {  	s1 =	rddreg [dreg:$0x1];
	p0 =	sne.s32 s2, $0x0  }
0x38: {  	s3 =	rddreg [dreg:$0x2];
	[bflag:$0x3] =	sbarrier.arrive $0xFFFF;
	s2 =	simm.s32 @!p0 $0x1C01  }
0x39: {  	[timem:s3], [sflag:s2] =	dma.local @!p0 [hbm:s0], s1  }
0x3a: {  	s0 =	simm.s32 @!p0 $0x1  }
0x3b: {  	_ =	swait.ge @!p0 [sflag:s0], s1  }
0x3c: {  	s1 =	ssub.s32 @!p0 $0x0, s1;
	[sflag:s0] =	ssyncset.done @!p0 $0x0  }
0x3d: {  	[sflag:s0] =	ssyncadd.s32 @!p0 s1  }
0x3e: {  	[bflag:$0x3] =	sbarrier.arrive $0xFFFF  }
0x3f: {  	_ =	shalt  }

</sc_bundles>
